<compile_context>
chip_gen: v7x
topology: tpu7x:2x2x1
jax: 0.10.2.dev20260603
libtpu: 0.0.44.dev20260713+nightly
codegen_flags: <defaults>
</compile_context>

<pallas_src>
import functools

import jax
import jax.numpy as jnp
from jax import lax
from jax.experimental import pallas as pl
from jax.experimental.pallas import tpu as pltpu
from jax.experimental.pallas import tpu_sc as plsc

N = 10000
E = 320000
D = 128
C = 16

NC = 2
NS = 16
NW = NC * NS
B = 128
CPT = 80
EPAD = NW * CPT * B
NCHUNK = EPAD // B
PAD_ROWS = 896
NA = N + PAD_ROWS
BA = 8
NSET = 5
BB = 8
RPT = 632
RPT_LAST = N - 15 * RPT

_mesh = plsc.VectorSubcoreMesh(
    core_axis_name="c", subcore_axis_name="s", num_cores=NC, num_subcores=NS)


@functools.partial(
    pl.kernel,
    out_type=[
        jax.ShapeDtypeStruct((NC, N, D), jnp.float32),
        jax.ShapeDtypeStruct((NC, N, D), jnp.float32),
    ],
    mesh=_mesh,
    scratch_types=[
        pltpu.VMEM_SHARED((NA, D), jnp.float32),
        pltpu.VMEM((NSET, BA, B), jnp.int32),
        pltpu.VMEM((NSET, BA, B), jnp.int32),
        pltpu.VMEM((B, D), jnp.float32),
        pltpu.VMEM((B, D), jnp.float32),
        pltpu.SemaphoreType.DMA,
        pltpu.SemaphoreType.DMA,
        pltpu.SemaphoreType.DMA,
        pltpu.SemaphoreType.DMA,
        pltpu.SemaphoreType.DMA,
        pltpu.SemaphoreType.DMA,
    ],
)
def _sc_aggregate(h_hbm, row_hbm, col_hbm, zrows_hbm, ones_hbm,
                  agg_out, deg_out,
                  acc_sh, cidx, ridx, rows0, rows1,
                  sem_g0, sem_g1, sem_s0, sem_s1, sem_i0, sem_i1):
    del sem_i1
    c = lax.axis_index("c")
    s = lax.axis_index("s")
    w = s * NC + c
    rb = s * RPT
    rows = (rows0, rows1)
    sem_g = (sem_g0, sem_g1)
    sem_s = (sem_s0, sem_s1)
    def load_idx(b_id, st):
        cb = w * CPT + b_id * BA
        pltpu.async_copy(col_hbm.at[pl.ds(cb, BA), :],
                         cidx.at[st, pl.ds(0, BA), :], sem_i0)
        pltpu.async_copy(row_hbm.at[pl.ds(cb, BA), :],
                         ridx.at[st, pl.ds(0, BA), :], sem_i0)

    def wait_idx(st):
        pltpu.make_async_copy(col_hbm.at[pl.ds(0, BA), :],
                              cidx.at[st, pl.ds(0, BA), :], sem_i0).wait()
        pltpu.make_async_copy(row_hbm.at[pl.ds(0, BA), :],
                              ridx.at[st, pl.ds(0, BA), :], sem_i0).wait()

    def load_ridx(b_id, st):
        cb = w * CPT + b_id * BB
        pltpu.async_copy(row_hbm.at[pl.ds(cb, BB), :],
                         ridx.at[st, pl.ds(0, BB), :], sem_i0)

    def wait_ridx(st):
        pltpu.make_async_copy(row_hbm.at[pl.ds(0, BB), :],
                              ridx.at[st, pl.ds(0, BB), :], sem_i0).wait()

    def zero_acc():
        @pl.when(s < NS - 1)
        def _():
            pltpu.sync_copy(zrows_hbm, acc_sh.at[pl.ds(rb, RPT), :])

        @pl.when(s == NS - 1)
        def _():
            pltpu.sync_copy(zrows_hbm.at[pl.ds(0, RPT_LAST), :],
                            acc_sh.at[pl.ds(rb, RPT_LAST), :])

    def write_out(dst):
        @pl.when(s < NS - 1)
        def _():
            pltpu.sync_copy(acc_sh.at[pl.ds(rb, RPT), :],
                            dst.at[c, pl.ds(rb, RPT), :])

        @pl.when(s == NS - 1)
        def _():
            pltpu.sync_copy(acc_sh.at[pl.ds(rb, RPT_LAST), :],
                            dst.at[c, pl.ds(rb, RPT_LAST), :])

    zero_acc()
    plsc.subcore_barrier()

    NGRP = CPT // (NSET * BA)
    for st in range(NSET):
        load_idx(st, st)

    def grp_a(t, carry):
        wait_idx(0)
        gd = [None, None]
        sd = [None, None]
        gd[0] = pltpu.async_copy(h_hbm.at[cidx.at[0, 0]], rows0, sem_g0)
        for m in range(NSET * BA):
            p = m & 1
            gd[p].wait()
            if m + 1 < NSET * BA:
                s1, k1 = divmod(m + 1, BA)
                if k1 == 0:
                    wait_idx(s1)
                if sd[1 - p] is not None:
                    sd[1 - p].wait()
                gd[1 - p] = pltpu.async_copy(
                    h_hbm.at[cidx.at[s1, k1]], rows[1 - p], sem_g[1 - p])
            s0, k0 = divmod(m, BA)
            sd[p] = pltpu.async_copy(
                rows[p], acc_sh.at[ridx.at[s0, k0]], sem_s[p], add=True)
        sd[0].wait()
        sd[1].wait()

        @pl.when(t + 1 < NGRP)
        def _():
            for st in range(NSET):
                load_idx(NSET * (t + 1) + st, st)

        return carry

    lax.fori_loop(0, NGRP, grp_a, 0)

    plsc.subcore_barrier()
    write_out(agg_out)
    zero_acc()
    pltpu.sync_copy(ones_hbm, rows0)
    plsc.subcore_barrier()

    for st in range(NSET):
        load_ridx(st, st)

    def grp_b(t, carry):
        descs = []
        for st in range(NSET):
            wait_ridx(st)
            descs.append([
                pltpu.async_copy(rows0, acc_sh.at[ridx.at[st, k]],
                                 sem_s0, add=True)
                for k in range(BB)
            ])
            if st >= 2:
                for d in descs[st - 2]:
                    d.wait()
        for grpd in descs[NSET - 2:]:
            for d in grpd:
                d.wait()

        @pl.when(t + 1 < NGRP)
        def _():
            for st in range(NSET):
                load_ridx(NSET * (t + 1) + st, st)

        return carry

    lax.fori_loop(0, NGRP, grp_b, 0)

    plsc.subcore_barrier()
    write_out(deg_out)


def _mm1_body(x_ref, w_ref, b_ref, o_ref):
    acc = jnp.dot(x_ref[...], w_ref[...], preferred_element_type=jnp.float32)
    o_ref[...] = jnp.maximum(acc + b_ref[...], 0.0)


_mm1 = pl.pallas_call(
    _mm1_body,
    grid=(10,),
    in_specs=[
        pl.BlockSpec((N // 10, D), lambda i: (i, 0)),
        pl.BlockSpec((D, D), lambda i: (0, 0)),
        pl.BlockSpec((1, D), lambda i: (0, 0)),
    ],
    out_specs=pl.BlockSpec((N // 10, D), lambda i: (i, 0)),
    out_shape=jax.ShapeDtypeStruct((N, D), jnp.float32),
)


def _mm2_body(h_ref, agg_ref, deg_ref, w2_ref, b2_ref, wc_ref, bc_ref, o_ref):
    agg = agg_ref[0] + agg_ref[1]
    deg = deg_ref[0] + deg_ref[1]
    m = h_ref[...] + agg / jnp.maximum(deg, 1.0)
    h2 = jnp.dot(m, w2_ref[...], preferred_element_type=jnp.float32)
    h2 = jnp.maximum(h2 + b2_ref[...], 0.0)
    o_ref[...] = (
        jnp.dot(h2, wc_ref[...], preferred_element_type=jnp.float32)
        + bc_ref[...])


_mm2 = pl.pallas_call(
    _mm2_body,
    grid=(10,),
    in_specs=[
        pl.BlockSpec((N // 10, D), lambda i: (i, 0)),
        pl.BlockSpec((NC, N // 10, D), lambda i: (0, i, 0)),
        pl.BlockSpec((NC, N // 10, 1), lambda i: (0, i, 0)),
        pl.BlockSpec((D, D), lambda i: (0, 0)),
        pl.BlockSpec((1, D), lambda i: (0, 0)),
        pl.BlockSpec((D, C), lambda i: (0, 0)),
        pl.BlockSpec((1, C), lambda i: (0, 0)),
    ],
    out_specs=pl.BlockSpec((N // 10, C), lambda i: (i, 0)),
    out_shape=jax.ShapeDtypeStruct((N, C), jnp.float32),
)


def kernel(x, edge_index, W1, b1, W2, b2, Wc, bc):
    rowi = edge_index[0].astype(jnp.int32)
    coli = edge_index[1].astype(jnp.int32)
    ppt = CPT * B - E // NW
    pad_i = jnp.arange(NW * ppt, dtype=jnp.int32).reshape(NW, ppt)
    rowp = jnp.concatenate(
        [rowi.reshape(NW, E // NW), N + pad_i % PAD_ROWS], axis=1)
    colp = jnp.concatenate(
        [coli.reshape(NW, E // NW), (pad_i * 41) % N], axis=1)
    row2 = rowp.reshape(NCHUNK, B)
    col2 = colp.reshape(NCHUNK, B)
    h = _mm1(x, W1, b1.reshape(1, D))
    zrows = jnp.zeros((RPT, D), jnp.float32)
    ones = jnp.ones((B, D), jnp.float32)
    aggp, degp = _sc_aggregate(h, row2, col2, zrows, ones)
    degp1 = degp[:, :, :1]
    return _mm2(h, aggp, degp1, W2, b2.reshape(1, D), Wc, bc.reshape(1, C))

# --- scband reference (transcript-rebuilt; emitter-appended) ---
"""Pipeline reference for scband-graph-neural-network-39633958207658 (READ-ONLY COPY).

The authoritative reference and input builder live on the scoring server;
editing this copy changes nothing except your own understanding.
"""

import jax, jax.numpy as jnp
import numpy as np

N_NODES = 10000
N_EDGES = 320000
D_IN = 128
D_HID = 128
N_CLASSES = 16


def setup_inputs(seed: int = 0) -> dict:
    key = jax.random.key(seed)
    k1, k2, k3, k4, k5, k6, k7, k8 = jax.random.split(key, 8)
    x = jax.random.normal(k1, (N_NODES, D_IN), dtype=jnp.float32)
    edge_index = jax.random.randint(k2, (2, N_EDGES), 0, N_NODES, dtype=jnp.int64)
    # Linear layers: store as [in, out] matrices (transpose of torch convention)
    W1 = jax.random.normal(k3, (D_IN, D_HID), dtype=jnp.float32) * (1.0 / np.sqrt(D_IN))
    b1 = jax.random.normal(k4, (D_HID,), dtype=jnp.float32) * 0.01
    W2 = jax.random.normal(k5, (D_HID, D_HID), dtype=jnp.float32) * (1.0 / np.sqrt(D_HID))
    b2 = jax.random.normal(k6, (D_HID,), dtype=jnp.float32) * 0.01
    Wc = jax.random.normal(k7, (D_HID, N_CLASSES), dtype=jnp.float32) * (1.0 / np.sqrt(D_HID))
    bc = jax.random.normal(k8, (N_CLASSES,), dtype=jnp.float32) * 0.01
    return {"x": x, "edge_index": edge_index, "W1": W1, "b1": b1, "W2": W2, "b2": b2, "Wc": Wc, "bc": bc}


def reference(x, edge_index, W1, b1, W2, b2, Wc, bc):
    # convs[0] (the only layer in convs[:-1] with num_layers=2)
    h = x @ W1 + b1
    h = jax.nn.relu(h)
    # dropout in eval mode -> identity
    row = edge_index[0]
    col = edge_index[1]
    gathered = jnp.take(h, col, axis=0)          # x[col], gather
    x_agg = jnp.zeros_like(h).at[row].add(gathered)  # index_add_ scatter-add
    degrees = jnp.bincount(row, length=h.shape[0]).astype(jnp.float32)
    x_agg = x_agg / jnp.clip(degrees, 1.0)[:, None]
    h = h + x_agg
    # convs[-1]
    h = h @ W2 + b2
    h = jax.nn.relu(h)
    logits = h @ Wc + bc
    return logits

if __name__ == "__main__":
    import jax
    _d = setup_inputs()
    print(jax.jit(kernel)(*tuple(_d.values())))

</pallas_src>

<mosaic_0001>
#map = affine_map<(d0, d1) -> (0, 0)>
#map1 = affine_map<(d0, d1) -> (0, 0, 0)>
module attributes {stable_mosaic.version = 14 : i64} {
  func.func @_sc_aggregate(%arg0: i32, %arg1: i32, %arg2: memref<10000x128xf32, #tpu.memory_space<hbm>>, %arg3: memref<2560x128xi32, #tpu.memory_space<hbm>>, %arg4: memref<2560x128xi32, #tpu.memory_space<hbm>>, %arg5: memref<632x128xf32, #tpu.memory_space<hbm>>, %arg6: memref<128x128xf32, #tpu.memory_space<hbm>>, %arg7: memref<2x10000x128xf32, #tpu.memory_space<hbm>>, %arg8: memref<2x10000x128xf32, #tpu.memory_space<hbm>>, %arg9: memref<10896x128xf32, #tpu.memory_space<vmem_shared>>, %arg10: memref<5x8x128xi32, #tpu.memory_space<vmem>>, %arg11: memref<5x8x128xi32, #tpu.memory_space<vmem>>, %arg12: memref<128x128xf32, #tpu.memory_space<vmem>>, %arg13: memref<128x128xf32, #tpu.memory_space<vmem>>, %arg14: memref<!tpu.dma_semaphore, #tpu.memory_space<semaphore_mem>>, %arg15: memref<!tpu.dma_semaphore, #tpu.memory_space<semaphore_mem>>, %arg16: memref<!tpu.dma_semaphore, #tpu.memory_space<semaphore_mem>>, %arg17: memref<!tpu.dma_semaphore, #tpu.memory_space<semaphore_mem>>, %arg18: memref<!tpu.dma_semaphore, #tpu.memory_space<semaphore_mem>>, %arg19: memref<!tpu.dma_semaphore, #tpu.memory_space<semaphore_mem>>) attributes {dimension_semantics = [#tpu.dimension_semantics<core_parallel>, #tpu.dimension_semantics<subcore_parallel>], iteration_bounds = array<i64: 2, 16>, scalar_prefetch = 0 : i64, scratch_operands = 11 : i64, tpu.core_type = #tpu.core_type<sc_vector_subcore>, window_params = [{transform_indices = #map}, {transform_indices = #map}, {transform_indices = #map}, {transform_indices = #map}, {transform_indices = #map}, {transform_indices = #map1}, {transform_indices = #map1}]} {
    %mul3A = arith.constant 2 : i32
    %mul3A_0 = arith.muli %arg1, %mul3A : i32
    %add3A = arith.addi %mul3A_0, %arg0 : i32
    %mul3A_1 = arith.constant 632 : i32
    %mul3A_2 = arith.muli %arg1, %mul3A_1 : i32
    %lt3A = arith.constant 15 : i32
    %lt3A_3 = arith.cmpi slt, %arg1, %lt3A : i32
    %convert_element_type3A = arith.extui %lt3A_3 : i1 to i32
    %cond3A = arith.constant 0 : i32
    %cond3A_4 = arith.cmpi ne, %convert_element_type3A, %cond3A : i32
    scf.if %cond3A_4 {
      "tpu.region"() ({
        %run_scoped3A = tpu.sem_alloc : memref<!tpu.dma_semaphore, #tpu.memory_space<semaphore_mem>>
        %dma_start3A_287 = arith.constant 0 : i32
        %dma_start3A_288 = tpu.memref_slice %arg9[%mul3A_2, %dma_start3A_287] : memref<10896x128xf32, #tpu.memory_space<vmem_shared>> -> memref<632x128xf32, #tpu.memory_space<vmem_shared>>
        tpu.enqueue_dma source(%arg5 : memref<632x128xf32, #tpu.memory_space<hbm>>) target(%dma_start3A_288 : memref<632x128xf32, #tpu.memory_space<vmem_shared>>) target_semaphore(%run_scoped3A : memref<!tpu.dma_semaphore, #tpu.memory_space<semaphore_mem>>)
        %dma_wait3A = arith.constant 0 : i32
        %dma_wait3A_289 = tpu.memref_slice %arg9[%mul3A_2, %dma_wait3A] : memref<10896x128xf32, #tpu.memory_space<vmem_shared>> -> memref<632x128xf32, #tpu.memory_space<vmem_shared>>
        tpu.wait_dma2 semaphore(%run_scoped3A : memref<!tpu.dma_semaphore, #tpu.memory_space<semaphore_mem>>) src(%arg5 : memref<632x128xf32, #tpu.memory_space<hbm>>) dst(%dma_wait3A_289 : memref<632x128xf32, #tpu.memory_space<vmem_shared>>)
        tpu.yield
      }) : () -> ()
    } else {
    }
    %eq3A = arith.constant 15 : i32
    %eq3A_5 = arith.cmpi eq, %arg1, %eq3A : i32
    %convert_element_type3A_6 = arith.extui %eq3A_5 : i1 to i32
    %cond3A_7 = arith.constant 0 : i32
    %cond3A_8 = arith.cmpi ne, %convert_element_type3A_6, %cond3A_7 : i32
    scf.if %cond3A_8 {
      "tpu.region"() ({
        %run_scoped3A = tpu.sem_alloc : memref<!tpu.dma_semaphore, #tpu.memory_space<semaphore_mem>>
        %dma_start3A_287 = arith.constant 0 : i32
        %dma_start3A_288 = tpu.memref_slice %arg9[%mul3A_2, %dma_start3A_287] : memref<10896x128xf32, #tpu.memory_space<vmem_shared>> -> memref<520x128xf32, #tpu.memory_space<vmem_shared>>
        %dma_start3A_289 = arith.constant 0 : i32
        %dma_start3A_290 = arith.constant 0 : i32
        %dma_start3A_291 = tpu.memref_slice %arg5[%dma_start3A_289, %dma_start3A_290] : memref<632x128xf32, #tpu.memory_space<hbm>> -> memref<520x128xf32, #tpu.memory_space<hbm>>
        tpu.enqueue_dma source(%dma_start3A_291 : memref<520x128xf32, #tpu.memory_space<hbm>>) target(%dma_start3A_288 : memref<520x128xf32, #tpu.memory_space<vmem_shared>>) target_semaphore(%run_scoped3A : memref<!tpu.dma_semaphore, #tpu.memory_space<semaphore_mem>>)
        %dma_wait3A = arith.constant 0 : i32
        %dma_wait3A_292 = tpu.memref_slice %arg9[%mul3A_2, %dma_wait3A] : memref<10896x128xf32, #tpu.memory_space<vmem_shared>> -> memref<520x128xf32, #tpu.memory_space<vmem_shared>>
        %dma_wait3A_293 = arith.constant 0 : i32
        %dma_wait3A_294 = arith.constant 0 : i32
        %dma_wait3A_295 = tpu.memref_slice %arg5[%dma_wait3A_293, %dma_wait3A_294] : memref<632x128xf32, #tpu.memory_space<hbm>> -> memref<520x128xf32, #tpu.memory_space<hbm>>
        tpu.wait_dma2 semaphore(%run_scoped3A : memref<!tpu.dma_semaphore, #tpu.memory_space<semaphore_mem>>) src(%dma_wait3A_295 : memref<520x128xf32, #tpu.memory_space<hbm>>) dst(%dma_wait3A_292 : memref<520x128xf32, #tpu.memory_space<vmem_shared>>)
        tpu.yield
      }) : () -> ()
    } else {
    }
    %barrier3A = arith.constant 0 : index
    tpu.barrier barrier_id(%barrier3A)
    %mul3A_9 = arith.constant 80 : i32
    %mul3A_10 = arith.muli %add3A, %mul3A_9 : i32
    %add3A_11 = arith.constant 0 : i32
    %add3A_12 = arith.addi %mul3A_10, %add3A_11 : i32
    %dma_start3A = arith.constant 0 : i32
    %dma_start3A_13 = arith.constant 0 : i32
    %dma_start3A_14 = arith.constant 0 : i32
    %dma_start3A_15 = tpu.memref_slice %arg10[%dma_start3A, %dma_start3A_13, %dma_start3A_14] : memref<5x8x128xi32, #tpu.memory_space<vmem>> -> memref<1x8x128xi32, #tpu.memory_space<vmem>>
    %dma_start3A_16 = tpu.memref_squeeze %dma_start3A_15 : memref<1x8x128xi32, #tpu.memory_space<vmem>> -> memref<8x128xi32, #tpu.memory_space<vmem>>
    %dma_start3A_17 = arith.constant 0 : i32
    %dma_start3A_18 = tpu.memref_slice %arg4[%add3A_12, %dma_start3A_17] : memref<2560x128xi32, #tpu.memory_space<hbm>> -> memref<8x128xi32, #tpu.memory_space<hbm>>
    %dma_start3A_19 = arith.constant 0 : i32
    %dma_start3A_20 = arith.constant 0 : i32
    %dma_start3A_21 = tpu.memref_slice %arg10[%dma_start3A, %dma_start3A_19, %dma_start3A_20] : memref<5x8x128xi32, #tpu.memory_space<vmem>> -> memref<1x8x128xi32, #tpu.memory_space<vmem>>
    %dma_start3A_22 = tpu.memref_squeeze %dma_start3A_21 : memref<1x8x128xi32, #tpu.memory_space<vmem>> -> memref<8x128xi32, #tpu.memory_space<vmem>>
    %dma_start3A_23 = arith.constant 0 : i32
    %dma_start3A_24 = tpu.memref_slice %arg4[%add3A_12, %dma_start3A_23] : memref<2560x128xi32, #tpu.memory_space<hbm>> -> memref<8x128xi32, #tpu.memory_space<hbm>>
    tpu.enqueue_dma source(%dma_start3A_24 : memref<8x128xi32, #tpu.memory_space<hbm>>) target(%dma_start3A_22 : memref<8x128xi32, #tpu.memory_space<vmem>>) target_semaphore(%arg18 : memref<!tpu.dma_semaphore, #tpu.memory_space<semaphore_mem>>)
    %dma_start3A_25 = arith.constant 0 : i32
    %dma_start3A_26 = arith.constant 0 : i32
    %dma_start3A_27 = arith.constant 0 : i32
    %dma_start3A_28 = tpu.memref_slice %arg11[%dma_start3A_25, %dma_start3A_26, %dma_start3A_27] : memref<5x8x128xi32, #tpu.memory_space<vmem>> -> memref<1x8x128xi32, #tpu.memory_space<vmem>>
    %dma_start3A_29 = tpu.memref_squeeze %dma_start3A_28 : memref<1x8x128xi32, #tpu.memory_space<vmem>> -> memref<8x128xi32, #tpu.memory_space<vmem>>
    %dma_start3A_30 = arith.constant 0 : i32
    %dma_start3A_31 = tpu.memref_slice %arg3[%add3A_12, %dma_start3A_30] : memref<2560x128xi32, #tpu.memory_space<hbm>> -> memref<8x128xi32, #tpu.memory_space<hbm>>
    %dma_start3A_32 = arith.constant 0 : i32
    %dma_start3A_33 = arith.constant 0 : i32
    %dma_start3A_34 = tpu.memref_slice %arg11[%dma_start3A_25, %dma_start3A_32, %dma_start3A_33] : memref<5x8x128xi32, #tpu.memory_space<vmem>> -> memref<1x8x128xi32, #tpu.memory_space<vmem>>
    %dma_start3A_35 = tpu.memref_squeeze %dma_start3A_34 : memref<1x8x128xi32, #tpu.memory_space<vmem>> -> memref<8x128xi32, #tpu.memory_space<vmem>>
    %dma_start3A_36 = arith.constant 0 : i32
    %dma_start3A_37 = tpu.memref_slice %arg3[%add3A_12, %dma_start3A_36] : memref<2560x128xi32, #tpu.memory_space<hbm>> -> memref<8x128xi32, #tpu.memory_space<hbm>>
    tpu.enqueue_dma source(%dma_start3A_37 : memref<8x128xi32, #tpu.memory_space<hbm>>) target(%dma_start3A_35 : memref<8x128xi32, #tpu.memory_space<vmem>>) target_semaphore(%arg18 : memref<!tpu.dma_semaphore, #tpu.memory_space<semaphore_mem>>)
    %mul3A_38 = arith.constant 80 : i32
    %mul3A_39 = arith.muli %add3A, %mul3A_38 : i32
    %add3A_40 = arith.constant 8 : i32
    %add3A_41 = arith.addi %mul3A_39, %add3A_40 : i32
    %dma_start3A_42 = arith.constant 1 : i32
    %dma_start3A_43 = arith.constant 0 : i32
    %dma_start3A_44 = arith.constant 0 : i32
    %dma_start3A_45 = tpu.memref_slice %arg10[%dma_start3A_42, %dma_start3A_43, %dma_start3A_44] : memref<5x8x128xi32, #tpu.memory_space<vmem>> -> memref<1x8x128xi32, #tpu.memory_space<vmem>>
    %dma_start3A_46 = tpu.memref_squeeze %dma_start3A_45 : memref<1x8x128xi32, #tpu.memory_space<vmem>> -> memref<8x128xi32, #tpu.memory_space<vmem>>
    %dma_start3A_47 = arith.constant 0 : i32
    %dma_start3A_48 = tpu.memref_slice %arg4[%add3A_41, %dma_start3A_47] : memref<2560x128xi32, #tpu.memory_space<hbm>> -> memref<8x128xi32, #tpu.memory_space<hbm>>
    %dma_start3A_49 = arith.constant 0 : i32
    %dma_start3A_50 = arith.constant 0 : i32
    %dma_start3A_51 = tpu.memref_slice %arg10[%dma_start3A_42, %dma_start3A_49, %dma_start3A_50] : memref<5x8x128xi32, #tpu.memory_space<vmem>> -> memref<1x8x128xi32, #tpu.memory_space<vmem>>
    %dma_start3A_52 = tpu.memref_squeeze %dma_start3A_51 : memref<1x8x128xi32, #tpu.memory_space<vmem>> -> memref<8x128xi32, #tpu.memory_space<vmem>>
    %dma_start3A_53 = arith.constant 0 : i32
    %dma_start3A_54 = tpu.memref_slice %arg4[%add3A_41, %dma_start3A_53] : memref<2560x128xi32, #tpu.memory_space<hbm>> -> memref<8x128xi32, #tpu.memory_space<hbm>>
    tpu.enqueue_dma source(%dma_start3A_54 : memref<8x128xi32, #tpu.memory_space<hbm>>) target(%dma_start3A_52 : memref<8x128xi32, #tpu.memory_space<vmem>>) target_semaphore(%arg18 : memref<!tpu.dma_semaphore, #tpu.memory_space<semaphore_mem>>)
    %dma_start3A_55 = arith.constant 1 : i32
    %dma_start3A_56 = arith.constant 0 : i32
    %dma_start3A_57 = arith.constant 0 : i32
    %dma_start3A_58 = tpu.memref_slice %arg11[%dma_start3A_55, %dma_start3A_56, %dma_start3A_57] : memref<5x8x128xi32, #tpu.memory_space<vmem>> -> memref<1x8x128xi32, #tpu.memory_space<vmem>>
    %dma_start3A_59 = tpu.memref_squeeze %dma_start3A_58 : memref<1x8x128xi32, #tpu.memory_space<vmem>> -> memref<8x128xi32, #tpu.memory_space<vmem>>
    %dma_start3A_60 = arith.constant 0 : i32
    %dma_start3A_61 = tpu.memref_slice %arg3[%add3A_41, %dma_start3A_60] : memref<2560x128xi32, #tpu.memory_space<hbm>> -> memref<8x128xi32, #tpu.memory_space<hbm>>
    %dma_start3A_62 = arith.constant 0 : i32
    %dma_start3A_63 = arith.constant 0 : i32
    %dma_start3A_64 = tpu.memref_slice %arg11[%dma_start3A_55, %dma_start3A_62, %dma_start3A_63] : memref<5x8x128xi32, #tpu.memory_space<vmem>> -> memref<1x8x128xi32, #tpu.memory_space<vmem>>
    %dma_start3A_65 = tpu.memref_squeeze %dma_start3A_64 : memref<1x8x128xi32, #tpu.memory_space<vmem>> -> memref<8x128xi32, #tpu.memory_space<vmem>>
    %dma_start3A_66 = arith.constant 0 : i32
    %dma_start3A_67 = tpu.memref_slice %arg3[%add3A_41, %dma_start3A_66] : memref<2560x128xi32, #tpu.memory_space<hbm>> -> memref<8x128xi32, #tpu.memory_space<hbm>>
    tpu.enqueue_dma source(%dma_start3A_67 : memref<8x128xi32, #tpu.memory_space<hbm>>) target(%dma_start3A_65 : memref<8x128xi32, #tpu.memory_space<vmem>>) target_semaphore(%arg18 : memref<!tpu.dma_semaphore, #tpu.memory_space<semaphore_mem>>)
    %mul3A_68 = arith.constant 80 : i32
    %mul3A_69 = arith.muli %add3A, %mul3A_68 : i32
    %add3A_70 = arith.constant 16 : i32
    %add3A_71 = arith.addi %mul3A_69, %add3A_70 : i32
    %dma_start3A_72 = arith.constant 2 : i32
    %dma_start3A_73 = arith.constant 0 : i32
    %dma_start3A_74 = arith.constant 0 : i32
    %dma_start3A_75 = tpu.memref_slice %arg10[%dma_start3A_72, %dma_start3A_73, %dma_start3A_74] : memref<5x8x128xi32, #tpu.memory_space<vmem>> -> memref<1x8x128xi32, #tpu.memory_space<vmem>>
    %dma_start3A_76 = tpu.memref_squeeze %dma_start3A_75 : memref<1x8x128xi32, #tpu.memory_space<vmem>> -> memref<8x128xi32, #tpu.memory_space<vmem>>
    %dma_start3A_77 = arith.constant 0 : i32
    %dma_start3A_78 = tpu.memref_slice %arg4[%add3A_71, %dma_start3A_77] : memref<2560x128xi32, #tpu.memory_space<hbm>> -> memref<8x128xi32, #tpu.memory_space<hbm>>
    %dma_start3A_79 = arith.constant 0 : i32
    %dma_start3A_80 = arith.constant 0 : i32
    %dma_start3A_81 = tpu.memref_slice %arg10[%dma_start3A_72, %dma_start3A_79, %dma_start3A_80] : memref<5x8x128xi32, #tpu.memory_space<vmem>> -> memref<1x8x128xi32, #tpu.memory_space<vmem>>
    %dma_start3A_82 = tpu.memref_squeeze %dma_start3A_81 : memref<1x8x128xi32, #tpu.memory_space<vmem>> -> memref<8x128xi32, #tpu.memory_space<vmem>>
    %dma_start3A_83 = arith.constant 0 : i32
    %dma_start3A_84 = tpu.memref_slice %arg4[%add3A_71, %dma_start3A_83] : memref<2560x128xi32, #tpu.memory_space<hbm>> -> memref<8x128xi32, #tpu.memory_space<hbm>>
    tpu.enqueue_dma source(%dma_start3A_84 : memref<8x128xi32, #tpu.memory_space<hbm>>) target(%dma_start3A_82 : memref<8x128xi32, #tpu.memory_space<vmem>>) target_semaphore(%arg18 : memref<!tpu.dma_semaphore, #tpu.memory_space<semaphore_mem>>)
    %dma_start3A_85 = arith.constant 2 : i32
    %dma_start3A_86 = arith.constant 0 : i32
    %dma_start3A_87 = arith.constant 0 : i32
    %dma_start3A_88 = tpu.memref_slice %arg11[%dma_start3A_85, %dma_start3A_86, %dma_start3A_87] : memref<5x8x128xi32, #tpu.memory_space<vmem>> -> memref<1x8x128xi32, #tpu.memory_space<vmem>>
    %dma_start3A_89 = tpu.memref_squeeze %dma_start3A_88 : memref<1x8x128xi32, #tpu.memory_space<vmem>> -> memref<8x128xi32, #tpu.memory_space<vmem>>
    %dma_start3A_90 = arith.constant 0 : i32
    %dma_start3A_91 = tpu.memref_slice %arg3[%add3A_71, %dma_start3A_90] : memref<2560x128xi32, #tpu.memory_space<hbm>> -> memref<8x128xi32, #tpu.memory_space<hbm>>
    %dma_start3A_92 = arith.constant 0 : i32
    %dma_start3A_93 = arith.constant 0 : i32
    %dma_start3A_94 = tpu.memref_slice %arg11[%dma_start3A_85, %dma_start3A_92, %dma_start3A_93] : memref<5x8x128xi32, #tpu.memory_space<vmem>> -> memref<1x8x128xi32, #tpu.memory_space<vmem>>
    %dma_start3A_95 = tpu.memref_squeeze %dma_start3A_94 : memref<1x8x128xi32, #tpu.memory_space<vmem>> -> memref<8x128xi32, #tpu.memory_space<vmem>>
    %dma_start3A_96 = arith.constant 0 : i32
    %dma_start3A_97 = tpu.memref_slice %arg3[%add3A_71, %dma_start3A_96] : memref<2560x128xi32, #tpu.memory_space<hbm>> -> memref<8x128xi32, #tpu.memory_space<hbm>>
    tpu.enqueue_dma source(%dma_start3A_97 : memref<8x128xi32, #tpu.memory_space<hbm>>) target(%dma_start3A_95 : memref<8x128xi32, #tpu.memory_space<vmem>>) target_semaphore(%arg18 : memref<!tpu.dma_semaphore, #tpu.memory_space<semaphore_mem>>)
    %mul3A_98 = arith.constant 80 : i32
    %mul3A_99 = arith.muli %add3A, %mul3A_98 : i32
    %add3A_100 = arith.constant 24 : i32
    %add3A_101 = arith.addi %mul3A_99, %add3A_100 : i32
    %dma_start3A_102 = arith.constant 3 : i32
    %dma_start3A_103 = arith.constant 0 : i32
    %dma_start3A_104 = arith.constant 0 : i32
    %dma_start3A_105 = tpu.memref_slice %arg10[%dma_start3A_102, %dma_start3A_103, %dma_start3A_104] : memref<5x8x128xi32, #tpu.memory_space<vmem>> -> memref<1x8x128xi32, #tpu.memory_space<vmem>>
    %dma_start3A_106 = tpu.memref_squeeze %dma_start3A_105 : memref<1x8x128xi32, #tpu.memory_space<vmem>> -> memref<8x128xi32, #tpu.memory_space<vmem>>
    %dma_start3A_107 = arith.constant 0 : i32
    %dma_start3A_108 = tpu.memref_slice %arg4[%add3A_101, %dma_start3A_107] : memref<2560x128xi32, #tpu.memory_space<hbm>> -> memref<8x128xi32, #tpu.memory_space<hbm>>
    %dma_start3A_109 = arith.constant 0 : i32
    %dma_start3A_110 = arith.constant 0 : i32
    %dma_start3A_111 = tpu.memref_slice %arg10[%dma_start3A_102, %dma_start3A_109, %dma_start3A_110] : memref<5x8x128xi32, #tpu.memory_space<vmem>> -> memref<1x8x128xi32, #tpu.memory_space<vmem>>
    %dma_start3A_112 = tpu.memref_squeeze %dma_start3A_111 : memref<1x8x128xi32, #tpu.memory_space<vmem>> -> memref<8x128xi32, #tpu.memory_space<vmem>>
    %dma_start3A_113 = arith.constant 0 : i32
    %dma_start3A_114 = tpu.memref_slice %arg4[%add3A_101, %dma_start3A_113] : memref<2560x128xi32, #tpu.memory_space<hbm>> -> memref<8x128xi32, #tpu.memory_space<hbm>>
    tpu.enqueue_dma source(%dma_start3A_114 : memref<8x128xi32, #tpu.memory_space<hbm>>) target(%dma_start3A_112 : memref<8x128xi32, #tpu.memory_space<vmem>>) target_semaphore(%arg18 : memref<!tpu.dma_semaphore, #tpu.memory_space<semaphore_mem>>)
    %dma_start3A_115 = arith.constant 3 : i32
    %dma_start3A_116 = arith.constant 0 : i32
    %dma_start3A_117 = arith.constant 0 : i32
    %dma_start3A_118 = tpu.memref_slice %arg11[%dma_start3A_115, %dma_start3A_116, %dma_start3A_117] : memref<5x8x128xi32, #tpu.memory_space<vmem>> -> memref<1x8x128xi32, #tpu.memory_space<vmem>>
    %dma_start3A_119 = tpu.memref_squeeze %dma_start3A_118 : memref<1x8x128xi32, #tpu.memory_space<vmem>> -> memref<8x128xi32, #tpu.memory_space<vmem>>
    %dma_start3A_120 = arith.constant 0 : i32
    %dma_start3A_121 = tpu.memref_slice %arg3[%add3A_101, %dma_start3A_120] : memref<2560x128xi32, #tpu.memory_space<hbm>> -> memref<8x128xi32, #tpu.memory_space<hbm>>
    %dma_start3A_122 = arith.constant 0 : i32
    %dma_start3A_123 = arith.constant 0 : i32
    %dma_start3A_124 = tpu.memref_slice %arg11[%dma_start3A_115, %dma_start3A_122, %dma_start3A_123] : memref<5x8x128xi32, #tpu.memory_space<vmem>> -> memref<1x8x128xi32, #tpu.memory_space<vmem>>
    %dma_start3A_125 = tpu.memref_squeeze %dma_start3A_124 : memref<1x8x128xi32, #tpu.memory_space<vmem>> -> memref<8x128xi32, #tpu.memory_space<vmem>>
    %dma_start3A_126 = arith.constant 0 : i32
    %dma_start3A_127 = tpu.memref_slice %arg3[%add3A_101, %dma_start3A_126] : memref<2560x128xi32, #tpu.memory_space<hbm>> -> memref<8x128xi32, #tpu.memory_space<hbm>>
    tpu.enqueue_dma source(%dma_start3A_127 : memref<8x128xi32, #tpu.memory_space<hbm>>) target(%dma_start3A_125 : memref<8x128xi32, #tpu.memory_space<vmem>>) target_semaphore(%arg18 : memref<!tpu.dma_semaphore, #tpu.memory_space<semaphore_mem>>)
    %mul3A_128 = arith.constant 80 : i32
    %mul3A_129 = arith.muli %add3A, %mul3A_128 : i32
    %add3A_130 = arith.constant 32 : i32
    %add3A_131 = arith.addi %mul3A_129, %add3A_130 : i32
    %dma_start3A_132 = arith.constant 4 : i32
    %dma_start3A_133 = arith.constant 0 : i32
    %dma_start3A_134 = arith.constant 0 : i32
    %dma_start3A_135 = tpu.memref_slice %arg10[%dma_start3A_132, %dma_start3A_133, %dma_start3A_134] : memref<5x8x128xi32, #tpu.memory_space<vmem>> -> memref<1x8x128xi32, #tpu.memory_space<vmem>>
    %dma_start3A_136 = tpu.memref_squeeze %dma_start3A_135 : memref<1x8x128xi32, #tpu.memory_space<vmem>> -> memref<8x128xi32, #tpu.memory_space<vmem>>
    %dma_start3A_137 = arith.constant 0 : i32
    %dma_start3A_138 = tpu.memref_slice %arg4[%add3A_131, %dma_start3A_137] : memref<2560x128xi32, #tpu.memory_space<hbm>> -> memref<8x128xi32, #tpu.memory_space<hbm>>
    %dma_start3A_139 = arith.constant 0 : i32
    %dma_start3A_140 = arith.constant 0 : i32
    %dma_start3A_141 = tpu.memref_slice %arg10[%dma_start3A_132, %dma_start3A_139, %dma_start3A_140] : memref<5x8x128xi32, #tpu.memory_space<vmem>> -> memref<1x8x128xi32, #tpu.memory_space<vmem>>
    %dma_start3A_142 = tpu.memref_squeeze %dma_start3A_141 : memref<1x8x128xi32, #tpu.memory_space<vmem>> -> memref<8x128xi32, #tpu.memory_space<vmem>>
    %dma_start3A_143 = arith.constant 0 : i32
    %dma_start3A_144 = tpu.memref_slice %arg4[%add3A_131, %dma_start3A_143] : memref<2560x128xi32, #tpu.memory_space<hbm>> -> memref<8x128xi32, #tpu.memory_space<hbm>>
    tpu.enqueue_dma source(%dma_start3A_144 : memref<8x128xi32, #tpu.memory_space<hbm>>) target(%dma_start3A_142 : memref<8x128xi32, #tpu.memory_space<vmem>>) target_semaphore(%arg18 : memref<!tpu.dma_semaphore, #tpu.memory_space<semaphore_mem>>)
    %dma_start3A_145 = arith.constant 4 : i32
    %dma_start3A_146 = arith.constant 0 : i32
    %dma_start3A_147 = arith.constant 0 : i32
    %dma_start3A_148 = tpu.memref_slice %arg11[%dma_start3A_145, %dma_start3A_146, %dma_start3A_147] : memref<5x8x128xi32, #tpu.memory_space<vmem>> -> memref<1x8x128xi32, #tpu.memory_space<vmem>>
    %dma_start3A_149 = tpu.memref_squeeze %dma_start3A_148 : memref<1x8x128xi32, #tpu.memory_space<vmem>> -> memref<8x128xi32, #tpu.memory_space<vmem>>
    %dma_start3A_150 = arith.constant 0 : i32
    %dma_start3A_151 = tpu.memref_slice %arg3[%add3A_131, %dma_start3A_150] : memref<2560x128xi32, #tpu.memory_space<hbm>> -> memref<8x128xi32, #tpu.memory_space<hbm>>
    %dma_start3A_152 = arith.constant 0 : i32
    %dma_start3A_153 = arith.constant 0 : i32
    %dma_start3A_154 = tpu.memref_slice %arg11[%dma_start3A_145, %dma_start3A_152, %dma_start3A_153] : memref<5x8x128xi32, #tpu.memory_space<vmem>> -> memref<1x8x128xi32, #tpu.memory_space<vmem>>
    %dma_start3A_155 = tpu.memref_squeeze %dma_start3A_154 : memref<1x8x128xi32, #tpu.memory_space<vmem>> -> memref<8x128xi32, #tpu.memory_space<vmem>>
    %dma_start3A_156 = arith.constant 0 : i32
    %dma_start3A_157 = tpu.memref_slice %arg3[%add3A_131, %dma_start3A_156] : memref<2560x128xi32, #tpu.memory_space<hbm>> -> memref<8x128xi32, #tpu.memory_space<hbm>>
    tpu.enqueue_dma source(%dma_start3A_157 : memref<8x128xi32, #tpu.memory_space<hbm>>) target(%dma_start3A_155 : memref<8x128xi32, #tpu.memory_space<vmem>>) target_semaphore(%arg18 : memref<!tpu.dma_semaphore, #tpu.memory_space<semaphore_mem>>)
    %scan3A = arith.constant 0 : i32
    %scan3A_158 = arith.constant 0 : i32
    %scan3A_159 = arith.constant 2 : i32
    %scan3A_160 = arith.addi %scan3A_158, %scan3A_159 : i32
    %scan3A_161 = arith.constant 1 : i32
    scf.for %scan3A_287 = %scan3A_158 to %scan3A_160 step %scan3A_161  : i32 {
      %dma_wait3A = arith.constant 0 : i32
      %dma_wait3A_288 = arith.constant 0 : i32
      %dma_wait3A_289 = arith.constant 0 : i32
      %dma_wait3A_290 = tpu.memref_slice %arg10[%dma_wait3A, %dma_wait3A_288, %dma_wait3A_289] : memref<5x8x128xi32, #tpu.memory_space<vmem>> -> memref<1x8x128xi32, #tpu.memory_space<vmem>>
      %dma_wait3A_291 = tpu.memref_squeeze %dma_wait3A_290 : memref<1x8x128xi32, #tpu.memory_space<vmem>> -> memref<8x128xi32, #tpu.memory_space<vmem>>
      %dma_wait3A_292 = arith.constant 0 : i32
      %dma_wait3A_293 = arith.constant 0 : i32
      %dma_wait3A_294 = tpu.memref_slice %arg4[%dma_wait3A_292, %dma_wait3A_293] : memref<2560x128xi32, #tpu.memory_space<hbm>> -> memref<8x128xi32, #tpu.memory_space<hbm>>
      %dma_wait3A_295 = arith.constant 0 : i32
      %dma_wait3A_296 = arith.constant 0 : i32
      %dma_wait3A_297 = tpu.memref_slice %arg10[%dma_wait3A, %dma_wait3A_295, %dma_wait3A_296] : memref<5x8x128xi32, #tpu.memory_space<vmem>> -> memref<1x8x128xi32, #tpu.memory_space<vmem>>
      %dma_wait3A_298 = tpu.memref_squeeze %dma_wait3A_297 : memref<1x8x128xi32, #tpu.memory_space<vmem>> -> memref<8x128xi32, #tpu.memory_space<vmem>>
      %dma_wait3A_299 = arith.constant 0 : i32
      %dma_wait3A_300 = arith.constant 0 : i32
      %dma_wait3A_301 = tpu.memref_slice %arg4[%dma_wait3A_299, %dma_wait3A_300] : memref<2560x128xi32, #tpu.memory_space<hbm>> -> memref<8x128xi32, #tpu.memory_space<hbm>>
      tpu.wait_dma2 semaphore(%arg18 : memref<!tpu.dma_semaphore, #tpu.memory_space<semaphore_mem>>) src(%dma_wait3A_301 : memref<8x128xi32, #tpu.memory_space<hbm>>) dst(%dma_wait3A_298 : memref<8x128xi32, #tpu.memory_space<vmem>>)
      %dma_wait3A_302 = arith.constant 0 : i32
      %dma_wait3A_303 = arith.constant 0 : i32
      %dma_wait3A_304 = arith.constant 0 : i32
      %dma_wait3A_305 = tpu.memref_slice %arg11[%dma_wait3A_302, %dma_wait3A_303, %dma_wait3A_304] : memref<5x8x128xi32, #tpu.memory_space<vmem>> -> memref<1x8x128xi32, #tpu.memory_space<vmem>>
      %dma_wait3A_306 = tpu.memref_squeeze %dma_wait3A_305 : memref<1x8x128xi32, #tpu.memory_space<vmem>> -> memref<8x128xi32, #tpu.memory_space<vmem>>
      %dma_wait3A_307 = arith.constant 0 : i32
      %dma_wait3A_308 = arith.constant 0 : i32
      %dma_wait3A_309 = tpu.memref_slice %arg3[%dma_wait3A_307, %dma_wait3A_308] : memref<2560x128xi32, #tpu.memory_space<hbm>> -> memref<8x128xi32, #tpu.memory_space<hbm>>
      %dma_wait3A_310 = arith.constant 0 : i32
      %dma_wait3A_311 = arith.constant 0 : i32
      %dma_wait3A_312 = tpu.memref_slice %arg11[%dma_wait3A_302, %dma_wait3A_310, %dma_wait3A_311] : memref<5x8x128xi32, #tpu.memory_space<vmem>> -> memref<1x8x128xi32, #tpu.memory_space<vmem>>
      %dma_wait3A_313 = tpu.memref_squeeze %dma_wait3A_312 : memref<1x8x128xi32, #tpu.memory_space<vmem>> -> memref<8x128xi32, #tpu.memory_space<vmem>>
      %dma_wait3A_314 = arith.constant 0 : i32
      %dma_wait3A_315 = arith.constant 0 : i32
      %dma_wait3A_316 = tpu.memref_slice %arg3[%dma_wait3A_314, %dma_wait3A_315] : memref<2560x128xi32, #tpu.memory_space<hbm>> -> memref<8x128xi32, #tpu.memory_space<hbm>>
      tpu.wait_dma2 semaphore(%arg18 : memref<!tpu.dma_semaphore, #tpu.memory_space<semaphore_mem>>) src(%dma_wait3A_316 : memref<8x128xi32, #tpu.memory_space<hbm>>) dst(%dma_wait3A_313 : memref<8x128xi32, #tpu.memory_space<vmem>>)
      %dma_start3A_317 = arith.constant 0 : i32
      %dma_start3A_318 = arith.constant 0 : i32
      %dma_start3A_319 = arith.constant 0 : i32
      %dma_start3A_320 = tpu.memref_slice %arg10[%dma_start3A_317, %dma_start3A_318, %dma_start3A_319] : memref<5x8x128xi32, #tpu.memory_space<vmem>> -> memref<1x1x128xi32, #tpu.memory_space<vmem>>
      %dma_start3A_321 = tpu.memref_squeeze %dma_start3A_320 : memref<1x1x128xi32, #tpu.memory_space<vmem>> -> memref<128xi32, #tpu.memory_space<vmem>>
      %dma_start3A_322 = arith.constant 0 : i32
      %dma_start3A_323 = arith.constant 0 : i32
      %dma_start3A_324 = tpu.memref_slice %arg2[%dma_start3A_322, %dma_start3A_323] : memref<10000x128xf32, #tpu.memory_space<hbm>> -> memref<10000x128xf32, #tpu.memory_space<hbm>>
      tpu.enqueue_indirect_dma source(%dma_start3A_324 : memref<10000x128xf32, #tpu.memory_space<hbm>>) target(%arg12 : memref<128x128xf32, #tpu.memory_space<vmem>>) offsets(%dma_start3A_321 : memref<128xi32, #tpu.memory_space<vmem>>) semaphore(%arg14 : memref<!tpu.dma_semaphore, #tpu.memory_space<semaphore_mem>>)
      %dma_wait3A_325 = arith.constant 0 : i32
      %dma_wait3A_326 = arith.constant 0 : i32
      %dma_wait3A_327 = arith.constant 0 : i32
      %dma_wait3A_328 = tpu.memref_slice %arg10[%dma_wait3A_325, %dma_wait3A_326, %dma_wait3A_327] : memref<5x8x128xi32, #tpu.memory_space<vmem>> -> memref<1x1x128xi32, #tpu.memory_space<vmem>>
      %dma_wait3A_329 = tpu.memref_squeeze %dma_wait3A_328 : memref<1x1x128xi32, #tpu.memory_space<vmem>> -> memref<128xi32, #tpu.memory_space<vmem>>
      %dma_wait3A_330 = arith.constant 0 : i32
      %dma_wait3A_331 = arith.constant 0 : i32
      %dma_wait3A_332 = tpu.memref_slice %arg2[%dma_wait3A_330, %dma_wait3A_331] : memref<10000x128xf32, #tpu.memory_space<hbm>> -> memref<10000x128xf32, #tpu.memory_space<hbm>>
      tpu.wait_indirect_dma semaphore(%arg14 : memref<!tpu.dma_semaphore, #tpu.memory_space<semaphore_mem>>) src(%dma_wait3A_332 : memref<10000x128xf32, #tpu.memory_space<hbm>>) dst(%arg12 : memref<128x128xf32, #tpu.memory_space<vmem>>)
      %dma_start3A_333 = arith.constant 0 : i32
      %dma_start3A_334 = arith.constant 1 : i32
      %dma_start3A_335 = arith.constant 0 : i32
      %dma_start3A_336 = tpu.memref_slice %arg10[%dma_start3A_333, %dma_start3A_334, %dma_start3A_335] : memref<5x8x128xi32, #tpu.memory_space<vmem>> -> memref<1x1x128xi32, #tpu.memory_space<vmem>>
      %dma_start3A_337 = tpu.memref_squeeze %dma_start3A_336 : memref<1x1x128xi32, #tpu.memory_space<vmem>> -> memref<128xi32, #tpu.memory_space<vmem>>
      %dma_start3A_338 = arith.constant 0 : i32
      %dma_start3A_339 = arith.constant 0 : i32
      %dma_start3A_340 = tpu.memref_slice %arg2[%dma_start3A_338, %dma_start3A_339] : memref<10000x128xf32, #tpu.memory_space<hbm>> -> memref<10000x128xf32, #tpu.memory_space<hbm>>
      tpu.enqueue_indirect_dma source(%dma_start3A_340 : memref<10000x128xf32, #tpu.memory_space<hbm>>) target(%arg13 : memref<128x128xf32, #tpu.memory_space<vmem>>) offsets(%dma_start3A_337 : memref<128xi32, #tpu.memory_space<vmem>>) semaphore(%arg15 : memref<!tpu.dma_semaphore, #tpu.memory_space<semaphore_mem>>)
      %dma_start3A_341 = arith.constant 0 : i32
      %dma_start3A_342 = arith.constant 0 : i32
      %dma_start3A_343 = arith.constant 0 : i32
      %dma_start3A_344 = tpu.memref_slice %arg11[%dma_start3A_341, %dma_start3A_342, %dma_start3A_343] : memref<5x8x128xi32, #tpu.memory_space<vmem>> -> memref<1x1x128xi32, #tpu.memory_space<vmem>>
      %dma_start3A_345 = tpu.memref_squeeze %dma_start3A_344 : memref<1x1x128xi32, #tpu.memory_space<vmem>> -> memref<128xi32, #tpu.memory_space<vmem>>
      %dma_start3A_346 = arith.constant 0 : i32
      %dma_start3A_347 = arith.constant 0 : i32
      %dma_start3A_348 = tpu.memref_slice %arg9[%dma_start3A_346, %dma_start3A_347] : memref<10896x128xf32, #tpu.memory_space<vmem_shared>> -> memref<10896x128xf32, #tpu.memory_space<vmem_shared>>
      tpu.enqueue_indirect_dma source(%arg12 : memref<128x128xf32, #tpu.memory_space<vmem>>) target(%dma_start3A_348 : memref<10896x128xf32, #tpu.memory_space<vmem_shared>>) offsets(%dma_start3A_345 : memref<128xi32, #tpu.memory_space<vmem>>) semaphore(%arg16 : memref<!tpu.dma_semaphore, #tpu.memory_space<semaphore_mem>>) {add = true}
      %dma_wait3A_349 = arith.constant 0 : i32
      %dma_wait3A_350 = arith.constant 1 : i32
      %dma_wait3A_351 = arith.constant 0 : i32
      %dma_wait3A_352 = tpu.memref_slice %arg10[%dma_wait3A_349, %dma_wait3A_350, %dma_wait3A_351] : memref<5x8x128xi32, #tpu.memory_space<vmem>> -> memref<1x1x128xi32, #tpu.memory_space<vmem>>
      %dma_wait3A_353 = tpu.memref_squeeze %dma_wait3A_352 : memref<1x1x128xi32, #tpu.memory_space<vmem>> -> memref<128xi32, #tpu.memory_space<vmem>>
      %dma_wait3A_354 = arith.constant 0 : i32
      %dma_wait3A_355 = arith.constant 0 : i32
      %dma_wait3A_356 = tpu.memref_slice %arg2[%dma_wait3A_354, %dma_wait3A_355] : memref<10000x128xf32, #tpu.memory_space<hbm>> -> memref<10000x128xf32, #tpu.memory_space<hbm>>
      tpu.wait_indirect_dma semaphore(%arg15 : memref<!tpu.dma_semaphore, #tpu.memory_space<semaphore_mem>>) src(%dma_wait3A_356 : memref<10000x128xf32, #tpu.memory_space<hbm>>) dst(%arg13 : memref<128x128xf32, #tpu.memory_space<vmem>>)
      %dma_wait3A_357 = arith.constant 0 : i32
      %dma_wait3A_358 = arith.constant 0 : i32
      %dma_wait3A_359 = arith.constant 0 : i32
      %dma_wait3A_360 = tpu.memref_slice %arg11[%dma_wait3A_357, %dma_wait3A_358, %dma_wait3A_359] : memref<5x8x128xi32, #tpu.memory_space<vmem>> -> memref<1x1x128xi32, #tpu.memory_space<vmem>>
      %dma_wait3A_361 = tpu.memref_squeeze %dma_wait3A_360 : memref<1x1x128xi32, #tpu.memory_space<vmem>> -> memref<128xi32, #tpu.memory_space<vmem>>
      %dma_wait3A_362 = arith.constant 0 : i32
      %dma_wait3A_363 = arith.constant 0 : i32
      %dma_wait3A_364 = tpu.memref_slice %arg9[%dma_wait3A_362, %dma_wait3A_363] : memref<10896x128xf32, #tpu.memory_space<vmem_shared>> -> memref<10896x128xf32, #tpu.memory_space<vmem_shared>>
      tpu.wait_indirect_dma semaphore(%arg16 : memref<!tpu.dma_semaphore, #tpu.memory_space<semaphore_mem>>) src(%arg12 : memref<128x128xf32, #tpu.memory_space<vmem>>) dst(%dma_wait3A_364 : memref<10896x128xf32, #tpu.memory_space<vmem_shared>>)
      %dma_start3A_365 = arith.constant 0 : i32
      %dma_start3A_366 = arith.constant 2 : i32
      %dma_start3A_367 = arith.constant 0 : i32
      %dma_start3A_368 = tpu.memref_slice %arg10[%dma_start3A_365, %dma_start3A_366, %dma_start3A_367] : memref<5x8x128xi32, #tpu.memory_space<vmem>> -> memref<1x1x128xi32, #tpu.memory_space<vmem>>
      %dma_start3A_369 = tpu.memref_squeeze %dma_start3A_368 : memref<1x1x128xi32, #tpu.memory_space<vmem>> -> memref<128xi32, #tpu.memory_space<vmem>>
      %dma_start3A_370 = arith.constant 0 : i32
      %dma_start3A_371 = arith.constant 0 : i32
      %dma_start3A_372 = tpu.memref_slice %arg2[%dma_start3A_370, %dma_start3A_371] : memref<10000x128xf32, #tpu.memory_space<hbm>> -> memref<10000x128xf32, #tpu.memory_space<hbm>>
      tpu.enqueue_indirect_dma source(%dma_start3A_372 : memref<10000x128xf32, #tpu.memory_space<hbm>>) target(%arg12 : memref<128x128xf32, #tpu.memory_space<vmem>>) offsets(%dma_start3A_369 : memref<128xi32, #tpu.memory_space<vmem>>) semaphore(%arg14 : memref<!tpu.dma_semaphore, #tpu.memory_space<semaphore_mem>>)
      %dma_start3A_373 = arith.constant 0 : i32
      %dma_start3A_374 = arith.constant 1 : i32
      %dma_start3A_375 = arith.constant 0 : i32
      %dma_start3A_376 = tpu.memref_slice %arg11[%dma_start3A_373, %dma_start3A_374, %dma_start3A_375] : memref<5x8x128xi32, #tpu.memory_space<vmem>> -> memref<1x1x128xi32, #tpu.memory_space<vmem>>
      %dma_start3A_377 = tpu.memref_squeeze %dma_start3A_376 : memref<1x1x128xi32, #tpu.memory_space<vmem>> -> memref<128xi32, #tpu.memory_space<vmem>>
      %dma_start3A_378 = arith.constant 0 : i32
      %dma_start3A_379 = arith.constant 0 : i32
      %dma_start3A_380 = tpu.memref_slice %arg9[%dma_start3A_378, %dma_start3A_379] : memref<10896x128xf32, #tpu.memory_space<vmem_shared>> -> memref<10896x128xf32, #tpu.memory_space<vmem_shared>>
      tpu.enqueue_indirect_dma source(%arg13 : memref<128x128xf32, #tpu.memory_space<vmem>>) target(%dma_start3A_380 : memref<10896x128xf32, #tpu.memory_space<vmem_shared>>) offsets(%dma_start3A_377 : memref<128xi32, #tpu.memory_space<vmem>>) semaphore(%arg17 : memref<!tpu.dma_semaphore, #tpu.memory_space<semaphore_mem>>) {add = true}
      %dma_wait3A_381 = arith.constant 0 : i32
      %dma_wait3A_382 = arith.constant 2 : i32
      %dma_wait3A_383 = arith.constant 0 : i32
      %dma_wait3A_384 = tpu.memref_slice %arg10[%dma_wait3A_381, %dma_wait3A_382, %dma_wait3A_383] : memref<5x8x128xi32, #tpu.memory_space<vmem>> -> memref<1x1x128xi32, #tpu.memory_space<vmem>>
      %dma_wait3A_385 = tpu.memref_squeeze %dma_wait3A_384 : memref<1x1x128xi32, #tpu.memory_space<vmem>> -> memref<128xi32, #tpu.memory_space<vmem>>
      %dma_wait3A_386 = arith.constant 0 : i32
      %dma_wait3A_387 = arith.constant 0 : i32
      %dma_wait3A_388 = tpu.memref_slice %arg2[%dma_wait3A_386, %dma_wait3A_387] : memref<10000x128xf32, #tpu.memory_space<hbm>> -> memref<10000x128xf32, #tpu.memory_space<hbm>>
      tpu.wait_indirect_dma semaphore(%arg14 : memref<!tpu.dma_semaphore, #tpu.memory_space<semaphore_mem>>) src(%dma_wait3A_388 : memref<10000x128xf32, #tpu.memory_space<hbm>>) dst(%arg12 : memref<128x128xf32, #tpu.memory_space<vmem>>)
      %dma_wait3A_389 = arith.constant 0 : i32
      %dma_wait3A_390 = arith.constant 1 : i32
      %dma_wait3A_391 = arith.constant 0 : i32
      %dma_wait3A_392 = tpu.memref_slice %arg11[%dma_wait3A_389, %dma_wait3A_390, %dma_wait3A_391] : memref<5x8x128xi32, #tpu.memory_space<vmem>> -> memref<1x1x128xi32, #tpu.memory_space<vmem>>
      %dma_wait3A_393 = tpu.memref_squeeze %dma_wait3A_392 : memref<1x1x128xi32, #tpu.memory_space<vmem>> -> memref<128xi32, #tpu.memory_space<vmem>>
      %dma_wait3A_394 = arith.constant 0 : i32
      %dma_wait3A_395 = arith.constant 0 : i32
      %dma_wait3A_396 = tpu.memref_slice %arg9[%dma_wait3A_394, %dma_wait3A_395] : memref<10896x128xf32, #tpu.memory_space<vmem_shared>> -> memref<10896x128xf32, #tpu.memory_space<vmem_shared>>
      tpu.wait_indirect_dma semaphore(%arg17 : memref<!tpu.dma_semaphore, #tpu.memory_space<semaphore_mem>>) src(%arg13 : memref<128x128xf32, #tpu.memory_space<vmem>>) dst(%dma_wait3A_396 : memref<10896x128xf32, #tpu.memory_space<vmem_shared>>)
      %dma_start3A_397 = arith.constant 0 : i32
      %dma_start3A_398 = arith.constant 3 : i32
      %dma_start3A_399 = arith.constant 0 : i32
      %dma_start3A_400 = tpu.memref_slice %arg10[%dma_start3A_397, %dma_start3A_398, %dma_start3A_399] : memref<5x8x128xi32, #tpu.memory_space<vmem>> -> memref<1x1x128xi32, #tpu.memory_space<vmem>>
      %dma_start3A_401 = tpu.memref_squeeze %dma_start3A_400 : memref<1x1x128xi32, #tpu.memory_space<vmem>> -> memref<128xi32, #tpu.memory_space<vmem>>
      %dma_start3A_402 = arith.constant 0 : i32
      %dma_start3A_403 = arith.constant 0 : i32
      %dma_start3A_404 = tpu.memref_slice %arg2[%dma_start3A_402, %dma_start3A_403] : memref<10000x128xf32, #tpu.memory_space<hbm>> -> memref<10000x128xf32, #tpu.memory_space<hbm>>
      tpu.enqueue_indirect_dma source(%dma_start3A_404 : memref<10000x128xf32, #tpu.memory_space<hbm>>) target(%arg13 : memref<128x128xf32, #tpu.memory_space<vmem>>) offsets(%dma_start3A_401 : memref<128xi32, #tpu.memory_space<vmem>>) semaphore(%arg15 : memref<!tpu.dma_semaphore, #tpu.memory_space<semaphore_mem>>)
      %dma_start3A_405 = arith.constant 0 : i32
      %dma_start3A_406 = arith.constant 2 : i32
      %dma_start3A_407 = arith.constant 0 : i32
      %dma_start3A_408 = tpu.memref_slice %arg11[%dma_start3A_405, %dma_start3A_406, %dma_start3A_407] : memref<5x8x128xi32, #tpu.memory_space<vmem>> -> memref<1x1x128xi32, #tpu.memory_space<vmem>>
      %dma_start3A_409 = tpu.memref_squeeze %dma_start3A_408 : memref<1x1x128xi32, #tpu.memory_space<vmem>> -> memref<128xi32, #tpu.memory_space<vmem>>
      %dma_start3A_410 = arith.constant 0 : i32
      %dma_start3A_411 = arith.constant 0 : i32
      %dma_start3A_412 = tpu.memref_slice %arg9[%dma_start3A_410, %dma_start3A_411] : memref<10896x128xf32, #tpu.memory_space<vmem_shared>> -> memref<10896x128xf32, #tpu.memory_space<vmem_shared>>
      tpu.enqueue_indirect_dma source(%arg12 : memref<128x128xf32, #tpu.memory_space<vmem>>) target(%dma_start3A_412 : memref<10896x128xf32, #tpu.memory_space<vmem_shared>>) offsets(%dma_start3A_409 : memref<128xi32, #tpu.memory_space<vmem>>) semaphore(%arg16 : memref<!tpu.dma_semaphore, #tpu.memory_space<semaphore_mem>>) {add = true}
      %dma_wait3A_413 = arith.constant 0 : i32
      %dma_wait3A_414 = arith.constant 3 : i32
      %dma_wait3A_415 = arith.constant 0 : i32
      %dma_wait3A_416 = tpu.memref_slice %arg10[%dma_wait3A_413, %dma_wait3A_414, %dma_wait3A_415] : memref<5x8x128xi32, #tpu.memory_space<vmem>> -> memref<1x1x128xi32, #tpu.memory_space<vmem>>
      %dma_wait3A_417 = tpu.memref_squeeze %dma_wait3A_416 : memref<1x1x128xi32, #tpu.memory_space<vmem>> -> memref<128xi32, #tpu.memory_space<vmem>>
      %dma_wait3A_418 = arith.constant 0 : i32
      %dma_wait3A_419 = arith.constant 0 : i32
      %dma_wait3A_420 = tpu.memref_slice %arg2[%dma_wait3A_418, %dma_wait3A_419] : memref<10000x128xf32, #tpu.memory_space<hbm>> -> memref<10000x128xf32, #tpu.memory_space<hbm>>
      tpu.wait_indirect_dma semaphore(%arg15 : memref<!tpu.dma_semaphore, #tpu.memory_space<semaphore_mem>>) src(%dma_wait3A_420 : memref<10000x128xf32, #tpu.memory_space<hbm>>) dst(%arg13 : memref<128x128xf32, #tpu.memory_space<vmem>>)
      %dma_wait3A_421 = arith.constant 0 : i32
      %dma_wait3A_422 = arith.constant 2 : i32
      %dma_wait3A_423 = arith.constant 0 : i32
      %dma_wait3A_424 = tpu.memref_slice %arg11[%dma_wait3A_421, %dma_wait3A_422, %dma_wait3A_423] : memref<5x8x128xi32, #tpu.memory_space<vmem>> -> memref<1x1x128xi32, #tpu.memory_space<vmem>>
      %dma_wait3A_425 = tpu.memref_squeeze %dma_wait3A_424 : memref<1x1x128xi32, #tpu.memory_space<vmem>> -> memref<128xi32, #tpu.memory_space<vmem>>
      %dma_wait3A_426 = arith.constant 0 : i32
      %dma_wait3A_427 = arith.constant 0 : i32
      %dma_wait3A_428 = tpu.memref_slice %arg9[%dma_wait3A_426, %dma_wait3A_427] : memref<10896x128xf32, #tpu.memory_space<vmem_shared>> -> memref<10896x128xf32, #tpu.memory_space<vmem_shared>>
      tpu.wait_indirect_dma semaphore(%arg16 : memref<!tpu.dma_semaphore, #tpu.memory_space<semaphore_mem>>) src(%arg12 : memref<128x128xf32, #tpu.memory_space<vmem>>) dst(%dma_wait3A_428 : memref<10896x128xf32, #tpu.memory_space<vmem_shared>>)
      %dma_start3A_429 = arith.constant 0 : i32
      %dma_start3A_430 = arith.constant 4 : i32
      %dma_start3A_431 = arith.constant 0 : i32
      %dma_start3A_432 = tpu.memref_slice %arg10[%dma_start3A_429, %dma_start3A_430, %dma_start3A_431] : memref<5x8x128xi32, #tpu.memory_space<vmem>> -> memref<1x1x128xi32, #tpu.memory_space<vmem>>
      %dma_start3A_433 = tpu.memref_squeeze %dma_start3A_432 : memref<1x1x128xi32, #tpu.memory_space<vmem>> -> memref<128xi32, #tpu.memory_space<vmem>>
      %dma_start3A_434 = arith.constant 0 : i32
      %dma_start3A_435 = arith.constant 0 : i32
      %dma_start3A_436 = tpu.memref_slice %arg2[%dma_start3A_434, %dma_start3A_435] : memref<10000x128xf32, #tpu.memory_space<hbm>> -> memref<10000x128xf32, #tpu.memory_space<hbm>>
      tpu.enqueue_indirect_dma source(%dma_start3A_436 : memref<10000x128xf32, #tpu.memory_space<hbm>>) target(%arg12 : memref<128x128xf32, #tpu.memory_space<vmem>>) offsets(%dma_start3A_433 : memref<128xi32, #tpu.memory_space<vmem>>) semaphore(%arg14 : memref<!tpu.dma_semaphore, #tpu.memory_space<semaphore_mem>>)
      %dma_start3A_437 = arith.constant 0 : i32
      %dma_start3A_438 = arith.constant 3 : i32
      %dma_start3A_439 = arith.constant 0 : i32
      %dma_start3A_440 = tpu.memref_slice %arg11[%dma_start3A_437, %dma_start3A_438, %dma_start3A_439] : memref<5x8x128xi32, #tpu.memory_space<vmem>> -> memref<1x1x128xi32, #tpu.memory_space<vmem>>
      %dma_start3A_441 = tpu.memref_squeeze %dma_start3A_440 : memref<1x1x128xi32, #tpu.memory_space<vmem>> -> memref<128xi32, #tpu.memory_space<vmem>>
      %dma_start3A_442 = arith.constant 0 : i32
      %dma_start3A_443 = arith.constant 0 : i32
      %dma_start3A_444 = tpu.memref_slice %arg9[%dma_start3A_442, %dma_start3A_443] : memref<10896x128xf32, #tpu.memory_space<vmem_shared>> -> memref<10896x128xf32, #tpu.memory_space<vmem_shared>>
      tpu.enqueue_indirect_dma source(%arg13 : memref<128x128xf32, #tpu.memory_space<vmem>>) target(%dma_start3A_444 : memref<10896x128xf32, #tpu.memory_space<vmem_shared>>) offsets(%dma_start3A_441 : memref<128xi32, #tpu.memory_space<vmem>>) semaphore(%arg17 : memref<!tpu.dma_semaphore, #tpu.memory_space<semaphore_mem>>) {add = true}
      %dma_wait3A_445 = arith.constant 0 : i32
      %dma_wait3A_446 = arith.constant 4 : i32
      %dma_wait3A_447 = arith.constant 0 : i32
      %dma_wait3A_448 = tpu.memref_slice %arg10[%dma_wait3A_445, %dma_wait3A_446, %dma_wait3A_447] : memref<5x8x128xi32, #tpu.memory_space<vmem>> -> memref<1x1x128xi32, #tpu.memory_space<vmem>>
      %dma_wait3A_449 = tpu.memref_squeeze %dma_wait3A_448 : memref<1x1x128xi32, #tpu.memory_space<vmem>> -> memref<128xi32, #tpu.memory_space<vmem>>
      %dma_wait3A_450 = arith.constant 0 : i32
      %dma_wait3A_451 = arith.constant 0 : i32
      %dma_wait3A_452 = tpu.memref_slice %arg2[%dma_wait3A_450, %dma_wait3A_451] : memref<10000x128xf32, #tpu.memory_space<hbm>> -> memref<10000x128xf32, #tpu.memory_space<hbm>>
      tpu.wait_indirect_dma semaphore(%arg14 : memref<!tpu.dma_semaphore, #tpu.memory_space<semaphore_mem>>) src(%dma_wait3A_452 : memref<10000x128xf32, #tpu.memory_space<hbm>>) dst(%arg12 : memref<128x128xf32, #tpu.memory_space<vmem>>)
      %dma_wait3A_453 = arith.constant 0 : i32
      %dma_wait3A_454 = arith.constant 3 : i32
      %dma_wait3A_455 = arith.constant 0 : i32
      %dma_wait3A_456 = tpu.memref_slice %arg11[%dma_wait3A_453, %dma_wait3A_454, %dma_wait3A_455] : memref<5x8x128xi32, #tpu.memory_space<vmem>> -> memref<1x1x128xi32, #tpu.memory_space<vmem>>
      %dma_wait3A_457 = tpu.memref_squeeze %dma_wait3A_456 : memref<1x1x128xi32, #tpu.memory_space<vmem>> -> memref<128xi32, #tpu.memory_space<vmem>>
      %dma_wait3A_458 = arith.constant 0 : i32
      %dma_wait3A_459 = arith.constant 0 : i32
      %dma_wait3A_460 = tpu.memref_slice %arg9[%dma_wait3A_458, %dma_wait3A_459] : memref<10896x128xf32, #tpu.memory_space<vmem_shared>> -> memref<10896x128xf32, #tpu.memory_space<vmem_shared>>
      tpu.wait_indirect_dma semaphore(%arg17 : memref<!tpu.dma_semaphore, #tpu.memory_space<semaphore_mem>>) src(%arg13 : memref<128x128xf32, #tpu.memory_space<vmem>>) dst(%dma_wait3A_460 : memref<10896x128xf32, #tpu.memory_space<vmem_shared>>)
      %dma_start3A_461 = arith.constant 0 : i32
      %dma_start3A_462 = arith.constant 5 : i32
      %dma_start3A_463 = arith.constant 0 : i32
      %dma_start3A_464 = tpu.memref_slice %arg10[%dma_start3A_461, %dma_start3A_462, %dma_start3A_463] : memref<5x8x128xi32, #tpu.memory_space<vmem>> -> memref<1x1x128xi32, #tpu.memory_space<vmem>>
      %dma_start3A_465 = tpu.memref_squeeze %dma_start3A_464 : memref<1x1x128xi32, #tpu.memory_space<vmem>> -> memref<128xi32, #tpu.memory_space<vmem>>
      %dma_start3A_466 = arith.constant 0 : i32
      %dma_start3A_467 = arith.constant 0 : i32
      %dma_start3A_468 = tpu.memref_slice %arg2[%dma_start3A_466, %dma_start3A_467] : memref<10000x128xf32, #tpu.memory_space<hbm>> -> memref<10000x128xf32, #tpu.memory_space<hbm>>
      tpu.enqueue_indirect_dma source(%dma_start3A_468 : memref<10000x128xf32, #tpu.memory_space<hbm>>) target(%arg13 : memref<128x128xf32, #tpu.memory_space<vmem>>) offsets(%dma_start3A_465 : memref<128xi32, #tpu.memory_space<vmem>>) semaphore(%arg15 : memref<!tpu.dma_semaphore, #tpu.memory_space<semaphore_mem>>)
      %dma_start3A_469 = arith.constant 0 : i32
      %dma_start3A_470 = arith.constant 4 : i32
      %dma_start3A_471 = arith.constant 0 : i32
      %dma_start3A_472 = tpu.memref_slice %arg11[%dma_start3A_469, %dma_start3A_470, %dma_start3A_471] : memref<5x8x128xi32, #tpu.memory_space<vmem>> -> memref<1x1x128xi32, #tpu.memory_space<vmem>>
      %dma_start3A_473 = tpu.memref_squeeze %dma_start3A_472 : memref<1x1x128xi32, #tpu.memory_space<vmem>> -> memref<128xi32, #tpu.memory_space<vmem>>
      %dma_start3A_474 = arith.constant 0 : i32
      %dma_start3A_475 = arith.constant 0 : i32
      %dma_start3A_476 = tpu.memref_slice %arg9[%dma_start3A_474, %dma_start3A_475] : memref<10896x128xf32, #tpu.memory_space<vmem_shared>> -> memref<10896x128xf32, #tpu.memory_space<vmem_shared>>
      tpu.enqueue_indirect_dma source(%arg12 : memref<128x128xf32, #tpu.memory_space<vmem>>) target(%dma_start3A_476 : memref<10896x128xf32, #tpu.memory_space<vmem_shared>>) offsets(%dma_start3A_473 : memref<128xi32, #tpu.memory_space<vmem>>) semaphore(%arg16 : memref<!tpu.dma_semaphore, #tpu.memory_space<semaphore_mem>>) {add = true}
      %dma_wait3A_477 = arith.constant 0 : i32
      %dma_wait3A_478 = arith.constant 5 : i32
      %dma_wait3A_479 = arith.constant 0 : i32
      %dma_wait3A_480 = tpu.memref_slice %arg10[%dma_wait3A_477, %dma_wait3A_478, %dma_wait3A_479] : memref<5x8x128xi32, #tpu.memory_space<vmem>> -> memref<1x1x128xi32, #tpu.memory_space<vmem>>
      %dma_wait3A_481 = tpu.memref_squeeze %dma_wait3A_480 : memref<1x1x128xi32, #tpu.memory_space<vmem>> -> memref<128xi32, #tpu.memory_space<vmem>>
      %dma_wait3A_482 = arith.constant 0 : i32
      %dma_wait3A_483 = arith.constant 0 : i32
      %dma_wait3A_484 = tpu.memref_slice %arg2[%dma_wait3A_482, %dma_wait3A_483] : memref<10000x128xf32, #tpu.memory_space<hbm>> -> memref<10000x128xf32, #tpu.memory_space<hbm>>
      tpu.wait_indirect_dma semaphore(%arg15 : memref<!tpu.dma_semaphore, #tpu.memory_space<semaphore_mem>>) src(%dma_wait3A_484 : memref<10000x128xf32, #tpu.memory_space<hbm>>) dst(%arg13 : memref<128x128xf32, #tpu.memory_space<vmem>>)
      %dma_wait3A_485 = arith.constant 0 : i32
      %dma_wait3A_486 = arith.constant 4 : i32
      %dma_wait3A_487 = arith.constant 0 : i32
      %dma_wait3A_488 = tpu.memref_slice %arg11[%dma_wait3A_485, %dma_wait3A_486, %dma_wait3A_487] : memref<5x8x128xi32, #tpu.memory_space<vmem>> -> memref<1x1x128xi32, #tpu.memory_space<vmem>>
      %dma_wait3A_489 = tpu.memref_squeeze %dma_wait3A_488 : memref<1x1x128xi32, #tpu.memory_space<vmem>> -> memref<128xi32, #tpu.memory_space<vmem>>
      %dma_wait3A_490 = arith.constant 0 : i32
      %dma_wait3A_491 = arith.constant 0 : i32
      %dma_wait3A_492 = tpu.memref_slice %arg9[%dma_wait3A_490, %dma_wait3A_491] : memref<10896x128xf32, #tpu.memory_space<vmem_shared>> -> memref<10896x128xf32, #tpu.memory_space<vmem_shared>>
      tpu.wait_indirect_dma semaphore(%arg16 : memref<!tpu.dma_semaphore, #tpu.memory_space<semaphore_mem>>) src(%arg12 : memref<128x128xf32, #tpu.memory_space<vmem>>) dst(%dma_wait3A_492 : memref<10896x128xf32, #tpu.memory_space<vmem_shared>>)
      %dma_start3A_493 = arith.constant 0 : i32
      %dma_start3A_494 = arith.constant 6 : i32
      %dma_start3A_495 = arith.constant 0 : i32
      %dma_start3A_496 = tpu.memref_slice %arg10[%dma_start3A_493, %dma_start3A_494, %dma_start3A_495] : memref<5x8x128xi32, #tpu.memory_space<vmem>> -> memref<1x1x128xi32, #tpu.memory_space<vmem>>
      %dma_start3A_497 = tpu.memref_squeeze %dma_start3A_496 : memref<1x1x128xi32, #tpu.memory_space<vmem>> -> memref<128xi32, #tpu.memory_space<vmem>>
      %dma_start3A_498 = arith.constant 0 : i32
      %dma_start3A_499 = arith.constant 0 : i32
      %dma_start3A_500 = tpu.memref_slice %arg2[%dma_start3A_498, %dma_start3A_499] : memref<10000x128xf32, #tpu.memory_space<hbm>> -> memref<10000x128xf32, #tpu.memory_space<hbm>>
      tpu.enqueue_indirect_dma source(%dma_start3A_500 : memref<10000x128xf32, #tpu.memory_space<hbm>>) target(%arg12 : memref<128x128xf32, #tpu.memory_space<vmem>>) offsets(%dma_start3A_497 : memref<128xi32, #tpu.memory_space<vmem>>) semaphore(%arg14 : memref<!tpu.dma_semaphore, #tpu.memory_space<semaphore_mem>>)
      %dma_start3A_501 = arith.constant 0 : i32
      %dma_start3A_502 = arith.constant 5 : i32
      %dma_start3A_503 = arith.constant 0 : i32
      %dma_start3A_504 = tpu.memref_slice %arg11[%dma_start3A_501, %dma_start3A_502, %dma_start3A_503] : memref<5x8x128xi32, #tpu.memory_space<vmem>> -> memref<1x1x128xi32, #tpu.memory_space<vmem>>
      %dma_start3A_505 = tpu.memref_squeeze %dma_start3A_504 : memref<1x1x128xi32, #tpu.memory_space<vmem>> -> memref<128xi32, #tpu.memory_space<vmem>>
      %dma_start3A_506 = arith.constant 0 : i32
      %dma_start3A_507 = arith.constant 0 : i32
      %dma_start3A_508 = tpu.memref_slice %arg9[%dma_start3A_506, %dma_start3A_507] : memref<10896x128xf32, #tpu.memory_space<vmem_shared>> -> memref<10896x128xf32, #tpu.memory_space<vmem_shared>>
      tpu.enqueue_indirect_dma source(%arg13 : memref<128x128xf32, #tpu.memory_space<vmem>>) target(%dma_start3A_508 : memref<10896x128xf32, #tpu.memory_space<vmem_shared>>) offsets(%dma_start3A_505 : memref<128xi32, #tpu.memory_space<vmem>>) semaphore(%arg17 : memref<!tpu.dma_semaphore, #tpu.memory_space<semaphore_mem>>) {add = true}
      %dma_wait3A_509 = arith.constant 0 : i32
      %dma_wait3A_510 = arith.constant 6 : i32
      %dma_wait3A_511 = arith.constant 0 : i32
      %dma_wait3A_512 = tpu.memref_slice %arg10[%dma_wait3A_509, %dma_wait3A_510, %dma_wait3A_511] : memref<5x8x128xi32, #tpu.memory_space<vmem>> -> memref<1x1x128xi32, #tpu.memory_space<vmem>>
      %dma_wait3A_513 = tpu.memref_squeeze %dma_wait3A_512 : memref<1x1x128xi32, #tpu.memory_space<vmem>> -> memref<128xi32, #tpu.memory_space<vmem>>
      %dma_wait3A_514 = arith.constant 0 : i32
      %dma_wait3A_515 = arith.constant 0 : i32
      %dma_wait3A_516 = tpu.memref_slice %arg2[%dma_wait3A_514, %dma_wait3A_515] : memref<10000x128xf32, #tpu.memory_space<hbm>> -> memref<10000x128xf32, #tpu.memory_space<hbm>>
      tpu.wait_indirect_dma semaphore(%arg14 : memref<!tpu.dma_semaphore, #tpu.memory_space<semaphore_mem>>) src(%dma_wait3A_516 : memref<10000x128xf32, #tpu.memory_space<hbm>>) dst(%arg12 : memref<128x128xf32, #tpu.memory_space<vmem>>)
      %dma_wait3A_517 = arith.constant 0 : i32
      %dma_wait3A_518 = arith.constant 5 : i32
      %dma_wait3A_519 = arith.constant 0 : i32
      %dma_wait3A_520 = tpu.memref_slice %arg11[%dma_wait3A_517, %dma_wait3A_518, %dma_wait3A_519] : memref<5x8x128xi32, #tpu.memory_space<vmem>> -> memref<1x1x128xi32, #tpu.memory_space<vmem>>
      %dma_wait3A_521 = tpu.memref_squeeze %dma_wait3A_520 : memref<1x1x128xi32, #tpu.memory_space<vmem>> -> memref<128xi32, #tpu.memory_space<vmem>>
      %dma_wait3A_522 = arith.constant 0 : i32
      %dma_wait3A_523 = arith.constant 0 : i32
      %dma_wait3A_524 = tpu.memref_slice %arg9[%dma_wait3A_522, %dma_wait3A_523] : memref<10896x128xf32, #tpu.memory_space<vmem_shared>> -> memref<10896x128xf32, #tpu.memory_space<vmem_shared>>
      tpu.wait_indirect_dma semaphore(%arg17 : memref<!tpu.dma_semaphore, #tpu.memory_space<semaphore_mem>>) src(%arg13 : memref<128x128xf32, #tpu.memory_space<vmem>>) dst(%dma_wait3A_524 : memref<10896x128xf32, #tpu.memory_space<vmem_shared>>)
      %dma_start3A_525 = arith.constant 0 : i32
      %dma_start3A_526 = arith.constant 7 : i32
      %dma_start3A_527 = arith.constant 0 : i32
      %dma_start3A_528 = tpu.memref_slice %arg10[%dma_start3A_525, %dma_start3A_526, %dma_start3A_527] : memref<5x8x128xi32, #tpu.memory_space<vmem>> -> memref<1x1x128xi32, #tpu.memory_space<vmem>>
      %dma_start3A_529 = tpu.memref_squeeze %dma_start3A_528 : memref<1x1x128xi32, #tpu.memory_space<vmem>> -> memref<128xi32, #tpu.memory_space<vmem>>
      %dma_start3A_530 = arith.constant 0 : i32
      %dma_start3A_531 = arith.constant 0 : i32
      %dma_start3A_532 = tpu.memref_slice %arg2[%dma_start3A_530, %dma_start3A_531] : memref<10000x128xf32, #tpu.memory_space<hbm>> -> memref<10000x128xf32, #tpu.memory_space<hbm>>
      tpu.enqueue_indirect_dma source(%dma_start3A_532 : memref<10000x128xf32, #tpu.memory_space<hbm>>) target(%arg13 : memref<128x128xf32, #tpu.memory_space<vmem>>) offsets(%dma_start3A_529 : memref<128xi32, #tpu.memory_space<vmem>>) semaphore(%arg15 : memref<!tpu.dma_semaphore, #tpu.memory_space<semaphore_mem>>)
      %dma_start3A_533 = arith.constant 0 : i32
      %dma_start3A_534 = arith.constant 6 : i32
      %dma_start3A_535 = arith.constant 0 : i32
      %dma_start3A_536 = tpu.memref_slice %arg11[%dma_start3A_533, %dma_start3A_534, %dma_start3A_535] : memref<5x8x128xi32, #tpu.memory_space<vmem>> -> memref<1x1x128xi32, #tpu.memory_space<vmem>>
      %dma_start3A_537 = tpu.memref_squeeze %dma_start3A_536 : memref<1x1x128xi32, #tpu.memory_space<vmem>> -> memref<128xi32, #tpu.memory_space<vmem>>
      %dma_start3A_538 = arith.constant 0 : i32
      %dma_start3A_539 = arith.constant 0 : i32
      %dma_start3A_540 = tpu.memref_slice %arg9[%dma_start3A_538, %dma_start3A_539] : memref<10896x128xf32, #tpu.memory_space<vmem_shared>> -> memref<10896x128xf32, #tpu.memory_space<vmem_shared>>
      tpu.enqueue_indirect_dma source(%arg12 : memref<128x128xf32, #tpu.memory_space<vmem>>) target(%dma_start3A_540 : memref<10896x128xf32, #tpu.memory_space<vmem_shared>>) offsets(%dma_start3A_537 : memref<128xi32, #tpu.memory_space<vmem>>) semaphore(%arg16 : memref<!tpu.dma_semaphore, #tpu.memory_space<semaphore_mem>>) {add = true}
      %dma_wait3A_541 = arith.constant 0 : i32
      %dma_wait3A_542 = arith.constant 7 : i32
      %dma_wait3A_543 = arith.constant 0 : i32
      %dma_wait3A_544 = tpu.memref_slice %arg10[%dma_wait3A_541, %dma_wait3A_542, %dma_wait3A_543] : memref<5x8x128xi32, #tpu.memory_space<vmem>> -> memref<1x1x128xi32, #tpu.memory_space<vmem>>
      %dma_wait3A_545 = tpu.memref_squeeze %dma_wait3A_544 : memref<1x1x128xi32, #tpu.memory_space<vmem>> -> memref<128xi32, #tpu.memory_space<vmem>>
      %dma_wait3A_546 = arith.constant 0 : i32
      %dma_wait3A_547 = arith.constant 0 : i32
      %dma_wait3A_548 = tpu.memref_slice %arg2[%dma_wait3A_546, %dma_wait3A_547] : memref<10000x128xf32, #tpu.memory_space<hbm>> -> memref<10000x128xf32, #tpu.memory_space<hbm>>
      tpu.wait_indirect_dma semaphore(%arg15 : memref<!tpu.dma_semaphore, #tpu.memory_space<semaphore_mem>>) src(%dma_wait3A_548 : memref<10000x128xf32, #tpu.memory_space<hbm>>) dst(%arg13 : memref<128x128xf32, #tpu.memory_space<vmem>>)
      %dma_wait3A_549 = arith.constant 1 : i32
      %dma_wait3A_550 = arith.constant 0 : i32
      %dma_wait3A_551 = arith.constant 0 : i32
      %dma_wait3A_552 = tpu.memref_slice %arg10[%dma_wait3A_549, %dma_wait3A_550, %dma_wait3A_551] : memref<5x8x128xi32, #tpu.memory_space<vmem>> -> memref<1x8x128xi32, #tpu.memory_space<vmem>>
      %dma_wait3A_553 = tpu.memref_squeeze %dma_wait3A_552 : memref<1x8x128xi32, #tpu.memory_space<vmem>> -> memref<8x128xi32, #tpu.memory_space<vmem>>
      %dma_wait3A_554 = arith.constant 0 : i32
      %dma_wait3A_555 = arith.constant 0 : i32
      %dma_wait3A_556 = tpu.memref_slice %arg4[%dma_wait3A_554, %dma_wait3A_555] : memref<2560x128xi32, #tpu.memory_space<hbm>> -> memref<8x128xi32, #tpu.memory_space<hbm>>
      %dma_wait3A_557 = arith.constant 0 : i32
      %dma_wait3A_558 = arith.constant 0 : i32
      %dma_wait3A_559 = tpu.memref_slice %arg10[%dma_wait3A_549, %dma_wait3A_557, %dma_wait3A_558] : memref<5x8x128xi32, #tpu.memory_space<vmem>> -> memref<1x8x128xi32, #tpu.memory_space<vmem>>
      %dma_wait3A_560 = tpu.memref_squeeze %dma_wait3A_559 : memref<1x8x128xi32, #tpu.memory_space<vmem>> -> memref<8x128xi32, #tpu.memory_space<vmem>>
      %dma_wait3A_561 = arith.constant 0 : i32
      %dma_wait3A_562 = arith.constant 0 : i32
      %dma_wait3A_563 = tpu.memref_slice %arg4[%dma_wait3A_561, %dma_wait3A_562] : memref<2560x128xi32, #tpu.memory_space<hbm>> -> memref<8x128xi32, #tpu.memory_space<hbm>>
      tpu.wait_dma2 semaphore(%arg18 : memref<!tpu.dma_semaphore, #tpu.memory_space<semaphore_mem>>) src(%dma_wait3A_563 : memref<8x128xi32, #tpu.memory_space<hbm>>) dst(%dma_wait3A_560 : memref<8x128xi32, #tpu.memory_space<vmem>>)
      %dma_wait3A_564 = arith.constant 1 : i32
      %dma_wait3A_565 = arith.constant 0 : i32
      %dma_wait3A_566 = arith.constant 0 : i32
      %dma_wait3A_567 = tpu.memref_slice %arg11[%dma_wait3A_564, %dma_wait3A_565, %dma_wait3A_566] : memref<5x8x128xi32, #tpu.memory_space<vmem>> -> memref<1x8x128xi32, #tpu.memory_space<vmem>>
      %dma_wait3A_568 = tpu.memref_squeeze %dma_wait3A_567 : memref<1x8x128xi32, #tpu.memory_space<vmem>> -> memref<8x128xi32, #tpu.memory_space<vmem>>
      %dma_wait3A_569 = arith.constant 0 : i32
      %dma_wait3A_570 = arith.constant 0 : i32
      %dma_wait3A_571 = tpu.memref_slice %arg3[%dma_wait3A_569, %dma_wait3A_570] : memref<2560x128xi32, #tpu.memory_space<hbm>> -> memref<8x128xi32, #tpu.memory_space<hbm>>
      %dma_wait3A_572 = arith.constant 0 : i32
      %dma_wait3A_573 = arith.constant 0 : i32
      %dma_wait3A_574 = tpu.memref_slice %arg11[%dma_wait3A_564, %dma_wait3A_572, %dma_wait3A_573] : memref<5x8x128xi32, #tpu.memory_space<vmem>> -> memref<1x8x128xi32, #tpu.memory_space<vmem>>
      %dma_wait3A_575 = tpu.memref_squeeze %dma_wait3A_574 : memref<1x8x128xi32, #tpu.memory_space<vmem>> -> memref<8x128xi32, #tpu.memory_space<vmem>>
      %dma_wait3A_576 = arith.constant 0 : i32
      %dma_wait3A_577 = arith.constant 0 : i32
      %dma_wait3A_578 = tpu.memref_slice %arg3[%dma_wait3A_576, %dma_wait3A_577] : memref<2560x128xi32, #tpu.memory_space<hbm>> -> memref<8x128xi32, #tpu.memory_space<hbm>>
      tpu.wait_dma2 semaphore(%arg18 : memref<!tpu.dma_semaphore, #tpu.memory_space<semaphore_mem>>) src(%dma_wait3A_578 : memref<8x128xi32, #tpu.memory_space<hbm>>) dst(%dma_wait3A_575 : memref<8x128xi32, #tpu.memory_space<vmem>>)
      %dma_wait3A_579 = arith.constant 0 : i32
      %dma_wait3A_580 = arith.constant 6 : i32
      %dma_wait3A_581 = arith.constant 0 : i32
      %dma_wait3A_582 = tpu.memref_slice %arg11[%dma_wait3A_579, %dma_wait3A_580, %dma_wait3A_581] : memref<5x8x128xi32, #tpu.memory_space<vmem>> -> memref<1x1x128xi32, #tpu.memory_space<vmem>>
      %dma_wait3A_583 = tpu.memref_squeeze %dma_wait3A_582 : memref<1x1x128xi32, #tpu.memory_space<vmem>> -> memref<128xi32, #tpu.memory_space<vmem>>
      %dma_wait3A_584 = arith.constant 0 : i32
      %dma_wait3A_585 = arith.constant 0 : i32
      %dma_wait3A_586 = tpu.memref_slice %arg9[%dma_wait3A_584, %dma_wait3A_585] : memref<10896x128xf32, #tpu.memory_space<vmem_shared>> -> memref<10896x128xf32, #tpu.memory_space<vmem_shared>>
      tpu.wait_indirect_dma semaphore(%arg16 : memref<!tpu.dma_semaphore, #tpu.memory_space<semaphore_mem>>) src(%arg12 : memref<128x128xf32, #tpu.memory_space<vmem>>) dst(%dma_wait3A_586 : memref<10896x128xf32, #tpu.memory_space<vmem_shared>>)
      %dma_start3A_587 = arith.constant 1 : i32
      %dma_start3A_588 = arith.constant 0 : i32
      %dma_start3A_589 = arith.constant 0 : i32
      %dma_start3A_590 = tpu.memref_slice %arg10[%dma_start3A_587, %dma_start3A_588, %dma_start3A_589] : memref<5x8x128xi32, #tpu.memory_space<vmem>> -> memref<1x1x128xi32, #tpu.memory_space<vmem>>
      %dma_start3A_591 = tpu.memref_squeeze %dma_start3A_590 : memref<1x1x128xi32, #tpu.memory_space<vmem>> -> memref<128xi32, #tpu.memory_space<vmem>>
      %dma_start3A_592 = arith.constant 0 : i32
      %dma_start3A_593 = arith.constant 0 : i32
      %dma_start3A_594 = tpu.memref_slice %arg2[%dma_start3A_592, %dma_start3A_593] : memref<10000x128xf32, #tpu.memory_space<hbm>> -> memref<10000x128xf32, #tpu.memory_space<hbm>>
      tpu.enqueue_indirect_dma source(%dma_start3A_594 : memref<10000x128xf32, #tpu.memory_space<hbm>>) target(%arg12 : memref<128x128xf32, #tpu.memory_space<vmem>>) offsets(%dma_start3A_591 : memref<128xi32, #tpu.memory_space<vmem>>) semaphore(%arg14 : memref<!tpu.dma_semaphore, #tpu.memory_space<semaphore_mem>>)
      %dma_start3A_595 = arith.constant 0 : i32
      %dma_start3A_596 = arith.constant 7 : i32
      %dma_start3A_597 = arith.constant 0 : i32
      %dma_start3A_598 = tpu.memref_slice %arg11[%dma_start3A_595, %dma_start3A_596, %dma_start3A_597] : memref<5x8x128xi32, #tpu.memory_space<vmem>> -> memref<1x1x128xi32, #tpu.memory_space<vmem>>
      %dma_start3A_599 = tpu.memref_squeeze %dma_start3A_598 : memref<1x1x128xi32, #tpu.memory_space<vmem>> -> memref<128xi32, #tpu.memory_space<vmem>>
      %dma_start3A_600 = arith.constant 0 : i32
      %dma_start3A_601 = arith.constant 0 : i32
      %dma_start3A_602 = tpu.memref_slice %arg9[%dma_start3A_600, %dma_start3A_601] : memref<10896x128xf32, #tpu.memory_space<vmem_shared>> -> memref<10896x128xf32, #tpu.memory_space<vmem_shared>>
      tpu.enqueue_indirect_dma source(%arg13 : memref<128x128xf32, #tpu.memory_space<vmem>>) target(%dma_start3A_602 : memref<10896x128xf32, #tpu.memory_space<vmem_shared>>) offsets(%dma_start3A_599 : memref<128xi32, #tpu.memory_space<vmem>>) semaphore(%arg17 : memref<!tpu.dma_semaphore, #tpu.memory_space<semaphore_mem>>) {add = true}
      %dma_wait3A_603 = arith.constant 1 : i32
      %dma_wait3A_604 = arith.constant 0 : i32
      %dma_wait3A_605 = arith.constant 0 : i32
      %dma_wait3A_606 = tpu.memref_slice %arg10[%dma_wait3A_603, %dma_wait3A_604, %dma_wait3A_605] : memref<5x8x128xi32, #tpu.memory_space<vmem>> -> memref<1x1x128xi32, #tpu.memory_space<vmem>>
      %dma_wait3A_607 = tpu.memref_squeeze %dma_wait3A_606 : memref<1x1x128xi32, #tpu.memory_space<vmem>> -> memref<128xi32, #tpu.memory_space<vmem>>
      %dma_wait3A_608 = arith.constant 0 : i32
      %dma_wait3A_609 = arith.constant 0 : i32
      %dma_wait3A_610 = tpu.memref_slice %arg2[%dma_wait3A_608, %dma_wait3A_609] : memref<10000x128xf32, #tpu.memory_space<hbm>> -> memref<10000x128xf32, #tpu.memory_space<hbm>>
      tpu.wait_indirect_dma semaphore(%arg14 : memref<!tpu.dma_semaphore, #tpu.memory_space<semaphore_mem>>) src(%dma_wait3A_610 : memref<10000x128xf32, #tpu.memory_space<hbm>>) dst(%arg12 : memref<128x128xf32, #tpu.memory_space<vmem>>)
      %dma_wait3A_611 = arith.constant 0 : i32
      %dma_wait3A_612 = arith.constant 7 : i32
      %dma_wait3A_613 = arith.constant 0 : i32
      %dma_wait3A_614 = tpu.memref_slice %arg11[%dma_wait3A_611, %dma_wait3A_612, %dma_wait3A_613] : memref<5x8x128xi32, #tpu.memory_space<vmem>> -> memref<1x1x128xi32, #tpu.memory_space<vmem>>
      %dma_wait3A_615 = tpu.memref_squeeze %dma_wait3A_614 : memref<1x1x128xi32, #tpu.memory_space<vmem>> -> memref<128xi32, #tpu.memory_space<vmem>>
      %dma_wait3A_616 = arith.constant 0 : i32
      %dma_wait3A_617 = arith.constant 0 : i32
      %dma_wait3A_618 = tpu.memref_slice %arg9[%dma_wait3A_616, %dma_wait3A_617] : memref<10896x128xf32, #tpu.memory_space<vmem_shared>> -> memref<10896x128xf32, #tpu.memory_space<vmem_shared>>
      tpu.wait_indirect_dma semaphore(%arg17 : memref<!tpu.dma_semaphore, #tpu.memory_space<semaphore_mem>>) src(%arg13 : memref<128x128xf32, #tpu.memory_space<vmem>>) dst(%dma_wait3A_618 : memref<10896x128xf32, #tpu.memory_space<vmem_shared>>)
      %dma_start3A_619 = arith.constant 1 : i32
      %dma_start3A_620 = arith.constant 1 : i32
      %dma_start3A_621 = arith.constant 0 : i32
      %dma_start3A_622 = tpu.memref_slice %arg10[%dma_start3A_619, %dma_start3A_620, %dma_start3A_621] : memref<5x8x128xi32, #tpu.memory_space<vmem>> -> memref<1x1x128xi32, #tpu.memory_space<vmem>>
      %dma_start3A_623 = tpu.memref_squeeze %dma_start3A_622 : memref<1x1x128xi32, #tpu.memory_space<vmem>> -> memref<128xi32, #tpu.memory_space<vmem>>
      %dma_start3A_624 = arith.constant 0 : i32
      %dma_start3A_625 = arith.constant 0 : i32
      %dma_start3A_626 = tpu.memref_slice %arg2[%dma_start3A_624, %dma_start3A_625] : memref<10000x128xf32, #tpu.memory_space<hbm>> -> memref<10000x128xf32, #tpu.memory_space<hbm>>
      tpu.enqueue_indirect_dma source(%dma_start3A_626 : memref<10000x128xf32, #tpu.memory_space<hbm>>) target(%arg13 : memref<128x128xf32, #tpu.memory_space<vmem>>) offsets(%dma_start3A_623 : memref<128xi32, #tpu.memory_space<vmem>>) semaphore(%arg15 : memref<!tpu.dma_semaphore, #tpu.memory_space<semaphore_mem>>)
      %dma_start3A_627 = arith.constant 1 : i32
      %dma_start3A_628 = arith.constant 0 : i32
      %dma_start3A_629 = arith.constant 0 : i32
      %dma_start3A_630 = tpu.memref_slice %arg11[%dma_start3A_627, %dma_start3A_628, %dma_start3A_629] : memref<5x8x128xi32, #tpu.memory_space<vmem>> -> memref<1x1x128xi32, #tpu.memory_space<vmem>>
      %dma_start3A_631 = tpu.memref_squeeze %dma_start3A_630 : memref<1x1x128xi32, #tpu.memory_space<vmem>> -> memref<128xi32, #tpu.memory_space<vmem>>
      %dma_start3A_632 = arith.constant 0 : i32
      %dma_start3A_633 = arith.constant 0 : i32
      %dma_start3A_634 = tpu.memref_slice %arg9[%dma_start3A_632, %dma_start3A_633] : memref<10896x128xf32, #tpu.memory_space<vmem_shared>> -> memref<10896x128xf32, #tpu.memory_space<vmem_shared>>
      tpu.enqueue_indirect_dma source(%arg12 : memref<128x128xf32, #tpu.memory_space<vmem>>) target(%dma_start3A_634 : memref<10896x128xf32, #tpu.memory_space<vmem_shared>>) offsets(%dma_start3A_631 : memref<128xi32, #tpu.memory_space<vmem>>) semaphore(%arg16 : memref<!tpu.dma_semaphore, #tpu.memory_space<semaphore_mem>>) {add = true}
      %dma_wait3A_635 = arith.constant 1 : i32
      %dma_wait3A_636 = arith.constant 1 : i32
      %dma_wait3A_637 = arith.constant 0 : i32
      %dma_wait3A_638 = tpu.memref_slice %arg10[%dma_wait3A_635, %dma_wait3A_636, %dma_wait3A_637] : memref<5x8x128xi32, #tpu.memory_space<vmem>> -> memref<1x1x128xi32, #tpu.memory_space<vmem>>
      %dma_wait3A_639 = tpu.memref_squeeze %dma_wait3A_638 : memref<1x1x128xi32, #tpu.memory_space<vmem>> -> memref<128xi32, #tpu.memory_space<vmem>>
      %dma_wait3A_640 = arith.constant 0 : i32
      %dma_wait3A_641 = arith.constant 0 : i32
      %dma_wait3A_642 = tpu.memref_slice %arg2[%dma_wait3A_640, %dma_wait3A_641] : memref<10000x128xf32, #tpu.memory_space<hbm>> -> memref<10000x128xf32, #tpu.memory_space<hbm>>
      tpu.wait_indirect_dma semaphore(%arg15 : memref<!tpu.dma_semaphore, #tpu.memory_space<semaphore_mem>>) src(%dma_wait3A_642 : memref<10000x128xf32, #tpu.memory_space<hbm>>) dst(%arg13 : memref<128x128xf32, #tpu.memory_space<vmem>>)
      %dma_wait3A_643 = arith.constant 1 : i32
      %dma_wait3A_644 = arith.constant 0 : i32
      %dma_wait3A_645 = arith.constant 0 : i32
      %dma_wait3A_646 = tpu.memref_slice %arg11[%dma_wait3A_643, %dma_wait3A_644, %dma_wait3A_645] : memref<5x8x128xi32, #tpu.memory_space<vmem>> -> memref<1x1x128xi32, #tpu.memory_space<vmem>>
      %dma_wait3A_647 = tpu.memref_squeeze %dma_wait3A_646 : memref<1x1x128xi32, #tpu.memory_space<vmem>> -> memref<128xi32, #tpu.memory_space<vmem>>
      %dma_wait3A_648 = arith.constant 0 : i32
      %dma_wait3A_649 = arith.constant 0 : i32
      %dma_wait3A_650 = tpu.memref_slice %arg9[%dma_wait3A_648, %dma_wait3A_649] : memref<10896x128xf32, #tpu.memory_space<vmem_shared>> -> memref<10896x128xf32, #tpu.memory_space<vmem_shared>>
      tpu.wait_indirect_dma semaphore(%arg16 : memref<!tpu.dma_semaphore, #tpu.memory_space<semaphore_mem>>) src(%arg12 : memref<128x128xf32, #tpu.memory_space<vmem>>) dst(%dma_wait3A_650 : memref<10896x128xf32, #tpu.memory_space<vmem_shared>>)
      %dma_start3A_651 = arith.constant 1 : i32
      %dma_start3A_652 = arith.constant 2 : i32
      %dma_start3A_653 = arith.constant 0 : i32
      %dma_start3A_654 = tpu.memref_slice %arg10[%dma_start3A_651, %dma_start3A_652, %dma_start3A_653] : memref<5x8x128xi32, #tpu.memory_space<vmem>> -> memref<1x1x128xi32, #tpu.memory_space<vmem>>
      %dma_start3A_655 = tpu.memref_squeeze %dma_start3A_654 : memref<1x1x128xi32, #tpu.memory_space<vmem>> -> memref<128xi32, #tpu.memory_space<vmem>>
      %dma_start3A_656 = arith.constant 0 : i32
      %dma_start3A_657 = arith.constant 0 : i32
      %dma_start3A_658 = tpu.memref_slice %arg2[%dma_start3A_656, %dma_start3A_657] : memref<10000x128xf32, #tpu.memory_space<hbm>> -> memref<10000x128xf32, #tpu.memory_space<hbm>>
      tpu.enqueue_indirect_dma source(%dma_start3A_658 : memref<10000x128xf32, #tpu.memory_space<hbm>>) target(%arg12 : memref<128x128xf32, #tpu.memory_space<vmem>>) offsets(%dma_start3A_655 : memref<128xi32, #tpu.memory_space<vmem>>) semaphore(%arg14 : memref<!tpu.dma_semaphore, #tpu.memory_space<semaphore_mem>>)
      %dma_start3A_659 = arith.constant 1 : i32
      %dma_start3A_660 = arith.constant 1 : i32
      %dma_start3A_661 = arith.constant 0 : i32
      %dma_start3A_662 = tpu.memref_slice %arg11[%dma_start3A_659, %dma_start3A_660, %dma_start3A_661] : memref<5x8x128xi32, #tpu.memory_space<vmem>> -> memref<1x1x128xi32, #tpu.memory_space<vmem>>
      %dma_start3A_663 = tpu.memref_squeeze %dma_start3A_662 : memref<1x1x128xi32, #tpu.memory_space<vmem>> -> memref<128xi32, #tpu.memory_space<vmem>>
      %dma_start3A_664 = arith.constant 0 : i32
      %dma_start3A_665 = arith.constant 0 : i32
      %dma_start3A_666 = tpu.memref_slice %arg9[%dma_start3A_664, %dma_start3A_665] : memref<10896x128xf32, #tpu.memory_space<vmem_shared>> -> memref<10896x128xf32, #tpu.memory_space<vmem_shared>>
      tpu.enqueue_indirect_dma source(%arg13 : memref<128x128xf32, #tpu.memory_space<vmem>>) target(%dma_start3A_666 : memref<10896x128xf32, #tpu.memory_space<vmem_shared>>) offsets(%dma_start3A_663 : memref<128xi32, #tpu.memory_space<vmem>>) semaphore(%arg17 : memref<!tpu.dma_semaphore, #tpu.memory_space<semaphore_mem>>) {add = true}
      %dma_wait3A_667 = arith.constant 1 : i32
      %dma_wait3A_668 = arith.constant 2 : i32
      %dma_wait3A_669 = arith.constant 0 : i32
      %dma_wait3A_670 = tpu.memref_slice %arg10[%dma_wait3A_667, %dma_wait3A_668, %dma_wait3A_669] : memref<5x8x128xi32, #tpu.memory_space<vmem>> -> memref<1x1x128xi32, #tpu.memory_space<vmem>>
      %dma_wait3A_671 = tpu.memref_squeeze %dma_wait3A_670 : memref<1x1x128xi32, #tpu.memory_space<vmem>> -> memref<128xi32, #tpu.memory_space<vmem>>
      %dma_wait3A_672 = arith.constant 0 : i32
      %dma_wait3A_673 = arith.constant 0 : i32
      %dma_wait3A_674 = tpu.memref_slice %arg2[%dma_wait3A_672, %dma_wait3A_673] : memref<10000x128xf32, #tpu.memory_space<hbm>> -> memref<10000x128xf32, #tpu.memory_space<hbm>>
      tpu.wait_indirect_dma semaphore(%arg14 : memref<!tpu.dma_semaphore, #tpu.memory_space<semaphore_mem>>) src(%dma_wait3A_674 : memref<10000x128xf32, #tpu.memory_space<hbm>>) dst(%arg12 : memref<128x128xf32, #tpu.memory_space<vmem>>)
      %dma_wait3A_675 = arith.constant 1 : i32
      %dma_wait3A_676 = arith.constant 1 : i32
      %dma_wait3A_677 = arith.constant 0 : i32
      %dma_wait3A_678 = tpu.memref_slice %arg11[%dma_wait3A_675, %dma_wait3A_676, %dma_wait3A_677] : memref<5x8x128xi32, #tpu.memory_space<vmem>> -> memref<1x1x128xi32, #tpu.memory_space<vmem>>
      %dma_wait3A_679 = tpu.memref_squeeze %dma_wait3A_678 : memref<1x1x128xi32, #tpu.memory_space<vmem>> -> memref<128xi32, #tpu.memory_space<vmem>>
      %dma_wait3A_680 = arith.constant 0 : i32
      %dma_wait3A_681 = arith.constant 0 : i32
      %dma_wait3A_682 = tpu.memref_slice %arg9[%dma_wait3A_680, %dma_wait3A_681] : memref<10896x128xf32, #tpu.memory_space<vmem_shared>> -> memref<10896x128xf32, #tpu.memory_space<vmem_shared>>
      tpu.wait_indirect_dma semaphore(%arg17 : memref<!tpu.dma_semaphore, #tpu.memory_space<semaphore_mem>>) src(%arg13 : memref<128x128xf32, #tpu.memory_space<vmem>>) dst(%dma_wait3A_682 : memref<10896x128xf32, #tpu.memory_space<vmem_shared>>)
      %dma_start3A_683 = arith.constant 1 : i32
      %dma_start3A_684 = arith.constant 3 : i32
      %dma_start3A_685 = arith.constant 0 : i32
      %dma_start3A_686 = tpu.memref_slice %arg10[%dma_start3A_683, %dma_start3A_684, %dma_start3A_685] : memref<5x8x128xi32, #tpu.memory_space<vmem>> -> memref<1x1x128xi32, #tpu.memory_space<vmem>>
      %dma_start3A_687 = tpu.memref_squeeze %dma_start3A_686 : memref<1x1x128xi32, #tpu.memory_space<vmem>> -> memref<128xi32, #tpu.memory_space<vmem>>
      %dma_start3A_688 = arith.constant 0 : i32
      %dma_start3A_689 = arith.constant 0 : i32
      %dma_start3A_690 = tpu.memref_slice %arg2[%dma_start3A_688, %dma_start3A_689] : memref<10000x128xf32, #tpu.memory_space<hbm>> -> memref<10000x128xf32, #tpu.memory_space<hbm>>
      tpu.enqueue_indirect_dma source(%dma_start3A_690 : memref<10000x128xf32, #tpu.memory_space<hbm>>) target(%arg13 : memref<128x128xf32, #tpu.memory_space<vmem>>) offsets(%dma_start3A_687 : memref<128xi32, #tpu.memory_space<vmem>>) semaphore(%arg15 : memref<!tpu.dma_semaphore, #tpu.memory_space<semaphore_mem>>)
      %dma_start3A_691 = arith.constant 1 : i32
      %dma_start3A_692 = arith.constant 2 : i32
      %dma_start3A_693 = arith.constant 0 : i32
      %dma_start3A_694 = tpu.memref_slice %arg11[%dma_start3A_691, %dma_start3A_692, %dma_start3A_693] : memref<5x8x128xi32, #tpu.memory_space<vmem>> -> memref<1x1x128xi32, #tpu.memory_space<vmem>>
      %dma_start3A_695 = tpu.memref_squeeze %dma_start3A_694 : memref<1x1x128xi32, #tpu.memory_space<vmem>> -> memref<128xi32, #tpu.memory_space<vmem>>
      %dma_start3A_696 = arith.constant 0 : i32
      %dma_start3A_697 = arith.constant 0 : i32
      %dma_start3A_698 = tpu.memref_slice %arg9[%dma_start3A_696, %dma_start3A_697] : memref<10896x128xf32, #tpu.memory_space<vmem_shared>> -> memref<10896x128xf32, #tpu.memory_space<vmem_shared>>
      tpu.enqueue_indirect_dma source(%arg12 : memref<128x128xf32, #tpu.memory_space<vmem>>) target(%dma_start3A_698 : memref<10896x128xf32, #tpu.memory_space<vmem_shared>>) offsets(%dma_start3A_695 : memref<128xi32, #tpu.memory_space<vmem>>) semaphore(%arg16 : memref<!tpu.dma_semaphore, #tpu.memory_space<semaphore_mem>>) {add = true}
      %dma_wait3A_699 = arith.constant 1 : i32
      %dma_wait3A_700 = arith.constant 3 : i32
      %dma_wait3A_701 = arith.constant 0 : i32
      %dma_wait3A_702 = tpu.memref_slice %arg10[%dma_wait3A_699, %dma_wait3A_700, %dma_wait3A_701] : memref<5x8x128xi32, #tpu.memory_space<vmem>> -> memref<1x1x128xi32, #tpu.memory_space<vmem>>
      %dma_wait3A_703 = tpu.memref_squeeze %dma_wait3A_702 : memref<1x1x128xi32, #tpu.memory_space<vmem>> -> memref<128xi32, #tpu.memory_space<vmem>>
      %dma_wait3A_704 = arith.constant 0 : i32
      %dma_wait3A_705 = arith.constant 0 : i32
      %dma_wait3A_706 = tpu.memref_slice %arg2[%dma_wait3A_704, %dma_wait3A_705] : memref<10000x128xf32, #tpu.memory_space<hbm>> -> memref<10000x128xf32, #tpu.memory_space<hbm>>
      tpu.wait_indirect_dma semaphore(%arg15 : memref<!tpu.dma_semaphore, #tpu.memory_space<semaphore_mem>>) src(%dma_wait3A_706 : memref<10000x128xf32, #tpu.memory_space<hbm>>) dst(%arg13 : memref<128x128xf32, #tpu.memory_space<vmem>>)
      %dma_wait3A_707 = arith.constant 1 : i32
      %dma_wait3A_708 = arith.constant 2 : i32
      %dma_wait3A_709 = arith.constant 0 : i32
      %dma_wait3A_710 = tpu.memref_slice %arg11[%dma_wait3A_707, %dma_wait3A_708, %dma_wait3A_709] : memref<5x8x128xi32, #tpu.memory_space<vmem>> -> memref<1x1x128xi32, #tpu.memory_space<vmem>>
      %dma_wait3A_711 = tpu.memref_squeeze %dma_wait3A_710 : memref<1x1x128xi32, #tpu.memory_space<vmem>> -> memref<128xi32, #tpu.memory_space<vmem>>
      %dma_wait3A_712 = arith.constant 0 : i32
      %dma_wait3A_713 = arith.constant 0 : i32
      %dma_wait3A_714 = tpu.memref_slice %arg9[%dma_wait3A_712, %dma_wait3A_713] : memref<10896x128xf32, #tpu.memory_space<vmem_shared>> -> memref<10896x128xf32, #tpu.memory_space<vmem_shared>>
      tpu.wait_indirect_dma semaphore(%arg16 : memref<!tpu.dma_semaphore, #tpu.memory_space<semaphore_mem>>) src(%arg12 : memref<128x128xf32, #tpu.memory_space<vmem>>) dst(%dma_wait3A_714 : memref<10896x128xf32, #tpu.memory_space<vmem_shared>>)
      %dma_start3A_715 = arith.constant 1 : i32
      %dma_start3A_716 = arith.constant 4 : i32
      %dma_start3A_717 = arith.constant 0 : i32
      %dma_start3A_718 = tpu.memref_slice %arg10[%dma_start3A_715, %dma_start3A_716, %dma_start3A_717] : memref<5x8x128xi32, #tpu.memory_space<vmem>> -> memref<1x1x128xi32, #tpu.memory_space<vmem>>
      %dma_start3A_719 = tpu.memref_squeeze %dma_start3A_718 : memref<1x1x128xi32, #tpu.memory_space<vmem>> -> memref<128xi32, #tpu.memory_space<vmem>>
      %dma_start3A_720 = arith.constant 0 : i32
      %dma_start3A_721 = arith.constant 0 : i32
      %dma_start3A_722 = tpu.memref_slice %arg2[%dma_start3A_720, %dma_start3A_721] : memref<10000x128xf32, #tpu.memory_space<hbm>> -> memref<10000x128xf32, #tpu.memory_space<hbm>>
      tpu.enqueue_indirect_dma source(%dma_start3A_722 : memref<10000x128xf32, #tpu.memory_space<hbm>>) target(%arg12 : memref<128x128xf32, #tpu.memory_space<vmem>>) offsets(%dma_start3A_719 : memref<128xi32, #tpu.memory_space<vmem>>) semaphore(%arg14 : memref<!tpu.dma_semaphore, #tpu.memory_space<semaphore_mem>>)
      %dma_start3A_723 = arith.constant 1 : i32
      %dma_start3A_724 = arith.constant 3 : i32
      %dma_start3A_725 = arith.constant 0 : i32
      %dma_start3A_726 = tpu.memref_slice %arg11[%dma_start3A_723, %dma_start3A_724, %dma_start3A_725] : memref<5x8x128xi32, #tpu.memory_space<vmem>> -> memref<1x1x128xi32, #tpu.memory_space<vmem>>
      %dma_start3A_727 = tpu.memref_squeeze %dma_start3A_726 : memref<1x1x128xi32, #tpu.memory_space<vmem>> -> memref<128xi32, #tpu.memory_space<vmem>>
      %dma_start3A_728 = arith.constant 0 : i32
      %dma_start3A_729 = arith.constant 0 : i32
      %dma_start3A_730 = tpu.memref_slice %arg9[%dma_start3A_728, %dma_start3A_729] : memref<10896x128xf32, #tpu.memory_space<vmem_shared>> -> memref<10896x128xf32, #tpu.memory_space<vmem_shared>>
      tpu.enqueue_indirect_dma source(%arg13 : memref<128x128xf32, #tpu.memory_space<vmem>>) target(%dma_start3A_730 : memref<10896x128xf32, #tpu.memory_space<vmem_shared>>) offsets(%dma_start3A_727 : memref<128xi32, #tpu.memory_space<vmem>>) semaphore(%arg17 : memref<!tpu.dma_semaphore, #tpu.memory_space<semaphore_mem>>) {add = true}
      %dma_wait3A_731 = arith.constant 1 : i32
      %dma_wait3A_732 = arith.constant 4 : i32
      %dma_wait3A_733 = arith.constant 0 : i32
      %dma_wait3A_734 = tpu.memref_slice %arg10[%dma_wait3A_731, %dma_wait3A_732, %dma_wait3A_733] : memref<5x8x128xi32, #tpu.memory_space<vmem>> -> memref<1x1x128xi32, #tpu.memory_space<vmem>>
      %dma_wait3A_735 = tpu.memref_squeeze %dma_wait3A_734 : memref<1x1x128xi32, #tpu.memory_space<vmem>> -> memref<128xi32, #tpu.memory_space<vmem>>
      %dma_wait3A_736 = arith.constant 0 : i32
      %dma_wait3A_737 = arith.constant 0 : i32
      %dma_wait3A_738 = tpu.memref_slice %arg2[%dma_wait3A_736, %dma_wait3A_737] : memref<10000x128xf32, #tpu.memory_space<hbm>> -> memref<10000x128xf32, #tpu.memory_space<hbm>>
      tpu.wait_indirect_dma semaphore(%arg14 : memref<!tpu.dma_semaphore, #tpu.memory_space<semaphore_mem>>) src(%dma_wait3A_738 : memref<10000x128xf32, #tpu.memory_space<hbm>>) dst(%arg12 : memref<128x128xf32, #tpu.memory_space<vmem>>)
      %dma_wait3A_739 = arith.constant 1 : i32
      %dma_wait3A_740 = arith.constant 3 : i32
      %dma_wait3A_741 = arith.constant 0 : i32
      %dma_wait3A_742 = tpu.memref_slice %arg11[%dma_wait3A_739, %dma_wait3A_740, %dma_wait3A_741] : memref<5x8x128xi32, #tpu.memory_space<vmem>> -> memref<1x1x128xi32, #tpu.memory_space<vmem>>
      %dma_wait3A_743 = tpu.memref_squeeze %dma_wait3A_742 : memref<1x1x128xi32, #tpu.memory_space<vmem>> -> memref<128xi32, #tpu.memory_space<vmem>>
      %dma_wait3A_744 = arith.constant 0 : i32
      %dma_wait3A_745 = arith.constant 0 : i32
      %dma_wait3A_746 = tpu.memref_slice %arg9[%dma_wait3A_744, %dma_wait3A_745] : memref<10896x128xf32, #tpu.memory_space<vmem_shared>> -> memref<10896x128xf32, #tpu.memory_space<vmem_shared>>
      tpu.wait_indirect_dma semaphore(%arg17 : memref<!tpu.dma_semaphore, #tpu.memory_space<semaphore_mem>>) src(%arg13 : memref<128x128xf32, #tpu.memory_space<vmem>>) dst(%dma_wait3A_746 : memref<10896x128xf32, #tpu.memory_space<vmem_shared>>)
      %dma_start3A_747 = arith.constant 1 : i32
      %dma_start3A_748 = arith.constant 5 : i32
      %dma_start3A_749 = arith.constant 0 : i32
      %dma_start3A_750 = tpu.memref_slice %arg10[%dma_start3A_747, %dma_start3A_748, %dma_start3A_749] : memref<5x8x128xi32, #tpu.memory_space<vmem>> -> memref<1x1x128xi32, #tpu.memory_space<vmem>>
      %dma_start3A_751 = tpu.memref_squeeze %dma_start3A_750 : memref<1x1x128xi32, #tpu.memory_space<vmem>> -> memref<128xi32, #tpu.memory_space<vmem>>
      %dma_start3A_752 = arith.constant 0 : i32
      %dma_start3A_753 = arith.constant 0 : i32
      %dma_start3A_754 = tpu.memref_slice %arg2[%dma_start3A_752, %dma_start3A_753] : memref<10000x128xf32, #tpu.memory_space<hbm>> -> memref<10000x128xf32, #tpu.memory_space<hbm>>
      tpu.enqueue_indirect_dma source(%dma_start3A_754 : memref<10000x128xf32, #tpu.memory_space<hbm>>) target(%arg13 : memref<128x128xf32, #tpu.memory_space<vmem>>) offsets(%dma_start3A_751 : memref<128xi32, #tpu.memory_space<vmem>>) semaphore(%arg15 : memref<!tpu.dma_semaphore, #tpu.memory_space<semaphore_mem>>)
      %dma_start3A_755 = arith.constant 1 : i32
      %dma_start3A_756 = arith.constant 4 : i32
      %dma_start3A_757 = arith.constant 0 : i32
      %dma_start3A_758 = tpu.memref_slice %arg11[%dma_start3A_755, %dma_start3A_756, %dma_start3A_757] : memref<5x8x128xi32, #tpu.memory_space<vmem>> -> memref<1x1x128xi32, #tpu.memory_space<vmem>>
      %dma_start3A_759 = tpu.memref_squeeze %dma_start3A_758 : memref<1x1x128xi32, #tpu.memory_space<vmem>> -> memref<128xi32, #tpu.memory_space<vmem>>
      %dma_start3A_760 = arith.constant 0 : i32
      %dma_start3A_761 = arith.constant 0 : i32
      %dma_start3A_762 = tpu.memref_slice %arg9[%dma_start3A_760, %dma_start3A_761] : memref<10896x128xf32, #tpu.memory_space<vmem_shared>> -> memref<10896x128xf32, #tpu.memory_space<vmem_shared>>
      tpu.enqueue_indirect_dma source(%arg12 : memref<128x128xf32, #tpu.memory_space<vmem>>) target(%dma_start3A_762 : memref<10896x128xf32, #tpu.memory_space<vmem_shared>>) offsets(%dma_start3A_759 : memref<128xi32, #tpu.memory_space<vmem>>) semaphore(%arg16 : memref<!tpu.dma_semaphore, #tpu.memory_space<semaphore_mem>>) {add = true}
      %dma_wait3A_763 = arith.constant 1 : i32
      %dma_wait3A_764 = arith.constant 5 : i32
      %dma_wait3A_765 = arith.constant 0 : i32
      %dma_wait3A_766 = tpu.memref_slice %arg10[%dma_wait3A_763, %dma_wait3A_764, %dma_wait3A_765] : memref<5x8x128xi32, #tpu.memory_space<vmem>> -> memref<1x1x128xi32, #tpu.memory_space<vmem>>
      %dma_wait3A_767 = tpu.memref_squeeze %dma_wait3A_766 : memref<1x1x128xi32, #tpu.memory_space<vmem>> -> memref<128xi32, #tpu.memory_space<vmem>>
      %dma_wait3A_768 = arith.constant 0 : i32
      %dma_wait3A_769 = arith.constant 0 : i32
      %dma_wait3A_770 = tpu.memref_slice %arg2[%dma_wait3A_768, %dma_wait3A_769] : memref<10000x128xf32, #tpu.memory_space<hbm>> -> memref<10000x128xf32, #tpu.memory_space<hbm>>
      tpu.wait_indirect_dma semaphore(%arg15 : memref<!tpu.dma_semaphore, #tpu.memory_space<semaphore_mem>>) src(%dma_wait3A_770 : memref<10000x128xf32, #tpu.memory_space<hbm>>) dst(%arg13 : memref<128x128xf32, #tpu.memory_space<vmem>>)
      %dma_wait3A_771 = arith.constant 1 : i32
      %dma_wait3A_772 = arith.constant 4 : i32
      %dma_wait3A_773 = arith.constant 0 : i32
      %dma_wait3A_774 = tpu.memref_slice %arg11[%dma_wait3A_771, %dma_wait3A_772, %dma_wait3A_773] : memref<5x8x128xi32, #tpu.memory_space<vmem>> -> memref<1x1x128xi32, #tpu.memory_space<vmem>>
      %dma_wait3A_775 = tpu.memref_squeeze %dma_wait3A_774 : memref<1x1x128xi32, #tpu.memory_space<vmem>> -> memref<128xi32, #tpu.memory_space<vmem>>
      %dma_wait3A_776 = arith.constant 0 : i32
      %dma_wait3A_777 = arith.constant 0 : i32
      %dma_wait3A_778 = tpu.memref_slice %arg9[%dma_wait3A_776, %dma_wait3A_777] : memref<10896x128xf32, #tpu.memory_space<vmem_shared>> -> memref<10896x128xf32, #tpu.memory_space<vmem_shared>>
      tpu.wait_indirect_dma semaphore(%arg16 : memref<!tpu.dma_semaphore, #tpu.memory_space<semaphore_mem>>) src(%arg12 : memref<128x128xf32, #tpu.memory_space<vmem>>) dst(%dma_wait3A_778 : memref<10896x128xf32, #tpu.memory_space<vmem_shared>>)
      %dma_start3A_779 = arith.constant 1 : i32
      %dma_start3A_780 = arith.constant 6 : i32
      %dma_start3A_781 = arith.constant 0 : i32
      %dma_start3A_782 = tpu.memref_slice %arg10[%dma_start3A_779, %dma_start3A_780, %dma_start3A_781] : memref<5x8x128xi32, #tpu.memory_space<vmem>> -> memref<1x1x128xi32, #tpu.memory_space<vmem>>
      %dma_start3A_783 = tpu.memref_squeeze %dma_start3A_782 : memref<1x1x128xi32, #tpu.memory_space<vmem>> -> memref<128xi32, #tpu.memory_space<vmem>>
      %dma_start3A_784 = arith.constant 0 : i32
      %dma_start3A_785 = arith.constant 0 : i32
      %dma_start3A_786 = tpu.memref_slice %arg2[%dma_start3A_784, %dma_start3A_785] : memref<10000x128xf32, #tpu.memory_space<hbm>> -> memref<10000x128xf32, #tpu.memory_space<hbm>>
      tpu.enqueue_indirect_dma source(%dma_start3A_786 : memref<10000x128xf32, #tpu.memory_space<hbm>>) target(%arg12 : memref<128x128xf32, #tpu.memory_space<vmem>>) offsets(%dma_start3A_783 : memref<128xi32, #tpu.memory_space<vmem>>) semaphore(%arg14 : memref<!tpu.dma_semaphore, #tpu.memory_space<semaphore_mem>>)
      %dma_start3A_787 = arith.constant 1 : i32
      %dma_start3A_788 = arith.constant 5 : i32
      %dma_start3A_789 = arith.constant 0 : i32
      %dma_start3A_790 = tpu.memref_slice %arg11[%dma_start3A_787, %dma_start3A_788, %dma_start3A_789] : memref<5x8x128xi32, #tpu.memory_space<vmem>> -> memref<1x1x128xi32, #tpu.memory_space<vmem>>
      %dma_start3A_791 = tpu.memref_squeeze %dma_start3A_790 : memref<1x1x128xi32, #tpu.memory_space<vmem>> -> memref<128xi32, #tpu.memory_space<vmem>>
      %dma_start3A_792 = arith.constant 0 : i32
      %dma_start3A_793 = arith.constant 0 : i32
      %dma_start3A_794 = tpu.memref_slice %arg9[%dma_start3A_792, %dma_start3A_793] : memref<10896x128xf32, #tpu.memory_space<vmem_shared>> -> memref<10896x128xf32, #tpu.memory_space<vmem_shared>>
      tpu.enqueue_indirect_dma source(%arg13 : memref<128x128xf32, #tpu.memory_space<vmem>>) target(%dma_start3A_794 : memref<10896x128xf32, #tpu.memory_space<vmem_shared>>) offsets(%dma_start3A_791 : memref<128xi32, #tpu.memory_space<vmem>>) semaphore(%arg17 : memref<!tpu.dma_semaphore, #tpu.memory_space<semaphore_mem>>) {add = true}
      %dma_wait3A_795 = arith.constant 1 : i32
      %dma_wait3A_796 = arith.constant 6 : i32
      %dma_wait3A_797 = arith.constant 0 : i32
      %dma_wait3A_798 = tpu.memref_slice %arg10[%dma_wait3A_795, %dma_wait3A_796, %dma_wait3A_797] : memref<5x8x128xi32, #tpu.memory_space<vmem>> -> memref<1x1x128xi32, #tpu.memory_space<vmem>>
      %dma_wait3A_799 = tpu.memref_squeeze %dma_wait3A_798 : memref<1x1x128xi32, #tpu.memory_space<vmem>> -> memref<128xi32, #tpu.memory_space<vmem>>
      %dma_wait3A_800 = arith.constant 0 : i32
      %dma_wait3A_801 = arith.constant 0 : i32
      %dma_wait3A_802 = tpu.memref_slice %arg2[%dma_wait3A_800, %dma_wait3A_801] : memref<10000x128xf32, #tpu.memory_space<hbm>> -> memref<10000x128xf32, #tpu.memory_space<hbm>>
      tpu.wait_indirect_dma semaphore(%arg14 : memref<!tpu.dma_semaphore, #tpu.memory_space<semaphore_mem>>) src(%dma_wait3A_802 : memref<10000x128xf32, #tpu.memory_space<hbm>>) dst(%arg12 : memref<128x128xf32, #tpu.memory_space<vmem>>)
      %dma_wait3A_803 = arith.constant 1 : i32
      %dma_wait3A_804 = arith.constant 5 : i32
      %dma_wait3A_805 = arith.constant 0 : i32
      %dma_wait3A_806 = tpu.memref_slice %arg11[%dma_wait3A_803, %dma_wait3A_804, %dma_wait3A_805] : memref<5x8x128xi32, #tpu.memory_space<vmem>> -> memref<1x1x128xi32, #tpu.memory_space<vmem>>
      %dma_wait3A_807 = tpu.memref_squeeze %dma_wait3A_806 : memref<1x1x128xi32, #tpu.memory_space<vmem>> -> memref<128xi32, #tpu.memory_space<vmem>>
      %dma_wait3A_808 = arith.constant 0 : i32
      %dma_wait3A_809 = arith.constant 0 : i32
      %dma_wait3A_810 = tpu.memref_slice %arg9[%dma_wait3A_808, %dma_wait3A_809] : memref<10896x128xf32, #tpu.memory_space<vmem_shared>> -> memref<10896x128xf32, #tpu.memory_space<vmem_shared>>
      tpu.wait_indirect_dma semaphore(%arg17 : memref<!tpu.dma_semaphore, #tpu.memory_space<semaphore_mem>>) src(%arg13 : memref<128x128xf32, #tpu.memory_space<vmem>>) dst(%dma_wait3A_810 : memref<10896x128xf32, #tpu.memory_space<vmem_shared>>)
      %dma_start3A_811 = arith.constant 1 : i32
      %dma_start3A_812 = arith.constant 7 : i32
      %dma_start3A_813 = arith.constant 0 : i32
      %dma_start3A_814 = tpu.memref_slice %arg10[%dma_start3A_811, %dma_start3A_812, %dma_start3A_813] : memref<5x8x128xi32, #tpu.memory_space<vmem>> -> memref<1x1x128xi32, #tpu.memory_space<vmem>>
      %dma_start3A_815 = tpu.memref_squeeze %dma_start3A_814 : memref<1x1x128xi32, #tpu.memory_space<vmem>> -> memref<128xi32, #tpu.memory_space<vmem>>
      %dma_start3A_816 = arith.constant 0 : i32
      %dma_start3A_817 = arith.constant 0 : i32
      %dma_start3A_818 = tpu.memref_slice %arg2[%dma_start3A_816, %dma_start3A_817] : memref<10000x128xf32, #tpu.memory_space<hbm>> -> memref<10000x128xf32, #tpu.memory_space<hbm>>
      tpu.enqueue_indirect_dma source(%dma_start3A_818 : memref<10000x128xf32, #tpu.memory_space<hbm>>) target(%arg13 : memref<128x128xf32, #tpu.memory_space<vmem>>) offsets(%dma_start3A_815 : memref<128xi32, #tpu.memory_space<vmem>>) semaphore(%arg15 : memref<!tpu.dma_semaphore, #tpu.memory_space<semaphore_mem>>)
      %dma_start3A_819 = arith.constant 1 : i32
      %dma_start3A_820 = arith.constant 6 : i32
      %dma_start3A_821 = arith.constant 0 : i32
      %dma_start3A_822 = tpu.memref_slice %arg11[%dma_start3A_819, %dma_start3A_820, %dma_start3A_821] : memref<5x8x128xi32, #tpu.memory_space<vmem>> -> memref<1x1x128xi32, #tpu.memory_space<vmem>>
      %dma_start3A_823 = tpu.memref_squeeze %dma_start3A_822 : memref<1x1x128xi32, #tpu.memory_space<vmem>> -> memref<128xi32, #tpu.memory_space<vmem>>
      %dma_start3A_824 = arith.constant 0 : i32
      %dma_start3A_825 = arith.constant 0 : i32
      %dma_start3A_826 = tpu.memref_slice %arg9[%dma_start3A_824, %dma_start3A_825] : memref<10896x128xf32, #tpu.memory_space<vmem_shared>> -> memref<10896x128xf32, #tpu.memory_space<vmem_shared>>
      tpu.enqueue_indirect_dma source(%arg12 : memref<128x128xf32, #tpu.memory_space<vmem>>) target(%dma_start3A_826 : memref<10896x128xf32, #tpu.memory_space<vmem_shared>>) offsets(%dma_start3A_823 : memref<128xi32, #tpu.memory_space<vmem>>) semaphore(%arg16 : memref<!tpu.dma_semaphore, #tpu.memory_space<semaphore_mem>>) {add = true}
      %dma_wait3A_827 = arith.constant 1 : i32
      %dma_wait3A_828 = arith.constant 7 : i32
      %dma_wait3A_829 = arith.constant 0 : i32
      %dma_wait3A_830 = tpu.memref_slice %arg10[%dma_wait3A_827, %dma_wait3A_828, %dma_wait3A_829] : memref<5x8x128xi32, #tpu.memory_space<vmem>> -> memref<1x1x128xi32, #tpu.memory_space<vmem>>
      %dma_wait3A_831 = tpu.memref_squeeze %dma_wait3A_830 : memref<1x1x128xi32, #tpu.memory_space<vmem>> -> memref<128xi32, #tpu.memory_space<vmem>>
      %dma_wait3A_832 = arith.constant 0 : i32
      %dma_wait3A_833 = arith.constant 0 : i32
      %dma_wait3A_834 = tpu.memref_slice %arg2[%dma_wait3A_832, %dma_wait3A_833] : memref<10000x128xf32, #tpu.memory_space<hbm>> -> memref<10000x128xf32, #tpu.memory_space<hbm>>
      tpu.wait_indirect_dma semaphore(%arg15 : memref<!tpu.dma_semaphore, #tpu.memory_space<semaphore_mem>>) src(%dma_wait3A_834 : memref<10000x128xf32, #tpu.memory_space<hbm>>) dst(%arg13 : memref<128x128xf32, #tpu.memory_space<vmem>>)
      %dma_wait3A_835 = arith.constant 2 : i32
      %dma_wait3A_836 = arith.constant 0 : i32
      %dma_wait3A_837 = arith.constant 0 : i32
      %dma_wait3A_838 = tpu.memref_slice %arg10[%dma_wait3A_835, %dma_wait3A_836, %dma_wait3A_837] : memref<5x8x128xi32, #tpu.memory_space<vmem>> -> memref<1x8x128xi32, #tpu.memory_space<vmem>>
      %dma_wait3A_839 = tpu.memref_squeeze %dma_wait3A_838 : memref<1x8x128xi32, #tpu.memory_space<vmem>> -> memref<8x128xi32, #tpu.memory_space<vmem>>
      %dma_wait3A_840 = arith.constant 0 : i32
      %dma_wait3A_841 = arith.constant 0 : i32
      %dma_wait3A_842 = tpu.memref_slice %arg4[%dma_wait3A_840, %dma_wait3A_841] : memref<2560x128xi32, #tpu.memory_space<hbm>> -> memref<8x128xi32, #tpu.memory_space<hbm>>
      %dma_wait3A_843 = arith.constant 0 : i32
      %dma_wait3A_844 = arith.constant 0 : i32
      %dma_wait3A_845 = tpu.memref_slice %arg10[%dma_wait3A_835, %dma_wait3A_843, %dma_wait3A_844] : memref<5x8x128xi32, #tpu.memory_space<vmem>> -> memref<1x8x128xi32, #tpu.memory_space<vmem>>
      %dma_wait3A_846 = tpu.memref_squeeze %dma_wait3A_845 : memref<1x8x128xi32, #tpu.memory_space<vmem>> -> memref<8x128xi32, #tpu.memory_space<vmem>>
      %dma_wait3A_847 = arith.constant 0 : i32
      %dma_wait3A_848 = arith.constant 0 : i32
      %dma_wait3A_849 = tpu.memref_slice %arg4[%dma_wait3A_847, %dma_wait3A_848] : memref<2560x128xi32, #tpu.memory_space<hbm>> -> memref<8x128xi32, #tpu.memory_space<hbm>>
      tpu.wait_dma2 semaphore(%arg18 : memref<!tpu.dma_semaphore, #tpu.memory_space<semaphore_mem>>) src(%dma_wait3A_849 : memref<8x128xi32, #tpu.memory_space<hbm>>) dst(%dma_wait3A_846 : memref<8x128xi32, #tpu.memory_space<vmem>>)
      %dma_wait3A_850 = arith.constant 2 : i32
      %dma_wait3A_851 = arith.constant 0 : i32
      %dma_wait3A_852 = arith.constant 0 : i32
      %dma_wait3A_853 = tpu.memref_slice %arg11[%dma_wait3A_850, %dma_wait3A_851, %dma_wait3A_852] : memref<5x8x128xi32, #tpu.memory_space<vmem>> -> memref<1x8x128xi32, #tpu.memory_space<vmem>>
      %dma_wait3A_854 = tpu.memref_squeeze %dma_wait3A_853 : memref<1x8x128xi32, #tpu.memory_space<vmem>> -> memref<8x128xi32, #tpu.memory_space<vmem>>
      %dma_wait3A_855 = arith.constant 0 : i32
      %dma_wait3A_856 = arith.constant 0 : i32
      %dma_wait3A_857 = tpu.memref_slice %arg3[%dma_wait3A_855, %dma_wait3A_856] : memref<2560x128xi32, #tpu.memory_space<hbm>> -> memref<8x128xi32, #tpu.memory_space<hbm>>
      %dma_wait3A_858 = arith.constant 0 : i32
      %dma_wait3A_859 = arith.constant 0 : i32
      %dma_wait3A_860 = tpu.memref_slice %arg11[%dma_wait3A_850, %dma_wait3A_858, %dma_wait3A_859] : memref<5x8x128xi32, #tpu.memory_space<vmem>> -> memref<1x8x128xi32, #tpu.memory_space<vmem>>
      %dma_wait3A_861 = tpu.memref_squeeze %dma_wait3A_860 : memref<1x8x128xi32, #tpu.memory_space<vmem>> -> memref<8x128xi32, #tpu.memory_space<vmem>>
      %dma_wait3A_862 = arith.constant 0 : i32
      %dma_wait3A_863 = arith.constant 0 : i32
      %dma_wait3A_864 = tpu.memref_slice %arg3[%dma_wait3A_862, %dma_wait3A_863] : memref<2560x128xi32, #tpu.memory_space<hbm>> -> memref<8x128xi32, #tpu.memory_space<hbm>>
      tpu.wait_dma2 semaphore(%arg18 : memref<!tpu.dma_semaphore, #tpu.memory_space<semaphore_mem>>) src(%dma_wait3A_864 : memref<8x128xi32, #tpu.memory_space<hbm>>) dst(%dma_wait3A_861 : memref<8x128xi32, #tpu.memory_space<vmem>>)
      %dma_wait3A_865 = arith.constant 1 : i32
      %dma_wait3A_866 = arith.constant 6 : i32
      %dma_wait3A_867 = arith.constant 0 : i32
      %dma_wait3A_868 = tpu.memref_slice %arg11[%dma_wait3A_865, %dma_wait3A_866, %dma_wait3A_867] : memref<5x8x128xi32, #tpu.memory_space<vmem>> -> memref<1x1x128xi32, #tpu.memory_space<vmem>>
      %dma_wait3A_869 = tpu.memref_squeeze %dma_wait3A_868 : memref<1x1x128xi32, #tpu.memory_space<vmem>> -> memref<128xi32, #tpu.memory_space<vmem>>
      %dma_wait3A_870 = arith.constant 0 : i32
      %dma_wait3A_871 = arith.constant 0 : i32
      %dma_wait3A_872 = tpu.memref_slice %arg9[%dma_wait3A_870, %dma_wait3A_871] : memref<10896x128xf32, #tpu.memory_space<vmem_shared>> -> memref<10896x128xf32, #tpu.memory_space<vmem_shared>>
      tpu.wait_indirect_dma semaphore(%arg16 : memref<!tpu.dma_semaphore, #tpu.memory_space<semaphore_mem>>) src(%arg12 : memref<128x128xf32, #tpu.memory_space<vmem>>) dst(%dma_wait3A_872 : memref<10896x128xf32, #tpu.memory_space<vmem_shared>>)
      %dma_start3A_873 = arith.constant 2 : i32
      %dma_start3A_874 = arith.constant 0 : i32
      %dma_start3A_875 = arith.constant 0 : i32
      %dma_start3A_876 = tpu.memref_slice %arg10[%dma_start3A_873, %dma_start3A_874, %dma_start3A_875] : memref<5x8x128xi32, #tpu.memory_space<vmem>> -> memref<1x1x128xi32, #tpu.memory_space<vmem>>
      %dma_start3A_877 = tpu.memref_squeeze %dma_start3A_876 : memref<1x1x128xi32, #tpu.memory_space<vmem>> -> memref<128xi32, #tpu.memory_space<vmem>>
      %dma_start3A_878 = arith.constant 0 : i32
      %dma_start3A_879 = arith.constant 0 : i32
      %dma_start3A_880 = tpu.memref_slice %arg2[%dma_start3A_878, %dma_start3A_879] : memref<10000x128xf32, #tpu.memory_space<hbm>> -> memref<10000x128xf32, #tpu.memory_space<hbm>>
      tpu.enqueue_indirect_dma source(%dma_start3A_880 : memref<10000x128xf32, #tpu.memory_space<hbm>>) target(%arg12 : memref<128x128xf32, #tpu.memory_space<vmem>>) offsets(%dma_start3A_877 : memref<128xi32, #tpu.memory_space<vmem>>) semaphore(%arg14 : memref<!tpu.dma_semaphore, #tpu.memory_space<semaphore_mem>>)
      %dma_start3A_881 = arith.constant 1 : i32
      %dma_start3A_882 = arith.constant 7 : i32
      %dma_start3A_883 = arith.constant 0 : i32
      %dma_start3A_884 = tpu.memref_slice %arg11[%dma_start3A_881, %dma_start3A_882, %dma_start3A_883] : memref<5x8x128xi32, #tpu.memory_space<vmem>> -> memref<1x1x128xi32, #tpu.memory_space<vmem>>
      %dma_start3A_885 = tpu.memref_squeeze %dma_start3A_884 : memref<1x1x128xi32, #tpu.memory_space<vmem>> -> memref<128xi32, #tpu.memory_space<vmem>>
      %dma_start3A_886 = arith.constant 0 : i32
      %dma_start3A_887 = arith.constant 0 : i32
      %dma_start3A_888 = tpu.memref_slice %arg9[%dma_start3A_886, %dma_start3A_887] : memref<10896x128xf32, #tpu.memory_space<vmem_shared>> -> memref<10896x128xf32, #tpu.memory_space<vmem_shared>>
      tpu.enqueue_indirect_dma source(%arg13 : memref<128x128xf32, #tpu.memory_space<vmem>>) target(%dma_start3A_888 : memref<10896x128xf32, #tpu.memory_space<vmem_shared>>) offsets(%dma_start3A_885 : memref<128xi32, #tpu.memory_space<vmem>>) semaphore(%arg17 : memref<!tpu.dma_semaphore, #tpu.memory_space<semaphore_mem>>) {add = true}
      %dma_wait3A_889 = arith.constant 2 : i32
      %dma_wait3A_890 = arith.constant 0 : i32
      %dma_wait3A_891 = arith.constant 0 : i32
      %dma_wait3A_892 = tpu.memref_slice %arg10[%dma_wait3A_889, %dma_wait3A_890, %dma_wait3A_891] : memref<5x8x128xi32, #tpu.memory_space<vmem>> -> memref<1x1x128xi32, #tpu.memory_space<vmem>>
      %dma_wait3A_893 = tpu.memref_squeeze %dma_wait3A_892 : memref<1x1x128xi32, #tpu.memory_space<vmem>> -> memref<128xi32, #tpu.memory_space<vmem>>
      %dma_wait3A_894 = arith.constant 0 : i32
      %dma_wait3A_895 = arith.constant 0 : i32
      %dma_wait3A_896 = tpu.memref_slice %arg2[%dma_wait3A_894, %dma_wait3A_895] : memref<10000x128xf32, #tpu.memory_space<hbm>> -> memref<10000x128xf32, #tpu.memory_space<hbm>>
      tpu.wait_indirect_dma semaphore(%arg14 : memref<!tpu.dma_semaphore, #tpu.memory_space<semaphore_mem>>) src(%dma_wait3A_896 : memref<10000x128xf32, #tpu.memory_space<hbm>>) dst(%arg12 : memref<128x128xf32, #tpu.memory_space<vmem>>)
      %dma_wait3A_897 = arith.constant 1 : i32
      %dma_wait3A_898 = arith.constant 7 : i32
      %dma_wait3A_899 = arith.constant 0 : i32
      %dma_wait3A_900 = tpu.memref_slice %arg11[%dma_wait3A_897, %dma_wait3A_898, %dma_wait3A_899] : memref<5x8x128xi32, #tpu.memory_space<vmem>> -> memref<1x1x128xi32, #tpu.memory_space<vmem>>
      %dma_wait3A_901 = tpu.memref_squeeze %dma_wait3A_900 : memref<1x1x128xi32, #tpu.memory_space<vmem>> -> memref<128xi32, #tpu.memory_space<vmem>>
      %dma_wait3A_902 = arith.constant 0 : i32
      %dma_wait3A_903 = arith.constant 0 : i32
      %dma_wait3A_904 = tpu.memref_slice %arg9[%dma_wait3A_902, %dma_wait3A_903] : memref<10896x128xf32, #tpu.memory_space<vmem_shared>> -> memref<10896x128xf32, #tpu.memory_space<vmem_shared>>
      tpu.wait_indirect_dma semaphore(%arg17 : memref<!tpu.dma_semaphore, #tpu.memory_space<semaphore_mem>>) src(%arg13 : memref<128x128xf32, #tpu.memory_space<vmem>>) dst(%dma_wait3A_904 : memref<10896x128xf32, #tpu.memory_space<vmem_shared>>)
      %dma_start3A_905 = arith.constant 2 : i32
      %dma_start3A_906 = arith.constant 1 : i32
      %dma_start3A_907 = arith.constant 0 : i32
      %dma_start3A_908 = tpu.memref_slice %arg10[%dma_start3A_905, %dma_start3A_906, %dma_start3A_907] : memref<5x8x128xi32, #tpu.memory_space<vmem>> -> memref<1x1x128xi32, #tpu.memory_space<vmem>>
      %dma_start3A_909 = tpu.memref_squeeze %dma_start3A_908 : memref<1x1x128xi32, #tpu.memory_space<vmem>> -> memref<128xi32, #tpu.memory_space<vmem>>
      %dma_start3A_910 = arith.constant 0 : i32
      %dma_start3A_911 = arith.constant 0 : i32
      %dma_start3A_912 = tpu.memref_slice %arg2[%dma_start3A_910, %dma_start3A_911] : memref<10000x128xf32, #tpu.memory_space<hbm>> -> memref<10000x128xf32, #tpu.memory_space<hbm>>
      tpu.enqueue_indirect_dma source(%dma_start3A_912 : memref<10000x128xf32, #tpu.memory_space<hbm>>) target(%arg13 : memref<128x128xf32, #tpu.memory_space<vmem>>) offsets(%dma_start3A_909 : memref<128xi32, #tpu.memory_space<vmem>>) semaphore(%arg15 : memref<!tpu.dma_semaphore, #tpu.memory_space<semaphore_mem>>)
      %dma_start3A_913 = arith.constant 2 : i32
      %dma_start3A_914 = arith.constant 0 : i32
      %dma_start3A_915 = arith.constant 0 : i32
      %dma_start3A_916 = tpu.memref_slice %arg11[%dma_start3A_913, %dma_start3A_914, %dma_start3A_915] : memref<5x8x128xi32, #tpu.memory_space<vmem>> -> memref<1x1x128xi32, #tpu.memory_space<vmem>>
      %dma_start3A_917 = tpu.memref_squeeze %dma_start3A_916 : memref<1x1x128xi32, #tpu.memory_space<vmem>> -> memref<128xi32, #tpu.memory_space<vmem>>
      %dma_start3A_918 = arith.constant 0 : i32
      %dma_start3A_919 = arith.constant 0 : i32
      %dma_start3A_920 = tpu.memref_slice %arg9[%dma_start3A_918, %dma_start3A_919] : memref<10896x128xf32, #tpu.memory_space<vmem_shared>> -> memref<10896x128xf32, #tpu.memory_space<vmem_shared>>
      tpu.enqueue_indirect_dma source(%arg12 : memref<128x128xf32, #tpu.memory_space<vmem>>) target(%dma_start3A_920 : memref<10896x128xf32, #tpu.memory_space<vmem_shared>>) offsets(%dma_start3A_917 : memref<128xi32, #tpu.memory_space<vmem>>) semaphore(%arg16 : memref<!tpu.dma_semaphore, #tpu.memory_space<semaphore_mem>>) {add = true}
      %dma_wait3A_921 = arith.constant 2 : i32
      %dma_wait3A_922 = arith.constant 1 : i32
      %dma_wait3A_923 = arith.constant 0 : i32
      %dma_wait3A_924 = tpu.memref_slice %arg10[%dma_wait3A_921, %dma_wait3A_922, %dma_wait3A_923] : memref<5x8x128xi32, #tpu.memory_space<vmem>> -> memref<1x1x128xi32, #tpu.memory_space<vmem>>
      %dma_wait3A_925 = tpu.memref_squeeze %dma_wait3A_924 : memref<1x1x128xi32, #tpu.memory_space<vmem>> -> memref<128xi32, #tpu.memory_space<vmem>>
      %dma_wait3A_926 = arith.constant 0 : i32
      %dma_wait3A_927 = arith.constant 0 : i32
      %dma_wait3A_928 = tpu.memref_slice %arg2[%dma_wait3A_926, %dma_wait3A_927] : memref<10000x128xf32, #tpu.memory_space<hbm>> -> memref<10000x128xf32, #tpu.memory_space<hbm>>
      tpu.wait_indirect_dma semaphore(%arg15 : memref<!tpu.dma_semaphore, #tpu.memory_space<semaphore_mem>>) src(%dma_wait3A_928 : memref<10000x128xf32, #tpu.memory_space<hbm>>) dst(%arg13 : memref<128x128xf32, #tpu.memory_space<vmem>>)
      %dma_wait3A_929 = arith.constant 2 : i32
      %dma_wait3A_930 = arith.constant 0 : i32
      %dma_wait3A_931 = arith.constant 0 : i32
      %dma_wait3A_932 = tpu.memref_slice %arg11[%dma_wait3A_929, %dma_wait3A_930, %dma_wait3A_931] : memref<5x8x128xi32, #tpu.memory_space<vmem>> -> memref<1x1x128xi32, #tpu.memory_space<vmem>>
      %dma_wait3A_933 = tpu.memref_squeeze %dma_wait3A_932 : memref<1x1x128xi32, #tpu.memory_space<vmem>> -> memref<128xi32, #tpu.memory_space<vmem>>
      %dma_wait3A_934 = arith.constant 0 : i32
      %dma_wait3A_935 = arith.constant 0 : i32
      %dma_wait3A_936 = tpu.memref_slice %arg9[%dma_wait3A_934, %dma_wait3A_935] : memref<10896x128xf32, #tpu.memory_space<vmem_shared>> -> memref<10896x128xf32, #tpu.memory_space<vmem_shared>>
      tpu.wait_indirect_dma semaphore(%arg16 : memref<!tpu.dma_semaphore, #tpu.memory_space<semaphore_mem>>) src(%arg12 : memref<128x128xf32, #tpu.memory_space<vmem>>) dst(%dma_wait3A_936 : memref<10896x128xf32, #tpu.memory_space<vmem_shared>>)
      %dma_start3A_937 = arith.constant 2 : i32
      %dma_start3A_938 = arith.constant 2 : i32
      %dma_start3A_939 = arith.constant 0 : i32
      %dma_start3A_940 = tpu.memref_slice %arg10[%dma_start3A_937, %dma_start3A_938, %dma_start3A_939] : memref<5x8x128xi32, #tpu.memory_space<vmem>> -> memref<1x1x128xi32, #tpu.memory_space<vmem>>
      %dma_start3A_941 = tpu.memref_squeeze %dma_start3A_940 : memref<1x1x128xi32, #tpu.memory_space<vmem>> -> memref<128xi32, #tpu.memory_space<vmem>>
      %dma_start3A_942 = arith.constant 0 : i32
      %dma_start3A_943 = arith.constant 0 : i32
      %dma_start3A_944 = tpu.memref_slice %arg2[%dma_start3A_942, %dma_start3A_943] : memref<10000x128xf32, #tpu.memory_space<hbm>> -> memref<10000x128xf32, #tpu.memory_space<hbm>>
      tpu.enqueue_indirect_dma source(%dma_start3A_944 : memref<10000x128xf32, #tpu.memory_space<hbm>>) target(%arg12 : memref<128x128xf32, #tpu.memory_space<vmem>>) offsets(%dma_start3A_941 : memref<128xi32, #tpu.memory_space<vmem>>) semaphore(%arg14 : memref<!tpu.dma_semaphore, #tpu.memory_space<semaphore_mem>>)
      %dma_start3A_945 = arith.constant 2 : i32
      %dma_start3A_946 = arith.constant 1 : i32
      %dma_start3A_947 = arith.constant 0 : i32
      %dma_start3A_948 = tpu.memref_slice %arg11[%dma_start3A_945, %dma_start3A_946, %dma_start3A_947] : memref<5x8x128xi32, #tpu.memory_space<vmem>> -> memref<1x1x128xi32, #tpu.memory_space<vmem>>
      %dma_start3A_949 = tpu.memref_squeeze %dma_start3A_948 : memref<1x1x128xi32, #tpu.memory_space<vmem>> -> memref<128xi32, #tpu.memory_space<vmem>>
      %dma_start3A_950 = arith.constant 0 : i32
      %dma_start3A_951 = arith.constant 0 : i32
      %dma_start3A_952 = tpu.memref_slice %arg9[%dma_start3A_950, %dma_start3A_951] : memref<10896x128xf32, #tpu.memory_space<vmem_shared>> -> memref<10896x128xf32, #tpu.memory_space<vmem_shared>>
      tpu.enqueue_indirect_dma source(%arg13 : memref<128x128xf32, #tpu.memory_space<vmem>>) target(%dma_start3A_952 : memref<10896x128xf32, #tpu.memory_space<vmem_shared>>) offsets(%dma_start3A_949 : memref<128xi32, #tpu.memory_space<vmem>>) semaphore(%arg17 : memref<!tpu.dma_semaphore, #tpu.memory_space<semaphore_mem>>) {add = true}
      %dma_wait3A_953 = arith.constant 2 : i32
      %dma_wait3A_954 = arith.constant 2 : i32
      %dma_wait3A_955 = arith.constant 0 : i32
      %dma_wait3A_956 = tpu.memref_slice %arg10[%dma_wait3A_953, %dma_wait3A_954, %dma_wait3A_955] : memref<5x8x128xi32, #tpu.memory_space<vmem>> -> memref<1x1x128xi32, #tpu.memory_space<vmem>>
      %dma_wait3A_957 = tpu.memref_squeeze %dma_wait3A_956 : memref<1x1x128xi32, #tpu.memory_space<vmem>> -> memref<128xi32, #tpu.memory_space<vmem>>
      %dma_wait3A_958 = arith.constant 0 : i32
      %dma_wait3A_959 = arith.constant 0 : i32
      %dma_wait3A_960 = tpu.memref_slice %arg2[%dma_wait3A_958, %dma_wait3A_959] : memref<10000x128xf32, #tpu.memory_space<hbm>> -> memref<10000x128xf32, #tpu.memory_space<hbm>>
      tpu.wait_indirect_dma semaphore(%arg14 : memref<!tpu.dma_semaphore, #tpu.memory_space<semaphore_mem>>) src(%dma_wait3A_960 : memref<10000x128xf32, #tpu.memory_space<hbm>>) dst(%arg12 : memref<128x128xf32, #tpu.memory_space<vmem>>)
      %dma_wait3A_961 = arith.constant 2 : i32
      %dma_wait3A_962 = arith.constant 1 : i32
      %dma_wait3A_963 = arith.constant 0 : i32
      %dma_wait3A_964 = tpu.memref_slice %arg11[%dma_wait3A_961, %dma_wait3A_962, %dma_wait3A_963] : memref<5x8x128xi32, #tpu.memory_space<vmem>> -> memref<1x1x128xi32, #tpu.memory_space<vmem>>
      %dma_wait3A_965 = tpu.memref_squeeze %dma_wait3A_964 : memref<1x1x128xi32, #tpu.memory_space<vmem>> -> memref<128xi32, #tpu.memory_space<vmem>>
      %dma_wait3A_966 = arith.constant 0 : i32
      %dma_wait3A_967 = arith.constant 0 : i32
      %dma_wait3A_968 = tpu.memref_slice %arg9[%dma_wait3A_966, %dma_wait3A_967] : memref<10896x128xf32, #tpu.memory_space<vmem_shared>> -> memref<10896x128xf32, #tpu.memory_space<vmem_shared>>
      tpu.wait_indirect_dma semaphore(%arg17 : memref<!tpu.dma_semaphore, #tpu.memory_space<semaphore_mem>>) src(%arg13 : memref<128x128xf32, #tpu.memory_space<vmem>>) dst(%dma_wait3A_968 : memref<10896x128xf32, #tpu.memory_space<vmem_shared>>)
      %dma_start3A_969 = arith.constant 2 : i32
      %dma_start3A_970 = arith.constant 3 : i32
      %dma_start3A_971 = arith.constant 0 : i32
      %dma_start3A_972 = tpu.memref_slice %arg10[%dma_start3A_969, %dma_start3A_970, %dma_start3A_971] : memref<5x8x128xi32, #tpu.memory_space<vmem>> -> memref<1x1x128xi32, #tpu.memory_space<vmem>>
      %dma_start3A_973 = tpu.memref_squeeze %dma_start3A_972 : memref<1x1x128xi32, #tpu.memory_space<vmem>> -> memref<128xi32, #tpu.memory_space<vmem>>
      %dma_start3A_974 = arith.constant 0 : i32
      %dma_start3A_975 = arith.constant 0 : i32
      %dma_start3A_976 = tpu.memref_slice %arg2[%dma_start3A_974, %dma_start3A_975] : memref<10000x128xf32, #tpu.memory_space<hbm>> -> memref<10000x128xf32, #tpu.memory_space<hbm>>
      tpu.enqueue_indirect_dma source(%dma_start3A_976 : memref<10000x128xf32, #tpu.memory_space<hbm>>) target(%arg13 : memref<128x128xf32, #tpu.memory_space<vmem>>) offsets(%dma_start3A_973 : memref<128xi32, #tpu.memory_space<vmem>>) semaphore(%arg15 : memref<!tpu.dma_semaphore, #tpu.memory_space<semaphore_mem>>)
      %dma_start3A_977 = arith.constant 2 : i32
      %dma_start3A_978 = arith.constant 2 : i32
      %dma_start3A_979 = arith.constant 0 : i32
      %dma_start3A_980 = tpu.memref_slice %arg11[%dma_start3A_977, %dma_start3A_978, %dma_start3A_979] : memref<5x8x128xi32, #tpu.memory_space<vmem>> -> memref<1x1x128xi32, #tpu.memory_space<vmem>>
      %dma_start3A_981 = tpu.memref_squeeze %dma_start3A_980 : memref<1x1x128xi32, #tpu.memory_space<vmem>> -> memref<128xi32, #tpu.memory_space<vmem>>
      %dma_start3A_982 = arith.constant 0 : i32
      %dma_start3A_983 = arith.constant 0 : i32
      %dma_start3A_984 = tpu.memref_slice %arg9[%dma_start3A_982, %dma_start3A_983] : memref<10896x128xf32, #tpu.memory_space<vmem_shared>> -> memref<10896x128xf32, #tpu.memory_space<vmem_shared>>
      tpu.enqueue_indirect_dma source(%arg12 : memref<128x128xf32, #tpu.memory_space<vmem>>) target(%dma_start3A_984 : memref<10896x128xf32, #tpu.memory_space<vmem_shared>>) offsets(%dma_start3A_981 : memref<128xi32, #tpu.memory_space<vmem>>) semaphore(%arg16 : memref<!tpu.dma_semaphore, #tpu.memory_space<semaphore_mem>>) {add = true}
      %dma_wait3A_985 = arith.constant 2 : i32
      %dma_wait3A_986 = arith.constant 3 : i32
      %dma_wait3A_987 = arith.constant 0 : i32
      %dma_wait3A_988 = tpu.memref_slice %arg10[%dma_wait3A_985, %dma_wait3A_986, %dma_wait3A_987] : memref<5x8x128xi32, #tpu.memory_space<vmem>> -> memref<1x1x128xi32, #tpu.memory_space<vmem>>
      %dma_wait3A_989 = tpu.memref_squeeze %dma_wait3A_988 : memref<1x1x128xi32, #tpu.memory_space<vmem>> -> memref<128xi32, #tpu.memory_space<vmem>>
      %dma_wait3A_990 = arith.constant 0 : i32
      %dma_wait3A_991 = arith.constant 0 : i32
      %dma_wait3A_992 = tpu.memref_slice %arg2[%dma_wait3A_990, %dma_wait3A_991] : memref<10000x128xf32, #tpu.memory_space<hbm>> -> memref<10000x128xf32, #tpu.memory_space<hbm>>
      tpu.wait_indirect_dma semaphore(%arg15 : memref<!tpu.dma_semaphore, #tpu.memory_space<semaphore_mem>>) src(%dma_wait3A_992 : memref<10000x128xf32, #tpu.memory_space<hbm>>) dst(%arg13 : memref<128x128xf32, #tpu.memory_space<vmem>>)
      %dma_wait3A_993 = arith.constant 2 : i32
      %dma_wait3A_994 = arith.constant 2 : i32
      %dma_wait3A_995 = arith.constant 0 : i32
      %dma_wait3A_996 = tpu.memref_slice %arg11[%dma_wait3A_993, %dma_wait3A_994, %dma_wait3A_995] : memref<5x8x128xi32, #tpu.memory_space<vmem>> -> memref<1x1x128xi32, #tpu.memory_space<vmem>>
      %dma_wait3A_997 = tpu.memref_squeeze %dma_wait3A_996 : memref<1x1x128xi32, #tpu.memory_space<vmem>> -> memref<128xi32, #tpu.memory_space<vmem>>
      %dma_wait3A_998 = arith.constant 0 : i32
      %dma_wait3A_999 = arith.constant 0 : i32
      %dma_wait3A_1000 = tpu.memref_slice %arg9[%dma_wait3A_998, %dma_wait3A_999] : memref<10896x128xf32, #tpu.memory_space<vmem_shared>> -> memref<10896x128xf32, #tpu.memory_space<vmem_shared>>
      tpu.wait_indirect_dma semaphore(%arg16 : memref<!tpu.dma_semaphore, #tpu.memory_space<semaphore_mem>>) src(%arg12 : memref<128x128xf32, #tpu.memory_space<vmem>>) dst(%dma_wait3A_1000 : memref<10896x128xf32, #tpu.memory_space<vmem_shared>>)
      %dma_start3A_1001 = arith.constant 2 : i32
      %dma_start3A_1002 = arith.constant 4 : i32
      %dma_start3A_1003 = arith.constant 0 : i32
      %dma_start3A_1004 = tpu.memref_slice %arg10[%dma_start3A_1001, %dma_start3A_1002, %dma_start3A_1003] : memref<5x8x128xi32, #tpu.memory_space<vmem>> -> memref<1x1x128xi32, #tpu.memory_space<vmem>>
      %dma_start3A_1005 = tpu.memref_squeeze %dma_start3A_1004 : memref<1x1x128xi32, #tpu.memory_space<vmem>> -> memref<128xi32, #tpu.memory_space<vmem>>
      %dma_start3A_1006 = arith.constant 0 : i32
      %dma_start3A_1007 = arith.constant 0 : i32
      %dma_start3A_1008 = tpu.memref_slice %arg2[%dma_start3A_1006, %dma_start3A_1007] : memref<10000x128xf32, #tpu.memory_space<hbm>> -> memref<10000x128xf32, #tpu.memory_space<hbm>>
      tpu.enqueue_indirect_dma source(%dma_start3A_1008 : memref<10000x128xf32, #tpu.memory_space<hbm>>) target(%arg12 : memref<128x128xf32, #tpu.memory_space<vmem>>) offsets(%dma_start3A_1005 : memref<128xi32, #tpu.memory_space<vmem>>) semaphore(%arg14 : memref<!tpu.dma_semaphore, #tpu.memory_space<semaphore_mem>>)
      %dma_start3A_1009 = arith.constant 2 : i32
      %dma_start3A_1010 = arith.constant 3 : i32
      %dma_start3A_1011 = arith.constant 0 : i32
      %dma_start3A_1012 = tpu.memref_slice %arg11[%dma_start3A_1009, %dma_start3A_1010, %dma_start3A_1011] : memref<5x8x128xi32, #tpu.memory_space<vmem>> -> memref<1x1x128xi32, #tpu.memory_space<vmem>>
      %dma_start3A_1013 = tpu.memref_squeeze %dma_start3A_1012 : memref<1x1x128xi32, #tpu.memory_space<vmem>> -> memref<128xi32, #tpu.memory_space<vmem>>
      %dma_start3A_1014 = arith.constant 0 : i32
      %dma_start3A_1015 = arith.constant 0 : i32
      %dma_start3A_1016 = tpu.memref_slice %arg9[%dma_start3A_1014, %dma_start3A_1015] : memref<10896x128xf32, #tpu.memory_space<vmem_shared>> -> memref<10896x128xf32, #tpu.memory_space<vmem_shared>>
      tpu.enqueue_indirect_dma source(%arg13 : memref<128x128xf32, #tpu.memory_space<vmem>>) target(%dma_start3A_1016 : memref<10896x128xf32, #tpu.memory_space<vmem_shared>>) offsets(%dma_start3A_1013 : memref<128xi32, #tpu.memory_space<vmem>>) semaphore(%arg17 : memref<!tpu.dma_semaphore, #tpu.memory_space<semaphore_mem>>) {add = true}
      %dma_wait3A_1017 = arith.constant 2 : i32
      %dma_wait3A_1018 = arith.constant 4 : i32
      %dma_wait3A_1019 = arith.constant 0 : i32
      %dma_wait3A_1020 = tpu.memref_slice %arg10[%dma_wait3A_1017, %dma_wait3A_1018, %dma_wait3A_1019] : memref<5x8x128xi32, #tpu.memory_space<vmem>> -> memref<1x1x128xi32, #tpu.memory_space<vmem>>
      %dma_wait3A_1021 = tpu.memref_squeeze %dma_wait3A_1020 : memref<1x1x128xi32, #tpu.memory_space<vmem>> -> memref<128xi32, #tpu.memory_space<vmem>>
      %dma_wait3A_1022 = arith.constant 0 : i32
      %dma_wait3A_1023 = arith.constant 0 : i32
      %dma_wait3A_1024 = tpu.memref_slice %arg2[%dma_wait3A_1022, %dma_wait3A_1023] : memref<10000x128xf32, #tpu.memory_space<hbm>> -> memref<10000x128xf32, #tpu.memory_space<hbm>>
      tpu.wait_indirect_dma semaphore(%arg14 : memref<!tpu.dma_semaphore, #tpu.memory_space<semaphore_mem>>) src(%dma_wait3A_1024 : memref<10000x128xf32, #tpu.memory_space<hbm>>) dst(%arg12 : memref<128x128xf32, #tpu.memory_space<vmem>>)
      %dma_wait3A_1025 = arith.constant 2 : i32
      %dma_wait3A_1026 = arith.constant 3 : i32
      %dma_wait3A_1027 = arith.constant 0 : i32
      %dma_wait3A_1028 = tpu.memref_slice %arg11[%dma_wait3A_1025, %dma_wait3A_1026, %dma_wait3A_1027] : memref<5x8x128xi32, #tpu.memory_space<vmem>> -> memref<1x1x128xi32, #tpu.memory_space<vmem>>
      %dma_wait3A_1029 = tpu.memref_squeeze %dma_wait3A_1028 : memref<1x1x128xi32, #tpu.memory_space<vmem>> -> memref<128xi32, #tpu.memory_space<vmem>>
      %dma_wait3A_1030 = arith.constant 0 : i32
      %dma_wait3A_1031 = arith.constant 0 : i32
      %dma_wait3A_1032 = tpu.memref_slice %arg9[%dma_wait3A_1030, %dma_wait3A_1031] : memref<10896x128xf32, #tpu.memory_space<vmem_shared>> -> memref<10896x128xf32, #tpu.memory_space<vmem_shared>>
      tpu.wait_indirect_dma semaphore(%arg17 : memref<!tpu.dma_semaphore, #tpu.memory_space<semaphore_mem>>) src(%arg13 : memref<128x128xf32, #tpu.memory_space<vmem>>) dst(%dma_wait3A_1032 : memref<10896x128xf32, #tpu.memory_space<vmem_shared>>)
      %dma_start3A_1033 = arith.constant 2 : i32
      %dma_start3A_1034 = arith.constant 5 : i32
      %dma_start3A_1035 = arith.constant 0 : i32
      %dma_start3A_1036 = tpu.memref_slice %arg10[%dma_start3A_1033, %dma_start3A_1034, %dma_start3A_1035] : memref<5x8x128xi32, #tpu.memory_space<vmem>> -> memref<1x1x128xi32, #tpu.memory_space<vmem>>
      %dma_start3A_1037 = tpu.memref_squeeze %dma_start3A_1036 : memref<1x1x128xi32, #tpu.memory_space<vmem>> -> memref<128xi32, #tpu.memory_space<vmem>>
      %dma_start3A_1038 = arith.constant 0 : i32
      %dma_start3A_1039 = arith.constant 0 : i32
      %dma_start3A_1040 = tpu.memref_slice %arg2[%dma_start3A_1038, %dma_start3A_1039] : memref<10000x128xf32, #tpu.memory_space<hbm>> -> memref<10000x128xf32, #tpu.memory_space<hbm>>
      tpu.enqueue_indirect_dma source(%dma_start3A_1040 : memref<10000x128xf32, #tpu.memory_space<hbm>>) target(%arg13 : memref<128x128xf32, #tpu.memory_space<vmem>>) offsets(%dma_start3A_1037 : memref<128xi32, #tpu.memory_space<vmem>>) semaphore(%arg15 : memref<!tpu.dma_semaphore, #tpu.memory_space<semaphore_mem>>)
      %dma_start3A_1041 = arith.constant 2 : i32
      %dma_start3A_1042 = arith.constant 4 : i32
      %dma_start3A_1043 = arith.constant 0 : i32
      %dma_start3A_1044 = tpu.memref_slice %arg11[%dma_start3A_1041, %dma_start3A_1042, %dma_start3A_1043] : memref<5x8x128xi32, #tpu.memory_space<vmem>> -> memref<1x1x128xi32, #tpu.memory_space<vmem>>
      %dma_start3A_1045 = tpu.memref_squeeze %dma_start3A_1044 : memref<1x1x128xi32, #tpu.memory_space<vmem>> -> memref<128xi32, #tpu.memory_space<vmem>>
      %dma_start3A_1046 = arith.constant 0 : i32
      %dma_start3A_1047 = arith.constant 0 : i32
      %dma_start3A_1048 = tpu.memref_slice %arg9[%dma_start3A_1046, %dma_start3A_1047] : memref<10896x128xf32, #tpu.memory_space<vmem_shared>> -> memref<10896x128xf32, #tpu.memory_space<vmem_shared>>
      tpu.enqueue_indirect_dma source(%arg12 : memref<128x128xf32, #tpu.memory_space<vmem>>) target(%dma_start3A_1048 : memref<10896x128xf32, #tpu.memory_space<vmem_shared>>) offsets(%dma_start3A_1045 : memref<128xi32, #tpu.memory_space<vmem>>) semaphore(%arg16 : memref<!tpu.dma_semaphore, #tpu.memory_space<semaphore_mem>>) {add = true}
      %dma_wait3A_1049 = arith.constant 2 : i32
      %dma_wait3A_1050 = arith.constant 5 : i32
      %dma_wait3A_1051 = arith.constant 0 : i32
      %dma_wait3A_1052 = tpu.memref_slice %arg10[%dma_wait3A_1049, %dma_wait3A_1050, %dma_wait3A_1051] : memref<5x8x128xi32, #tpu.memory_space<vmem>> -> memref<1x1x128xi32, #tpu.memory_space<vmem>>
      %dma_wait3A_1053 = tpu.memref_squeeze %dma_wait3A_1052 : memref<1x1x128xi32, #tpu.memory_space<vmem>> -> memref<128xi32, #tpu.memory_space<vmem>>
      %dma_wait3A_1054 = arith.constant 0 : i32
      %dma_wait3A_1055 = arith.constant 0 : i32
      %dma_wait3A_1056 = tpu.memref_slice %arg2[%dma_wait3A_1054, %dma_wait3A_1055] : memref<10000x128xf32, #tpu.memory_space<hbm>> -> memref<10000x128xf32, #tpu.memory_space<hbm>>
      tpu.wait_indirect_dma semaphore(%arg15 : memref<!tpu.dma_semaphore, #tpu.memory_space<semaphore_mem>>) src(%dma_wait3A_1056 : memref<10000x128xf32, #tpu.memory_space<hbm>>) dst(%arg13 : memref<128x128xf32, #tpu.memory_space<vmem>>)
      %dma_wait3A_1057 = arith.constant 2 : i32
      %dma_wait3A_1058 = arith.constant 4 : i32
      %dma_wait3A_1059 = arith.constant 0 : i32
      %dma_wait3A_1060 = tpu.memref_slice %arg11[%dma_wait3A_1057, %dma_wait3A_1058, %dma_wait3A_1059] : memref<5x8x128xi32, #tpu.memory_space<vmem>> -> memref<1x1x128xi32, #tpu.memory_space<vmem>>
      %dma_wait3A_1061 = tpu.memref_squeeze %dma_wait3A_1060 : memref<1x1x128xi32, #tpu.memory_space<vmem>> -> memref<128xi32, #tpu.memory_space<vmem>>
      %dma_wait3A_1062 = arith.constant 0 : i32
      %dma_wait3A_1063 = arith.constant 0 : i32
      %dma_wait3A_1064 = tpu.memref_slice %arg9[%dma_wait3A_1062, %dma_wait3A_1063] : memref<10896x128xf32, #tpu.memory_space<vmem_shared>> -> memref<10896x128xf32, #tpu.memory_space<vmem_shared>>
      tpu.wait_indirect_dma semaphore(%arg16 : memref<!tpu.dma_semaphore, #tpu.memory_space<semaphore_mem>>) src(%arg12 : memref<128x128xf32, #tpu.memory_space<vmem>>) dst(%dma_wait3A_1064 : memref<10896x128xf32, #tpu.memory_space<vmem_shared>>)
      %dma_start3A_1065 = arith.constant 2 : i32
      %dma_start3A_1066 = arith.constant 6 : i32
      %dma_start3A_1067 = arith.constant 0 : i32
      %dma_start3A_1068 = tpu.memref_slice %arg10[%dma_start3A_1065, %dma_start3A_1066, %dma_start3A_1067] : memref<5x8x128xi32, #tpu.memory_space<vmem>> -> memref<1x1x128xi32, #tpu.memory_space<vmem>>
      %dma_start3A_1069 = tpu.memref_squeeze %dma_start3A_1068 : memref<1x1x128xi32, #tpu.memory_space<vmem>> -> memref<128xi32, #tpu.memory_space<vmem>>
      %dma_start3A_1070 = arith.constant 0 : i32
      %dma_start3A_1071 = arith.constant 0 : i32
      %dma_start3A_1072 = tpu.memref_slice %arg2[%dma_start3A_1070, %dma_start3A_1071] : memref<10000x128xf32, #tpu.memory_space<hbm>> -> memref<10000x128xf32, #tpu.memory_space<hbm>>
      tpu.enqueue_indirect_dma source(%dma_start3A_1072 : memref<10000x128xf32, #tpu.memory_space<hbm>>) target(%arg12 : memref<128x128xf32, #tpu.memory_space<vmem>>) offsets(%dma_start3A_1069 : memref<128xi32, #tpu.memory_space<vmem>>) semaphore(%arg14 : memref<!tpu.dma_semaphore, #tpu.memory_space<semaphore_mem>>)
      %dma_start3A_1073 = arith.constant 2 : i32
      %dma_start3A_1074 = arith.constant 5 : i32
      %dma_start3A_1075 = arith.constant 0 : i32
      %dma_start3A_1076 = tpu.memref_slice %arg11[%dma_start3A_1073, %dma_start3A_1074, %dma_start3A_1075] : memref<5x8x128xi32, #tpu.memory_space<vmem>> -> memref<1x1x128xi32, #tpu.memory_space<vmem>>
      %dma_start3A_1077 = tpu.memref_squeeze %dma_start3A_1076 : memref<1x1x128xi32, #tpu.memory_space<vmem>> -> memref<128xi32, #tpu.memory_space<vmem>>
      %dma_start3A_1078 = arith.constant 0 : i32
      %dma_start3A_1079 = arith.constant 0 : i32
      %dma_start3A_1080 = tpu.memref_slice %arg9[%dma_start3A_1078, %dma_start3A_1079] : memref<10896x128xf32, #tpu.memory_space<vmem_shared>> -> memref<10896x128xf32, #tpu.memory_space<vmem_shared>>
      tpu.enqueue_indirect_dma source(%arg13 : memref<128x128xf32, #tpu.memory_space<vmem>>) target(%dma_start3A_1080 : memref<10896x128xf32, #tpu.memory_space<vmem_shared>>) offsets(%dma_start3A_1077 : memref<128xi32, #tpu.memory_space<vmem>>) semaphore(%arg17 : memref<!tpu.dma_semaphore, #tpu.memory_space<semaphore_mem>>) {add = true}
      %dma_wait3A_1081 = arith.constant 2 : i32
      %dma_wait3A_1082 = arith.constant 6 : i32
      %dma_wait3A_1083 = arith.constant 0 : i32
      %dma_wait3A_1084 = tpu.memref_slice %arg10[%dma_wait3A_1081, %dma_wait3A_1082, %dma_wait3A_1083] : memref<5x8x128xi32, #tpu.memory_space<vmem>> -> memref<1x1x128xi32, #tpu.memory_space<vmem>>
      %dma_wait3A_1085 = tpu.memref_squeeze %dma_wait3A_1084 : memref<1x1x128xi32, #tpu.memory_space<vmem>> -> memref<128xi32, #tpu.memory_space<vmem>>
      %dma_wait3A_1086 = arith.constant 0 : i32
      %dma_wait3A_1087 = arith.constant 0 : i32
      %dma_wait3A_1088 = tpu.memref_slice %arg2[%dma_wait3A_1086, %dma_wait3A_1087] : memref<10000x128xf32, #tpu.memory_space<hbm>> -> memref<10000x128xf32, #tpu.memory_space<hbm>>
      tpu.wait_indirect_dma semaphore(%arg14 : memref<!tpu.dma_semaphore, #tpu.memory_space<semaphore_mem>>) src(%dma_wait3A_1088 : memref<10000x128xf32, #tpu.memory_space<hbm>>) dst(%arg12 : memref<128x128xf32, #tpu.memory_space<vmem>>)
      %dma_wait3A_1089 = arith.constant 2 : i32
      %dma_wait3A_1090 = arith.constant 5 : i32
      %dma_wait3A_1091 = arith.constant 0 : i32
      %dma_wait3A_1092 = tpu.memref_slice %arg11[%dma_wait3A_1089, %dma_wait3A_1090, %dma_wait3A_1091] : memref<5x8x128xi32, #tpu.memory_space<vmem>> -> memref<1x1x128xi32, #tpu.memory_space<vmem>>
      %dma_wait3A_1093 = tpu.memref_squeeze %dma_wait3A_1092 : memref<1x1x128xi32, #tpu.memory_space<vmem>> -> memref<128xi32, #tpu.memory_space<vmem>>
      %dma_wait3A_1094 = arith.constant 0 : i32
      %dma_wait3A_1095 = arith.constant 0 : i32
      %dma_wait3A_1096 = tpu.memref_slice %arg9[%dma_wait3A_1094, %dma_wait3A_1095] : memref<10896x128xf32, #tpu.memory_space<vmem_shared>> -> memref<10896x128xf32, #tpu.memory_space<vmem_shared>>
      tpu.wait_indirect_dma semaphore(%arg17 : memref<!tpu.dma_semaphore, #tpu.memory_space<semaphore_mem>>) src(%arg13 : memref<128x128xf32, #tpu.memory_space<vmem>>) dst(%dma_wait3A_1096 : memref<10896x128xf32, #tpu.memory_space<vmem_shared>>)
      %dma_start3A_1097 = arith.constant 2 : i32
      %dma_start3A_1098 = arith.constant 7 : i32
      %dma_start3A_1099 = arith.constant 0 : i32
      %dma_start3A_1100 = tpu.memref_slice %arg10[%dma_start3A_1097, %dma_start3A_1098, %dma_start3A_1099] : memref<5x8x128xi32, #tpu.memory_space<vmem>> -> memref<1x1x128xi32, #tpu.memory_space<vmem>>
      %dma_start3A_1101 = tpu.memref_squeeze %dma_start3A_1100 : memref<1x1x128xi32, #tpu.memory_space<vmem>> -> memref<128xi32, #tpu.memory_space<vmem>>
      %dma_start3A_1102 = arith.constant 0 : i32
      %dma_start3A_1103 = arith.constant 0 : i32
      %dma_start3A_1104 = tpu.memref_slice %arg2[%dma_start3A_1102, %dma_start3A_1103] : memref<10000x128xf32, #tpu.memory_space<hbm>> -> memref<10000x128xf32, #tpu.memory_space<hbm>>
      tpu.enqueue_indirect_dma source(%dma_start3A_1104 : memref<10000x128xf32, #tpu.memory_space<hbm>>) target(%arg13 : memref<128x128xf32, #tpu.memory_space<vmem>>) offsets(%dma_start3A_1101 : memref<128xi32, #tpu.memory_space<vmem>>) semaphore(%arg15 : memref<!tpu.dma_semaphore, #tpu.memory_space<semaphore_mem>>)
      %dma_start3A_1105 = arith.constant 2 : i32
      %dma_start3A_1106 = arith.constant 6 : i32
      %dma_start3A_1107 = arith.constant 0 : i32
      %dma_start3A_1108 = tpu.memref_slice %arg11[%dma_start3A_1105, %dma_start3A_1106, %dma_start3A_1107] : memref<5x8x128xi32, #tpu.memory_space<vmem>> -> memref<1x1x128xi32, #tpu.memory_space<vmem>>
      %dma_start3A_1109 = tpu.memref_squeeze %dma_start3A_1108 : memref<1x1x128xi32, #tpu.memory_space<vmem>> -> memref<128xi32, #tpu.memory_space<vmem>>
      %dma_start3A_1110 = arith.constant 0 : i32
      %dma_start3A_1111 = arith.constant 0 : i32
      %dma_start3A_1112 = tpu.memref_slice %arg9[%dma_start3A_1110, %dma_start3A_1111] : memref<10896x128xf32, #tpu.memory_space<vmem_shared>> -> memref<10896x128xf32, #tpu.memory_space<vmem_shared>>
      tpu.enqueue_indirect_dma source(%arg12 : memref<128x128xf32, #tpu.memory_space<vmem>>) target(%dma_start3A_1112 : memref<10896x128xf32, #tpu.memory_space<vmem_shared>>) offsets(%dma_start3A_1109 : memref<128xi32, #tpu.memory_space<vmem>>) semaphore(%arg16 : memref<!tpu.dma_semaphore, #tpu.memory_space<semaphore_mem>>) {add = true}
      %dma_wait3A_1113 = arith.constant 2 : i32
      %dma_wait3A_1114 = arith.constant 7 : i32
      %dma_wait3A_1115 = arith.constant 0 : i32
      %dma_wait3A_1116 = tpu.memref_slice %arg10[%dma_wait3A_1113, %dma_wait3A_1114, %dma_wait3A_1115] : memref<5x8x128xi32, #tpu.memory_space<vmem>> -> memref<1x1x128xi32, #tpu.memory_space<vmem>>
      %dma_wait3A_1117 = tpu.memref_squeeze %dma_wait3A_1116 : memref<1x1x128xi32, #tpu.memory_space<vmem>> -> memref<128xi32, #tpu.memory_space<vmem>>
      %dma_wait3A_1118 = arith.constant 0 : i32
      %dma_wait3A_1119 = arith.constant 0 : i32
      %dma_wait3A_1120 = tpu.memref_slice %arg2[%dma_wait3A_1118, %dma_wait3A_1119] : memref<10000x128xf32, #tpu.memory_space<hbm>> -> memref<10000x128xf32, #tpu.memory_space<hbm>>
      tpu.wait_indirect_dma semaphore(%arg15 : memref<!tpu.dma_semaphore, #tpu.memory_space<semaphore_mem>>) src(%dma_wait3A_1120 : memref<10000x128xf32, #tpu.memory_space<hbm>>) dst(%arg13 : memref<128x128xf32, #tpu.memory_space<vmem>>)
      %dma_wait3A_1121 = arith.constant 3 : i32
      %dma_wait3A_1122 = arith.constant 0 : i32
      %dma_wait3A_1123 = arith.constant 0 : i32
      %dma_wait3A_1124 = tpu.memref_slice %arg10[%dma_wait3A_1121, %dma_wait3A_1122, %dma_wait3A_1123] : memref<5x8x128xi32, #tpu.memory_space<vmem>> -> memref<1x8x128xi32, #tpu.memory_space<vmem>>
      %dma_wait3A_1125 = tpu.memref_squeeze %dma_wait3A_1124 : memref<1x8x128xi32, #tpu.memory_space<vmem>> -> memref<8x128xi32, #tpu.memory_space<vmem>>
      %dma_wait3A_1126 = arith.constant 0 : i32
      %dma_wait3A_1127 = arith.constant 0 : i32
      %dma_wait3A_1128 = tpu.memref_slice %arg4[%dma_wait3A_1126, %dma_wait3A_1127] : memref<2560x128xi32, #tpu.memory_space<hbm>> -> memref<8x128xi32, #tpu.memory_space<hbm>>
      %dma_wait3A_1129 = arith.constant 0 : i32
      %dma_wait3A_1130 = arith.constant 0 : i32
      %dma_wait3A_1131 = tpu.memref_slice %arg10[%dma_wait3A_1121, %dma_wait3A_1129, %dma_wait3A_1130] : memref<5x8x128xi32, #tpu.memory_space<vmem>> -> memref<1x8x128xi32, #tpu.memory_space<vmem>>
      %dma_wait3A_1132 = tpu.memref_squeeze %dma_wait3A_1131 : memref<1x8x128xi32, #tpu.memory_space<vmem>> -> memref<8x128xi32, #tpu.memory_space<vmem>>
      %dma_wait3A_1133 = arith.constant 0 : i32
      %dma_wait3A_1134 = arith.constant 0 : i32
      %dma_wait3A_1135 = tpu.memref_slice %arg4[%dma_wait3A_1133, %dma_wait3A_1134] : memref<2560x128xi32, #tpu.memory_space<hbm>> -> memref<8x128xi32, #tpu.memory_space<hbm>>
      tpu.wait_dma2 semaphore(%arg18 : memref<!tpu.dma_semaphore, #tpu.memory_space<semaphore_mem>>) src(%dma_wait3A_1135 : memref<8x128xi32, #tpu.memory_space<hbm>>) dst(%dma_wait3A_1132 : memref<8x128xi32, #tpu.memory_space<vmem>>)
      %dma_wait3A_1136 = arith.constant 3 : i32
      %dma_wait3A_1137 = arith.constant 0 : i32
      %dma_wait3A_1138 = arith.constant 0 : i32
      %dma_wait3A_1139 = tpu.memref_slice %arg11[%dma_wait3A_1136, %dma_wait3A_1137, %dma_wait3A_1138] : memref<5x8x128xi32, #tpu.memory_space<vmem>> -> memref<1x8x128xi32, #tpu.memory_space<vmem>>
      %dma_wait3A_1140 = tpu.memref_squeeze %dma_wait3A_1139 : memref<1x8x128xi32, #tpu.memory_space<vmem>> -> memref<8x128xi32, #tpu.memory_space<vmem>>
      %dma_wait3A_1141 = arith.constant 0 : i32
      %dma_wait3A_1142 = arith.constant 0 : i32
      %dma_wait3A_1143 = tpu.memref_slice %arg3[%dma_wait3A_1141, %dma_wait3A_1142] : memref<2560x128xi32, #tpu.memory_space<hbm>> -> memref<8x128xi32, #tpu.memory_space<hbm>>
      %dma_wait3A_1144 = arith.constant 0 : i32
      %dma_wait3A_1145 = arith.constant 0 : i32
      %dma_wait3A_1146 = tpu.memref_slice %arg11[%dma_wait3A_1136, %dma_wait3A_1144, %dma_wait3A_1145] : memref<5x8x128xi32, #tpu.memory_space<vmem>> -> memref<1x8x128xi32, #tpu.memory_space<vmem>>
      %dma_wait3A_1147 = tpu.memref_squeeze %dma_wait3A_1146 : memref<1x8x128xi32, #tpu.memory_space<vmem>> -> memref<8x128xi32, #tpu.memory_space<vmem>>
      %dma_wait3A_1148 = arith.constant 0 : i32
      %dma_wait3A_1149 = arith.constant 0 : i32
      %dma_wait3A_1150 = tpu.memref_slice %arg3[%dma_wait3A_1148, %dma_wait3A_1149] : memref<2560x128xi32, #tpu.memory_space<hbm>> -> memref<8x128xi32, #tpu.memory_space<hbm>>
      tpu.wait_dma2 semaphore(%arg18 : memref<!tpu.dma_semaphore, #tpu.memory_space<semaphore_mem>>) src(%dma_wait3A_1150 : memref<8x128xi32, #tpu.memory_space<hbm>>) dst(%dma_wait3A_1147 : memref<8x128xi32, #tpu.memory_space<vmem>>)
      %dma_wait3A_1151 = arith.constant 2 : i32
      %dma_wait3A_1152 = arith.constant 6 : i32
      %dma_wait3A_1153 = arith.constant 0 : i32
      %dma_wait3A_1154 = tpu.memref_slice %arg11[%dma_wait3A_1151, %dma_wait3A_1152, %dma_wait3A_1153] : memref<5x8x128xi32, #tpu.memory_space<vmem>> -> memref<1x1x128xi32, #tpu.memory_space<vmem>>
      %dma_wait3A_1155 = tpu.memref_squeeze %dma_wait3A_1154 : memref<1x1x128xi32, #tpu.memory_space<vmem>> -> memref<128xi32, #tpu.memory_space<vmem>>
      %dma_wait3A_1156 = arith.constant 0 : i32
      %dma_wait3A_1157 = arith.constant 0 : i32
      %dma_wait3A_1158 = tpu.memref_slice %arg9[%dma_wait3A_1156, %dma_wait3A_1157] : memref<10896x128xf32, #tpu.memory_space<vmem_shared>> -> memref<10896x128xf32, #tpu.memory_space<vmem_shared>>
      tpu.wait_indirect_dma semaphore(%arg16 : memref<!tpu.dma_semaphore, #tpu.memory_space<semaphore_mem>>) src(%arg12 : memref<128x128xf32, #tpu.memory_space<vmem>>) dst(%dma_wait3A_1158 : memref<10896x128xf32, #tpu.memory_space<vmem_shared>>)
      %dma_start3A_1159 = arith.constant 3 : i32
      %dma_start3A_1160 = arith.constant 0 : i32
      %dma_start3A_1161 = arith.constant 0 : i32
      %dma_start3A_1162 = tpu.memref_slice %arg10[%dma_start3A_1159, %dma_start3A_1160, %dma_start3A_1161] : memref<5x8x128xi32, #tpu.memory_space<vmem>> -> memref<1x1x128xi32, #tpu.memory_space<vmem>>
      %dma_start3A_1163 = tpu.memref_squeeze %dma_start3A_1162 : memref<1x1x128xi32, #tpu.memory_space<vmem>> -> memref<128xi32, #tpu.memory_space<vmem>>
      %dma_start3A_1164 = arith.constant 0 : i32
      %dma_start3A_1165 = arith.constant 0 : i32
      %dma_start3A_1166 = tpu.memref_slice %arg2[%dma_start3A_1164, %dma_start3A_1165] : memref<10000x128xf32, #tpu.memory_space<hbm>> -> memref<10000x128xf32, #tpu.memory_space<hbm>>
      tpu.enqueue_indirect_dma source(%dma_start3A_1166 : memref<10000x128xf32, #tpu.memory_space<hbm>>) target(%arg12 : memref<128x128xf32, #tpu.memory_space<vmem>>) offsets(%dma_start3A_1163 : memref<128xi32, #tpu.memory_space<vmem>>) semaphore(%arg14 : memref<!tpu.dma_semaphore, #tpu.memory_space<semaphore_mem>>)
      %dma_start3A_1167 = arith.constant 2 : i32
      %dma_start3A_1168 = arith.constant 7 : i32
      %dma_start3A_1169 = arith.constant 0 : i32
      %dma_start3A_1170 = tpu.memref_slice %arg11[%dma_start3A_1167, %dma_start3A_1168, %dma_start3A_1169] : memref<5x8x128xi32, #tpu.memory_space<vmem>> -> memref<1x1x128xi32, #tpu.memory_space<vmem>>
      %dma_start3A_1171 = tpu.memref_squeeze %dma_start3A_1170 : memref<1x1x128xi32, #tpu.memory_space<vmem>> -> memref<128xi32, #tpu.memory_space<vmem>>
      %dma_start3A_1172 = arith.constant 0 : i32
      %dma_start3A_1173 = arith.constant 0 : i32
      %dma_start3A_1174 = tpu.memref_slice %arg9[%dma_start3A_1172, %dma_start3A_1173] : memref<10896x128xf32, #tpu.memory_space<vmem_shared>> -> memref<10896x128xf32, #tpu.memory_space<vmem_shared>>
      tpu.enqueue_indirect_dma source(%arg13 : memref<128x128xf32, #tpu.memory_space<vmem>>) target(%dma_start3A_1174 : memref<10896x128xf32, #tpu.memory_space<vmem_shared>>) offsets(%dma_start3A_1171 : memref<128xi32, #tpu.memory_space<vmem>>) semaphore(%arg17 : memref<!tpu.dma_semaphore, #tpu.memory_space<semaphore_mem>>) {add = true}
      %dma_wait3A_1175 = arith.constant 3 : i32
      %dma_wait3A_1176 = arith.constant 0 : i32
      %dma_wait3A_1177 = arith.constant 0 : i32
      %dma_wait3A_1178 = tpu.memref_slice %arg10[%dma_wait3A_1175, %dma_wait3A_1176, %dma_wait3A_1177] : memref<5x8x128xi32, #tpu.memory_space<vmem>> -> memref<1x1x128xi32, #tpu.memory_space<vmem>>
      %dma_wait3A_1179 = tpu.memref_squeeze %dma_wait3A_1178 : memref<1x1x128xi32, #tpu.memory_space<vmem>> -> memref<128xi32, #tpu.memory_space<vmem>>
      %dma_wait3A_1180 = arith.constant 0 : i32
      %dma_wait3A_1181 = arith.constant 0 : i32
      %dma_wait3A_1182 = tpu.memref_slice %arg2[%dma_wait3A_1180, %dma_wait3A_1181] : memref<10000x128xf32, #tpu.memory_space<hbm>> -> memref<10000x128xf32, #tpu.memory_space<hbm>>
      tpu.wait_indirect_dma semaphore(%arg14 : memref<!tpu.dma_semaphore, #tpu.memory_space<semaphore_mem>>) src(%dma_wait3A_1182 : memref<10000x128xf32, #tpu.memory_space<hbm>>) dst(%arg12 : memref<128x128xf32, #tpu.memory_space<vmem>>)
      %dma_wait3A_1183 = arith.constant 2 : i32
      %dma_wait3A_1184 = arith.constant 7 : i32
      %dma_wait3A_1185 = arith.constant 0 : i32
      %dma_wait3A_1186 = tpu.memref_slice %arg11[%dma_wait3A_1183, %dma_wait3A_1184, %dma_wait3A_1185] : memref<5x8x128xi32, #tpu.memory_space<vmem>> -> memref<1x1x128xi32, #tpu.memory_space<vmem>>
      %dma_wait3A_1187 = tpu.memref_squeeze %dma_wait3A_1186 : memref<1x1x128xi32, #tpu.memory_space<vmem>> -> memref<128xi32, #tpu.memory_space<vmem>>
      %dma_wait3A_1188 = arith.constant 0 : i32
      %dma_wait3A_1189 = arith.constant 0 : i32
      %dma_wait3A_1190 = tpu.memref_slice %arg9[%dma_wait3A_1188, %dma_wait3A_1189] : memref<10896x128xf32, #tpu.memory_space<vmem_shared>> -> memref<10896x128xf32, #tpu.memory_space<vmem_shared>>
      tpu.wait_indirect_dma semaphore(%arg17 : memref<!tpu.dma_semaphore, #tpu.memory_space<semaphore_mem>>) src(%arg13 : memref<128x128xf32, #tpu.memory_space<vmem>>) dst(%dma_wait3A_1190 : memref<10896x128xf32, #tpu.memory_space<vmem_shared>>)
      %dma_start3A_1191 = arith.constant 3 : i32
      %dma_start3A_1192 = arith.constant 1 : i32
      %dma_start3A_1193 = arith.constant 0 : i32
      %dma_start3A_1194 = tpu.memref_slice %arg10[%dma_start3A_1191, %dma_start3A_1192, %dma_start3A_1193] : memref<5x8x128xi32, #tpu.memory_space<vmem>> -> memref<1x1x128xi32, #tpu.memory_space<vmem>>
      %dma_start3A_1195 = tpu.memref_squeeze %dma_start3A_1194 : memref<1x1x128xi32, #tpu.memory_space<vmem>> -> memref<128xi32, #tpu.memory_space<vmem>>
      %dma_start3A_1196 = arith.constant 0 : i32
      %dma_start3A_1197 = arith.constant 0 : i32
      %dma_start3A_1198 = tpu.memref_slice %arg2[%dma_start3A_1196, %dma_start3A_1197] : memref<10000x128xf32, #tpu.memory_space<hbm>> -> memref<10000x128xf32, #tpu.memory_space<hbm>>
      tpu.enqueue_indirect_dma source(%dma_start3A_1198 : memref<10000x128xf32, #tpu.memory_space<hbm>>) target(%arg13 : memref<128x128xf32, #tpu.memory_space<vmem>>) offsets(%dma_start3A_1195 : memref<128xi32, #tpu.memory_space<vmem>>) semaphore(%arg15 : memref<!tpu.dma_semaphore, #tpu.memory_space<semaphore_mem>>)
      %dma_start3A_1199 = arith.constant 3 : i32
      %dma_start3A_1200 = arith.constant 0 : i32
      %dma_start3A_1201 = arith.constant 0 : i32
      %dma_start3A_1202 = tpu.memref_slice %arg11[%dma_start3A_1199, %dma_start3A_1200, %dma_start3A_1201] : memref<5x8x128xi32, #tpu.memory_space<vmem>> -> memref<1x1x128xi32, #tpu.memory_space<vmem>>
      %dma_start3A_1203 = tpu.memref_squeeze %dma_start3A_1202 : memref<1x1x128xi32, #tpu.memory_space<vmem>> -> memref<128xi32, #tpu.memory_space<vmem>>
      %dma_start3A_1204 = arith.constant 0 : i32
      %dma_start3A_1205 = arith.constant 0 : i32
      %dma_start3A_1206 = tpu.memref_slice %arg9[%dma_start3A_1204, %dma_start3A_1205] : memref<10896x128xf32, #tpu.memory_space<vmem_shared>> -> memref<10896x128xf32, #tpu.memory_space<vmem_shared>>
      tpu.enqueue_indirect_dma source(%arg12 : memref<128x128xf32, #tpu.memory_space<vmem>>) target(%dma_start3A_1206 : memref<10896x128xf32, #tpu.memory_space<vmem_shared>>) offsets(%dma_start3A_1203 : memref<128xi32, #tpu.memory_space<vmem>>) semaphore(%arg16 : memref<!tpu.dma_semaphore, #tpu.memory_space<semaphore_mem>>) {add = true}
      %dma_wait3A_1207 = arith.constant 3 : i32
      %dma_wait3A_1208 = arith.constant 1 : i32
      %dma_wait3A_1209 = arith.constant 0 : i32
      %dma_wait3A_1210 = tpu.memref_slice %arg10[%dma_wait3A_1207, %dma_wait3A_1208, %dma_wait3A_1209] : memref<5x8x128xi32, #tpu.memory_space<vmem>> -> memref<1x1x128xi32, #tpu.memory_space<vmem>>
      %dma_wait3A_1211 = tpu.memref_squeeze %dma_wait3A_1210 : memref<1x1x128xi32, #tpu.memory_space<vmem>> -> memref<128xi32, #tpu.memory_space<vmem>>
      %dma_wait3A_1212 = arith.constant 0 : i32
      %dma_wait3A_1213 = arith.constant 0 : i32
      %dma_wait3A_1214 = tpu.memref_slice %arg2[%dma_wait3A_1212, %dma_wait3A_1213] : memref<10000x128xf32, #tpu.memory_space<hbm>> -> memref<10000x128xf32, #tpu.memory_space<hbm>>
      tpu.wait_indirect_dma semaphore(%arg15 : memref<!tpu.dma_semaphore, #tpu.memory_space<semaphore_mem>>) src(%dma_wait3A_1214 : memref<10000x128xf32, #tpu.memory_space<hbm>>) dst(%arg13 : memref<128x128xf32, #tpu.memory_space<vmem>>)
      %dma_wait3A_1215 = arith.constant 3 : i32
      %dma_wait3A_1216 = arith.constant 0 : i32
      %dma_wait3A_1217 = arith.constant 0 : i32
      %dma_wait3A_1218 = tpu.memref_slice %arg11[%dma_wait3A_1215, %dma_wait3A_1216, %dma_wait3A_1217] : memref<5x8x128xi32, #tpu.memory_space<vmem>> -> memref<1x1x128xi32, #tpu.memory_space<vmem>>
      %dma_wait3A_1219 = tpu.memref_squeeze %dma_wait3A_1218 : memref<1x1x128xi32, #tpu.memory_space<vmem>> -> memref<128xi32, #tpu.memory_space<vmem>>
      %dma_wait3A_1220 = arith.constant 0 : i32
      %dma_wait3A_1221 = arith.constant 0 : i32
      %dma_wait3A_1222 = tpu.memref_slice %arg9[%dma_wait3A_1220, %dma_wait3A_1221] : memref<10896x128xf32, #tpu.memory_space<vmem_shared>> -> memref<10896x128xf32, #tpu.memory_space<vmem_shared>>
      tpu.wait_indirect_dma semaphore(%arg16 : memref<!tpu.dma_semaphore, #tpu.memory_space<semaphore_mem>>) src(%arg12 : memref<128x128xf32, #tpu.memory_space<vmem>>) dst(%dma_wait3A_1222 : memref<10896x128xf32, #tpu.memory_space<vmem_shared>>)
      %dma_start3A_1223 = arith.constant 3 : i32
      %dma_start3A_1224 = arith.constant 2 : i32
      %dma_start3A_1225 = arith.constant 0 : i32
      %dma_start3A_1226 = tpu.memref_slice %arg10[%dma_start3A_1223, %dma_start3A_1224, %dma_start3A_1225] : memref<5x8x128xi32, #tpu.memory_space<vmem>> -> memref<1x1x128xi32, #tpu.memory_space<vmem>>
      %dma_start3A_1227 = tpu.memref_squeeze %dma_start3A_1226 : memref<1x1x128xi32, #tpu.memory_space<vmem>> -> memref<128xi32, #tpu.memory_space<vmem>>
      %dma_start3A_1228 = arith.constant 0 : i32
      %dma_start3A_1229 = arith.constant 0 : i32
      %dma_start3A_1230 = tpu.memref_slice %arg2[%dma_start3A_1228, %dma_start3A_1229] : memref<10000x128xf32, #tpu.memory_space<hbm>> -> memref<10000x128xf32, #tpu.memory_space<hbm>>
      tpu.enqueue_indirect_dma source(%dma_start3A_1230 : memref<10000x128xf32, #tpu.memory_space<hbm>>) target(%arg12 : memref<128x128xf32, #tpu.memory_space<vmem>>) offsets(%dma_start3A_1227 : memref<128xi32, #tpu.memory_space<vmem>>) semaphore(%arg14 : memref<!tpu.dma_semaphore, #tpu.memory_space<semaphore_mem>>)
      %dma_start3A_1231 = arith.constant 3 : i32
      %dma_start3A_1232 = arith.constant 1 : i32
      %dma_start3A_1233 = arith.constant 0 : i32
      %dma_start3A_1234 = tpu.memref_slice %arg11[%dma_start3A_1231, %dma_start3A_1232, %dma_start3A_1233] : memref<5x8x128xi32, #tpu.memory_space<vmem>> -> memref<1x1x128xi32, #tpu.memory_space<vmem>>
      %dma_start3A_1235 = tpu.memref_squeeze %dma_start3A_1234 : memref<1x1x128xi32, #tpu.memory_space<vmem>> -> memref<128xi32, #tpu.memory_space<vmem>>
      %dma_start3A_1236 = arith.constant 0 : i32
      %dma_start3A_1237 = arith.constant 0 : i32
      %dma_start3A_1238 = tpu.memref_slice %arg9[%dma_start3A_1236, %dma_start3A_1237] : memref<10896x128xf32, #tpu.memory_space<vmem_shared>> -> memref<10896x128xf32, #tpu.memory_space<vmem_shared>>
      tpu.enqueue_indirect_dma source(%arg13 : memref<128x128xf32, #tpu.memory_space<vmem>>) target(%dma_start3A_1238 : memref<10896x128xf32, #tpu.memory_space<vmem_shared>>) offsets(%dma_start3A_1235 : memref<128xi32, #tpu.memory_space<vmem>>) semaphore(%arg17 : memref<!tpu.dma_semaphore, #tpu.memory_space<semaphore_mem>>) {add = true}
      %dma_wait3A_1239 = arith.constant 3 : i32
      %dma_wait3A_1240 = arith.constant 2 : i32
      %dma_wait3A_1241 = arith.constant 0 : i32
      %dma_wait3A_1242 = tpu.memref_slice %arg10[%dma_wait3A_1239, %dma_wait3A_1240, %dma_wait3A_1241] : memref<5x8x128xi32, #tpu.memory_space<vmem>> -> memref<1x1x128xi32, #tpu.memory_space<vmem>>
      %dma_wait3A_1243 = tpu.memref_squeeze %dma_wait3A_1242 : memref<1x1x128xi32, #tpu.memory_space<vmem>> -> memref<128xi32, #tpu.memory_space<vmem>>
      %dma_wait3A_1244 = arith.constant 0 : i32
      %dma_wait3A_1245 = arith.constant 0 : i32
      %dma_wait3A_1246 = tpu.memref_slice %arg2[%dma_wait3A_1244, %dma_wait3A_1245] : memref<10000x128xf32, #tpu.memory_space<hbm>> -> memref<10000x128xf32, #tpu.memory_space<hbm>>
      tpu.wait_indirect_dma semaphore(%arg14 : memref<!tpu.dma_semaphore, #tpu.memory_space<semaphore_mem>>) src(%dma_wait3A_1246 : memref<10000x128xf32, #tpu.memory_space<hbm>>) dst(%arg12 : memref<128x128xf32, #tpu.memory_space<vmem>>)
      %dma_wait3A_1247 = arith.constant 3 : i32
      %dma_wait3A_1248 = arith.constant 1 : i32
      %dma_wait3A_1249 = arith.constant 0 : i32
      %dma_wait3A_1250 = tpu.memref_slice %arg11[%dma_wait3A_1247, %dma_wait3A_1248, %dma_wait3A_1249] : memref<5x8x128xi32, #tpu.memory_space<vmem>> -> memref<1x1x128xi32, #tpu.memory_space<vmem>>
      %dma_wait3A_1251 = tpu.memref_squeeze %dma_wait3A_1250 : memref<1x1x128xi32, #tpu.memory_space<vmem>> -> memref<128xi32, #tpu.memory_space<vmem>>
      %dma_wait3A_1252 = arith.constant 0 : i32
      %dma_wait3A_1253 = arith.constant 0 : i32
      %dma_wait3A_1254 = tpu.memref_slice %arg9[%dma_wait3A_1252, %dma_wait3A_1253] : memref<10896x128xf32, #tpu.memory_space<vmem_shared>> -> memref<10896x128xf32, #tpu.memory_space<vmem_shared>>
      tpu.wait_indirect_dma semaphore(%arg17 : memref<!tpu.dma_semaphore, #tpu.memory_space<semaphore_mem>>) src(%arg13 : memref<128x128xf32, #tpu.memory_space<vmem>>) dst(%dma_wait3A_1254 : memref<10896x128xf32, #tpu.memory_space<vmem_shared>>)
      %dma_start3A_1255 = arith.constant 3 : i32
      %dma_start3A_1256 = arith.constant 3 : i32
      %dma_start3A_1257 = arith.constant 0 : i32
      %dma_start3A_1258 = tpu.memref_slice %arg10[%dma_start3A_1255, %dma_start3A_1256, %dma_start3A_1257] : memref<5x8x128xi32, #tpu.memory_space<vmem>> -> memref<1x1x128xi32, #tpu.memory_space<vmem>>
      %dma_start3A_1259 = tpu.memref_squeeze %dma_start3A_1258 : memref<1x1x128xi32, #tpu.memory_space<vmem>> -> memref<128xi32, #tpu.memory_space<vmem>>
      %dma_start3A_1260 = arith.constant 0 : i32
      %dma_start3A_1261 = arith.constant 0 : i32
      %dma_start3A_1262 = tpu.memref_slice %arg2[%dma_start3A_1260, %dma_start3A_1261] : memref<10000x128xf32, #tpu.memory_space<hbm>> -> memref<10000x128xf32, #tpu.memory_space<hbm>>
      tpu.enqueue_indirect_dma source(%dma_start3A_1262 : memref<10000x128xf32, #tpu.memory_space<hbm>>) target(%arg13 : memref<128x128xf32, #tpu.memory_space<vmem>>) offsets(%dma_start3A_1259 : memref<128xi32, #tpu.memory_space<vmem>>) semaphore(%arg15 : memref<!tpu.dma_semaphore, #tpu.memory_space<semaphore_mem>>)
      %dma_start3A_1263 = arith.constant 3 : i32
      %dma_start3A_1264 = arith.constant 2 : i32
      %dma_start3A_1265 = arith.constant 0 : i32
      %dma_start3A_1266 = tpu.memref_slice %arg11[%dma_start3A_1263, %dma_start3A_1264, %dma_start3A_1265] : memref<5x8x128xi32, #tpu.memory_space<vmem>> -> memref<1x1x128xi32, #tpu.memory_space<vmem>>
      %dma_start3A_1267 = tpu.memref_squeeze %dma_start3A_1266 : memref<1x1x128xi32, #tpu.memory_space<vmem>> -> memref<128xi32, #tpu.memory_space<vmem>>
      %dma_start3A_1268 = arith.constant 0 : i32
      %dma_start3A_1269 = arith.constant 0 : i32
      %dma_start3A_1270 = tpu.memref_slice %arg9[%dma_start3A_1268, %dma_start3A_1269] : memref<10896x128xf32, #tpu.memory_space<vmem_shared>> -> memref<10896x128xf32, #tpu.memory_space<vmem_shared>>
      tpu.enqueue_indirect_dma source(%arg12 : memref<128x128xf32, #tpu.memory_space<vmem>>) target(%dma_start3A_1270 : memref<10896x128xf32, #tpu.memory_space<vmem_shared>>) offsets(%dma_start3A_1267 : memref<128xi32, #tpu.memory_space<vmem>>) semaphore(%arg16 : memref<!tpu.dma_semaphore, #tpu.memory_space<semaphore_mem>>) {add = true}
      %dma_wait3A_1271 = arith.constant 3 : i32
      %dma_wait3A_1272 = arith.constant 3 : i32
      %dma_wait3A_1273 = arith.constant 0 : i32
      %dma_wait3A_1274 = tpu.memref_slice %arg10[%dma_wait3A_1271, %dma_wait3A_1272, %dma_wait3A_1273] : memref<5x8x128xi32, #tpu.memory_space<vmem>> -> memref<1x1x128xi32, #tpu.memory_space<vmem>>
      %dma_wait3A_1275 = tpu.memref_squeeze %dma_wait3A_1274 : memref<1x1x128xi32, #tpu.memory_space<vmem>> -> memref<128xi32, #tpu.memory_space<vmem>>
      %dma_wait3A_1276 = arith.constant 0 : i32
      %dma_wait3A_1277 = arith.constant 0 : i32
      %dma_wait3A_1278 = tpu.memref_slice %arg2[%dma_wait3A_1276, %dma_wait3A_1277] : memref<10000x128xf32, #tpu.memory_space<hbm>> -> memref<10000x128xf32, #tpu.memory_space<hbm>>
      tpu.wait_indirect_dma semaphore(%arg15 : memref<!tpu.dma_semaphore, #tpu.memory_space<semaphore_mem>>) src(%dma_wait3A_1278 : memref<10000x128xf32, #tpu.memory_space<hbm>>) dst(%arg13 : memref<128x128xf32, #tpu.memory_space<vmem>>)
      %dma_wait3A_1279 = arith.constant 3 : i32
      %dma_wait3A_1280 = arith.constant 2 : i32
      %dma_wait3A_1281 = arith.constant 0 : i32
      %dma_wait3A_1282 = tpu.memref_slice %arg11[%dma_wait3A_1279, %dma_wait3A_1280, %dma_wait3A_1281] : memref<5x8x128xi32, #tpu.memory_space<vmem>> -> memref<1x1x128xi32, #tpu.memory_space<vmem>>
      %dma_wait3A_1283 = tpu.memref_squeeze %dma_wait3A_1282 : memref<1x1x128xi32, #tpu.memory_space<vmem>> -> memref<128xi32, #tpu.memory_space<vmem>>
      %dma_wait3A_1284 = arith.constant 0 : i32
      %dma_wait3A_1285 = arith.constant 0 : i32
      %dma_wait3A_1286 = tpu.memref_slice %arg9[%dma_wait3A_1284, %dma_wait3A_1285] : memref<10896x128xf32, #tpu.memory_space<vmem_shared>> -> memref<10896x128xf32, #tpu.memory_space<vmem_shared>>
      tpu.wait_indirect_dma semaphore(%arg16 : memref<!tpu.dma_semaphore, #tpu.memory_space<semaphore_mem>>) src(%arg12 : memref<128x128xf32, #tpu.memory_space<vmem>>) dst(%dma_wait3A_1286 : memref<10896x128xf32, #tpu.memory_space<vmem_shared>>)
      %dma_start3A_1287 = arith.constant 3 : i32
      %dma_start3A_1288 = arith.constant 4 : i32
      %dma_start3A_1289 = arith.constant 0 : i32
      %dma_start3A_1290 = tpu.memref_slice %arg10[%dma_start3A_1287, %dma_start3A_1288, %dma_start3A_1289] : memref<5x8x128xi32, #tpu.memory_space<vmem>> -> memref<1x1x128xi32, #tpu.memory_space<vmem>>
      %dma_start3A_1291 = tpu.memref_squeeze %dma_start3A_1290 : memref<1x1x128xi32, #tpu.memory_space<vmem>> -> memref<128xi32, #tpu.memory_space<vmem>>
      %dma_start3A_1292 = arith.constant 0 : i32
      %dma_start3A_1293 = arith.constant 0 : i32
      %dma_start3A_1294 = tpu.memref_slice %arg2[%dma_start3A_1292, %dma_start3A_1293] : memref<10000x128xf32, #tpu.memory_space<hbm>> -> memref<10000x128xf32, #tpu.memory_space<hbm>>
      tpu.enqueue_indirect_dma source(%dma_start3A_1294 : memref<10000x128xf32, #tpu.memory_space<hbm>>) target(%arg12 : memref<128x128xf32, #tpu.memory_space<vmem>>) offsets(%dma_start3A_1291 : memref<128xi32, #tpu.memory_space<vmem>>) semaphore(%arg14 : memref<!tpu.dma_semaphore, #tpu.memory_space<semaphore_mem>>)
      %dma_start3A_1295 = arith.constant 3 : i32
      %dma_start3A_1296 = arith.constant 3 : i32
      %dma_start3A_1297 = arith.constant 0 : i32
      %dma_start3A_1298 = tpu.memref_slice %arg11[%dma_start3A_1295, %dma_start3A_1296, %dma_start3A_1297] : memref<5x8x128xi32, #tpu.memory_space<vmem>> -> memref<1x1x128xi32, #tpu.memory_space<vmem>>
      %dma_start3A_1299 = tpu.memref_squeeze %dma_start3A_1298 : memref<1x1x128xi32, #tpu.memory_space<vmem>> -> memref<128xi32, #tpu.memory_space<vmem>>
      %dma_start3A_1300 = arith.constant 0 : i32
      %dma_start3A_1301 = arith.constant 0 : i32
      %dma_start3A_1302 = tpu.memref_slice %arg9[%dma_start3A_1300, %dma_start3A_1301] : memref<10896x128xf32, #tpu.memory_space<vmem_shared>> -> memref<10896x128xf32, #tpu.memory_space<vmem_shared>>
      tpu.enqueue_indirect_dma source(%arg13 : memref<128x128xf32, #tpu.memory_space<vmem>>) target(%dma_start3A_1302 : memref<10896x128xf32, #tpu.memory_space<vmem_shared>>) offsets(%dma_start3A_1299 : memref<128xi32, #tpu.memory_space<vmem>>) semaphore(%arg17 : memref<!tpu.dma_semaphore, #tpu.memory_space<semaphore_mem>>) {add = true}
      %dma_wait3A_1303 = arith.constant 3 : i32
      %dma_wait3A_1304 = arith.constant 4 : i32
      %dma_wait3A_1305 = arith.constant 0 : i32
      %dma_wait3A_1306 = tpu.memref_slice %arg10[%dma_wait3A_1303, %dma_wait3A_1304, %dma_wait3A_1305] : memref<5x8x128xi32, #tpu.memory_space<vmem>> -> memref<1x1x128xi32, #tpu.memory_space<vmem>>
      %dma_wait3A_1307 = tpu.memref_squeeze %dma_wait3A_1306 : memref<1x1x128xi32, #tpu.memory_space<vmem>> -> memref<128xi32, #tpu.memory_space<vmem>>
      %dma_wait3A_1308 = arith.constant 0 : i32
      %dma_wait3A_1309 = arith.constant 0 : i32
      %dma_wait3A_1310 = tpu.memref_slice %arg2[%dma_wait3A_1308, %dma_wait3A_1309] : memref<10000x128xf32, #tpu.memory_space<hbm>> -> memref<10000x128xf32, #tpu.memory_space<hbm>>
      tpu.wait_indirect_dma semaphore(%arg14 : memref<!tpu.dma_semaphore, #tpu.memory_space<semaphore_mem>>) src(%dma_wait3A_1310 : memref<10000x128xf32, #tpu.memory_space<hbm>>) dst(%arg12 : memref<128x128xf32, #tpu.memory_space<vmem>>)
      %dma_wait3A_1311 = arith.constant 3 : i32
      %dma_wait3A_1312 = arith.constant 3 : i32
      %dma_wait3A_1313 = arith.constant 0 : i32
      %dma_wait3A_1314 = tpu.memref_slice %arg11[%dma_wait3A_1311, %dma_wait3A_1312, %dma_wait3A_1313] : memref<5x8x128xi32, #tpu.memory_space<vmem>> -> memref<1x1x128xi32, #tpu.memory_space<vmem>>
      %dma_wait3A_1315 = tpu.memref_squeeze %dma_wait3A_1314 : memref<1x1x128xi32, #tpu.memory_space<vmem>> -> memref<128xi32, #tpu.memory_space<vmem>>
      %dma_wait3A_1316 = arith.constant 0 : i32
      %dma_wait3A_1317 = arith.constant 0 : i32
      %dma_wait3A_1318 = tpu.memref_slice %arg9[%dma_wait3A_1316, %dma_wait3A_1317] : memref<10896x128xf32, #tpu.memory_space<vmem_shared>> -> memref<10896x128xf32, #tpu.memory_space<vmem_shared>>
      tpu.wait_indirect_dma semaphore(%arg17 : memref<!tpu.dma_semaphore, #tpu.memory_space<semaphore_mem>>) src(%arg13 : memref<128x128xf32, #tpu.memory_space<vmem>>) dst(%dma_wait3A_1318 : memref<10896x128xf32, #tpu.memory_space<vmem_shared>>)
      %dma_start3A_1319 = arith.constant 3 : i32
      %dma_start3A_1320 = arith.constant 5 : i32
      %dma_start3A_1321 = arith.constant 0 : i32
      %dma_start3A_1322 = tpu.memref_slice %arg10[%dma_start3A_1319, %dma_start3A_1320, %dma_start3A_1321] : memref<5x8x128xi32, #tpu.memory_space<vmem>> -> memref<1x1x128xi32, #tpu.memory_space<vmem>>
      %dma_start3A_1323 = tpu.memref_squeeze %dma_start3A_1322 : memref<1x1x128xi32, #tpu.memory_space<vmem>> -> memref<128xi32, #tpu.memory_space<vmem>>
      %dma_start3A_1324 = arith.constant 0 : i32
      %dma_start3A_1325 = arith.constant 0 : i32
      %dma_start3A_1326 = tpu.memref_slice %arg2[%dma_start3A_1324, %dma_start3A_1325] : memref<10000x128xf32, #tpu.memory_space<hbm>> -> memref<10000x128xf32, #tpu.memory_space<hbm>>
      tpu.enqueue_indirect_dma source(%dma_start3A_1326 : memref<10000x128xf32, #tpu.memory_space<hbm>>) target(%arg13 : memref<128x128xf32, #tpu.memory_space<vmem>>) offsets(%dma_start3A_1323 : memref<128xi32, #tpu.memory_space<vmem>>) semaphore(%arg15 : memref<!tpu.dma_semaphore, #tpu.memory_space<semaphore_mem>>)
      %dma_start3A_1327 = arith.constant 3 : i32
      %dma_start3A_1328 = arith.constant 4 : i32
      %dma_start3A_1329 = arith.constant 0 : i32
      %dma_start3A_1330 = tpu.memref_slice %arg11[%dma_start3A_1327, %dma_start3A_1328, %dma_start3A_1329] : memref<5x8x128xi32, #tpu.memory_space<vmem>> -> memref<1x1x128xi32, #tpu.memory_space<vmem>>
      %dma_start3A_1331 = tpu.memref_squeeze %dma_start3A_1330 : memref<1x1x128xi32, #tpu.memory_space<vmem>> -> memref<128xi32, #tpu.memory_space<vmem>>
      %dma_start3A_1332 = arith.constant 0 : i32
      %dma_start3A_1333 = arith.constant 0 : i32
      %dma_start3A_1334 = tpu.memref_slice %arg9[%dma_start3A_1332, %dma_start3A_1333] : memref<10896x128xf32, #tpu.memory_space<vmem_shared>> -> memref<10896x128xf32, #tpu.memory_space<vmem_shared>>
      tpu.enqueue_indirect_dma source(%arg12 : memref<128x128xf32, #tpu.memory_space<vmem>>) target(%dma_start3A_1334 : memref<10896x128xf32, #tpu.memory_space<vmem_shared>>) offsets(%dma_start3A_1331 : memref<128xi32, #tpu.memory_space<vmem>>) semaphore(%arg16 : memref<!tpu.dma_semaphore, #tpu.memory_space<semaphore_mem>>) {add = true}
      %dma_wait3A_1335 = arith.constant 3 : i32
      %dma_wait3A_1336 = arith.constant 5 : i32
      %dma_wait3A_1337 = arith.constant 0 : i32
      %dma_wait3A_1338 = tpu.memref_slice %arg10[%dma_wait3A_1335, %dma_wait3A_1336, %dma_wait3A_1337] : memref<5x8x128xi32, #tpu.memory_space<vmem>> -> memref<1x1x128xi32, #tpu.memory_space<vmem>>
      %dma_wait3A_1339 = tpu.memref_squeeze %dma_wait3A_1338 : memref<1x1x128xi32, #tpu.memory_space<vmem>> -> memref<128xi32, #tpu.memory_space<vmem>>
      %dma_wait3A_1340 = arith.constant 0 : i32
      %dma_wait3A_1341 = arith.constant 0 : i32
      %dma_wait3A_1342 = tpu.memref_slice %arg2[%dma_wait3A_1340, %dma_wait3A_1341] : memref<10000x128xf32, #tpu.memory_space<hbm>> -> memref<10000x128xf32, #tpu.memory_space<hbm>>
      tpu.wait_indirect_dma semaphore(%arg15 : memref<!tpu.dma_semaphore, #tpu.memory_space<semaphore_mem>>) src(%dma_wait3A_1342 : memref<10000x128xf32, #tpu.memory_space<hbm>>) dst(%arg13 : memref<128x128xf32, #tpu.memory_space<vmem>>)
      %dma_wait3A_1343 = arith.constant 3 : i32
      %dma_wait3A_1344 = arith.constant 4 : i32
      %dma_wait3A_1345 = arith.constant 0 : i32
      %dma_wait3A_1346 = tpu.memref_slice %arg11[%dma_wait3A_1343, %dma_wait3A_1344, %dma_wait3A_1345] : memref<5x8x128xi32, #tpu.memory_space<vmem>> -> memref<1x1x128xi32, #tpu.memory_space<vmem>>
      %dma_wait3A_1347 = tpu.memref_squeeze %dma_wait3A_1346 : memref<1x1x128xi32, #tpu.memory_space<vmem>> -> memref<128xi32, #tpu.memory_space<vmem>>
      %dma_wait3A_1348 = arith.constant 0 : i32
      %dma_wait3A_1349 = arith.constant 0 : i32
      %dma_wait3A_1350 = tpu.memref_slice %arg9[%dma_wait3A_1348, %dma_wait3A_1349] : memref<10896x128xf32, #tpu.memory_space<vmem_shared>> -> memref<10896x128xf32, #tpu.memory_space<vmem_shared>>
      tpu.wait_indirect_dma semaphore(%arg16 : memref<!tpu.dma_semaphore, #tpu.memory_space<semaphore_mem>>) src(%arg12 : memref<128x128xf32, #tpu.memory_space<vmem>>) dst(%dma_wait3A_1350 : memref<10896x128xf32, #tpu.memory_space<vmem_shared>>)
      %dma_start3A_1351 = arith.constant 3 : i32
      %dma_start3A_1352 = arith.constant 6 : i32
      %dma_start3A_1353 = arith.constant 0 : i32
      %dma_start3A_1354 = tpu.memref_slice %arg10[%dma_start3A_1351, %dma_start3A_1352, %dma_start3A_1353] : memref<5x8x128xi32, #tpu.memory_space<vmem>> -> memref<1x1x128xi32, #tpu.memory_space<vmem>>
      %dma_start3A_1355 = tpu.memref_squeeze %dma_start3A_1354 : memref<1x1x128xi32, #tpu.memory_space<vmem>> -> memref<128xi32, #tpu.memory_space<vmem>>
      %dma_start3A_1356 = arith.constant 0 : i32
      %dma_start3A_1357 = arith.constant 0 : i32
      %dma_start3A_1358 = tpu.memref_slice %arg2[%dma_start3A_1356, %dma_start3A_1357] : memref<10000x128xf32, #tpu.memory_space<hbm>> -> memref<10000x128xf32, #tpu.memory_space<hbm>>
      tpu.enqueue_indirect_dma source(%dma_start3A_1358 : memref<10000x128xf32, #tpu.memory_space<hbm>>) target(%arg12 : memref<128x128xf32, #tpu.memory_space<vmem>>) offsets(%dma_start3A_1355 : memref<128xi32, #tpu.memory_space<vmem>>) semaphore(%arg14 : memref<!tpu.dma_semaphore, #tpu.memory_space<semaphore_mem>>)
      %dma_start3A_1359 = arith.constant 3 : i32
      %dma_start3A_1360 = arith.constant 5 : i32
      %dma_start3A_1361 = arith.constant 0 : i32
      %dma_start3A_1362 = tpu.memref_slice %arg11[%dma_start3A_1359, %dma_start3A_1360, %dma_start3A_1361] : memref<5x8x128xi32, #tpu.memory_space<vmem>> -> memref<1x1x128xi32, #tpu.memory_space<vmem>>
      %dma_start3A_1363 = tpu.memref_squeeze %dma_start3A_1362 : memref<1x1x128xi32, #tpu.memory_space<vmem>> -> memref<128xi32, #tpu.memory_space<vmem>>
      %dma_start3A_1364 = arith.constant 0 : i32
      %dma_start3A_1365 = arith.constant 0 : i32
      %dma_start3A_1366 = tpu.memref_slice %arg9[%dma_start3A_1364, %dma_start3A_1365] : memref<10896x128xf32, #tpu.memory_space<vmem_shared>> -> memref<10896x128xf32, #tpu.memory_space<vmem_shared>>
      tpu.enqueue_indirect_dma source(%arg13 : memref<128x128xf32, #tpu.memory_space<vmem>>) target(%dma_start3A_1366 : memref<10896x128xf32, #tpu.memory_space<vmem_shared>>) offsets(%dma_start3A_1363 : memref<128xi32, #tpu.memory_space<vmem>>) semaphore(%arg17 : memref<!tpu.dma_semaphore, #tpu.memory_space<semaphore_mem>>) {add = true}
      %dma_wait3A_1367 = arith.constant 3 : i32
      %dma_wait3A_1368 = arith.constant 6 : i32
      %dma_wait3A_1369 = arith.constant 0 : i32
      %dma_wait3A_1370 = tpu.memref_slice %arg10[%dma_wait3A_1367, %dma_wait3A_1368, %dma_wait3A_1369] : memref<5x8x128xi32, #tpu.memory_space<vmem>> -> memref<1x1x128xi32, #tpu.memory_space<vmem>>
      %dma_wait3A_1371 = tpu.memref_squeeze %dma_wait3A_1370 : memref<1x1x128xi32, #tpu.memory_space<vmem>> -> memref<128xi32, #tpu.memory_space<vmem>>
      %dma_wait3A_1372 = arith.constant 0 : i32
      %dma_wait3A_1373 = arith.constant 0 : i32
      %dma_wait3A_1374 = tpu.memref_slice %arg2[%dma_wait3A_1372, %dma_wait3A_1373] : memref<10000x128xf32, #tpu.memory_space<hbm>> -> memref<10000x128xf32, #tpu.memory_space<hbm>>
      tpu.wait_indirect_dma semaphore(%arg14 : memref<!tpu.dma_semaphore, #tpu.memory_space<semaphore_mem>>) src(%dma_wait3A_1374 : memref<10000x128xf32, #tpu.memory_space<hbm>>) dst(%arg12 : memref<128x128xf32, #tpu.memory_space<vmem>>)
      %dma_wait3A_1375 = arith.constant 3 : i32
      %dma_wait3A_1376 = arith.constant 5 : i32
      %dma_wait3A_1377 = arith.constant 0 : i32
      %dma_wait3A_1378 = tpu.memref_slice %arg11[%dma_wait3A_1375, %dma_wait3A_1376, %dma_wait3A_1377] : memref<5x8x128xi32, #tpu.memory_space<vmem>> -> memref<1x1x128xi32, #tpu.memory_space<vmem>>
      %dma_wait3A_1379 = tpu.memref_squeeze %dma_wait3A_1378 : memref<1x1x128xi32, #tpu.memory_space<vmem>> -> memref<128xi32, #tpu.memory_space<vmem>>
      %dma_wait3A_1380 = arith.constant 0 : i32
      %dma_wait3A_1381 = arith.constant 0 : i32
      %dma_wait3A_1382 = tpu.memref_slice %arg9[%dma_wait3A_1380, %dma_wait3A_1381] : memref<10896x128xf32, #tpu.memory_space<vmem_shared>> -> memref<10896x128xf32, #tpu.memory_space<vmem_shared>>
      tpu.wait_indirect_dma semaphore(%arg17 : memref<!tpu.dma_semaphore, #tpu.memory_space<semaphore_mem>>) src(%arg13 : memref<128x128xf32, #tpu.memory_space<vmem>>) dst(%dma_wait3A_1382 : memref<10896x128xf32, #tpu.memory_space<vmem_shared>>)
      %dma_start3A_1383 = arith.constant 3 : i32
      %dma_start3A_1384 = arith.constant 7 : i32
      %dma_start3A_1385 = arith.constant 0 : i32
      %dma_start3A_1386 = tpu.memref_slice %arg10[%dma_start3A_1383, %dma_start3A_1384, %dma_start3A_1385] : memref<5x8x128xi32, #tpu.memory_space<vmem>> -> memref<1x1x128xi32, #tpu.memory_space<vmem>>
      %dma_start3A_1387 = tpu.memref_squeeze %dma_start3A_1386 : memref<1x1x128xi32, #tpu.memory_space<vmem>> -> memref<128xi32, #tpu.memory_space<vmem>>
      %dma_start3A_1388 = arith.constant 0 : i32
      %dma_start3A_1389 = arith.constant 0 : i32
      %dma_start3A_1390 = tpu.memref_slice %arg2[%dma_start3A_1388, %dma_start3A_1389] : memref<10000x128xf32, #tpu.memory_space<hbm>> -> memref<10000x128xf32, #tpu.memory_space<hbm>>
      tpu.enqueue_indirect_dma source(%dma_start3A_1390 : memref<10000x128xf32, #tpu.memory_space<hbm>>) target(%arg13 : memref<128x128xf32, #tpu.memory_space<vmem>>) offsets(%dma_start3A_1387 : memref<128xi32, #tpu.memory_space<vmem>>) semaphore(%arg15 : memref<!tpu.dma_semaphore, #tpu.memory_space<semaphore_mem>>)
      %dma_start3A_1391 = arith.constant 3 : i32
      %dma_start3A_1392 = arith.constant 6 : i32
      %dma_start3A_1393 = arith.constant 0 : i32
      %dma_start3A_1394 = tpu.memref_slice %arg11[%dma_start3A_1391, %dma_start3A_1392, %dma_start3A_1393] : memref<5x8x128xi32, #tpu.memory_space<vmem>> -> memref<1x1x128xi32, #tpu.memory_space<vmem>>
      %dma_start3A_1395 = tpu.memref_squeeze %dma_start3A_1394 : memref<1x1x128xi32, #tpu.memory_space<vmem>> -> memref<128xi32, #tpu.memory_space<vmem>>
      %dma_start3A_1396 = arith.constant 0 : i32
      %dma_start3A_1397 = arith.constant 0 : i32
      %dma_start3A_1398 = tpu.memref_slice %arg9[%dma_start3A_1396, %dma_start3A_1397] : memref<10896x128xf32, #tpu.memory_space<vmem_shared>> -> memref<10896x128xf32, #tpu.memory_space<vmem_shared>>
      tpu.enqueue_indirect_dma source(%arg12 : memref<128x128xf32, #tpu.memory_space<vmem>>) target(%dma_start3A_1398 : memref<10896x128xf32, #tpu.memory_space<vmem_shared>>) offsets(%dma_start3A_1395 : memref<128xi32, #tpu.memory_space<vmem>>) semaphore(%arg16 : memref<!tpu.dma_semaphore, #tpu.memory_space<semaphore_mem>>) {add = true}
      %dma_wait3A_1399 = arith.constant 3 : i32
      %dma_wait3A_1400 = arith.constant 7 : i32
      %dma_wait3A_1401 = arith.constant 0 : i32
      %dma_wait3A_1402 = tpu.memref_slice %arg10[%dma_wait3A_1399, %dma_wait3A_1400, %dma_wait3A_1401] : memref<5x8x128xi32, #tpu.memory_space<vmem>> -> memref<1x1x128xi32, #tpu.memory_space<vmem>>
      %dma_wait3A_1403 = tpu.memref_squeeze %dma_wait3A_1402 : memref<1x1x128xi32, #tpu.memory_space<vmem>> -> memref<128xi32, #tpu.memory_space<vmem>>
      %dma_wait3A_1404 = arith.constant 0 : i32
      %dma_wait3A_1405 = arith.constant 0 : i32
      %dma_wait3A_1406 = tpu.memref_slice %arg2[%dma_wait3A_1404, %dma_wait3A_1405] : memref<10000x128xf32, #tpu.memory_space<hbm>> -> memref<10000x128xf32, #tpu.memory_space<hbm>>
      tpu.wait_indirect_dma semaphore(%arg15 : memref<!tpu.dma_semaphore, #tpu.memory_space<semaphore_mem>>) src(%dma_wait3A_1406 : memref<10000x128xf32, #tpu.memory_space<hbm>>) dst(%arg13 : memref<128x128xf32, #tpu.memory_space<vmem>>)
      %dma_wait3A_1407 = arith.constant 4 : i32
      %dma_wait3A_1408 = arith.constant 0 : i32
      %dma_wait3A_1409 = arith.constant 0 : i32
      %dma_wait3A_1410 = tpu.memref_slice %arg10[%dma_wait3A_1407, %dma_wait3A_1408, %dma_wait3A_1409] : memref<5x8x128xi32, #tpu.memory_space<vmem>> -> memref<1x8x128xi32, #tpu.memory_space<vmem>>
      %dma_wait3A_1411 = tpu.memref_squeeze %dma_wait3A_1410 : memref<1x8x128xi32, #tpu.memory_space<vmem>> -> memref<8x128xi32, #tpu.memory_space<vmem>>
      %dma_wait3A_1412 = arith.constant 0 : i32
      %dma_wait3A_1413 = arith.constant 0 : i32
      %dma_wait3A_1414 = tpu.memref_slice %arg4[%dma_wait3A_1412, %dma_wait3A_1413] : memref<2560x128xi32, #tpu.memory_space<hbm>> -> memref<8x128xi32, #tpu.memory_space<hbm>>
      %dma_wait3A_1415 = arith.constant 0 : i32
      %dma_wait3A_1416 = arith.constant 0 : i32
      %dma_wait3A_1417 = tpu.memref_slice %arg10[%dma_wait3A_1407, %dma_wait3A_1415, %dma_wait3A_1416] : memref<5x8x128xi32, #tpu.memory_space<vmem>> -> memref<1x8x128xi32, #tpu.memory_space<vmem>>
      %dma_wait3A_1418 = tpu.memref_squeeze %dma_wait3A_1417 : memref<1x8x128xi32, #tpu.memory_space<vmem>> -> memref<8x128xi32, #tpu.memory_space<vmem>>
      %dma_wait3A_1419 = arith.constant 0 : i32
      %dma_wait3A_1420 = arith.constant 0 : i32
      %dma_wait3A_1421 = tpu.memref_slice %arg4[%dma_wait3A_1419, %dma_wait3A_1420] : memref<2560x128xi32, #tpu.memory_space<hbm>> -> memref<8x128xi32, #tpu.memory_space<hbm>>
      tpu.wait_dma2 semaphore(%arg18 : memref<!tpu.dma_semaphore, #tpu.memory_space<semaphore_mem>>) src(%dma_wait3A_1421 : memref<8x128xi32, #tpu.memory_space<hbm>>) dst(%dma_wait3A_1418 : memref<8x128xi32, #tpu.memory_space<vmem>>)
      %dma_wait3A_1422 = arith.constant 4 : i32
      %dma_wait3A_1423 = arith.constant 0 : i32
      %dma_wait3A_1424 = arith.constant 0 : i32
      %dma_wait3A_1425 = tpu.memref_slice %arg11[%dma_wait3A_1422, %dma_wait3A_1423, %dma_wait3A_1424] : memref<5x8x128xi32, #tpu.memory_space<vmem>> -> memref<1x8x128xi32, #tpu.memory_space<vmem>>
      %dma_wait3A_1426 = tpu.memref_squeeze %dma_wait3A_1425 : memref<1x8x128xi32, #tpu.memory_space<vmem>> -> memref<8x128xi32, #tpu.memory_space<vmem>>
      %dma_wait3A_1427 = arith.constant 0 : i32
      %dma_wait3A_1428 = arith.constant 0 : i32
      %dma_wait3A_1429 = tpu.memref_slice %arg3[%dma_wait3A_1427, %dma_wait3A_1428] : memref<2560x128xi32, #tpu.memory_space<hbm>> -> memref<8x128xi32, #tpu.memory_space<hbm>>
      %dma_wait3A_1430 = arith.constant 0 : i32
      %dma_wait3A_1431 = arith.constant 0 : i32
      %dma_wait3A_1432 = tpu.memref_slice %arg11[%dma_wait3A_1422, %dma_wait3A_1430, %dma_wait3A_1431] : memref<5x8x128xi32, #tpu.memory_space<vmem>> -> memref<1x8x128xi32, #tpu.memory_space<vmem>>
      %dma_wait3A_1433 = tpu.memref_squeeze %dma_wait3A_1432 : memref<1x8x128xi32, #tpu.memory_space<vmem>> -> memref<8x128xi32, #tpu.memory_space<vmem>>
      %dma_wait3A_1434 = arith.constant 0 : i32
      %dma_wait3A_1435 = arith.constant 0 : i32
      %dma_wait3A_1436 = tpu.memref_slice %arg3[%dma_wait3A_1434, %dma_wait3A_1435] : memref<2560x128xi32, #tpu.memory_space<hbm>> -> memref<8x128xi32, #tpu.memory_space<hbm>>
      tpu.wait_dma2 semaphore(%arg18 : memref<!tpu.dma_semaphore, #tpu.memory_space<semaphore_mem>>) src(%dma_wait3A_1436 : memref<8x128xi32, #tpu.memory_space<hbm>>) dst(%dma_wait3A_1433 : memref<8x128xi32, #tpu.memory_space<vmem>>)
      %dma_wait3A_1437 = arith.constant 3 : i32
      %dma_wait3A_1438 = arith.constant 6 : i32
      %dma_wait3A_1439 = arith.constant 0 : i32
      %dma_wait3A_1440 = tpu.memref_slice %arg11[%dma_wait3A_1437, %dma_wait3A_1438, %dma_wait3A_1439] : memref<5x8x128xi32, #tpu.memory_space<vmem>> -> memref<1x1x128xi32, #tpu.memory_space<vmem>>
      %dma_wait3A_1441 = tpu.memref_squeeze %dma_wait3A_1440 : memref<1x1x128xi32, #tpu.memory_space<vmem>> -> memref<128xi32, #tpu.memory_space<vmem>>
      %dma_wait3A_1442 = arith.constant 0 : i32
      %dma_wait3A_1443 = arith.constant 0 : i32
      %dma_wait3A_1444 = tpu.memref_slice %arg9[%dma_wait3A_1442, %dma_wait3A_1443] : memref<10896x128xf32, #tpu.memory_space<vmem_shared>> -> memref<10896x128xf32, #tpu.memory_space<vmem_shared>>
      tpu.wait_indirect_dma semaphore(%arg16 : memref<!tpu.dma_semaphore, #tpu.memory_space<semaphore_mem>>) src(%arg12 : memref<128x128xf32, #tpu.memory_space<vmem>>) dst(%dma_wait3A_1444 : memref<10896x128xf32, #tpu.memory_space<vmem_shared>>)
      %dma_start3A_1445 = arith.constant 4 : i32
      %dma_start3A_1446 = arith.constant 0 : i32
      %dma_start3A_1447 = arith.constant 0 : i32
      %dma_start3A_1448 = tpu.memref_slice %arg10[%dma_start3A_1445, %dma_start3A_1446, %dma_start3A_1447] : memref<5x8x128xi32, #tpu.memory_space<vmem>> -> memref<1x1x128xi32, #tpu.memory_space<vmem>>
      %dma_start3A_1449 = tpu.memref_squeeze %dma_start3A_1448 : memref<1x1x128xi32, #tpu.memory_space<vmem>> -> memref<128xi32, #tpu.memory_space<vmem>>
      %dma_start3A_1450 = arith.constant 0 : i32
      %dma_start3A_1451 = arith.constant 0 : i32
      %dma_start3A_1452 = tpu.memref_slice %arg2[%dma_start3A_1450, %dma_start3A_1451] : memref<10000x128xf32, #tpu.memory_space<hbm>> -> memref<10000x128xf32, #tpu.memory_space<hbm>>
      tpu.enqueue_indirect_dma source(%dma_start3A_1452 : memref<10000x128xf32, #tpu.memory_space<hbm>>) target(%arg12 : memref<128x128xf32, #tpu.memory_space<vmem>>) offsets(%dma_start3A_1449 : memref<128xi32, #tpu.memory_space<vmem>>) semaphore(%arg14 : memref<!tpu.dma_semaphore, #tpu.memory_space<semaphore_mem>>)
      %dma_start3A_1453 = arith.constant 3 : i32
      %dma_start3A_1454 = arith.constant 7 : i32
      %dma_start3A_1455 = arith.constant 0 : i32
      %dma_start3A_1456 = tpu.memref_slice %arg11[%dma_start3A_1453, %dma_start3A_1454, %dma_start3A_1455] : memref<5x8x128xi32, #tpu.memory_space<vmem>> -> memref<1x1x128xi32, #tpu.memory_space<vmem>>
      %dma_start3A_1457 = tpu.memref_squeeze %dma_start3A_1456 : memref<1x1x128xi32, #tpu.memory_space<vmem>> -> memref<128xi32, #tpu.memory_space<vmem>>
      %dma_start3A_1458 = arith.constant 0 : i32
      %dma_start3A_1459 = arith.constant 0 : i32
      %dma_start3A_1460 = tpu.memref_slice %arg9[%dma_start3A_1458, %dma_start3A_1459] : memref<10896x128xf32, #tpu.memory_space<vmem_shared>> -> memref<10896x128xf32, #tpu.memory_space<vmem_shared>>
      tpu.enqueue_indirect_dma source(%arg13 : memref<128x128xf32, #tpu.memory_space<vmem>>) target(%dma_start3A_1460 : memref<10896x128xf32, #tpu.memory_space<vmem_shared>>) offsets(%dma_start3A_1457 : memref<128xi32, #tpu.memory_space<vmem>>) semaphore(%arg17 : memref<!tpu.dma_semaphore, #tpu.memory_space<semaphore_mem>>) {add = true}
      %dma_wait3A_1461 = arith.constant 4 : i32
      %dma_wait3A_1462 = arith.constant 0 : i32
      %dma_wait3A_1463 = arith.constant 0 : i32
      %dma_wait3A_1464 = tpu.memref_slice %arg10[%dma_wait3A_1461, %dma_wait3A_1462, %dma_wait3A_1463] : memref<5x8x128xi32, #tpu.memory_space<vmem>> -> memref<1x1x128xi32, #tpu.memory_space<vmem>>
      %dma_wait3A_1465 = tpu.memref_squeeze %dma_wait3A_1464 : memref<1x1x128xi32, #tpu.memory_space<vmem>> -> memref<128xi32, #tpu.memory_space<vmem>>
      %dma_wait3A_1466 = arith.constant 0 : i32
      %dma_wait3A_1467 = arith.constant 0 : i32
      %dma_wait3A_1468 = tpu.memref_slice %arg2[%dma_wait3A_1466, %dma_wait3A_1467] : memref<10000x128xf32, #tpu.memory_space<hbm>> -> memref<10000x128xf32, #tpu.memory_space<hbm>>
      tpu.wait_indirect_dma semaphore(%arg14 : memref<!tpu.dma_semaphore, #tpu.memory_space<semaphore_mem>>) src(%dma_wait3A_1468 : memref<10000x128xf32, #tpu.memory_space<hbm>>) dst(%arg12 : memref<128x128xf32, #tpu.memory_space<vmem>>)
      %dma_wait3A_1469 = arith.constant 3 : i32
      %dma_wait3A_1470 = arith.constant 7 : i32
      %dma_wait3A_1471 = arith.constant 0 : i32
      %dma_wait3A_1472 = tpu.memref_slice %arg11[%dma_wait3A_1469, %dma_wait3A_1470, %dma_wait3A_1471] : memref<5x8x128xi32, #tpu.memory_space<vmem>> -> memref<1x1x128xi32, #tpu.memory_space<vmem>>
      %dma_wait3A_1473 = tpu.memref_squeeze %dma_wait3A_1472 : memref<1x1x128xi32, #tpu.memory_space<vmem>> -> memref<128xi32, #tpu.memory_space<vmem>>
      %dma_wait3A_1474 = arith.constant 0 : i32
      %dma_wait3A_1475 = arith.constant 0 : i32
      %dma_wait3A_1476 = tpu.memref_slice %arg9[%dma_wait3A_1474, %dma_wait3A_1475] : memref<10896x128xf32, #tpu.memory_space<vmem_shared>> -> memref<10896x128xf32, #tpu.memory_space<vmem_shared>>
      tpu.wait_indirect_dma semaphore(%arg17 : memref<!tpu.dma_semaphore, #tpu.memory_space<semaphore_mem>>) src(%arg13 : memref<128x128xf32, #tpu.memory_space<vmem>>) dst(%dma_wait3A_1476 : memref<10896x128xf32, #tpu.memory_space<vmem_shared>>)
      %dma_start3A_1477 = arith.constant 4 : i32
      %dma_start3A_1478 = arith.constant 1 : i32
      %dma_start3A_1479 = arith.constant 0 : i32
      %dma_start3A_1480 = tpu.memref_slice %arg10[%dma_start3A_1477, %dma_start3A_1478, %dma_start3A_1479] : memref<5x8x128xi32, #tpu.memory_space<vmem>> -> memref<1x1x128xi32, #tpu.memory_space<vmem>>
      %dma_start3A_1481 = tpu.memref_squeeze %dma_start3A_1480 : memref<1x1x128xi32, #tpu.memory_space<vmem>> -> memref<128xi32, #tpu.memory_space<vmem>>
      %dma_start3A_1482 = arith.constant 0 : i32
      %dma_start3A_1483 = arith.constant 0 : i32
      %dma_start3A_1484 = tpu.memref_slice %arg2[%dma_start3A_1482, %dma_start3A_1483] : memref<10000x128xf32, #tpu.memory_space<hbm>> -> memref<10000x128xf32, #tpu.memory_space<hbm>>
      tpu.enqueue_indirect_dma source(%dma_start3A_1484 : memref<10000x128xf32, #tpu.memory_space<hbm>>) target(%arg13 : memref<128x128xf32, #tpu.memory_space<vmem>>) offsets(%dma_start3A_1481 : memref<128xi32, #tpu.memory_space<vmem>>) semaphore(%arg15 : memref<!tpu.dma_semaphore, #tpu.memory_space<semaphore_mem>>)
      %dma_start3A_1485 = arith.constant 4 : i32
      %dma_start3A_1486 = arith.constant 0 : i32
      %dma_start3A_1487 = arith.constant 0 : i32
      %dma_start3A_1488 = tpu.memref_slice %arg11[%dma_start3A_1485, %dma_start3A_1486, %dma_start3A_1487] : memref<5x8x128xi32, #tpu.memory_space<vmem>> -> memref<1x1x128xi32, #tpu.memory_space<vmem>>
      %dma_start3A_1489 = tpu.memref_squeeze %dma_start3A_1488 : memref<1x1x128xi32, #tpu.memory_space<vmem>> -> memref<128xi32, #tpu.memory_space<vmem>>
      %dma_start3A_1490 = arith.constant 0 : i32
      %dma_start3A_1491 = arith.constant 0 : i32
      %dma_start3A_1492 = tpu.memref_slice %arg9[%dma_start3A_1490, %dma_start3A_1491] : memref<10896x128xf32, #tpu.memory_space<vmem_shared>> -> memref<10896x128xf32, #tpu.memory_space<vmem_shared>>
      tpu.enqueue_indirect_dma source(%arg12 : memref<128x128xf32, #tpu.memory_space<vmem>>) target(%dma_start3A_1492 : memref<10896x128xf32, #tpu.memory_space<vmem_shared>>) offsets(%dma_start3A_1489 : memref<128xi32, #tpu.memory_space<vmem>>) semaphore(%arg16 : memref<!tpu.dma_semaphore, #tpu.memory_space<semaphore_mem>>) {add = true}
      %dma_wait3A_1493 = arith.constant 4 : i32
      %dma_wait3A_1494 = arith.constant 1 : i32
      %dma_wait3A_1495 = arith.constant 0 : i32
      %dma_wait3A_1496 = tpu.memref_slice %arg10[%dma_wait3A_1493, %dma_wait3A_1494, %dma_wait3A_1495] : memref<5x8x128xi32, #tpu.memory_space<vmem>> -> memref<1x1x128xi32, #tpu.memory_space<vmem>>
      %dma_wait3A_1497 = tpu.memref_squeeze %dma_wait3A_1496 : memref<1x1x128xi32, #tpu.memory_space<vmem>> -> memref<128xi32, #tpu.memory_space<vmem>>
      %dma_wait3A_1498 = arith.constant 0 : i32
      %dma_wait3A_1499 = arith.constant 0 : i32
      %dma_wait3A_1500 = tpu.memref_slice %arg2[%dma_wait3A_1498, %dma_wait3A_1499] : memref<10000x128xf32, #tpu.memory_space<hbm>> -> memref<10000x128xf32, #tpu.memory_space<hbm>>
      tpu.wait_indirect_dma semaphore(%arg15 : memref<!tpu.dma_semaphore, #tpu.memory_space<semaphore_mem>>) src(%dma_wait3A_1500 : memref<10000x128xf32, #tpu.memory_space<hbm>>) dst(%arg13 : memref<128x128xf32, #tpu.memory_space<vmem>>)
      %dma_wait3A_1501 = arith.constant 4 : i32
      %dma_wait3A_1502 = arith.constant 0 : i32
      %dma_wait3A_1503 = arith.constant 0 : i32
      %dma_wait3A_1504 = tpu.memref_slice %arg11[%dma_wait3A_1501, %dma_wait3A_1502, %dma_wait3A_1503] : memref<5x8x128xi32, #tpu.memory_space<vmem>> -> memref<1x1x128xi32, #tpu.memory_space<vmem>>
      %dma_wait3A_1505 = tpu.memref_squeeze %dma_wait3A_1504 : memref<1x1x128xi32, #tpu.memory_space<vmem>> -> memref<128xi32, #tpu.memory_space<vmem>>
      %dma_wait3A_1506 = arith.constant 0 : i32
      %dma_wait3A_1507 = arith.constant 0 : i32
      %dma_wait3A_1508 = tpu.memref_slice %arg9[%dma_wait3A_1506, %dma_wait3A_1507] : memref<10896x128xf32, #tpu.memory_space<vmem_shared>> -> memref<10896x128xf32, #tpu.memory_space<vmem_shared>>
      tpu.wait_indirect_dma semaphore(%arg16 : memref<!tpu.dma_semaphore, #tpu.memory_space<semaphore_mem>>) src(%arg12 : memref<128x128xf32, #tpu.memory_space<vmem>>) dst(%dma_wait3A_1508 : memref<10896x128xf32, #tpu.memory_space<vmem_shared>>)
      %dma_start3A_1509 = arith.constant 4 : i32
      %dma_start3A_1510 = arith.constant 2 : i32
      %dma_start3A_1511 = arith.constant 0 : i32
      %dma_start3A_1512 = tpu.memref_slice %arg10[%dma_start3A_1509, %dma_start3A_1510, %dma_start3A_1511] : memref<5x8x128xi32, #tpu.memory_space<vmem>> -> memref<1x1x128xi32, #tpu.memory_space<vmem>>
      %dma_start3A_1513 = tpu.memref_squeeze %dma_start3A_1512 : memref<1x1x128xi32, #tpu.memory_space<vmem>> -> memref<128xi32, #tpu.memory_space<vmem>>
      %dma_start3A_1514 = arith.constant 0 : i32
      %dma_start3A_1515 = arith.constant 0 : i32
      %dma_start3A_1516 = tpu.memref_slice %arg2[%dma_start3A_1514, %dma_start3A_1515] : memref<10000x128xf32, #tpu.memory_space<hbm>> -> memref<10000x128xf32, #tpu.memory_space<hbm>>
      tpu.enqueue_indirect_dma source(%dma_start3A_1516 : memref<10000x128xf32, #tpu.memory_space<hbm>>) target(%arg12 : memref<128x128xf32, #tpu.memory_space<vmem>>) offsets(%dma_start3A_1513 : memref<128xi32, #tpu.memory_space<vmem>>) semaphore(%arg14 : memref<!tpu.dma_semaphore, #tpu.memory_space<semaphore_mem>>)
      %dma_start3A_1517 = arith.constant 4 : i32
      %dma_start3A_1518 = arith.constant 1 : i32
      %dma_start3A_1519 = arith.constant 0 : i32
      %dma_start3A_1520 = tpu.memref_slice %arg11[%dma_start3A_1517, %dma_start3A_1518, %dma_start3A_1519] : memref<5x8x128xi32, #tpu.memory_space<vmem>> -> memref<1x1x128xi32, #tpu.memory_space<vmem>>
      %dma_start3A_1521 = tpu.memref_squeeze %dma_start3A_1520 : memref<1x1x128xi32, #tpu.memory_space<vmem>> -> memref<128xi32, #tpu.memory_space<vmem>>
      %dma_start3A_1522 = arith.constant 0 : i32
      %dma_start3A_1523 = arith.constant 0 : i32
      %dma_start3A_1524 = tpu.memref_slice %arg9[%dma_start3A_1522, %dma_start3A_1523] : memref<10896x128xf32, #tpu.memory_space<vmem_shared>> -> memref<10896x128xf32, #tpu.memory_space<vmem_shared>>
      tpu.enqueue_indirect_dma source(%arg13 : memref<128x128xf32, #tpu.memory_space<vmem>>) target(%dma_start3A_1524 : memref<10896x128xf32, #tpu.memory_space<vmem_shared>>) offsets(%dma_start3A_1521 : memref<128xi32, #tpu.memory_space<vmem>>) semaphore(%arg17 : memref<!tpu.dma_semaphore, #tpu.memory_space<semaphore_mem>>) {add = true}
      %dma_wait3A_1525 = arith.constant 4 : i32
      %dma_wait3A_1526 = arith.constant 2 : i32
      %dma_wait3A_1527 = arith.constant 0 : i32
      %dma_wait3A_1528 = tpu.memref_slice %arg10[%dma_wait3A_1525, %dma_wait3A_1526, %dma_wait3A_1527] : memref<5x8x128xi32, #tpu.memory_space<vmem>> -> memref<1x1x128xi32, #tpu.memory_space<vmem>>
      %dma_wait3A_1529 = tpu.memref_squeeze %dma_wait3A_1528 : memref<1x1x128xi32, #tpu.memory_space<vmem>> -> memref<128xi32, #tpu.memory_space<vmem>>
      %dma_wait3A_1530 = arith.constant 0 : i32
      %dma_wait3A_1531 = arith.constant 0 : i32
      %dma_wait3A_1532 = tpu.memref_slice %arg2[%dma_wait3A_1530, %dma_wait3A_1531] : memref<10000x128xf32, #tpu.memory_space<hbm>> -> memref<10000x128xf32, #tpu.memory_space<hbm>>
      tpu.wait_indirect_dma semaphore(%arg14 : memref<!tpu.dma_semaphore, #tpu.memory_space<semaphore_mem>>) src(%dma_wait3A_1532 : memref<10000x128xf32, #tpu.memory_space<hbm>>) dst(%arg12 : memref<128x128xf32, #tpu.memory_space<vmem>>)
      %dma_wait3A_1533 = arith.constant 4 : i32
      %dma_wait3A_1534 = arith.constant 1 : i32
      %dma_wait3A_1535 = arith.constant 0 : i32
      %dma_wait3A_1536 = tpu.memref_slice %arg11[%dma_wait3A_1533, %dma_wait3A_1534, %dma_wait3A_1535] : memref<5x8x128xi32, #tpu.memory_space<vmem>> -> memref<1x1x128xi32, #tpu.memory_space<vmem>>
      %dma_wait3A_1537 = tpu.memref_squeeze %dma_wait3A_1536 : memref<1x1x128xi32, #tpu.memory_space<vmem>> -> memref<128xi32, #tpu.memory_space<vmem>>
      %dma_wait3A_1538 = arith.constant 0 : i32
      %dma_wait3A_1539 = arith.constant 0 : i32
      %dma_wait3A_1540 = tpu.memref_slice %arg9[%dma_wait3A_1538, %dma_wait3A_1539] : memref<10896x128xf32, #tpu.memory_space<vmem_shared>> -> memref<10896x128xf32, #tpu.memory_space<vmem_shared>>
      tpu.wait_indirect_dma semaphore(%arg17 : memref<!tpu.dma_semaphore, #tpu.memory_space<semaphore_mem>>) src(%arg13 : memref<128x128xf32, #tpu.memory_space<vmem>>) dst(%dma_wait3A_1540 : memref<10896x128xf32, #tpu.memory_space<vmem_shared>>)
      %dma_start3A_1541 = arith.constant 4 : i32
      %dma_start3A_1542 = arith.constant 3 : i32
      %dma_start3A_1543 = arith.constant 0 : i32
      %dma_start3A_1544 = tpu.memref_slice %arg10[%dma_start3A_1541, %dma_start3A_1542, %dma_start3A_1543] : memref<5x8x128xi32, #tpu.memory_space<vmem>> -> memref<1x1x128xi32, #tpu.memory_space<vmem>>
      %dma_start3A_1545 = tpu.memref_squeeze %dma_start3A_1544 : memref<1x1x128xi32, #tpu.memory_space<vmem>> -> memref<128xi32, #tpu.memory_space<vmem>>
      %dma_start3A_1546 = arith.constant 0 : i32
      %dma_start3A_1547 = arith.constant 0 : i32
      %dma_start3A_1548 = tpu.memref_slice %arg2[%dma_start3A_1546, %dma_start3A_1547] : memref<10000x128xf32, #tpu.memory_space<hbm>> -> memref<10000x128xf32, #tpu.memory_space<hbm>>
      tpu.enqueue_indirect_dma source(%dma_start3A_1548 : memref<10000x128xf32, #tpu.memory_space<hbm>>) target(%arg13 : memref<128x128xf32, #tpu.memory_space<vmem>>) offsets(%dma_start3A_1545 : memref<128xi32, #tpu.memory_space<vmem>>) semaphore(%arg15 : memref<!tpu.dma_semaphore, #tpu.memory_space<semaphore_mem>>)
      %dma_start3A_1549 = arith.constant 4 : i32
      %dma_start3A_1550 = arith.constant 2 : i32
      %dma_start3A_1551 = arith.constant 0 : i32
      %dma_start3A_1552 = tpu.memref_slice %arg11[%dma_start3A_1549, %dma_start3A_1550, %dma_start3A_1551] : memref<5x8x128xi32, #tpu.memory_space<vmem>> -> memref<1x1x128xi32, #tpu.memory_space<vmem>>
      %dma_start3A_1553 = tpu.memref_squeeze %dma_start3A_1552 : memref<1x1x128xi32, #tpu.memory_space<vmem>> -> memref<128xi32, #tpu.memory_space<vmem>>
      %dma_start3A_1554 = arith.constant 0 : i32
      %dma_start3A_1555 = arith.constant 0 : i32
      %dma_start3A_1556 = tpu.memref_slice %arg9[%dma_start3A_1554, %dma_start3A_1555] : memref<10896x128xf32, #tpu.memory_space<vmem_shared>> -> memref<10896x128xf32, #tpu.memory_space<vmem_shared>>
      tpu.enqueue_indirect_dma source(%arg12 : memref<128x128xf32, #tpu.memory_space<vmem>>) target(%dma_start3A_1556 : memref<10896x128xf32, #tpu.memory_space<vmem_shared>>) offsets(%dma_start3A_1553 : memref<128xi32, #tpu.memory_space<vmem>>) semaphore(%arg16 : memref<!tpu.dma_semaphore, #tpu.memory_space<semaphore_mem>>) {add = true}
      %dma_wait3A_1557 = arith.constant 4 : i32
      %dma_wait3A_1558 = arith.constant 3 : i32
      %dma_wait3A_1559 = arith.constant 0 : i32
      %dma_wait3A_1560 = tpu.memref_slice %arg10[%dma_wait3A_1557, %dma_wait3A_1558, %dma_wait3A_1559] : memref<5x8x128xi32, #tpu.memory_space<vmem>> -> memref<1x1x128xi32, #tpu.memory_space<vmem>>
      %dma_wait3A_1561 = tpu.memref_squeeze %dma_wait3A_1560 : memref<1x1x128xi32, #tpu.memory_space<vmem>> -> memref<128xi32, #tpu.memory_space<vmem>>
      %dma_wait3A_1562 = arith.constant 0 : i32
      %dma_wait3A_1563 = arith.constant 0 : i32
      %dma_wait3A_1564 = tpu.memref_slice %arg2[%dma_wait3A_1562, %dma_wait3A_1563] : memref<10000x128xf32, #tpu.memory_space<hbm>> -> memref<10000x128xf32, #tpu.memory_space<hbm>>
      tpu.wait_indirect_dma semaphore(%arg15 : memref<!tpu.dma_semaphore, #tpu.memory_space<semaphore_mem>>) src(%dma_wait3A_1564 : memref<10000x128xf32, #tpu.memory_space<hbm>>) dst(%arg13 : memref<128x128xf32, #tpu.memory_space<vmem>>)
      %dma_wait3A_1565 = arith.constant 4 : i32
      %dma_wait3A_1566 = arith.constant 2 : i32
      %dma_wait3A_1567 = arith.constant 0 : i32
      %dma_wait3A_1568 = tpu.memref_slice %arg11[%dma_wait3A_1565, %dma_wait3A_1566, %dma_wait3A_1567] : memref<5x8x128xi32, #tpu.memory_space<vmem>> -> memref<1x1x128xi32, #tpu.memory_space<vmem>>
      %dma_wait3A_1569 = tpu.memref_squeeze %dma_wait3A_1568 : memref<1x1x128xi32, #tpu.memory_space<vmem>> -> memref<128xi32, #tpu.memory_space<vmem>>
      %dma_wait3A_1570 = arith.constant 0 : i32
      %dma_wait3A_1571 = arith.constant 0 : i32
      %dma_wait3A_1572 = tpu.memref_slice %arg9[%dma_wait3A_1570, %dma_wait3A_1571] : memref<10896x128xf32, #tpu.memory_space<vmem_shared>> -> memref<10896x128xf32, #tpu.memory_space<vmem_shared>>
      tpu.wait_indirect_dma semaphore(%arg16 : memref<!tpu.dma_semaphore, #tpu.memory_space<semaphore_mem>>) src(%arg12 : memref<128x128xf32, #tpu.memory_space<vmem>>) dst(%dma_wait3A_1572 : memref<10896x128xf32, #tpu.memory_space<vmem_shared>>)
      %dma_start3A_1573 = arith.constant 4 : i32
      %dma_start3A_1574 = arith.constant 4 : i32
      %dma_start3A_1575 = arith.constant 0 : i32
      %dma_start3A_1576 = tpu.memref_slice %arg10[%dma_start3A_1573, %dma_start3A_1574, %dma_start3A_1575] : memref<5x8x128xi32, #tpu.memory_space<vmem>> -> memref<1x1x128xi32, #tpu.memory_space<vmem>>
      %dma_start3A_1577 = tpu.memref_squeeze %dma_start3A_1576 : memref<1x1x128xi32, #tpu.memory_space<vmem>> -> memref<128xi32, #tpu.memory_space<vmem>>
      %dma_start3A_1578 = arith.constant 0 : i32
      %dma_start3A_1579 = arith.constant 0 : i32
      %dma_start3A_1580 = tpu.memref_slice %arg2[%dma_start3A_1578, %dma_start3A_1579] : memref<10000x128xf32, #tpu.memory_space<hbm>> -> memref<10000x128xf32, #tpu.memory_space<hbm>>
      tpu.enqueue_indirect_dma source(%dma_start3A_1580 : memref<10000x128xf32, #tpu.memory_space<hbm>>) target(%arg12 : memref<128x128xf32, #tpu.memory_space<vmem>>) offsets(%dma_start3A_1577 : memref<128xi32, #tpu.memory_space<vmem>>) semaphore(%arg14 : memref<!tpu.dma_semaphore, #tpu.memory_space<semaphore_mem>>)
      %dma_start3A_1581 = arith.constant 4 : i32
      %dma_start3A_1582 = arith.constant 3 : i32
      %dma_start3A_1583 = arith.constant 0 : i32
      %dma_start3A_1584 = tpu.memref_slice %arg11[%dma_start3A_1581, %dma_start3A_1582, %dma_start3A_1583] : memref<5x8x128xi32, #tpu.memory_space<vmem>> -> memref<1x1x128xi32, #tpu.memory_space<vmem>>
      %dma_start3A_1585 = tpu.memref_squeeze %dma_start3A_1584 : memref<1x1x128xi32, #tpu.memory_space<vmem>> -> memref<128xi32, #tpu.memory_space<vmem>>
      %dma_start3A_1586 = arith.constant 0 : i32
      %dma_start3A_1587 = arith.constant 0 : i32
      %dma_start3A_1588 = tpu.memref_slice %arg9[%dma_start3A_1586, %dma_start3A_1587] : memref<10896x128xf32, #tpu.memory_space<vmem_shared>> -> memref<10896x128xf32, #tpu.memory_space<vmem_shared>>
      tpu.enqueue_indirect_dma source(%arg13 : memref<128x128xf32, #tpu.memory_space<vmem>>) target(%dma_start3A_1588 : memref<10896x128xf32, #tpu.memory_space<vmem_shared>>) offsets(%dma_start3A_1585 : memref<128xi32, #tpu.memory_space<vmem>>) semaphore(%arg17 : memref<!tpu.dma_semaphore, #tpu.memory_space<semaphore_mem>>) {add = true}
      %dma_wait3A_1589 = arith.constant 4 : i32
      %dma_wait3A_1590 = arith.constant 4 : i32
      %dma_wait3A_1591 = arith.constant 0 : i32
      %dma_wait3A_1592 = tpu.memref_slice %arg10[%dma_wait3A_1589, %dma_wait3A_1590, %dma_wait3A_1591] : memref<5x8x128xi32, #tpu.memory_space<vmem>> -> memref<1x1x128xi32, #tpu.memory_space<vmem>>
      %dma_wait3A_1593 = tpu.memref_squeeze %dma_wait3A_1592 : memref<1x1x128xi32, #tpu.memory_space<vmem>> -> memref<128xi32, #tpu.memory_space<vmem>>
      %dma_wait3A_1594 = arith.constant 0 : i32
      %dma_wait3A_1595 = arith.constant 0 : i32
      %dma_wait3A_1596 = tpu.memref_slice %arg2[%dma_wait3A_1594, %dma_wait3A_1595] : memref<10000x128xf32, #tpu.memory_space<hbm>> -> memref<10000x128xf32, #tpu.memory_space<hbm>>
      tpu.wait_indirect_dma semaphore(%arg14 : memref<!tpu.dma_semaphore, #tpu.memory_space<semaphore_mem>>) src(%dma_wait3A_1596 : memref<10000x128xf32, #tpu.memory_space<hbm>>) dst(%arg12 : memref<128x128xf32, #tpu.memory_space<vmem>>)
      %dma_wait3A_1597 = arith.constant 4 : i32
      %dma_wait3A_1598 = arith.constant 3 : i32
      %dma_wait3A_1599 = arith.constant 0 : i32
      %dma_wait3A_1600 = tpu.memref_slice %arg11[%dma_wait3A_1597, %dma_wait3A_1598, %dma_wait3A_1599] : memref<5x8x128xi32, #tpu.memory_space<vmem>> -> memref<1x1x128xi32, #tpu.memory_space<vmem>>
      %dma_wait3A_1601 = tpu.memref_squeeze %dma_wait3A_1600 : memref<1x1x128xi32, #tpu.memory_space<vmem>> -> memref<128xi32, #tpu.memory_space<vmem>>
      %dma_wait3A_1602 = arith.constant 0 : i32
      %dma_wait3A_1603 = arith.constant 0 : i32
      %dma_wait3A_1604 = tpu.memref_slice %arg9[%dma_wait3A_1602, %dma_wait3A_1603] : memref<10896x128xf32, #tpu.memory_space<vmem_shared>> -> memref<10896x128xf32, #tpu.memory_space<vmem_shared>>
      tpu.wait_indirect_dma semaphore(%arg17 : memref<!tpu.dma_semaphore, #tpu.memory_space<semaphore_mem>>) src(%arg13 : memref<128x128xf32, #tpu.memory_space<vmem>>) dst(%dma_wait3A_1604 : memref<10896x128xf32, #tpu.memory_space<vmem_shared>>)
      %dma_start3A_1605 = arith.constant 4 : i32
      %dma_start3A_1606 = arith.constant 5 : i32
      %dma_start3A_1607 = arith.constant 0 : i32
      %dma_start3A_1608 = tpu.memref_slice %arg10[%dma_start3A_1605, %dma_start3A_1606, %dma_start3A_1607] : memref<5x8x128xi32, #tpu.memory_space<vmem>> -> memref<1x1x128xi32, #tpu.memory_space<vmem>>
      %dma_start3A_1609 = tpu.memref_squeeze %dma_start3A_1608 : memref<1x1x128xi32, #tpu.memory_space<vmem>> -> memref<128xi32, #tpu.memory_space<vmem>>
      %dma_start3A_1610 = arith.constant 0 : i32
      %dma_start3A_1611 = arith.constant 0 : i32
      %dma_start3A_1612 = tpu.memref_slice %arg2[%dma_start3A_1610, %dma_start3A_1611] : memref<10000x128xf32, #tpu.memory_space<hbm>> -> memref<10000x128xf32, #tpu.memory_space<hbm>>
      tpu.enqueue_indirect_dma source(%dma_start3A_1612 : memref<10000x128xf32, #tpu.memory_space<hbm>>) target(%arg13 : memref<128x128xf32, #tpu.memory_space<vmem>>) offsets(%dma_start3A_1609 : memref<128xi32, #tpu.memory_space<vmem>>) semaphore(%arg15 : memref<!tpu.dma_semaphore, #tpu.memory_space<semaphore_mem>>)
      %dma_start3A_1613 = arith.constant 4 : i32
      %dma_start3A_1614 = arith.constant 4 : i32
      %dma_start3A_1615 = arith.constant 0 : i32
      %dma_start3A_1616 = tpu.memref_slice %arg11[%dma_start3A_1613, %dma_start3A_1614, %dma_start3A_1615] : memref<5x8x128xi32, #tpu.memory_space<vmem>> -> memref<1x1x128xi32, #tpu.memory_space<vmem>>
      %dma_start3A_1617 = tpu.memref_squeeze %dma_start3A_1616 : memref<1x1x128xi32, #tpu.memory_space<vmem>> -> memref<128xi32, #tpu.memory_space<vmem>>
      %dma_start3A_1618 = arith.constant 0 : i32
      %dma_start3A_1619 = arith.constant 0 : i32
      %dma_start3A_1620 = tpu.memref_slice %arg9[%dma_start3A_1618, %dma_start3A_1619] : memref<10896x128xf32, #tpu.memory_space<vmem_shared>> -> memref<10896x128xf32, #tpu.memory_space<vmem_shared>>
      tpu.enqueue_indirect_dma source(%arg12 : memref<128x128xf32, #tpu.memory_space<vmem>>) target(%dma_start3A_1620 : memref<10896x128xf32, #tpu.memory_space<vmem_shared>>) offsets(%dma_start3A_1617 : memref<128xi32, #tpu.memory_space<vmem>>) semaphore(%arg16 : memref<!tpu.dma_semaphore, #tpu.memory_space<semaphore_mem>>) {add = true}
      %dma_wait3A_1621 = arith.constant 4 : i32
      %dma_wait3A_1622 = arith.constant 5 : i32
      %dma_wait3A_1623 = arith.constant 0 : i32
      %dma_wait3A_1624 = tpu.memref_slice %arg10[%dma_wait3A_1621, %dma_wait3A_1622, %dma_wait3A_1623] : memref<5x8x128xi32, #tpu.memory_space<vmem>> -> memref<1x1x128xi32, #tpu.memory_space<vmem>>
      %dma_wait3A_1625 = tpu.memref_squeeze %dma_wait3A_1624 : memref<1x1x128xi32, #tpu.memory_space<vmem>> -> memref<128xi32, #tpu.memory_space<vmem>>
      %dma_wait3A_1626 = arith.constant 0 : i32
      %dma_wait3A_1627 = arith.constant 0 : i32
      %dma_wait3A_1628 = tpu.memref_slice %arg2[%dma_wait3A_1626, %dma_wait3A_1627] : memref<10000x128xf32, #tpu.memory_space<hbm>> -> memref<10000x128xf32, #tpu.memory_space<hbm>>
      tpu.wait_indirect_dma semaphore(%arg15 : memref<!tpu.dma_semaphore, #tpu.memory_space<semaphore_mem>>) src(%dma_wait3A_1628 : memref<10000x128xf32, #tpu.memory_space<hbm>>) dst(%arg13 : memref<128x128xf32, #tpu.memory_space<vmem>>)
      %dma_wait3A_1629 = arith.constant 4 : i32
      %dma_wait3A_1630 = arith.constant 4 : i32
      %dma_wait3A_1631 = arith.constant 0 : i32
      %dma_wait3A_1632 = tpu.memref_slice %arg11[%dma_wait3A_1629, %dma_wait3A_1630, %dma_wait3A_1631] : memref<5x8x128xi32, #tpu.memory_space<vmem>> -> memref<1x1x128xi32, #tpu.memory_space<vmem>>
      %dma_wait3A_1633 = tpu.memref_squeeze %dma_wait3A_1632 : memref<1x1x128xi32, #tpu.memory_space<vmem>> -> memref<128xi32, #tpu.memory_space<vmem>>
      %dma_wait3A_1634 = arith.constant 0 : i32
      %dma_wait3A_1635 = arith.constant 0 : i32
      %dma_wait3A_1636 = tpu.memref_slice %arg9[%dma_wait3A_1634, %dma_wait3A_1635] : memref<10896x128xf32, #tpu.memory_space<vmem_shared>> -> memref<10896x128xf32, #tpu.memory_space<vmem_shared>>
      tpu.wait_indirect_dma semaphore(%arg16 : memref<!tpu.dma_semaphore, #tpu.memory_space<semaphore_mem>>) src(%arg12 : memref<128x128xf32, #tpu.memory_space<vmem>>) dst(%dma_wait3A_1636 : memref<10896x128xf32, #tpu.memory_space<vmem_shared>>)
      %dma_start3A_1637 = arith.constant 4 : i32
      %dma_start3A_1638 = arith.constant 6 : i32
      %dma_start3A_1639 = arith.constant 0 : i32
      %dma_start3A_1640 = tpu.memref_slice %arg10[%dma_start3A_1637, %dma_start3A_1638, %dma_start3A_1639] : memref<5x8x128xi32, #tpu.memory_space<vmem>> -> memref<1x1x128xi32, #tpu.memory_space<vmem>>
      %dma_start3A_1641 = tpu.memref_squeeze %dma_start3A_1640 : memref<1x1x128xi32, #tpu.memory_space<vmem>> -> memref<128xi32, #tpu.memory_space<vmem>>
      %dma_start3A_1642 = arith.constant 0 : i32
      %dma_start3A_1643 = arith.constant 0 : i32
      %dma_start3A_1644 = tpu.memref_slice %arg2[%dma_start3A_1642, %dma_start3A_1643] : memref<10000x128xf32, #tpu.memory_space<hbm>> -> memref<10000x128xf32, #tpu.memory_space<hbm>>
      tpu.enqueue_indirect_dma source(%dma_start3A_1644 : memref<10000x128xf32, #tpu.memory_space<hbm>>) target(%arg12 : memref<128x128xf32, #tpu.memory_space<vmem>>) offsets(%dma_start3A_1641 : memref<128xi32, #tpu.memory_space<vmem>>) semaphore(%arg14 : memref<!tpu.dma_semaphore, #tpu.memory_space<semaphore_mem>>)
      %dma_start3A_1645 = arith.constant 4 : i32
      %dma_start3A_1646 = arith.constant 5 : i32
      %dma_start3A_1647 = arith.constant 0 : i32
      %dma_start3A_1648 = tpu.memref_slice %arg11[%dma_start3A_1645, %dma_start3A_1646, %dma_start3A_1647] : memref<5x8x128xi32, #tpu.memory_space<vmem>> -> memref<1x1x128xi32, #tpu.memory_space<vmem>>
      %dma_start3A_1649 = tpu.memref_squeeze %dma_start3A_1648 : memref<1x1x128xi32, #tpu.memory_space<vmem>> -> memref<128xi32, #tpu.memory_space<vmem>>
      %dma_start3A_1650 = arith.constant 0 : i32
      %dma_start3A_1651 = arith.constant 0 : i32
      %dma_start3A_1652 = tpu.memref_slice %arg9[%dma_start3A_1650, %dma_start3A_1651] : memref<10896x128xf32, #tpu.memory_space<vmem_shared>> -> memref<10896x128xf32, #tpu.memory_space<vmem_shared>>
      tpu.enqueue_indirect_dma source(%arg13 : memref<128x128xf32, #tpu.memory_space<vmem>>) target(%dma_start3A_1652 : memref<10896x128xf32, #tpu.memory_space<vmem_shared>>) offsets(%dma_start3A_1649 : memref<128xi32, #tpu.memory_space<vmem>>) semaphore(%arg17 : memref<!tpu.dma_semaphore, #tpu.memory_space<semaphore_mem>>) {add = true}
      %dma_wait3A_1653 = arith.constant 4 : i32
      %dma_wait3A_1654 = arith.constant 6 : i32
      %dma_wait3A_1655 = arith.constant 0 : i32
      %dma_wait3A_1656 = tpu.memref_slice %arg10[%dma_wait3A_1653, %dma_wait3A_1654, %dma_wait3A_1655] : memref<5x8x128xi32, #tpu.memory_space<vmem>> -> memref<1x1x128xi32, #tpu.memory_space<vmem>>
      %dma_wait3A_1657 = tpu.memref_squeeze %dma_wait3A_1656 : memref<1x1x128xi32, #tpu.memory_space<vmem>> -> memref<128xi32, #tpu.memory_space<vmem>>
      %dma_wait3A_1658 = arith.constant 0 : i32
      %dma_wait3A_1659 = arith.constant 0 : i32
      %dma_wait3A_1660 = tpu.memref_slice %arg2[%dma_wait3A_1658, %dma_wait3A_1659] : memref<10000x128xf32, #tpu.memory_space<hbm>> -> memref<10000x128xf32, #tpu.memory_space<hbm>>
      tpu.wait_indirect_dma semaphore(%arg14 : memref<!tpu.dma_semaphore, #tpu.memory_space<semaphore_mem>>) src(%dma_wait3A_1660 : memref<10000x128xf32, #tpu.memory_space<hbm>>) dst(%arg12 : memref<128x128xf32, #tpu.memory_space<vmem>>)
      %dma_wait3A_1661 = arith.constant 4 : i32
      %dma_wait3A_1662 = arith.constant 5 : i32
      %dma_wait3A_1663 = arith.constant 0 : i32
      %dma_wait3A_1664 = tpu.memref_slice %arg11[%dma_wait3A_1661, %dma_wait3A_1662, %dma_wait3A_1663] : memref<5x8x128xi32, #tpu.memory_space<vmem>> -> memref<1x1x128xi32, #tpu.memory_space<vmem>>
      %dma_wait3A_1665 = tpu.memref_squeeze %dma_wait3A_1664 : memref<1x1x128xi32, #tpu.memory_space<vmem>> -> memref<128xi32, #tpu.memory_space<vmem>>
      %dma_wait3A_1666 = arith.constant 0 : i32
      %dma_wait3A_1667 = arith.constant 0 : i32
      %dma_wait3A_1668 = tpu.memref_slice %arg9[%dma_wait3A_1666, %dma_wait3A_1667] : memref<10896x128xf32, #tpu.memory_space<vmem_shared>> -> memref<10896x128xf32, #tpu.memory_space<vmem_shared>>
      tpu.wait_indirect_dma semaphore(%arg17 : memref<!tpu.dma_semaphore, #tpu.memory_space<semaphore_mem>>) src(%arg13 : memref<128x128xf32, #tpu.memory_space<vmem>>) dst(%dma_wait3A_1668 : memref<10896x128xf32, #tpu.memory_space<vmem_shared>>)
      %dma_start3A_1669 = arith.constant 4 : i32
      %dma_start3A_1670 = arith.constant 7 : i32
      %dma_start3A_1671 = arith.constant 0 : i32
      %dma_start3A_1672 = tpu.memref_slice %arg10[%dma_start3A_1669, %dma_start3A_1670, %dma_start3A_1671] : memref<5x8x128xi32, #tpu.memory_space<vmem>> -> memref<1x1x128xi32, #tpu.memory_space<vmem>>
      %dma_start3A_1673 = tpu.memref_squeeze %dma_start3A_1672 : memref<1x1x128xi32, #tpu.memory_space<vmem>> -> memref<128xi32, #tpu.memory_space<vmem>>
      %dma_start3A_1674 = arith.constant 0 : i32
      %dma_start3A_1675 = arith.constant 0 : i32
      %dma_start3A_1676 = tpu.memref_slice %arg2[%dma_start3A_1674, %dma_start3A_1675] : memref<10000x128xf32, #tpu.memory_space<hbm>> -> memref<10000x128xf32, #tpu.memory_space<hbm>>
      tpu.enqueue_indirect_dma source(%dma_start3A_1676 : memref<10000x128xf32, #tpu.memory_space<hbm>>) target(%arg13 : memref<128x128xf32, #tpu.memory_space<vmem>>) offsets(%dma_start3A_1673 : memref<128xi32, #tpu.memory_space<vmem>>) semaphore(%arg15 : memref<!tpu.dma_semaphore, #tpu.memory_space<semaphore_mem>>)
      %dma_start3A_1677 = arith.constant 4 : i32
      %dma_start3A_1678 = arith.constant 6 : i32
      %dma_start3A_1679 = arith.constant 0 : i32
      %dma_start3A_1680 = tpu.memref_slice %arg11[%dma_start3A_1677, %dma_start3A_1678, %dma_start3A_1679] : memref<5x8x128xi32, #tpu.memory_space<vmem>> -> memref<1x1x128xi32, #tpu.memory_space<vmem>>
      %dma_start3A_1681 = tpu.memref_squeeze %dma_start3A_1680 : memref<1x1x128xi32, #tpu.memory_space<vmem>> -> memref<128xi32, #tpu.memory_space<vmem>>
      %dma_start3A_1682 = arith.constant 0 : i32
      %dma_start3A_1683 = arith.constant 0 : i32
      %dma_start3A_1684 = tpu.memref_slice %arg9[%dma_start3A_1682, %dma_start3A_1683] : memref<10896x128xf32, #tpu.memory_space<vmem_shared>> -> memref<10896x128xf32, #tpu.memory_space<vmem_shared>>
      tpu.enqueue_indirect_dma source(%arg12 : memref<128x128xf32, #tpu.memory_space<vmem>>) target(%dma_start3A_1684 : memref<10896x128xf32, #tpu.memory_space<vmem_shared>>) offsets(%dma_start3A_1681 : memref<128xi32, #tpu.memory_space<vmem>>) semaphore(%arg16 : memref<!tpu.dma_semaphore, #tpu.memory_space<semaphore_mem>>) {add = true}
      %dma_wait3A_1685 = arith.constant 4 : i32
      %dma_wait3A_1686 = arith.constant 7 : i32
      %dma_wait3A_1687 = arith.constant 0 : i32
      %dma_wait3A_1688 = tpu.memref_slice %arg10[%dma_wait3A_1685, %dma_wait3A_1686, %dma_wait3A_1687] : memref<5x8x128xi32, #tpu.memory_space<vmem>> -> memref<1x1x128xi32, #tpu.memory_space<vmem>>
      %dma_wait3A_1689 = tpu.memref_squeeze %dma_wait3A_1688 : memref<1x1x128xi32, #tpu.memory_space<vmem>> -> memref<128xi32, #tpu.memory_space<vmem>>
      %dma_wait3A_1690 = arith.constant 0 : i32
      %dma_wait3A_1691 = arith.constant 0 : i32
      %dma_wait3A_1692 = tpu.memref_slice %arg2[%dma_wait3A_1690, %dma_wait3A_1691] : memref<10000x128xf32, #tpu.memory_space<hbm>> -> memref<10000x128xf32, #tpu.memory_space<hbm>>
      tpu.wait_indirect_dma semaphore(%arg15 : memref<!tpu.dma_semaphore, #tpu.memory_space<semaphore_mem>>) src(%dma_wait3A_1692 : memref<10000x128xf32, #tpu.memory_space<hbm>>) dst(%arg13 : memref<128x128xf32, #tpu.memory_space<vmem>>)
      %dma_start3A_1693 = arith.constant 4 : i32
      %dma_start3A_1694 = arith.constant 7 : i32
      %dma_start3A_1695 = arith.constant 0 : i32
      %dma_start3A_1696 = tpu.memref_slice %arg11[%dma_start3A_1693, %dma_start3A_1694, %dma_start3A_1695] : memref<5x8x128xi32, #tpu.memory_space<vmem>> -> memref<1x1x128xi32, #tpu.memory_space<vmem>>
      %dma_start3A_1697 = tpu.memref_squeeze %dma_start3A_1696 : memref<1x1x128xi32, #tpu.memory_space<vmem>> -> memref<128xi32, #tpu.memory_space<vmem>>
      %dma_start3A_1698 = arith.constant 0 : i32
      %dma_start3A_1699 = arith.constant 0 : i32
      %dma_start3A_1700 = tpu.memref_slice %arg9[%dma_start3A_1698, %dma_start3A_1699] : memref<10896x128xf32, #tpu.memory_space<vmem_shared>> -> memref<10896x128xf32, #tpu.memory_space<vmem_shared>>
      tpu.enqueue_indirect_dma source(%arg13 : memref<128x128xf32, #tpu.memory_space<vmem>>) target(%dma_start3A_1700 : memref<10896x128xf32, #tpu.memory_space<vmem_shared>>) offsets(%dma_start3A_1697 : memref<128xi32, #tpu.memory_space<vmem>>) semaphore(%arg17 : memref<!tpu.dma_semaphore, #tpu.memory_space<semaphore_mem>>) {add = true}
      %dma_wait3A_1701 = arith.constant 4 : i32
      %dma_wait3A_1702 = arith.constant 6 : i32
      %dma_wait3A_1703 = arith.constant 0 : i32
      %dma_wait3A_1704 = tpu.memref_slice %arg11[%dma_wait3A_1701, %dma_wait3A_1702, %dma_wait3A_1703] : memref<5x8x128xi32, #tpu.memory_space<vmem>> -> memref<1x1x128xi32, #tpu.memory_space<vmem>>
      %dma_wait3A_1705 = tpu.memref_squeeze %dma_wait3A_1704 : memref<1x1x128xi32, #tpu.memory_space<vmem>> -> memref<128xi32, #tpu.memory_space<vmem>>
      %dma_wait3A_1706 = arith.constant 0 : i32
      %dma_wait3A_1707 = arith.constant 0 : i32
      %dma_wait3A_1708 = tpu.memref_slice %arg9[%dma_wait3A_1706, %dma_wait3A_1707] : memref<10896x128xf32, #tpu.memory_space<vmem_shared>> -> memref<10896x128xf32, #tpu.memory_space<vmem_shared>>
      tpu.wait_indirect_dma semaphore(%arg16 : memref<!tpu.dma_semaphore, #tpu.memory_space<semaphore_mem>>) src(%arg12 : memref<128x128xf32, #tpu.memory_space<vmem>>) dst(%dma_wait3A_1708 : memref<10896x128xf32, #tpu.memory_space<vmem_shared>>)
      %dma_wait3A_1709 = arith.constant 4 : i32
      %dma_wait3A_1710 = arith.constant 7 : i32
      %dma_wait3A_1711 = arith.constant 0 : i32
      %dma_wait3A_1712 = tpu.memref_slice %arg11[%dma_wait3A_1709, %dma_wait3A_1710, %dma_wait3A_1711] : memref<5x8x128xi32, #tpu.memory_space<vmem>> -> memref<1x1x128xi32, #tpu.memory_space<vmem>>
      %dma_wait3A_1713 = tpu.memref_squeeze %dma_wait3A_1712 : memref<1x1x128xi32, #tpu.memory_space<vmem>> -> memref<128xi32, #tpu.memory_space<vmem>>
      %dma_wait3A_1714 = arith.constant 0 : i32
      %dma_wait3A_1715 = arith.constant 0 : i32
      %dma_wait3A_1716 = tpu.memref_slice %arg9[%dma_wait3A_1714, %dma_wait3A_1715] : memref<10896x128xf32, #tpu.memory_space<vmem_shared>> -> memref<10896x128xf32, #tpu.memory_space<vmem_shared>>
      tpu.wait_indirect_dma semaphore(%arg17 : memref<!tpu.dma_semaphore, #tpu.memory_space<semaphore_mem>>) src(%arg13 : memref<128x128xf32, #tpu.memory_space<vmem>>) dst(%dma_wait3A_1716 : memref<10896x128xf32, #tpu.memory_space<vmem_shared>>)
      %add3A_1717 = arith.constant 1 : i32
      %add3A_1718 = arith.addi %scan3A_287, %add3A_1717 : i32
      %lt3A_1719 = arith.constant 2 : i32
      %lt3A_1720 = arith.cmpi slt, %add3A_1718, %lt3A_1719 : i32
      %convert_element_type3A_1721 = arith.extui %lt3A_1720 : i1 to i32
      %cond3A_1722 = arith.constant 0 : i32
      %cond3A_1723 = arith.cmpi ne, %convert_element_type3A_1721, %cond3A_1722 : i32
      scf.if %cond3A_1723 {
        %add3A_1724 = arith.constant 1 : i32
        %add3A_1725 = arith.addi %scan3A_287, %add3A_1724 : i32
        %mul3A_1726 = arith.constant 5 : i32
        %mul3A_1727 = arith.muli %mul3A_1726, %add3A_1725 : i32
        %add3A_1728 = arith.constant 0 : i32
        %add3A_1729 = arith.addi %mul3A_1727, %add3A_1728 : i32
        %mul3A_1730 = arith.constant 80 : i32
        %mul3A_1731 = arith.muli %add3A, %mul3A_1730 : i32
        %mul3A_1732 = arith.constant 8 : i32
        %mul3A_1733 = arith.muli %add3A_1729, %mul3A_1732 : i32
        %add3A_1734 = arith.addi %mul3A_1731, %mul3A_1733 : i32
        %dma_start3A_1735 = arith.constant 0 : i32
        %dma_start3A_1736 = arith.constant 0 : i32
        %dma_start3A_1737 = arith.constant 0 : i32
        %dma_start3A_1738 = tpu.memref_slice %arg10[%dma_start3A_1735, %dma_start3A_1736, %dma_start3A_1737] : memref<5x8x128xi32, #tpu.memory_space<vmem>> -> memref<1x8x128xi32, #tpu.memory_space<vmem>>
        %dma_start3A_1739 = tpu.memref_squeeze %dma_start3A_1738 : memref<1x8x128xi32, #tpu.memory_space<vmem>> -> memref<8x128xi32, #tpu.memory_space<vmem>>
        %dma_start3A_1740 = arith.constant 0 : i32
        %dma_start3A_1741 = tpu.memref_slice %arg4[%add3A_1734, %dma_start3A_1740] : memref<2560x128xi32, #tpu.memory_space<hbm>> -> memref<8x128xi32, #tpu.memory_space<hbm>>
        %dma_start3A_1742 = arith.constant 0 : i32
        %dma_start3A_1743 = arith.constant 0 : i32
        %dma_start3A_1744 = tpu.memref_slice %arg10[%dma_start3A_1735, %dma_start3A_1742, %dma_start3A_1743] : memref<5x8x128xi32, #tpu.memory_space<vmem>> -> memref<1x8x128xi32, #tpu.memory_space<vmem>>
        %dma_start3A_1745 = tpu.memref_squeeze %dma_start3A_1744 : memref<1x8x128xi32, #tpu.memory_space<vmem>> -> memref<8x128xi32, #tpu.memory_space<vmem>>
        %dma_start3A_1746 = arith.constant 0 : i32
        %dma_start3A_1747 = tpu.memref_slice %arg4[%add3A_1734, %dma_start3A_1746] : memref<2560x128xi32, #tpu.memory_space<hbm>> -> memref<8x128xi32, #tpu.memory_space<hbm>>
        tpu.enqueue_dma source(%dma_start3A_1747 : memref<8x128xi32, #tpu.memory_space<hbm>>) target(%dma_start3A_1745 : memref<8x128xi32, #tpu.memory_space<vmem>>) target_semaphore(%arg18 : memref<!tpu.dma_semaphore, #tpu.memory_space<semaphore_mem>>)
        %dma_start3A_1748 = arith.constant 0 : i32
        %dma_start3A_1749 = arith.constant 0 : i32
        %dma_start3A_1750 = arith.constant 0 : i32
        %dma_start3A_1751 = tpu.memref_slice %arg11[%dma_start3A_1748, %dma_start3A_1749, %dma_start3A_1750] : memref<5x8x128xi32, #tpu.memory_space<vmem>> -> memref<1x8x128xi32, #tpu.memory_space<vmem>>
        %dma_start3A_1752 = tpu.memref_squeeze %dma_start3A_1751 : memref<1x8x128xi32, #tpu.memory_space<vmem>> -> memref<8x128xi32, #tpu.memory_space<vmem>>
        %dma_start3A_1753 = arith.constant 0 : i32
        %dma_start3A_1754 = tpu.memref_slice %arg3[%add3A_1734, %dma_start3A_1753] : memref<2560x128xi32, #tpu.memory_space<hbm>> -> memref<8x128xi32, #tpu.memory_space<hbm>>
        %dma_start3A_1755 = arith.constant 0 : i32
        %dma_start3A_1756 = arith.constant 0 : i32
        %dma_start3A_1757 = tpu.memref_slice %arg11[%dma_start3A_1748, %dma_start3A_1755, %dma_start3A_1756] : memref<5x8x128xi32, #tpu.memory_space<vmem>> -> memref<1x8x128xi32, #tpu.memory_space<vmem>>
        %dma_start3A_1758 = tpu.memref_squeeze %dma_start3A_1757 : memref<1x8x128xi32, #tpu.memory_space<vmem>> -> memref<8x128xi32, #tpu.memory_space<vmem>>
        %dma_start3A_1759 = arith.constant 0 : i32
        %dma_start3A_1760 = tpu.memref_slice %arg3[%add3A_1734, %dma_start3A_1759] : memref<2560x128xi32, #tpu.memory_space<hbm>> -> memref<8x128xi32, #tpu.memory_space<hbm>>
        tpu.enqueue_dma source(%dma_start3A_1760 : memref<8x128xi32, #tpu.memory_space<hbm>>) target(%dma_start3A_1758 : memref<8x128xi32, #tpu.memory_space<vmem>>) target_semaphore(%arg18 : memref<!tpu.dma_semaphore, #tpu.memory_space<semaphore_mem>>)
        %add3A_1761 = arith.constant 1 : i32
        %add3A_1762 = arith.addi %scan3A_287, %add3A_1761 : i32
        %mul3A_1763 = arith.constant 5 : i32
        %mul3A_1764 = arith.muli %mul3A_1763, %add3A_1762 : i32
        %add3A_1765 = arith.constant 1 : i32
        %add3A_1766 = arith.addi %mul3A_1764, %add3A_1765 : i32
        %mul3A_1767 = arith.constant 80 : i32
        %mul3A_1768 = arith.muli %add3A, %mul3A_1767 : i32
        %mul3A_1769 = arith.constant 8 : i32
        %mul3A_1770 = arith.muli %add3A_1766, %mul3A_1769 : i32
        %add3A_1771 = arith.addi %mul3A_1768, %mul3A_1770 : i32
        %dma_start3A_1772 = arith.constant 1 : i32
        %dma_start3A_1773 = arith.constant 0 : i32
        %dma_start3A_1774 = arith.constant 0 : i32
        %dma_start3A_1775 = tpu.memref_slice %arg10[%dma_start3A_1772, %dma_start3A_1773, %dma_start3A_1774] : memref<5x8x128xi32, #tpu.memory_space<vmem>> -> memref<1x8x128xi32, #tpu.memory_space<vmem>>
        %dma_start3A_1776 = tpu.memref_squeeze %dma_start3A_1775 : memref<1x8x128xi32, #tpu.memory_space<vmem>> -> memref<8x128xi32, #tpu.memory_space<vmem>>
        %dma_start3A_1777 = arith.constant 0 : i32
        %dma_start3A_1778 = tpu.memref_slice %arg4[%add3A_1771, %dma_start3A_1777] : memref<2560x128xi32, #tpu.memory_space<hbm>> -> memref<8x128xi32, #tpu.memory_space<hbm>>
        %dma_start3A_1779 = arith.constant 0 : i32
        %dma_start3A_1780 = arith.constant 0 : i32
        %dma_start3A_1781 = tpu.memref_slice %arg10[%dma_start3A_1772, %dma_start3A_1779, %dma_start3A_1780] : memref<5x8x128xi32, #tpu.memory_space<vmem>> -> memref<1x8x128xi32, #tpu.memory_space<vmem>>
        %dma_start3A_1782 = tpu.memref_squeeze %dma_start3A_1781 : memref<1x8x128xi32, #tpu.memory_space<vmem>> -> memref<8x128xi32, #tpu.memory_space<vmem>>
        %dma_start3A_1783 = arith.constant 0 : i32
        %dma_start3A_1784 = tpu.memref_slice %arg4[%add3A_1771, %dma_start3A_1783] : memref<2560x128xi32, #tpu.memory_space<hbm>> -> memref<8x128xi32, #tpu.memory_space<hbm>>
        tpu.enqueue_dma source(%dma_start3A_1784 : memref<8x128xi32, #tpu.memory_space<hbm>>) target(%dma_start3A_1782 : memref<8x128xi32, #tpu.memory_space<vmem>>) target_semaphore(%arg18 : memref<!tpu.dma_semaphore, #tpu.memory_space<semaphore_mem>>)
        %dma_start3A_1785 = arith.constant 1 : i32
        %dma_start3A_1786 = arith.constant 0 : i32
        %dma_start3A_1787 = arith.constant 0 : i32
        %dma_start3A_1788 = tpu.memref_slice %arg11[%dma_start3A_1785, %dma_start3A_1786, %dma_start3A_1787] : memref<5x8x128xi32, #tpu.memory_space<vmem>> -> memref<1x8x128xi32, #tpu.memory_space<vmem>>
        %dma_start3A_1789 = tpu.memref_squeeze %dma_start3A_1788 : memref<1x8x128xi32, #tpu.memory_space<vmem>> -> memref<8x128xi32, #tpu.memory_space<vmem>>
        %dma_start3A_1790 = arith.constant 0 : i32
        %dma_start3A_1791 = tpu.memref_slice %arg3[%add3A_1771, %dma_start3A_1790] : memref<2560x128xi32, #tpu.memory_space<hbm>> -> memref<8x128xi32, #tpu.memory_space<hbm>>
        %dma_start3A_1792 = arith.constant 0 : i32
        %dma_start3A_1793 = arith.constant 0 : i32
        %dma_start3A_1794 = tpu.memref_slice %arg11[%dma_start3A_1785, %dma_start3A_1792, %dma_start3A_1793] : memref<5x8x128xi32, #tpu.memory_space<vmem>> -> memref<1x8x128xi32, #tpu.memory_space<vmem>>
        %dma_start3A_1795 = tpu.memref_squeeze %dma_start3A_1794 : memref<1x8x128xi32, #tpu.memory_space<vmem>> -> memref<8x128xi32, #tpu.memory_space<vmem>>
        %dma_start3A_1796 = arith.constant 0 : i32
        %dma_start3A_1797 = tpu.memref_slice %arg3[%add3A_1771, %dma_start3A_1796] : memref<2560x128xi32, #tpu.memory_space<hbm>> -> memref<8x128xi32, #tpu.memory_space<hbm>>
        tpu.enqueue_dma source(%dma_start3A_1797 : memref<8x128xi32, #tpu.memory_space<hbm>>) target(%dma_start3A_1795 : memref<8x128xi32, #tpu.memory_space<vmem>>) target_semaphore(%arg18 : memref<!tpu.dma_semaphore, #tpu.memory_space<semaphore_mem>>)
        %add3A_1798 = arith.constant 1 : i32
        %add3A_1799 = arith.addi %scan3A_287, %add3A_1798 : i32
        %mul3A_1800 = arith.constant 5 : i32
        %mul3A_1801 = arith.muli %mul3A_1800, %add3A_1799 : i32
        %add3A_1802 = arith.constant 2 : i32
        %add3A_1803 = arith.addi %mul3A_1801, %add3A_1802 : i32
        %mul3A_1804 = arith.constant 80 : i32
        %mul3A_1805 = arith.muli %add3A, %mul3A_1804 : i32
        %mul3A_1806 = arith.constant 8 : i32
        %mul3A_1807 = arith.muli %add3A_1803, %mul3A_1806 : i32
        %add3A_1808 = arith.addi %mul3A_1805, %mul3A_1807 : i32
        %dma_start3A_1809 = arith.constant 2 : i32
        %dma_start3A_1810 = arith.constant 0 : i32
        %dma_start3A_1811 = arith.constant 0 : i32
        %dma_start3A_1812 = tpu.memref_slice %arg10[%dma_start3A_1809, %dma_start3A_1810, %dma_start3A_1811] : memref<5x8x128xi32, #tpu.memory_space<vmem>> -> memref<1x8x128xi32, #tpu.memory_space<vmem>>
        %dma_start3A_1813 = tpu.memref_squeeze %dma_start3A_1812 : memref<1x8x128xi32, #tpu.memory_space<vmem>> -> memref<8x128xi32, #tpu.memory_space<vmem>>
        %dma_start3A_1814 = arith.constant 0 : i32
        %dma_start3A_1815 = tpu.memref_slice %arg4[%add3A_1808, %dma_start3A_1814] : memref<2560x128xi32, #tpu.memory_space<hbm>> -> memref<8x128xi32, #tpu.memory_space<hbm>>
        %dma_start3A_1816 = arith.constant 0 : i32
        %dma_start3A_1817 = arith.constant 0 : i32
        %dma_start3A_1818 = tpu.memref_slice %arg10[%dma_start3A_1809, %dma_start3A_1816, %dma_start3A_1817] : memref<5x8x128xi32, #tpu.memory_space<vmem>> -> memref<1x8x128xi32, #tpu.memory_space<vmem>>
        %dma_start3A_1819 = tpu.memref_squeeze %dma_start3A_1818 : memref<1x8x128xi32, #tpu.memory_space<vmem>> -> memref<8x128xi32, #tpu.memory_space<vmem>>
        %dma_start3A_1820 = arith.constant 0 : i32
        %dma_start3A_1821 = tpu.memref_slice %arg4[%add3A_1808, %dma_start3A_1820] : memref<2560x128xi32, #tpu.memory_space<hbm>> -> memref<8x128xi32, #tpu.memory_space<hbm>>
        tpu.enqueue_dma source(%dma_start3A_1821 : memref<8x128xi32, #tpu.memory_space<hbm>>) target(%dma_start3A_1819 : memref<8x128xi32, #tpu.memory_space<vmem>>) target_semaphore(%arg18 : memref<!tpu.dma_semaphore, #tpu.memory_space<semaphore_mem>>)
        %dma_start3A_1822 = arith.constant 2 : i32
        %dma_start3A_1823 = arith.constant 0 : i32
        %dma_start3A_1824 = arith.constant 0 : i32
        %dma_start3A_1825 = tpu.memref_slice %arg11[%dma_start3A_1822, %dma_start3A_1823, %dma_start3A_1824] : memref<5x8x128xi32, #tpu.memory_space<vmem>> -> memref<1x8x128xi32, #tpu.memory_space<vmem>>
        %dma_start3A_1826 = tpu.memref_squeeze %dma_start3A_1825 : memref<1x8x128xi32, #tpu.memory_space<vmem>> -> memref<8x128xi32, #tpu.memory_space<vmem>>
        %dma_start3A_1827 = arith.constant 0 : i32
        %dma_start3A_1828 = tpu.memref_slice %arg3[%add3A_1808, %dma_start3A_1827] : memref<2560x128xi32, #tpu.memory_space<hbm>> -> memref<8x128xi32, #tpu.memory_space<hbm>>
        %dma_start3A_1829 = arith.constant 0 : i32
        %dma_start3A_1830 = arith.constant 0 : i32
        %dma_start3A_1831 = tpu.memref_slice %arg11[%dma_start3A_1822, %dma_start3A_1829, %dma_start3A_1830] : memref<5x8x128xi32, #tpu.memory_space<vmem>> -> memref<1x8x128xi32, #tpu.memory_space<vmem>>
        %dma_start3A_1832 = tpu.memref_squeeze %dma_start3A_1831 : memref<1x8x128xi32, #tpu.memory_space<vmem>> -> memref<8x128xi32, #tpu.memory_space<vmem>>
        %dma_start3A_1833 = arith.constant 0 : i32
        %dma_start3A_1834 = tpu.memref_slice %arg3[%add3A_1808, %dma_start3A_1833] : memref<2560x128xi32, #tpu.memory_space<hbm>> -> memref<8x128xi32, #tpu.memory_space<hbm>>
        tpu.enqueue_dma source(%dma_start3A_1834 : memref<8x128xi32, #tpu.memory_space<hbm>>) target(%dma_start3A_1832 : memref<8x128xi32, #tpu.memory_space<vmem>>) target_semaphore(%arg18 : memref<!tpu.dma_semaphore, #tpu.memory_space<semaphore_mem>>)
        %add3A_1835 = arith.constant 1 : i32
        %add3A_1836 = arith.addi %scan3A_287, %add3A_1835 : i32
        %mul3A_1837 = arith.constant 5 : i32
        %mul3A_1838 = arith.muli %mul3A_1837, %add3A_1836 : i32
        %add3A_1839 = arith.constant 3 : i32
        %add3A_1840 = arith.addi %mul3A_1838, %add3A_1839 : i32
        %mul3A_1841 = arith.constant 80 : i32
        %mul3A_1842 = arith.muli %add3A, %mul3A_1841 : i32
        %mul3A_1843 = arith.constant 8 : i32
        %mul3A_1844 = arith.muli %add3A_1840, %mul3A_1843 : i32
        %add3A_1845 = arith.addi %mul3A_1842, %mul3A_1844 : i32
        %dma_start3A_1846 = arith.constant 3 : i32
        %dma_start3A_1847 = arith.constant 0 : i32
        %dma_start3A_1848 = arith.constant 0 : i32
        %dma_start3A_1849 = tpu.memref_slice %arg10[%dma_start3A_1846, %dma_start3A_1847, %dma_start3A_1848] : memref<5x8x128xi32, #tpu.memory_space<vmem>> -> memref<1x8x128xi32, #tpu.memory_space<vmem>>
        %dma_start3A_1850 = tpu.memref_squeeze %dma_start3A_1849 : memref<1x8x128xi32, #tpu.memory_space<vmem>> -> memref<8x128xi32, #tpu.memory_space<vmem>>
        %dma_start3A_1851 = arith.constant 0 : i32
        %dma_start3A_1852 = tpu.memref_slice %arg4[%add3A_1845, %dma_start3A_1851] : memref<2560x128xi32, #tpu.memory_space<hbm>> -> memref<8x128xi32, #tpu.memory_space<hbm>>
        %dma_start3A_1853 = arith.constant 0 : i32
        %dma_start3A_1854 = arith.constant 0 : i32
        %dma_start3A_1855 = tpu.memref_slice %arg10[%dma_start3A_1846, %dma_start3A_1853, %dma_start3A_1854] : memref<5x8x128xi32, #tpu.memory_space<vmem>> -> memref<1x8x128xi32, #tpu.memory_space<vmem>>
        %dma_start3A_1856 = tpu.memref_squeeze %dma_start3A_1855 : memref<1x8x128xi32, #tpu.memory_space<vmem>> -> memref<8x128xi32, #tpu.memory_space<vmem>>
        %dma_start3A_1857 = arith.constant 0 : i32
        %dma_start3A_1858 = tpu.memref_slice %arg4[%add3A_1845, %dma_start3A_1857] : memref<2560x128xi32, #tpu.memory_space<hbm>> -> memref<8x128xi32, #tpu.memory_space<hbm>>
        tpu.enqueue_dma source(%dma_start3A_1858 : memref<8x128xi32, #tpu.memory_space<hbm>>) target(%dma_start3A_1856 : memref<8x128xi32, #tpu.memory_space<vmem>>) target_semaphore(%arg18 : memref<!tpu.dma_semaphore, #tpu.memory_space<semaphore_mem>>)
        %dma_start3A_1859 = arith.constant 3 : i32
        %dma_start3A_1860 = arith.constant 0 : i32
        %dma_start3A_1861 = arith.constant 0 : i32
        %dma_start3A_1862 = tpu.memref_slice %arg11[%dma_start3A_1859, %dma_start3A_1860, %dma_start3A_1861] : memref<5x8x128xi32, #tpu.memory_space<vmem>> -> memref<1x8x128xi32, #tpu.memory_space<vmem>>
        %dma_start3A_1863 = tpu.memref_squeeze %dma_start3A_1862 : memref<1x8x128xi32, #tpu.memory_space<vmem>> -> memref<8x128xi32, #tpu.memory_space<vmem>>
        %dma_start3A_1864 = arith.constant 0 : i32
        %dma_start3A_1865 = tpu.memref_slice %arg3[%add3A_1845, %dma_start3A_1864] : memref<2560x128xi32, #tpu.memory_space<hbm>> -> memref<8x128xi32, #tpu.memory_space<hbm>>
        %dma_start3A_1866 = arith.constant 0 : i32
        %dma_start3A_1867 = arith.constant 0 : i32
        %dma_start3A_1868 = tpu.memref_slice %arg11[%dma_start3A_1859, %dma_start3A_1866, %dma_start3A_1867] : memref<5x8x128xi32, #tpu.memory_space<vmem>> -> memref<1x8x128xi32, #tpu.memory_space<vmem>>
        %dma_start3A_1869 = tpu.memref_squeeze %dma_start3A_1868 : memref<1x8x128xi32, #tpu.memory_space<vmem>> -> memref<8x128xi32, #tpu.memory_space<vmem>>
        %dma_start3A_1870 = arith.constant 0 : i32
        %dma_start3A_1871 = tpu.memref_slice %arg3[%add3A_1845, %dma_start3A_1870] : memref<2560x128xi32, #tpu.memory_space<hbm>> -> memref<8x128xi32, #tpu.memory_space<hbm>>
        tpu.enqueue_dma source(%dma_start3A_1871 : memref<8x128xi32, #tpu.memory_space<hbm>>) target(%dma_start3A_1869 : memref<8x128xi32, #tpu.memory_space<vmem>>) target_semaphore(%arg18 : memref<!tpu.dma_semaphore, #tpu.memory_space<semaphore_mem>>)
        %add3A_1872 = arith.constant 1 : i32
        %add3A_1873 = arith.addi %scan3A_287, %add3A_1872 : i32
        %mul3A_1874 = arith.constant 5 : i32
        %mul3A_1875 = arith.muli %mul3A_1874, %add3A_1873 : i32
        %add3A_1876 = arith.constant 4 : i32
        %add3A_1877 = arith.addi %mul3A_1875, %add3A_1876 : i32
        %mul3A_1878 = arith.constant 80 : i32
        %mul3A_1879 = arith.muli %add3A, %mul3A_1878 : i32
        %mul3A_1880 = arith.constant 8 : i32
        %mul3A_1881 = arith.muli %add3A_1877, %mul3A_1880 : i32
        %add3A_1882 = arith.addi %mul3A_1879, %mul3A_1881 : i32
        %dma_start3A_1883 = arith.constant 4 : i32
        %dma_start3A_1884 = arith.constant 0 : i32
        %dma_start3A_1885 = arith.constant 0 : i32
        %dma_start3A_1886 = tpu.memref_slice %arg10[%dma_start3A_1883, %dma_start3A_1884, %dma_start3A_1885] : memref<5x8x128xi32, #tpu.memory_space<vmem>> -> memref<1x8x128xi32, #tpu.memory_space<vmem>>
        %dma_start3A_1887 = tpu.memref_squeeze %dma_start3A_1886 : memref<1x8x128xi32, #tpu.memory_space<vmem>> -> memref<8x128xi32, #tpu.memory_space<vmem>>
        %dma_start3A_1888 = arith.constant 0 : i32
        %dma_start3A_1889 = tpu.memref_slice %arg4[%add3A_1882, %dma_start3A_1888] : memref<2560x128xi32, #tpu.memory_space<hbm>> -> memref<8x128xi32, #tpu.memory_space<hbm>>
        %dma_start3A_1890 = arith.constant 0 : i32
        %dma_start3A_1891 = arith.constant 0 : i32
        %dma_start3A_1892 = tpu.memref_slice %arg10[%dma_start3A_1883, %dma_start3A_1890, %dma_start3A_1891] : memref<5x8x128xi32, #tpu.memory_space<vmem>> -> memref<1x8x128xi32, #tpu.memory_space<vmem>>
        %dma_start3A_1893 = tpu.memref_squeeze %dma_start3A_1892 : memref<1x8x128xi32, #tpu.memory_space<vmem>> -> memref<8x128xi32, #tpu.memory_space<vmem>>
        %dma_start3A_1894 = arith.constant 0 : i32
        %dma_start3A_1895 = tpu.memref_slice %arg4[%add3A_1882, %dma_start3A_1894] : memref<2560x128xi32, #tpu.memory_space<hbm>> -> memref<8x128xi32, #tpu.memory_space<hbm>>
        tpu.enqueue_dma source(%dma_start3A_1895 : memref<8x128xi32, #tpu.memory_space<hbm>>) target(%dma_start3A_1893 : memref<8x128xi32, #tpu.memory_space<vmem>>) target_semaphore(%arg18 : memref<!tpu.dma_semaphore, #tpu.memory_space<semaphore_mem>>)
        %dma_start3A_1896 = arith.constant 4 : i32
        %dma_start3A_1897 = arith.constant 0 : i32
        %dma_start3A_1898 = arith.constant 0 : i32
        %dma_start3A_1899 = tpu.memref_slice %arg11[%dma_start3A_1896, %dma_start3A_1897, %dma_start3A_1898] : memref<5x8x128xi32, #tpu.memory_space<vmem>> -> memref<1x8x128xi32, #tpu.memory_space<vmem>>
        %dma_start3A_1900 = tpu.memref_squeeze %dma_start3A_1899 : memref<1x8x128xi32, #tpu.memory_space<vmem>> -> memref<8x128xi32, #tpu.memory_space<vmem>>
        %dma_start3A_1901 = arith.constant 0 : i32
        %dma_start3A_1902 = tpu.memref_slice %arg3[%add3A_1882, %dma_start3A_1901] : memref<2560x128xi32, #tpu.memory_space<hbm>> -> memref<8x128xi32, #tpu.memory_space<hbm>>
        %dma_start3A_1903 = arith.constant 0 : i32
        %dma_start3A_1904 = arith.constant 0 : i32
        %dma_start3A_1905 = tpu.memref_slice %arg11[%dma_start3A_1896, %dma_start3A_1903, %dma_start3A_1904] : memref<5x8x128xi32, #tpu.memory_space<vmem>> -> memref<1x8x128xi32, #tpu.memory_space<vmem>>
        %dma_start3A_1906 = tpu.memref_squeeze %dma_start3A_1905 : memref<1x8x128xi32, #tpu.memory_space<vmem>> -> memref<8x128xi32, #tpu.memory_space<vmem>>
        %dma_start3A_1907 = arith.constant 0 : i32
        %dma_start3A_1908 = tpu.memref_slice %arg3[%add3A_1882, %dma_start3A_1907] : memref<2560x128xi32, #tpu.memory_space<hbm>> -> memref<8x128xi32, #tpu.memory_space<hbm>>
        tpu.enqueue_dma source(%dma_start3A_1908 : memref<8x128xi32, #tpu.memory_space<hbm>>) target(%dma_start3A_1906 : memref<8x128xi32, #tpu.memory_space<vmem>>) target_semaphore(%arg18 : memref<!tpu.dma_semaphore, #tpu.memory_space<semaphore_mem>>)
      } else {
      }
    }
    %scan3A_162 = arith.constant 2 : i32
    %barrier3A_163 = arith.constant 0 : index
    tpu.barrier barrier_id(%barrier3A_163)
    %lt3A_164 = arith.constant 15 : i32
    %lt3A_165 = arith.cmpi slt, %arg1, %lt3A_164 : i32
    %convert_element_type3A_166 = arith.extui %lt3A_165 : i1 to i32
    %cond3A_167 = arith.constant 0 : i32
    %cond3A_168 = arith.cmpi ne, %convert_element_type3A_166, %cond3A_167 : i32
    scf.if %cond3A_168 {
      "tpu.region"() ({
        %run_scoped3A = tpu.sem_alloc : memref<!tpu.dma_semaphore, #tpu.memory_space<semaphore_mem>>
        %dma_start3A_287 = arith.constant 0 : i32
        %dma_start3A_288 = tpu.memref_slice %arg7[%arg0, %mul3A_2, %dma_start3A_287] : memref<2x10000x128xf32, #tpu.memory_space<hbm>> -> memref<1x632x128xf32, #tpu.memory_space<hbm>>
        %dma_start3A_289 = tpu.memref_squeeze %dma_start3A_288 : memref<1x632x128xf32, #tpu.memory_space<hbm>> -> memref<632x128xf32, #tpu.memory_space<hbm>>
        %dma_start3A_290 = arith.constant 0 : i32
        %dma_start3A_291 = tpu.memref_slice %arg9[%mul3A_2, %dma_start3A_290] : memref<10896x128xf32, #tpu.memory_space<vmem_shared>> -> memref<632x128xf32, #tpu.memory_space<vmem_shared>>
        tpu.enqueue_dma source(%dma_start3A_291 : memref<632x128xf32, #tpu.memory_space<vmem_shared>>) target(%dma_start3A_289 : memref<632x128xf32, #tpu.memory_space<hbm>>) target_semaphore(%run_scoped3A : memref<!tpu.dma_semaphore, #tpu.memory_space<semaphore_mem>>)
        %dma_wait3A = arith.constant 0 : i32
        %dma_wait3A_292 = tpu.memref_slice %arg7[%arg0, %mul3A_2, %dma_wait3A] : memref<2x10000x128xf32, #tpu.memory_space<hbm>> -> memref<1x632x128xf32, #tpu.memory_space<hbm>>
        %dma_wait3A_293 = tpu.memref_squeeze %dma_wait3A_292 : memref<1x632x128xf32, #tpu.memory_space<hbm>> -> memref<632x128xf32, #tpu.memory_space<hbm>>
        %dma_wait3A_294 = arith.constant 0 : i32
        %dma_wait3A_295 = tpu.memref_slice %arg9[%mul3A_2, %dma_wait3A_294] : memref<10896x128xf32, #tpu.memory_space<vmem_shared>> -> memref<632x128xf32, #tpu.memory_space<vmem_shared>>
        tpu.wait_dma2 semaphore(%run_scoped3A : memref<!tpu.dma_semaphore, #tpu.memory_space<semaphore_mem>>) src(%dma_wait3A_295 : memref<632x128xf32, #tpu.memory_space<vmem_shared>>) dst(%dma_wait3A_293 : memref<632x128xf32, #tpu.memory_space<hbm>>)
        tpu.yield
      }) : () -> ()
    } else {
    }
    %eq3A_169 = arith.constant 15 : i32
    %eq3A_170 = arith.cmpi eq, %arg1, %eq3A_169 : i32
    %convert_element_type3A_171 = arith.extui %eq3A_170 : i1 to i32
    %cond3A_172 = arith.constant 0 : i32
    %cond3A_173 = arith.cmpi ne, %convert_element_type3A_171, %cond3A_172 : i32
    scf.if %cond3A_173 {
      "tpu.region"() ({
        %run_scoped3A = tpu.sem_alloc : memref<!tpu.dma_semaphore, #tpu.memory_space<semaphore_mem>>
        %dma_start3A_287 = arith.constant 0 : i32
        %dma_start3A_288 = tpu.memref_slice %arg7[%arg0, %mul3A_2, %dma_start3A_287] : memref<2x10000x128xf32, #tpu.memory_space<hbm>> -> memref<1x520x128xf32, #tpu.memory_space<hbm>>
        %dma_start3A_289 = tpu.memref_squeeze %dma_start3A_288 : memref<1x520x128xf32, #tpu.memory_space<hbm>> -> memref<520x128xf32, #tpu.memory_space<hbm>>
        %dma_start3A_290 = arith.constant 0 : i32
        %dma_start3A_291 = tpu.memref_slice %arg9[%mul3A_2, %dma_start3A_290] : memref<10896x128xf32, #tpu.memory_space<vmem_shared>> -> memref<520x128xf32, #tpu.memory_space<vmem_shared>>
        tpu.enqueue_dma source(%dma_start3A_291 : memref<520x128xf32, #tpu.memory_space<vmem_shared>>) target(%dma_start3A_289 : memref<520x128xf32, #tpu.memory_space<hbm>>) target_semaphore(%run_scoped3A : memref<!tpu.dma_semaphore, #tpu.memory_space<semaphore_mem>>)
        %dma_wait3A = arith.constant 0 : i32
        %dma_wait3A_292 = tpu.memref_slice %arg7[%arg0, %mul3A_2, %dma_wait3A] : memref<2x10000x128xf32, #tpu.memory_space<hbm>> -> memref<1x520x128xf32, #tpu.memory_space<hbm>>
        %dma_wait3A_293 = tpu.memref_squeeze %dma_wait3A_292 : memref<1x520x128xf32, #tpu.memory_space<hbm>> -> memref<520x128xf32, #tpu.memory_space<hbm>>
        %dma_wait3A_294 = arith.constant 0 : i32
        %dma_wait3A_295 = tpu.memref_slice %arg9[%mul3A_2, %dma_wait3A_294] : memref<10896x128xf32, #tpu.memory_space<vmem_shared>> -> memref<520x128xf32, #tpu.memory_space<vmem_shared>>
        tpu.wait_dma2 semaphore(%run_scoped3A : memref<!tpu.dma_semaphore, #tpu.memory_space<semaphore_mem>>) src(%dma_wait3A_295 : memref<520x128xf32, #tpu.memory_space<vmem_shared>>) dst(%dma_wait3A_293 : memref<520x128xf32, #tpu.memory_space<hbm>>)
        tpu.yield
      }) : () -> ()
    } else {
    }
    %lt3A_174 = arith.constant 15 : i32
    %lt3A_175 = arith.cmpi slt, %arg1, %lt3A_174 : i32
    %convert_element_type3A_176 = arith.extui %lt3A_175 : i1 to i32
    %cond3A_177 = arith.constant 0 : i32
    %cond3A_178 = arith.cmpi ne, %convert_element_type3A_176, %cond3A_177 : i32
    scf.if %cond3A_178 {
      "tpu.region"() ({
        %run_scoped3A = tpu.sem_alloc : memref<!tpu.dma_semaphore, #tpu.memory_space<semaphore_mem>>
        %dma_start3A_287 = arith.constant 0 : i32
        %dma_start3A_288 = tpu.memref_slice %arg9[%mul3A_2, %dma_start3A_287] : memref<10896x128xf32, #tpu.memory_space<vmem_shared>> -> memref<632x128xf32, #tpu.memory_space<vmem_shared>>
        tpu.enqueue_dma source(%arg5 : memref<632x128xf32, #tpu.memory_space<hbm>>) target(%dma_start3A_288 : memref<632x128xf32, #tpu.memory_space<vmem_shared>>) target_semaphore(%run_scoped3A : memref<!tpu.dma_semaphore, #tpu.memory_space<semaphore_mem>>)
        %dma_wait3A = arith.constant 0 : i32
        %dma_wait3A_289 = tpu.memref_slice %arg9[%mul3A_2, %dma_wait3A] : memref<10896x128xf32, #tpu.memory_space<vmem_shared>> -> memref<632x128xf32, #tpu.memory_space<vmem_shared>>
        tpu.wait_dma2 semaphore(%run_scoped3A : memref<!tpu.dma_semaphore, #tpu.memory_space<semaphore_mem>>) src(%arg5 : memref<632x128xf32, #tpu.memory_space<hbm>>) dst(%dma_wait3A_289 : memref<632x128xf32, #tpu.memory_space<vmem_shared>>)
        tpu.yield
      }) : () -> ()
    } else {
    }
    %eq3A_179 = arith.constant 15 : i32
    %eq3A_180 = arith.cmpi eq, %arg1, %eq3A_179 : i32
    %convert_element_type3A_181 = arith.extui %eq3A_180 : i1 to i32
    %cond3A_182 = arith.constant 0 : i32
    %cond3A_183 = arith.cmpi ne, %convert_element_type3A_181, %cond3A_182 : i32
    scf.if %cond3A_183 {
      "tpu.region"() ({
        %run_scoped3A = tpu.sem_alloc : memref<!tpu.dma_semaphore, #tpu.memory_space<semaphore_mem>>
        %dma_start3A_287 = arith.constant 0 : i32
        %dma_start3A_288 = tpu.memref_slice %arg9[%mul3A_2, %dma_start3A_287] : memref<10896x128xf32, #tpu.memory_space<vmem_shared>> -> memref<520x128xf32, #tpu.memory_space<vmem_shared>>
        %dma_start3A_289 = arith.constant 0 : i32
        %dma_start3A_290 = arith.constant 0 : i32
        %dma_start3A_291 = tpu.memref_slice %arg5[%dma_start3A_289, %dma_start3A_290] : memref<632x128xf32, #tpu.memory_space<hbm>> -> memref<520x128xf32, #tpu.memory_space<hbm>>
        tpu.enqueue_dma source(%dma_start3A_291 : memref<520x128xf32, #tpu.memory_space<hbm>>) target(%dma_start3A_288 : memref<520x128xf32, #tpu.memory_space<vmem_shared>>) target_semaphore(%run_scoped3A : memref<!tpu.dma_semaphore, #tpu.memory_space<semaphore_mem>>)
        %dma_wait3A = arith.constant 0 : i32
        %dma_wait3A_292 = tpu.memref_slice %arg9[%mul3A_2, %dma_wait3A] : memref<10896x128xf32, #tpu.memory_space<vmem_shared>> -> memref<520x128xf32, #tpu.memory_space<vmem_shared>>
        %dma_wait3A_293 = arith.constant 0 : i32
        %dma_wait3A_294 = arith.constant 0 : i32
        %dma_wait3A_295 = tpu.memref_slice %arg5[%dma_wait3A_293, %dma_wait3A_294] : memref<632x128xf32, #tpu.memory_space<hbm>> -> memref<520x128xf32, #tpu.memory_space<hbm>>
        tpu.wait_dma2 semaphore(%run_scoped3A : memref<!tpu.dma_semaphore, #tpu.memory_space<semaphore_mem>>) src(%dma_wait3A_295 : memref<520x128xf32, #tpu.memory_space<hbm>>) dst(%dma_wait3A_292 : memref<520x128xf32, #tpu.memory_space<vmem_shared>>)
        tpu.yield
      }) : () -> ()
    } else {
    }
    "tpu.region"() ({
      %run_scoped3A = tpu.sem_alloc : memref<!tpu.dma_semaphore, #tpu.memory_space<semaphore_mem>>
      tpu.enqueue_dma source(%arg6 : memref<128x128xf32, #tpu.memory_space<hbm>>) target(%arg12 : memref<128x128xf32, #tpu.memory_space<vmem>>) target_semaphore(%run_scoped3A : memref<!tpu.dma_semaphore, #tpu.memory_space<semaphore_mem>>)
      tpu.wait_dma2 semaphore(%run_scoped3A : memref<!tpu.dma_semaphore, #tpu.memory_space<semaphore_mem>>) src(%arg6 : memref<128x128xf32, #tpu.memory_space<hbm>>) dst(%arg12 : memref<128x128xf32, #tpu.memory_space<vmem>>)
      tpu.yield
    }) : () -> ()
    %barrier3A_184 = arith.constant 0 : index
    tpu.barrier barrier_id(%barrier3A_184)
    %mul3A_185 = arith.constant 80 : i32
    %mul3A_186 = arith.muli %add3A, %mul3A_185 : i32
    %add3A_187 = arith.constant 0 : i32
    %add3A_188 = arith.addi %mul3A_186, %add3A_187 : i32
    %dma_start3A_189 = arith.constant 0 : i32
    %dma_start3A_190 = arith.constant 0 : i32
    %dma_start3A_191 = arith.constant 0 : i32
    %dma_start3A_192 = tpu.memref_slice %arg11[%dma_start3A_189, %dma_start3A_190, %dma_start3A_191] : memref<5x8x128xi32, #tpu.memory_space<vmem>> -> memref<1x8x128xi32, #tpu.memory_space<vmem>>
    %dma_start3A_193 = tpu.memref_squeeze %dma_start3A_192 : memref<1x8x128xi32, #tpu.memory_space<vmem>> -> memref<8x128xi32, #tpu.memory_space<vmem>>
    %dma_start3A_194 = arith.constant 0 : i32
    %dma_start3A_195 = tpu.memref_slice %arg3[%add3A_188, %dma_start3A_194] : memref<2560x128xi32, #tpu.memory_space<hbm>> -> memref<8x128xi32, #tpu.memory_space<hbm>>
    %dma_start3A_196 = arith.constant 0 : i32
    %dma_start3A_197 = arith.constant 0 : i32
    %dma_start3A_198 = tpu.memref_slice %arg11[%dma_start3A_189, %dma_start3A_196, %dma_start3A_197] : memref<5x8x128xi32, #tpu.memory_space<vmem>> -> memref<1x8x128xi32, #tpu.memory_space<vmem>>
    %dma_start3A_199 = tpu.memref_squeeze %dma_start3A_198 : memref<1x8x128xi32, #tpu.memory_space<vmem>> -> memref<8x128xi32, #tpu.memory_space<vmem>>
    %dma_start3A_200 = arith.constant 0 : i32
    %dma_start3A_201 = tpu.memref_slice %arg3[%add3A_188, %dma_start3A_200] : memref<2560x128xi32, #tpu.memory_space<hbm>> -> memref<8x128xi32, #tpu.memory_space<hbm>>
    tpu.enqueue_dma source(%dma_start3A_201 : memref<8x128xi32, #tpu.memory_space<hbm>>) target(%dma_start3A_199 : memref<8x128xi32, #tpu.memory_space<vmem>>) target_semaphore(%arg18 : memref<!tpu.dma_semaphore, #tpu.memory_space<semaphore_mem>>)
    %mul3A_202 = arith.constant 80 : i32
    %mul3A_203 = arith.muli %add3A, %mul3A_202 : i32
    %add3A_204 = arith.constant 8 : i32
    %add3A_205 = arith.addi %mul3A_203, %add3A_204 : i32
    %dma_start3A_206 = arith.constant 1 : i32
    %dma_start3A_207 = arith.constant 0 : i32
    %dma_start3A_208 = arith.constant 0 : i32
    %dma_start3A_209 = tpu.memref_slice %arg11[%dma_start3A_206, %dma_start3A_207, %dma_start3A_208] : memref<5x8x128xi32, #tpu.memory_space<vmem>> -> memref<1x8x128xi32, #tpu.memory_space<vmem>>
    %dma_start3A_210 = tpu.memref_squeeze %dma_start3A_209 : memref<1x8x128xi32, #tpu.memory_space<vmem>> -> memref<8x128xi32, #tpu.memory_space<vmem>>
    %dma_start3A_211 = arith.constant 0 : i32
    %dma_start3A_212 = tpu.memref_slice %arg3[%add3A_205, %dma_start3A_211] : memref<2560x128xi32, #tpu.memory_space<hbm>> -> memref<8x128xi32, #tpu.memory_space<hbm>>
    %dma_start3A_213 = arith.constant 0 : i32
    %dma_start3A_214 = arith.constant 0 : i32
    %dma_start3A_215 = tpu.memref_slice %arg11[%dma_start3A_206, %dma_start3A_213, %dma_start3A_214] : memref<5x8x128xi32, #tpu.memory_space<vmem>> -> memref<1x8x128xi32, #tpu.memory_space<vmem>>
    %dma_start3A_216 = tpu.memref_squeeze %dma_start3A_215 : memref<1x8x128xi32, #tpu.memory_space<vmem>> -> memref<8x128xi32, #tpu.memory_space<vmem>>
    %dma_start3A_217 = arith.constant 0 : i32
    %dma_start3A_218 = tpu.memref_slice %arg3[%add3A_205, %dma_start3A_217] : memref<2560x128xi32, #tpu.memory_space<hbm>> -> memref<8x128xi32, #tpu.memory_space<hbm>>
    tpu.enqueue_dma source(%dma_start3A_218 : memref<8x128xi32, #tpu.memory_space<hbm>>) target(%dma_start3A_216 : memref<8x128xi32, #tpu.memory_space<vmem>>) target_semaphore(%arg18 : memref<!tpu.dma_semaphore, #tpu.memory_space<semaphore_mem>>)
    %mul3A_219 = arith.constant 80 : i32
    %mul3A_220 = arith.muli %add3A, %mul3A_219 : i32
    %add3A_221 = arith.constant 16 : i32
    %add3A_222 = arith.addi %mul3A_220, %add3A_221 : i32
    %dma_start3A_223 = arith.constant 2 : i32
    %dma_start3A_224 = arith.constant 0 : i32
    %dma_start3A_225 = arith.constant 0 : i32
    %dma_start3A_226 = tpu.memref_slice %arg11[%dma_start3A_223, %dma_start3A_224, %dma_start3A_225] : memref<5x8x128xi32, #tpu.memory_space<vmem>> -> memref<1x8x128xi32, #tpu.memory_space<vmem>>
    %dma_start3A_227 = tpu.memref_squeeze %dma_start3A_226 : memref<1x8x128xi32, #tpu.memory_space<vmem>> -> memref<8x128xi32, #tpu.memory_space<vmem>>
    %dma_start3A_228 = arith.constant 0 : i32
    %dma_start3A_229 = tpu.memref_slice %arg3[%add3A_222, %dma_start3A_228] : memref<2560x128xi32, #tpu.memory_space<hbm>> -> memref<8x128xi32, #tpu.memory_space<hbm>>
    %dma_start3A_230 = arith.constant 0 : i32
    %dma_start3A_231 = arith.constant 0 : i32
    %dma_start3A_232 = tpu.memref_slice %arg11[%dma_start3A_223, %dma_start3A_230, %dma_start3A_231] : memref<5x8x128xi32, #tpu.memory_space<vmem>> -> memref<1x8x128xi32, #tpu.memory_space<vmem>>
    %dma_start3A_233 = tpu.memref_squeeze %dma_start3A_232 : memref<1x8x128xi32, #tpu.memory_space<vmem>> -> memref<8x128xi32, #tpu.memory_space<vmem>>
    %dma_start3A_234 = arith.constant 0 : i32
    %dma_start3A_235 = tpu.memref_slice %arg3[%add3A_222, %dma_start3A_234] : memref<2560x128xi32, #tpu.memory_space<hbm>> -> memref<8x128xi32, #tpu.memory_space<hbm>>
    tpu.enqueue_dma source(%dma_start3A_235 : memref<8x128xi32, #tpu.memory_space<hbm>>) target(%dma_start3A_233 : memref<8x128xi32, #tpu.memory_space<vmem>>) target_semaphore(%arg18 : memref<!tpu.dma_semaphore, #tpu.memory_space<semaphore_mem>>)
    %mul3A_236 = arith.constant 80 : i32
    %mul3A_237 = arith.muli %add3A, %mul3A_236 : i32
    %add3A_238 = arith.constant 24 : i32
    %add3A_239 = arith.addi %mul3A_237, %add3A_238 : i32
    %dma_start3A_240 = arith.constant 3 : i32
    %dma_start3A_241 = arith.constant 0 : i32
    %dma_start3A_242 = arith.constant 0 : i32
    %dma_start3A_243 = tpu.memref_slice %arg11[%dma_start3A_240, %dma_start3A_241, %dma_start3A_242] : memref<5x8x128xi32, #tpu.memory_space<vmem>> -> memref<1x8x128xi32, #tpu.memory_space<vmem>>
    %dma_start3A_244 = tpu.memref_squeeze %dma_start3A_243 : memref<1x8x128xi32, #tpu.memory_space<vmem>> -> memref<8x128xi32, #tpu.memory_space<vmem>>
    %dma_start3A_245 = arith.constant 0 : i32
    %dma_start3A_246 = tpu.memref_slice %arg3[%add3A_239, %dma_start3A_245] : memref<2560x128xi32, #tpu.memory_space<hbm>> -> memref<8x128xi32, #tpu.memory_space<hbm>>
    %dma_start3A_247 = arith.constant 0 : i32
    %dma_start3A_248 = arith.constant 0 : i32
    %dma_start3A_249 = tpu.memref_slice %arg11[%dma_start3A_240, %dma_start3A_247, %dma_start3A_248] : memref<5x8x128xi32, #tpu.memory_space<vmem>> -> memref<1x8x128xi32, #tpu.memory_space<vmem>>
    %dma_start3A_250 = tpu.memref_squeeze %dma_start3A_249 : memref<1x8x128xi32, #tpu.memory_space<vmem>> -> memref<8x128xi32, #tpu.memory_space<vmem>>
    %dma_start3A_251 = arith.constant 0 : i32
    %dma_start3A_252 = tpu.memref_slice %arg3[%add3A_239, %dma_start3A_251] : memref<2560x128xi32, #tpu.memory_space<hbm>> -> memref<8x128xi32, #tpu.memory_space<hbm>>
    tpu.enqueue_dma source(%dma_start3A_252 : memref<8x128xi32, #tpu.memory_space<hbm>>) target(%dma_start3A_250 : memref<8x128xi32, #tpu.memory_space<vmem>>) target_semaphore(%arg18 : memref<!tpu.dma_semaphore, #tpu.memory_space<semaphore_mem>>)
    %mul3A_253 = arith.constant 80 : i32
    %mul3A_254 = arith.muli %add3A, %mul3A_253 : i32
    %add3A_255 = arith.constant 32 : i32
    %add3A_256 = arith.addi %mul3A_254, %add3A_255 : i32
    %dma_start3A_257 = arith.constant 4 : i32
    %dma_start3A_258 = arith.constant 0 : i32
    %dma_start3A_259 = arith.constant 0 : i32
    %dma_start3A_260 = tpu.memref_slice %arg11[%dma_start3A_257, %dma_start3A_258, %dma_start3A_259] : memref<5x8x128xi32, #tpu.memory_space<vmem>> -> memref<1x8x128xi32, #tpu.memory_space<vmem>>
    %dma_start3A_261 = tpu.memref_squeeze %dma_start3A_260 : memref<1x8x128xi32, #tpu.memory_space<vmem>> -> memref<8x128xi32, #tpu.memory_space<vmem>>
    %dma_start3A_262 = arith.constant 0 : i32
    %dma_start3A_263 = tpu.memref_slice %arg3[%add3A_256, %dma_start3A_262] : memref<2560x128xi32, #tpu.memory_space<hbm>> -> memref<8x128xi32, #tpu.memory_space<hbm>>
    %dma_start3A_264 = arith.constant 0 : i32
    %dma_start3A_265 = arith.constant 0 : i32
    %dma_start3A_266 = tpu.memref_slice %arg11[%dma_start3A_257, %dma_start3A_264, %dma_start3A_265] : memref<5x8x128xi32, #tpu.memory_space<vmem>> -> memref<1x8x128xi32, #tpu.memory_space<vmem>>
    %dma_start3A_267 = tpu.memref_squeeze %dma_start3A_266 : memref<1x8x128xi32, #tpu.memory_space<vmem>> -> memref<8x128xi32, #tpu.memory_space<vmem>>
    %dma_start3A_268 = arith.constant 0 : i32
    %dma_start3A_269 = tpu.memref_slice %arg3[%add3A_256, %dma_start3A_268] : memref<2560x128xi32, #tpu.memory_space<hbm>> -> memref<8x128xi32, #tpu.memory_space<hbm>>
    tpu.enqueue_dma source(%dma_start3A_269 : memref<8x128xi32, #tpu.memory_space<hbm>>) target(%dma_start3A_267 : memref<8x128xi32, #tpu.memory_space<vmem>>) target_semaphore(%arg18 : memref<!tpu.dma_semaphore, #tpu.memory_space<semaphore_mem>>)
    %scan3A_270 = arith.constant 0 : i32
    %scan3A_271 = arith.constant 0 : i32
    %scan3A_272 = arith.constant 2 : i32
    %scan3A_273 = arith.addi %scan3A_271, %scan3A_272 : i32
    %scan3A_274 = arith.constant 1 : i32
    scf.for %scan3A_287 = %scan3A_271 to %scan3A_273 step %scan3A_274  : i32 {
      %dma_wait3A = arith.constant 0 : i32
      %dma_wait3A_288 = arith.constant 0 : i32
      %dma_wait3A_289 = arith.constant 0 : i32
      %dma_wait3A_290 = tpu.memref_slice %arg11[%dma_wait3A, %dma_wait3A_288, %dma_wait3A_289] : memref<5x8x128xi32, #tpu.memory_space<vmem>> -> memref<1x8x128xi32, #tpu.memory_space<vmem>>
      %dma_wait3A_291 = tpu.memref_squeeze %dma_wait3A_290 : memref<1x8x128xi32, #tpu.memory_space<vmem>> -> memref<8x128xi32, #tpu.memory_space<vmem>>
      %dma_wait3A_292 = arith.constant 0 : i32
      %dma_wait3A_293 = arith.constant 0 : i32
      %dma_wait3A_294 = tpu.memref_slice %arg3[%dma_wait3A_292, %dma_wait3A_293] : memref<2560x128xi32, #tpu.memory_space<hbm>> -> memref<8x128xi32, #tpu.memory_space<hbm>>
      %dma_wait3A_295 = arith.constant 0 : i32
      %dma_wait3A_296 = arith.constant 0 : i32
      %dma_wait3A_297 = tpu.memref_slice %arg11[%dma_wait3A, %dma_wait3A_295, %dma_wait3A_296] : memref<5x8x128xi32, #tpu.memory_space<vmem>> -> memref<1x8x128xi32, #tpu.memory_space<vmem>>
      %dma_wait3A_298 = tpu.memref_squeeze %dma_wait3A_297 : memref<1x8x128xi32, #tpu.memory_space<vmem>> -> memref<8x128xi32, #tpu.memory_space<vmem>>
      %dma_wait3A_299 = arith.constant 0 : i32
      %dma_wait3A_300 = arith.constant 0 : i32
      %dma_wait3A_301 = tpu.memref_slice %arg3[%dma_wait3A_299, %dma_wait3A_300] : memref<2560x128xi32, #tpu.memory_space<hbm>> -> memref<8x128xi32, #tpu.memory_space<hbm>>
      tpu.wait_dma2 semaphore(%arg18 : memref<!tpu.dma_semaphore, #tpu.memory_space<semaphore_mem>>) src(%dma_wait3A_301 : memref<8x128xi32, #tpu.memory_space<hbm>>) dst(%dma_wait3A_298 : memref<8x128xi32, #tpu.memory_space<vmem>>)
      %dma_start3A_302 = arith.constant 0 : i32
      %dma_start3A_303 = arith.constant 0 : i32
      %dma_start3A_304 = arith.constant 0 : i32
      %dma_start3A_305 = tpu.memref_slice %arg11[%dma_start3A_302, %dma_start3A_303, %dma_start3A_304] : memref<5x8x128xi32, #tpu.memory_space<vmem>> -> memref<1x1x128xi32, #tpu.memory_space<vmem>>
      %dma_start3A_306 = tpu.memref_squeeze %dma_start3A_305 : memref<1x1x128xi32, #tpu.memory_space<vmem>> -> memref<128xi32, #tpu.memory_space<vmem>>
      %dma_start3A_307 = arith.constant 0 : i32
      %dma_start3A_308 = arith.constant 0 : i32
      %dma_start3A_309 = tpu.memref_slice %arg9[%dma_start3A_307, %dma_start3A_308] : memref<10896x128xf32, #tpu.memory_space<vmem_shared>> -> memref<10896x128xf32, #tpu.memory_space<vmem_shared>>
      tpu.enqueue_indirect_dma source(%arg12 : memref<128x128xf32, #tpu.memory_space<vmem>>) target(%dma_start3A_309 : memref<10896x128xf32, #tpu.memory_space<vmem_shared>>) offsets(%dma_start3A_306 : memref<128xi32, #tpu.memory_space<vmem>>) semaphore(%arg16 : memref<!tpu.dma_semaphore, #tpu.memory_space<semaphore_mem>>) {add = true}
      %dma_start3A_310 = arith.constant 0 : i32
      %dma_start3A_311 = arith.constant 1 : i32
      %dma_start3A_312 = arith.constant 0 : i32
      %dma_start3A_313 = tpu.memref_slice %arg11[%dma_start3A_310, %dma_start3A_311, %dma_start3A_312] : memref<5x8x128xi32, #tpu.memory_space<vmem>> -> memref<1x1x128xi32, #tpu.memory_space<vmem>>
      %dma_start3A_314 = tpu.memref_squeeze %dma_start3A_313 : memref<1x1x128xi32, #tpu.memory_space<vmem>> -> memref<128xi32, #tpu.memory_space<vmem>>
      %dma_start3A_315 = arith.constant 0 : i32
      %dma_start3A_316 = arith.constant 0 : i32
      %dma_start3A_317 = tpu.memref_slice %arg9[%dma_start3A_315, %dma_start3A_316] : memref<10896x128xf32, #tpu.memory_space<vmem_shared>> -> memref<10896x128xf32, #tpu.memory_space<vmem_shared>>
      tpu.enqueue_indirect_dma source(%arg12 : memref<128x128xf32, #tpu.memory_space<vmem>>) target(%dma_start3A_317 : memref<10896x128xf32, #tpu.memory_space<vmem_shared>>) offsets(%dma_start3A_314 : memref<128xi32, #tpu.memory_space<vmem>>) semaphore(%arg16 : memref<!tpu.dma_semaphore, #tpu.memory_space<semaphore_mem>>) {add = true}
      %dma_start3A_318 = arith.constant 0 : i32
      %dma_start3A_319 = arith.constant 2 : i32
      %dma_start3A_320 = arith.constant 0 : i32
      %dma_start3A_321 = tpu.memref_slice %arg11[%dma_start3A_318, %dma_start3A_319, %dma_start3A_320] : memref<5x8x128xi32, #tpu.memory_space<vmem>> -> memref<1x1x128xi32, #tpu.memory_space<vmem>>
      %dma_start3A_322 = tpu.memref_squeeze %dma_start3A_321 : memref<1x1x128xi32, #tpu.memory_space<vmem>> -> memref<128xi32, #tpu.memory_space<vmem>>
      %dma_start3A_323 = arith.constant 0 : i32
      %dma_start3A_324 = arith.constant 0 : i32
      %dma_start3A_325 = tpu.memref_slice %arg9[%dma_start3A_323, %dma_start3A_324] : memref<10896x128xf32, #tpu.memory_space<vmem_shared>> -> memref<10896x128xf32, #tpu.memory_space<vmem_shared>>
      tpu.enqueue_indirect_dma source(%arg12 : memref<128x128xf32, #tpu.memory_space<vmem>>) target(%dma_start3A_325 : memref<10896x128xf32, #tpu.memory_space<vmem_shared>>) offsets(%dma_start3A_322 : memref<128xi32, #tpu.memory_space<vmem>>) semaphore(%arg16 : memref<!tpu.dma_semaphore, #tpu.memory_space<semaphore_mem>>) {add = true}
      %dma_start3A_326 = arith.constant 0 : i32
      %dma_start3A_327 = arith.constant 3 : i32
      %dma_start3A_328 = arith.constant 0 : i32
      %dma_start3A_329 = tpu.memref_slice %arg11[%dma_start3A_326, %dma_start3A_327, %dma_start3A_328] : memref<5x8x128xi32, #tpu.memory_space<vmem>> -> memref<1x1x128xi32, #tpu.memory_space<vmem>>
      %dma_start3A_330 = tpu.memref_squeeze %dma_start3A_329 : memref<1x1x128xi32, #tpu.memory_space<vmem>> -> memref<128xi32, #tpu.memory_space<vmem>>
      %dma_start3A_331 = arith.constant 0 : i32
      %dma_start3A_332 = arith.constant 0 : i32
      %dma_start3A_333 = tpu.memref_slice %arg9[%dma_start3A_331, %dma_start3A_332] : memref<10896x128xf32, #tpu.memory_space<vmem_shared>> -> memref<10896x128xf32, #tpu.memory_space<vmem_shared>>
      tpu.enqueue_indirect_dma source(%arg12 : memref<128x128xf32, #tpu.memory_space<vmem>>) target(%dma_start3A_333 : memref<10896x128xf32, #tpu.memory_space<vmem_shared>>) offsets(%dma_start3A_330 : memref<128xi32, #tpu.memory_space<vmem>>) semaphore(%arg16 : memref<!tpu.dma_semaphore, #tpu.memory_space<semaphore_mem>>) {add = true}
      %dma_start3A_334 = arith.constant 0 : i32
      %dma_start3A_335 = arith.constant 4 : i32
      %dma_start3A_336 = arith.constant 0 : i32
      %dma_start3A_337 = tpu.memref_slice %arg11[%dma_start3A_334, %dma_start3A_335, %dma_start3A_336] : memref<5x8x128xi32, #tpu.memory_space<vmem>> -> memref<1x1x128xi32, #tpu.memory_space<vmem>>
      %dma_start3A_338 = tpu.memref_squeeze %dma_start3A_337 : memref<1x1x128xi32, #tpu.memory_space<vmem>> -> memref<128xi32, #tpu.memory_space<vmem>>
      %dma_start3A_339 = arith.constant 0 : i32
      %dma_start3A_340 = arith.constant 0 : i32
      %dma_start3A_341 = tpu.memref_slice %arg9[%dma_start3A_339, %dma_start3A_340] : memref<10896x128xf32, #tpu.memory_space<vmem_shared>> -> memref<10896x128xf32, #tpu.memory_space<vmem_shared>>
      tpu.enqueue_indirect_dma source(%arg12 : memref<128x128xf32, #tpu.memory_space<vmem>>) target(%dma_start3A_341 : memref<10896x128xf32, #tpu.memory_space<vmem_shared>>) offsets(%dma_start3A_338 : memref<128xi32, #tpu.memory_space<vmem>>) semaphore(%arg16 : memref<!tpu.dma_semaphore, #tpu.memory_space<semaphore_mem>>) {add = true}
      %dma_start3A_342 = arith.constant 0 : i32
      %dma_start3A_343 = arith.constant 5 : i32
      %dma_start3A_344 = arith.constant 0 : i32
      %dma_start3A_345 = tpu.memref_slice %arg11[%dma_start3A_342, %dma_start3A_343, %dma_start3A_344] : memref<5x8x128xi32, #tpu.memory_space<vmem>> -> memref<1x1x128xi32, #tpu.memory_space<vmem>>
      %dma_start3A_346 = tpu.memref_squeeze %dma_start3A_345 : memref<1x1x128xi32, #tpu.memory_space<vmem>> -> memref<128xi32, #tpu.memory_space<vmem>>
      %dma_start3A_347 = arith.constant 0 : i32
      %dma_start3A_348 = arith.constant 0 : i32
      %dma_start3A_349 = tpu.memref_slice %arg9[%dma_start3A_347, %dma_start3A_348] : memref<10896x128xf32, #tpu.memory_space<vmem_shared>> -> memref<10896x128xf32, #tpu.memory_space<vmem_shared>>
      tpu.enqueue_indirect_dma source(%arg12 : memref<128x128xf32, #tpu.memory_space<vmem>>) target(%dma_start3A_349 : memref<10896x128xf32, #tpu.memory_space<vmem_shared>>) offsets(%dma_start3A_346 : memref<128xi32, #tpu.memory_space<vmem>>) semaphore(%arg16 : memref<!tpu.dma_semaphore, #tpu.memory_space<semaphore_mem>>) {add = true}
      %dma_start3A_350 = arith.constant 0 : i32
      %dma_start3A_351 = arith.constant 6 : i32
      %dma_start3A_352 = arith.constant 0 : i32
      %dma_start3A_353 = tpu.memref_slice %arg11[%dma_start3A_350, %dma_start3A_351, %dma_start3A_352] : memref<5x8x128xi32, #tpu.memory_space<vmem>> -> memref<1x1x128xi32, #tpu.memory_space<vmem>>
      %dma_start3A_354 = tpu.memref_squeeze %dma_start3A_353 : memref<1x1x128xi32, #tpu.memory_space<vmem>> -> memref<128xi32, #tpu.memory_space<vmem>>
      %dma_start3A_355 = arith.constant 0 : i32
      %dma_start3A_356 = arith.constant 0 : i32
      %dma_start3A_357 = tpu.memref_slice %arg9[%dma_start3A_355, %dma_start3A_356] : memref<10896x128xf32, #tpu.memory_space<vmem_shared>> -> memref<10896x128xf32, #tpu.memory_space<vmem_shared>>
      tpu.enqueue_indirect_dma source(%arg12 : memref<128x128xf32, #tpu.memory_space<vmem>>) target(%dma_start3A_357 : memref<10896x128xf32, #tpu.memory_space<vmem_shared>>) offsets(%dma_start3A_354 : memref<128xi32, #tpu.memory_space<vmem>>) semaphore(%arg16 : memref<!tpu.dma_semaphore, #tpu.memory_space<semaphore_mem>>) {add = true}
      %dma_start3A_358 = arith.constant 0 : i32
      %dma_start3A_359 = arith.constant 7 : i32
      %dma_start3A_360 = arith.constant 0 : i32
      %dma_start3A_361 = tpu.memref_slice %arg11[%dma_start3A_358, %dma_start3A_359, %dma_start3A_360] : memref<5x8x128xi32, #tpu.memory_space<vmem>> -> memref<1x1x128xi32, #tpu.memory_space<vmem>>
      %dma_start3A_362 = tpu.memref_squeeze %dma_start3A_361 : memref<1x1x128xi32, #tpu.memory_space<vmem>> -> memref<128xi32, #tpu.memory_space<vmem>>
      %dma_start3A_363 = arith.constant 0 : i32
      %dma_start3A_364 = arith.constant 0 : i32
      %dma_start3A_365 = tpu.memref_slice %arg9[%dma_start3A_363, %dma_start3A_364] : memref<10896x128xf32, #tpu.memory_space<vmem_shared>> -> memref<10896x128xf32, #tpu.memory_space<vmem_shared>>
      tpu.enqueue_indirect_dma source(%arg12 : memref<128x128xf32, #tpu.memory_space<vmem>>) target(%dma_start3A_365 : memref<10896x128xf32, #tpu.memory_space<vmem_shared>>) offsets(%dma_start3A_362 : memref<128xi32, #tpu.memory_space<vmem>>) semaphore(%arg16 : memref<!tpu.dma_semaphore, #tpu.memory_space<semaphore_mem>>) {add = true}
      %dma_wait3A_366 = arith.constant 1 : i32
      %dma_wait3A_367 = arith.constant 0 : i32
      %dma_wait3A_368 = arith.constant 0 : i32
      %dma_wait3A_369 = tpu.memref_slice %arg11[%dma_wait3A_366, %dma_wait3A_367, %dma_wait3A_368] : memref<5x8x128xi32, #tpu.memory_space<vmem>> -> memref<1x8x128xi32, #tpu.memory_space<vmem>>
      %dma_wait3A_370 = tpu.memref_squeeze %dma_wait3A_369 : memref<1x8x128xi32, #tpu.memory_space<vmem>> -> memref<8x128xi32, #tpu.memory_space<vmem>>
      %dma_wait3A_371 = arith.constant 0 : i32
      %dma_wait3A_372 = arith.constant 0 : i32
      %dma_wait3A_373 = tpu.memref_slice %arg3[%dma_wait3A_371, %dma_wait3A_372] : memref<2560x128xi32, #tpu.memory_space<hbm>> -> memref<8x128xi32, #tpu.memory_space<hbm>>
      %dma_wait3A_374 = arith.constant 0 : i32
      %dma_wait3A_375 = arith.constant 0 : i32
      %dma_wait3A_376 = tpu.memref_slice %arg11[%dma_wait3A_366, %dma_wait3A_374, %dma_wait3A_375] : memref<5x8x128xi32, #tpu.memory_space<vmem>> -> memref<1x8x128xi32, #tpu.memory_space<vmem>>
      %dma_wait3A_377 = tpu.memref_squeeze %dma_wait3A_376 : memref<1x8x128xi32, #tpu.memory_space<vmem>> -> memref<8x128xi32, #tpu.memory_space<vmem>>
      %dma_wait3A_378 = arith.constant 0 : i32
      %dma_wait3A_379 = arith.constant 0 : i32
      %dma_wait3A_380 = tpu.memref_slice %arg3[%dma_wait3A_378, %dma_wait3A_379] : memref<2560x128xi32, #tpu.memory_space<hbm>> -> memref<8x128xi32, #tpu.memory_space<hbm>>
      tpu.wait_dma2 semaphore(%arg18 : memref<!tpu.dma_semaphore, #tpu.memory_space<semaphore_mem>>) src(%dma_wait3A_380 : memref<8x128xi32, #tpu.memory_space<hbm>>) dst(%dma_wait3A_377 : memref<8x128xi32, #tpu.memory_space<vmem>>)
      %dma_start3A_381 = arith.constant 1 : i32
      %dma_start3A_382 = arith.constant 0 : i32
      %dma_start3A_383 = arith.constant 0 : i32
      %dma_start3A_384 = tpu.memref_slice %arg11[%dma_start3A_381, %dma_start3A_382, %dma_start3A_383] : memref<5x8x128xi32, #tpu.memory_space<vmem>> -> memref<1x1x128xi32, #tpu.memory_space<vmem>>
      %dma_start3A_385 = tpu.memref_squeeze %dma_start3A_384 : memref<1x1x128xi32, #tpu.memory_space<vmem>> -> memref<128xi32, #tpu.memory_space<vmem>>
      %dma_start3A_386 = arith.constant 0 : i32
      %dma_start3A_387 = arith.constant 0 : i32
      %dma_start3A_388 = tpu.memref_slice %arg9[%dma_start3A_386, %dma_start3A_387] : memref<10896x128xf32, #tpu.memory_space<vmem_shared>> -> memref<10896x128xf32, #tpu.memory_space<vmem_shared>>
      tpu.enqueue_indirect_dma source(%arg12 : memref<128x128xf32, #tpu.memory_space<vmem>>) target(%dma_start3A_388 : memref<10896x128xf32, #tpu.memory_space<vmem_shared>>) offsets(%dma_start3A_385 : memref<128xi32, #tpu.memory_space<vmem>>) semaphore(%arg16 : memref<!tpu.dma_semaphore, #tpu.memory_space<semaphore_mem>>) {add = true}
      %dma_start3A_389 = arith.constant 1 : i32
      %dma_start3A_390 = arith.constant 1 : i32
      %dma_start3A_391 = arith.constant 0 : i32
      %dma_start3A_392 = tpu.memref_slice %arg11[%dma_start3A_389, %dma_start3A_390, %dma_start3A_391] : memref<5x8x128xi32, #tpu.memory_space<vmem>> -> memref<1x1x128xi32, #tpu.memory_space<vmem>>
      %dma_start3A_393 = tpu.memref_squeeze %dma_start3A_392 : memref<1x1x128xi32, #tpu.memory_space<vmem>> -> memref<128xi32, #tpu.memory_space<vmem>>
      %dma_start3A_394 = arith.constant 0 : i32
      %dma_start3A_395 = arith.constant 0 : i32
      %dma_start3A_396 = tpu.memref_slice %arg9[%dma_start3A_394, %dma_start3A_395] : memref<10896x128xf32, #tpu.memory_space<vmem_shared>> -> memref<10896x128xf32, #tpu.memory_space<vmem_shared>>
      tpu.enqueue_indirect_dma source(%arg12 : memref<128x128xf32, #tpu.memory_space<vmem>>) target(%dma_start3A_396 : memref<10896x128xf32, #tpu.memory_space<vmem_shared>>) offsets(%dma_start3A_393 : memref<128xi32, #tpu.memory_space<vmem>>) semaphore(%arg16 : memref<!tpu.dma_semaphore, #tpu.memory_space<semaphore_mem>>) {add = true}
      %dma_start3A_397 = arith.constant 1 : i32
      %dma_start3A_398 = arith.constant 2 : i32
      %dma_start3A_399 = arith.constant 0 : i32
      %dma_start3A_400 = tpu.memref_slice %arg11[%dma_start3A_397, %dma_start3A_398, %dma_start3A_399] : memref<5x8x128xi32, #tpu.memory_space<vmem>> -> memref<1x1x128xi32, #tpu.memory_space<vmem>>
      %dma_start3A_401 = tpu.memref_squeeze %dma_start3A_400 : memref<1x1x128xi32, #tpu.memory_space<vmem>> -> memref<128xi32, #tpu.memory_space<vmem>>
      %dma_start3A_402 = arith.constant 0 : i32
      %dma_start3A_403 = arith.constant 0 : i32
      %dma_start3A_404 = tpu.memref_slice %arg9[%dma_start3A_402, %dma_start3A_403] : memref<10896x128xf32, #tpu.memory_space<vmem_shared>> -> memref<10896x128xf32, #tpu.memory_space<vmem_shared>>
      tpu.enqueue_indirect_dma source(%arg12 : memref<128x128xf32, #tpu.memory_space<vmem>>) target(%dma_start3A_404 : memref<10896x128xf32, #tpu.memory_space<vmem_shared>>) offsets(%dma_start3A_401 : memref<128xi32, #tpu.memory_space<vmem>>) semaphore(%arg16 : memref<!tpu.dma_semaphore, #tpu.memory_space<semaphore_mem>>) {add = true}
      %dma_start3A_405 = arith.constant 1 : i32
      %dma_start3A_406 = arith.constant 3 : i32
      %dma_start3A_407 = arith.constant 0 : i32
      %dma_start3A_408 = tpu.memref_slice %arg11[%dma_start3A_405, %dma_start3A_406, %dma_start3A_407] : memref<5x8x128xi32, #tpu.memory_space<vmem>> -> memref<1x1x128xi32, #tpu.memory_space<vmem>>
      %dma_start3A_409 = tpu.memref_squeeze %dma_start3A_408 : memref<1x1x128xi32, #tpu.memory_space<vmem>> -> memref<128xi32, #tpu.memory_space<vmem>>
      %dma_start3A_410 = arith.constant 0 : i32
      %dma_start3A_411 = arith.constant 0 : i32
      %dma_start3A_412 = tpu.memref_slice %arg9[%dma_start3A_410, %dma_start3A_411] : memref<10896x128xf32, #tpu.memory_space<vmem_shared>> -> memref<10896x128xf32, #tpu.memory_space<vmem_shared>>
      tpu.enqueue_indirect_dma source(%arg12 : memref<128x128xf32, #tpu.memory_space<vmem>>) target(%dma_start3A_412 : memref<10896x128xf32, #tpu.memory_space<vmem_shared>>) offsets(%dma_start3A_409 : memref<128xi32, #tpu.memory_space<vmem>>) semaphore(%arg16 : memref<!tpu.dma_semaphore, #tpu.memory_space<semaphore_mem>>) {add = true}
      %dma_start3A_413 = arith.constant 1 : i32
      %dma_start3A_414 = arith.constant 4 : i32
      %dma_start3A_415 = arith.constant 0 : i32
      %dma_start3A_416 = tpu.memref_slice %arg11[%dma_start3A_413, %dma_start3A_414, %dma_start3A_415] : memref<5x8x128xi32, #tpu.memory_space<vmem>> -> memref<1x1x128xi32, #tpu.memory_space<vmem>>
      %dma_start3A_417 = tpu.memref_squeeze %dma_start3A_416 : memref<1x1x128xi32, #tpu.memory_space<vmem>> -> memref<128xi32, #tpu.memory_space<vmem>>
      %dma_start3A_418 = arith.constant 0 : i32
      %dma_start3A_419 = arith.constant 0 : i32
      %dma_start3A_420 = tpu.memref_slice %arg9[%dma_start3A_418, %dma_start3A_419] : memref<10896x128xf32, #tpu.memory_space<vmem_shared>> -> memref<10896x128xf32, #tpu.memory_space<vmem_shared>>
      tpu.enqueue_indirect_dma source(%arg12 : memref<128x128xf32, #tpu.memory_space<vmem>>) target(%dma_start3A_420 : memref<10896x128xf32, #tpu.memory_space<vmem_shared>>) offsets(%dma_start3A_417 : memref<128xi32, #tpu.memory_space<vmem>>) semaphore(%arg16 : memref<!tpu.dma_semaphore, #tpu.memory_space<semaphore_mem>>) {add = true}
      %dma_start3A_421 = arith.constant 1 : i32
      %dma_start3A_422 = arith.constant 5 : i32
      %dma_start3A_423 = arith.constant 0 : i32
      %dma_start3A_424 = tpu.memref_slice %arg11[%dma_start3A_421, %dma_start3A_422, %dma_start3A_423] : memref<5x8x128xi32, #tpu.memory_space<vmem>> -> memref<1x1x128xi32, #tpu.memory_space<vmem>>
      %dma_start3A_425 = tpu.memref_squeeze %dma_start3A_424 : memref<1x1x128xi32, #tpu.memory_space<vmem>> -> memref<128xi32, #tpu.memory_space<vmem>>
      %dma_start3A_426 = arith.constant 0 : i32
      %dma_start3A_427 = arith.constant 0 : i32
      %dma_start3A_428 = tpu.memref_slice %arg9[%dma_start3A_426, %dma_start3A_427] : memref<10896x128xf32, #tpu.memory_space<vmem_shared>> -> memref<10896x128xf32, #tpu.memory_space<vmem_shared>>
      tpu.enqueue_indirect_dma source(%arg12 : memref<128x128xf32, #tpu.memory_space<vmem>>) target(%dma_start3A_428 : memref<10896x128xf32, #tpu.memory_space<vmem_shared>>) offsets(%dma_start3A_425 : memref<128xi32, #tpu.memory_space<vmem>>) semaphore(%arg16 : memref<!tpu.dma_semaphore, #tpu.memory_space<semaphore_mem>>) {add = true}
      %dma_start3A_429 = arith.constant 1 : i32
      %dma_start3A_430 = arith.constant 6 : i32
      %dma_start3A_431 = arith.constant 0 : i32
      %dma_start3A_432 = tpu.memref_slice %arg11[%dma_start3A_429, %dma_start3A_430, %dma_start3A_431] : memref<5x8x128xi32, #tpu.memory_space<vmem>> -> memref<1x1x128xi32, #tpu.memory_space<vmem>>
      %dma_start3A_433 = tpu.memref_squeeze %dma_start3A_432 : memref<1x1x128xi32, #tpu.memory_space<vmem>> -> memref<128xi32, #tpu.memory_space<vmem>>
      %dma_start3A_434 = arith.constant 0 : i32
      %dma_start3A_435 = arith.constant 0 : i32
      %dma_start3A_436 = tpu.memref_slice %arg9[%dma_start3A_434, %dma_start3A_435] : memref<10896x128xf32, #tpu.memory_space<vmem_shared>> -> memref<10896x128xf32, #tpu.memory_space<vmem_shared>>
      tpu.enqueue_indirect_dma source(%arg12 : memref<128x128xf32, #tpu.memory_space<vmem>>) target(%dma_start3A_436 : memref<10896x128xf32, #tpu.memory_space<vmem_shared>>) offsets(%dma_start3A_433 : memref<128xi32, #tpu.memory_space<vmem>>) semaphore(%arg16 : memref<!tpu.dma_semaphore, #tpu.memory_space<semaphore_mem>>) {add = true}
      %dma_start3A_437 = arith.constant 1 : i32
      %dma_start3A_438 = arith.constant 7 : i32
      %dma_start3A_439 = arith.constant 0 : i32
      %dma_start3A_440 = tpu.memref_slice %arg11[%dma_start3A_437, %dma_start3A_438, %dma_start3A_439] : memref<5x8x128xi32, #tpu.memory_space<vmem>> -> memref<1x1x128xi32, #tpu.memory_space<vmem>>
      %dma_start3A_441 = tpu.memref_squeeze %dma_start3A_440 : memref<1x1x128xi32, #tpu.memory_space<vmem>> -> memref<128xi32, #tpu.memory_space<vmem>>
      %dma_start3A_442 = arith.constant 0 : i32
      %dma_start3A_443 = arith.constant 0 : i32
      %dma_start3A_444 = tpu.memref_slice %arg9[%dma_start3A_442, %dma_start3A_443] : memref<10896x128xf32, #tpu.memory_space<vmem_shared>> -> memref<10896x128xf32, #tpu.memory_space<vmem_shared>>
      tpu.enqueue_indirect_dma source(%arg12 : memref<128x128xf32, #tpu.memory_space<vmem>>) target(%dma_start3A_444 : memref<10896x128xf32, #tpu.memory_space<vmem_shared>>) offsets(%dma_start3A_441 : memref<128xi32, #tpu.memory_space<vmem>>) semaphore(%arg16 : memref<!tpu.dma_semaphore, #tpu.memory_space<semaphore_mem>>) {add = true}
      %dma_wait3A_445 = arith.constant 2 : i32
      %dma_wait3A_446 = arith.constant 0 : i32
      %dma_wait3A_447 = arith.constant 0 : i32
      %dma_wait3A_448 = tpu.memref_slice %arg11[%dma_wait3A_445, %dma_wait3A_446, %dma_wait3A_447] : memref<5x8x128xi32, #tpu.memory_space<vmem>> -> memref<1x8x128xi32, #tpu.memory_space<vmem>>
      %dma_wait3A_449 = tpu.memref_squeeze %dma_wait3A_448 : memref<1x8x128xi32, #tpu.memory_space<vmem>> -> memref<8x128xi32, #tpu.memory_space<vmem>>
      %dma_wait3A_450 = arith.constant 0 : i32
      %dma_wait3A_451 = arith.constant 0 : i32
      %dma_wait3A_452 = tpu.memref_slice %arg3[%dma_wait3A_450, %dma_wait3A_451] : memref<2560x128xi32, #tpu.memory_space<hbm>> -> memref<8x128xi32, #tpu.memory_space<hbm>>
      %dma_wait3A_453 = arith.constant 0 : i32
      %dma_wait3A_454 = arith.constant 0 : i32
      %dma_wait3A_455 = tpu.memref_slice %arg11[%dma_wait3A_445, %dma_wait3A_453, %dma_wait3A_454] : memref<5x8x128xi32, #tpu.memory_space<vmem>> -> memref<1x8x128xi32, #tpu.memory_space<vmem>>
      %dma_wait3A_456 = tpu.memref_squeeze %dma_wait3A_455 : memref<1x8x128xi32, #tpu.memory_space<vmem>> -> memref<8x128xi32, #tpu.memory_space<vmem>>
      %dma_wait3A_457 = arith.constant 0 : i32
      %dma_wait3A_458 = arith.constant 0 : i32
      %dma_wait3A_459 = tpu.memref_slice %arg3[%dma_wait3A_457, %dma_wait3A_458] : memref<2560x128xi32, #tpu.memory_space<hbm>> -> memref<8x128xi32, #tpu.memory_space<hbm>>
      tpu.wait_dma2 semaphore(%arg18 : memref<!tpu.dma_semaphore, #tpu.memory_space<semaphore_mem>>) src(%dma_wait3A_459 : memref<8x128xi32, #tpu.memory_space<hbm>>) dst(%dma_wait3A_456 : memref<8x128xi32, #tpu.memory_space<vmem>>)
      %dma_start3A_460 = arith.constant 2 : i32
      %dma_start3A_461 = arith.constant 0 : i32
      %dma_start3A_462 = arith.constant 0 : i32
      %dma_start3A_463 = tpu.memref_slice %arg11[%dma_start3A_460, %dma_start3A_461, %dma_start3A_462] : memref<5x8x128xi32, #tpu.memory_space<vmem>> -> memref<1x1x128xi32, #tpu.memory_space<vmem>>
      %dma_start3A_464 = tpu.memref_squeeze %dma_start3A_463 : memref<1x1x128xi32, #tpu.memory_space<vmem>> -> memref<128xi32, #tpu.memory_space<vmem>>
      %dma_start3A_465 = arith.constant 0 : i32
      %dma_start3A_466 = arith.constant 0 : i32
      %dma_start3A_467 = tpu.memref_slice %arg9[%dma_start3A_465, %dma_start3A_466] : memref<10896x128xf32, #tpu.memory_space<vmem_shared>> -> memref<10896x128xf32, #tpu.memory_space<vmem_shared>>
      tpu.enqueue_indirect_dma source(%arg12 : memref<128x128xf32, #tpu.memory_space<vmem>>) target(%dma_start3A_467 : memref<10896x128xf32, #tpu.memory_space<vmem_shared>>) offsets(%dma_start3A_464 : memref<128xi32, #tpu.memory_space<vmem>>) semaphore(%arg16 : memref<!tpu.dma_semaphore, #tpu.memory_space<semaphore_mem>>) {add = true}
      %dma_start3A_468 = arith.constant 2 : i32
      %dma_start3A_469 = arith.constant 1 : i32
      %dma_start3A_470 = arith.constant 0 : i32
      %dma_start3A_471 = tpu.memref_slice %arg11[%dma_start3A_468, %dma_start3A_469, %dma_start3A_470] : memref<5x8x128xi32, #tpu.memory_space<vmem>> -> memref<1x1x128xi32, #tpu.memory_space<vmem>>
      %dma_start3A_472 = tpu.memref_squeeze %dma_start3A_471 : memref<1x1x128xi32, #tpu.memory_space<vmem>> -> memref<128xi32, #tpu.memory_space<vmem>>
      %dma_start3A_473 = arith.constant 0 : i32
      %dma_start3A_474 = arith.constant 0 : i32
      %dma_start3A_475 = tpu.memref_slice %arg9[%dma_start3A_473, %dma_start3A_474] : memref<10896x128xf32, #tpu.memory_space<vmem_shared>> -> memref<10896x128xf32, #tpu.memory_space<vmem_shared>>
      tpu.enqueue_indirect_dma source(%arg12 : memref<128x128xf32, #tpu.memory_space<vmem>>) target(%dma_start3A_475 : memref<10896x128xf32, #tpu.memory_space<vmem_shared>>) offsets(%dma_start3A_472 : memref<128xi32, #tpu.memory_space<vmem>>) semaphore(%arg16 : memref<!tpu.dma_semaphore, #tpu.memory_space<semaphore_mem>>) {add = true}
      %dma_start3A_476 = arith.constant 2 : i32
      %dma_start3A_477 = arith.constant 2 : i32
      %dma_start3A_478 = arith.constant 0 : i32
      %dma_start3A_479 = tpu.memref_slice %arg11[%dma_start3A_476, %dma_start3A_477, %dma_start3A_478] : memref<5x8x128xi32, #tpu.memory_space<vmem>> -> memref<1x1x128xi32, #tpu.memory_space<vmem>>
      %dma_start3A_480 = tpu.memref_squeeze %dma_start3A_479 : memref<1x1x128xi32, #tpu.memory_space<vmem>> -> memref<128xi32, #tpu.memory_space<vmem>>
      %dma_start3A_481 = arith.constant 0 : i32
      %dma_start3A_482 = arith.constant 0 : i32
      %dma_start3A_483 = tpu.memref_slice %arg9[%dma_start3A_481, %dma_start3A_482] : memref<10896x128xf32, #tpu.memory_space<vmem_shared>> -> memref<10896x128xf32, #tpu.memory_space<vmem_shared>>
      tpu.enqueue_indirect_dma source(%arg12 : memref<128x128xf32, #tpu.memory_space<vmem>>) target(%dma_start3A_483 : memref<10896x128xf32, #tpu.memory_space<vmem_shared>>) offsets(%dma_start3A_480 : memref<128xi32, #tpu.memory_space<vmem>>) semaphore(%arg16 : memref<!tpu.dma_semaphore, #tpu.memory_space<semaphore_mem>>) {add = true}
      %dma_start3A_484 = arith.constant 2 : i32
      %dma_start3A_485 = arith.constant 3 : i32
      %dma_start3A_486 = arith.constant 0 : i32
      %dma_start3A_487 = tpu.memref_slice %arg11[%dma_start3A_484, %dma_start3A_485, %dma_start3A_486] : memref<5x8x128xi32, #tpu.memory_space<vmem>> -> memref<1x1x128xi32, #tpu.memory_space<vmem>>
      %dma_start3A_488 = tpu.memref_squeeze %dma_start3A_487 : memref<1x1x128xi32, #tpu.memory_space<vmem>> -> memref<128xi32, #tpu.memory_space<vmem>>
      %dma_start3A_489 = arith.constant 0 : i32
      %dma_start3A_490 = arith.constant 0 : i32
      %dma_start3A_491 = tpu.memref_slice %arg9[%dma_start3A_489, %dma_start3A_490] : memref<10896x128xf32, #tpu.memory_space<vmem_shared>> -> memref<10896x128xf32, #tpu.memory_space<vmem_shared>>
      tpu.enqueue_indirect_dma source(%arg12 : memref<128x128xf32, #tpu.memory_space<vmem>>) target(%dma_start3A_491 : memref<10896x128xf32, #tpu.memory_space<vmem_shared>>) offsets(%dma_start3A_488 : memref<128xi32, #tpu.memory_space<vmem>>) semaphore(%arg16 : memref<!tpu.dma_semaphore, #tpu.memory_space<semaphore_mem>>) {add = true}
      %dma_start3A_492 = arith.constant 2 : i32
      %dma_start3A_493 = arith.constant 4 : i32
      %dma_start3A_494 = arith.constant 0 : i32
      %dma_start3A_495 = tpu.memref_slice %arg11[%dma_start3A_492, %dma_start3A_493, %dma_start3A_494] : memref<5x8x128xi32, #tpu.memory_space<vmem>> -> memref<1x1x128xi32, #tpu.memory_space<vmem>>
      %dma_start3A_496 = tpu.memref_squeeze %dma_start3A_495 : memref<1x1x128xi32, #tpu.memory_space<vmem>> -> memref<128xi32, #tpu.memory_space<vmem>>
      %dma_start3A_497 = arith.constant 0 : i32
      %dma_start3A_498 = arith.constant 0 : i32
      %dma_start3A_499 = tpu.memref_slice %arg9[%dma_start3A_497, %dma_start3A_498] : memref<10896x128xf32, #tpu.memory_space<vmem_shared>> -> memref<10896x128xf32, #tpu.memory_space<vmem_shared>>
      tpu.enqueue_indirect_dma source(%arg12 : memref<128x128xf32, #tpu.memory_space<vmem>>) target(%dma_start3A_499 : memref<10896x128xf32, #tpu.memory_space<vmem_shared>>) offsets(%dma_start3A_496 : memref<128xi32, #tpu.memory_space<vmem>>) semaphore(%arg16 : memref<!tpu.dma_semaphore, #tpu.memory_space<semaphore_mem>>) {add = true}
      %dma_start3A_500 = arith.constant 2 : i32
      %dma_start3A_501 = arith.constant 5 : i32
      %dma_start3A_502 = arith.constant 0 : i32
      %dma_start3A_503 = tpu.memref_slice %arg11[%dma_start3A_500, %dma_start3A_501, %dma_start3A_502] : memref<5x8x128xi32, #tpu.memory_space<vmem>> -> memref<1x1x128xi32, #tpu.memory_space<vmem>>
      %dma_start3A_504 = tpu.memref_squeeze %dma_start3A_503 : memref<1x1x128xi32, #tpu.memory_space<vmem>> -> memref<128xi32, #tpu.memory_space<vmem>>
      %dma_start3A_505 = arith.constant 0 : i32
      %dma_start3A_506 = arith.constant 0 : i32
      %dma_start3A_507 = tpu.memref_slice %arg9[%dma_start3A_505, %dma_start3A_506] : memref<10896x128xf32, #tpu.memory_space<vmem_shared>> -> memref<10896x128xf32, #tpu.memory_space<vmem_shared>>
      tpu.enqueue_indirect_dma source(%arg12 : memref<128x128xf32, #tpu.memory_space<vmem>>) target(%dma_start3A_507 : memref<10896x128xf32, #tpu.memory_space<vmem_shared>>) offsets(%dma_start3A_504 : memref<128xi32, #tpu.memory_space<vmem>>) semaphore(%arg16 : memref<!tpu.dma_semaphore, #tpu.memory_space<semaphore_mem>>) {add = true}
      %dma_start3A_508 = arith.constant 2 : i32
      %dma_start3A_509 = arith.constant 6 : i32
      %dma_start3A_510 = arith.constant 0 : i32
      %dma_start3A_511 = tpu.memref_slice %arg11[%dma_start3A_508, %dma_start3A_509, %dma_start3A_510] : memref<5x8x128xi32, #tpu.memory_space<vmem>> -> memref<1x1x128xi32, #tpu.memory_space<vmem>>
      %dma_start3A_512 = tpu.memref_squeeze %dma_start3A_511 : memref<1x1x128xi32, #tpu.memory_space<vmem>> -> memref<128xi32, #tpu.memory_space<vmem>>
      %dma_start3A_513 = arith.constant 0 : i32
      %dma_start3A_514 = arith.constant 0 : i32
      %dma_start3A_515 = tpu.memref_slice %arg9[%dma_start3A_513, %dma_start3A_514] : memref<10896x128xf32, #tpu.memory_space<vmem_shared>> -> memref<10896x128xf32, #tpu.memory_space<vmem_shared>>
      tpu.enqueue_indirect_dma source(%arg12 : memref<128x128xf32, #tpu.memory_space<vmem>>) target(%dma_start3A_515 : memref<10896x128xf32, #tpu.memory_space<vmem_shared>>) offsets(%dma_start3A_512 : memref<128xi32, #tpu.memory_space<vmem>>) semaphore(%arg16 : memref<!tpu.dma_semaphore, #tpu.memory_space<semaphore_mem>>) {add = true}
      %dma_start3A_516 = arith.constant 2 : i32
      %dma_start3A_517 = arith.constant 7 : i32
      %dma_start3A_518 = arith.constant 0 : i32
      %dma_start3A_519 = tpu.memref_slice %arg11[%dma_start3A_516, %dma_start3A_517, %dma_start3A_518] : memref<5x8x128xi32, #tpu.memory_space<vmem>> -> memref<1x1x128xi32, #tpu.memory_space<vmem>>
      %dma_start3A_520 = tpu.memref_squeeze %dma_start3A_519 : memref<1x1x128xi32, #tpu.memory_space<vmem>> -> memref<128xi32, #tpu.memory_space<vmem>>
      %dma_start3A_521 = arith.constant 0 : i32
      %dma_start3A_522 = arith.constant 0 : i32
      %dma_start3A_523 = tpu.memref_slice %arg9[%dma_start3A_521, %dma_start3A_522] : memref<10896x128xf32, #tpu.memory_space<vmem_shared>> -> memref<10896x128xf32, #tpu.memory_space<vmem_shared>>
      tpu.enqueue_indirect_dma source(%arg12 : memref<128x128xf32, #tpu.memory_space<vmem>>) target(%dma_start3A_523 : memref<10896x128xf32, #tpu.memory_space<vmem_shared>>) offsets(%dma_start3A_520 : memref<128xi32, #tpu.memory_space<vmem>>) semaphore(%arg16 : memref<!tpu.dma_semaphore, #tpu.memory_space<semaphore_mem>>) {add = true}
      %dma_wait3A_524 = arith.constant 0 : i32
      %dma_wait3A_525 = arith.constant 0 : i32
      %dma_wait3A_526 = arith.constant 0 : i32
      %dma_wait3A_527 = tpu.memref_slice %arg11[%dma_wait3A_524, %dma_wait3A_525, %dma_wait3A_526] : memref<5x8x128xi32, #tpu.memory_space<vmem>> -> memref<1x1x128xi32, #tpu.memory_space<vmem>>
      %dma_wait3A_528 = tpu.memref_squeeze %dma_wait3A_527 : memref<1x1x128xi32, #tpu.memory_space<vmem>> -> memref<128xi32, #tpu.memory_space<vmem>>
      %dma_wait3A_529 = arith.constant 0 : i32
      %dma_wait3A_530 = arith.constant 0 : i32
      %dma_wait3A_531 = tpu.memref_slice %arg9[%dma_wait3A_529, %dma_wait3A_530] : memref<10896x128xf32, #tpu.memory_space<vmem_shared>> -> memref<10896x128xf32, #tpu.memory_space<vmem_shared>>
      tpu.wait_indirect_dma semaphore(%arg16 : memref<!tpu.dma_semaphore, #tpu.memory_space<semaphore_mem>>) src(%arg12 : memref<128x128xf32, #tpu.memory_space<vmem>>) dst(%dma_wait3A_531 : memref<10896x128xf32, #tpu.memory_space<vmem_shared>>)
      %dma_wait3A_532 = arith.constant 0 : i32
      %dma_wait3A_533 = arith.constant 1 : i32
      %dma_wait3A_534 = arith.constant 0 : i32
      %dma_wait3A_535 = tpu.memref_slice %arg11[%dma_wait3A_532, %dma_wait3A_533, %dma_wait3A_534] : memref<5x8x128xi32, #tpu.memory_space<vmem>> -> memref<1x1x128xi32, #tpu.memory_space<vmem>>
      %dma_wait3A_536 = tpu.memref_squeeze %dma_wait3A_535 : memref<1x1x128xi32, #tpu.memory_space<vmem>> -> memref<128xi32, #tpu.memory_space<vmem>>
      %dma_wait3A_537 = arith.constant 0 : i32
      %dma_wait3A_538 = arith.constant 0 : i32
      %dma_wait3A_539 = tpu.memref_slice %arg9[%dma_wait3A_537, %dma_wait3A_538] : memref<10896x128xf32, #tpu.memory_space<vmem_shared>> -> memref<10896x128xf32, #tpu.memory_space<vmem_shared>>
      tpu.wait_indirect_dma semaphore(%arg16 : memref<!tpu.dma_semaphore, #tpu.memory_space<semaphore_mem>>) src(%arg12 : memref<128x128xf32, #tpu.memory_space<vmem>>) dst(%dma_wait3A_539 : memref<10896x128xf32, #tpu.memory_space<vmem_shared>>)
      %dma_wait3A_540 = arith.constant 0 : i32
      %dma_wait3A_541 = arith.constant 2 : i32
      %dma_wait3A_542 = arith.constant 0 : i32
      %dma_wait3A_543 = tpu.memref_slice %arg11[%dma_wait3A_540, %dma_wait3A_541, %dma_wait3A_542] : memref<5x8x128xi32, #tpu.memory_space<vmem>> -> memref<1x1x128xi32, #tpu.memory_space<vmem>>
      %dma_wait3A_544 = tpu.memref_squeeze %dma_wait3A_543 : memref<1x1x128xi32, #tpu.memory_space<vmem>> -> memref<128xi32, #tpu.memory_space<vmem>>
      %dma_wait3A_545 = arith.constant 0 : i32
      %dma_wait3A_546 = arith.constant 0 : i32
      %dma_wait3A_547 = tpu.memref_slice %arg9[%dma_wait3A_545, %dma_wait3A_546] : memref<10896x128xf32, #tpu.memory_space<vmem_shared>> -> memref<10896x128xf32, #tpu.memory_space<vmem_shared>>
      tpu.wait_indirect_dma semaphore(%arg16 : memref<!tpu.dma_semaphore, #tpu.memory_space<semaphore_mem>>) src(%arg12 : memref<128x128xf32, #tpu.memory_space<vmem>>) dst(%dma_wait3A_547 : memref<10896x128xf32, #tpu.memory_space<vmem_shared>>)
      %dma_wait3A_548 = arith.constant 0 : i32
      %dma_wait3A_549 = arith.constant 3 : i32
      %dma_wait3A_550 = arith.constant 0 : i32
      %dma_wait3A_551 = tpu.memref_slice %arg11[%dma_wait3A_548, %dma_wait3A_549, %dma_wait3A_550] : memref<5x8x128xi32, #tpu.memory_space<vmem>> -> memref<1x1x128xi32, #tpu.memory_space<vmem>>
      %dma_wait3A_552 = tpu.memref_squeeze %dma_wait3A_551 : memref<1x1x128xi32, #tpu.memory_space<vmem>> -> memref<128xi32, #tpu.memory_space<vmem>>
      %dma_wait3A_553 = arith.constant 0 : i32
      %dma_wait3A_554 = arith.constant 0 : i32
      %dma_wait3A_555 = tpu.memref_slice %arg9[%dma_wait3A_553, %dma_wait3A_554] : memref<10896x128xf32, #tpu.memory_space<vmem_shared>> -> memref<10896x128xf32, #tpu.memory_space<vmem_shared>>
      tpu.wait_indirect_dma semaphore(%arg16 : memref<!tpu.dma_semaphore, #tpu.memory_space<semaphore_mem>>) src(%arg12 : memref<128x128xf32, #tpu.memory_space<vmem>>) dst(%dma_wait3A_555 : memref<10896x128xf32, #tpu.memory_space<vmem_shared>>)
      %dma_wait3A_556 = arith.constant 0 : i32
      %dma_wait3A_557 = arith.constant 4 : i32
      %dma_wait3A_558 = arith.constant 0 : i32
      %dma_wait3A_559 = tpu.memref_slice %arg11[%dma_wait3A_556, %dma_wait3A_557, %dma_wait3A_558] : memref<5x8x128xi32, #tpu.memory_space<vmem>> -> memref<1x1x128xi32, #tpu.memory_space<vmem>>
      %dma_wait3A_560 = tpu.memref_squeeze %dma_wait3A_559 : memref<1x1x128xi32, #tpu.memory_space<vmem>> -> memref<128xi32, #tpu.memory_space<vmem>>
      %dma_wait3A_561 = arith.constant 0 : i32
      %dma_wait3A_562 = arith.constant 0 : i32
      %dma_wait3A_563 = tpu.memref_slice %arg9[%dma_wait3A_561, %dma_wait3A_562] : memref<10896x128xf32, #tpu.memory_space<vmem_shared>> -> memref<10896x128xf32, #tpu.memory_space<vmem_shared>>
      tpu.wait_indirect_dma semaphore(%arg16 : memref<!tpu.dma_semaphore, #tpu.memory_space<semaphore_mem>>) src(%arg12 : memref<128x128xf32, #tpu.memory_space<vmem>>) dst(%dma_wait3A_563 : memref<10896x128xf32, #tpu.memory_space<vmem_shared>>)
      %dma_wait3A_564 = arith.constant 0 : i32
      %dma_wait3A_565 = arith.constant 5 : i32
      %dma_wait3A_566 = arith.constant 0 : i32
      %dma_wait3A_567 = tpu.memref_slice %arg11[%dma_wait3A_564, %dma_wait3A_565, %dma_wait3A_566] : memref<5x8x128xi32, #tpu.memory_space<vmem>> -> memref<1x1x128xi32, #tpu.memory_space<vmem>>
      %dma_wait3A_568 = tpu.memref_squeeze %dma_wait3A_567 : memref<1x1x128xi32, #tpu.memory_space<vmem>> -> memref<128xi32, #tpu.memory_space<vmem>>
      %dma_wait3A_569 = arith.constant 0 : i32
      %dma_wait3A_570 = arith.constant 0 : i32
      %dma_wait3A_571 = tpu.memref_slice %arg9[%dma_wait3A_569, %dma_wait3A_570] : memref<10896x128xf32, #tpu.memory_space<vmem_shared>> -> memref<10896x128xf32, #tpu.memory_space<vmem_shared>>
      tpu.wait_indirect_dma semaphore(%arg16 : memref<!tpu.dma_semaphore, #tpu.memory_space<semaphore_mem>>) src(%arg12 : memref<128x128xf32, #tpu.memory_space<vmem>>) dst(%dma_wait3A_571 : memref<10896x128xf32, #tpu.memory_space<vmem_shared>>)
      %dma_wait3A_572 = arith.constant 0 : i32
      %dma_wait3A_573 = arith.constant 6 : i32
      %dma_wait3A_574 = arith.constant 0 : i32
      %dma_wait3A_575 = tpu.memref_slice %arg11[%dma_wait3A_572, %dma_wait3A_573, %dma_wait3A_574] : memref<5x8x128xi32, #tpu.memory_space<vmem>> -> memref<1x1x128xi32, #tpu.memory_space<vmem>>
      %dma_wait3A_576 = tpu.memref_squeeze %dma_wait3A_575 : memref<1x1x128xi32, #tpu.memory_space<vmem>> -> memref<128xi32, #tpu.memory_space<vmem>>
      %dma_wait3A_577 = arith.constant 0 : i32
      %dma_wait3A_578 = arith.constant 0 : i32
      %dma_wait3A_579 = tpu.memref_slice %arg9[%dma_wait3A_577, %dma_wait3A_578] : memref<10896x128xf32, #tpu.memory_space<vmem_shared>> -> memref<10896x128xf32, #tpu.memory_space<vmem_shared>>
      tpu.wait_indirect_dma semaphore(%arg16 : memref<!tpu.dma_semaphore, #tpu.memory_space<semaphore_mem>>) src(%arg12 : memref<128x128xf32, #tpu.memory_space<vmem>>) dst(%dma_wait3A_579 : memref<10896x128xf32, #tpu.memory_space<vmem_shared>>)
      %dma_wait3A_580 = arith.constant 0 : i32
      %dma_wait3A_581 = arith.constant 7 : i32
      %dma_wait3A_582 = arith.constant 0 : i32
      %dma_wait3A_583 = tpu.memref_slice %arg11[%dma_wait3A_580, %dma_wait3A_581, %dma_wait3A_582] : memref<5x8x128xi32, #tpu.memory_space<vmem>> -> memref<1x1x128xi32, #tpu.memory_space<vmem>>
      %dma_wait3A_584 = tpu.memref_squeeze %dma_wait3A_583 : memref<1x1x128xi32, #tpu.memory_space<vmem>> -> memref<128xi32, #tpu.memory_space<vmem>>
      %dma_wait3A_585 = arith.constant 0 : i32
      %dma_wait3A_586 = arith.constant 0 : i32
      %dma_wait3A_587 = tpu.memref_slice %arg9[%dma_wait3A_585, %dma_wait3A_586] : memref<10896x128xf32, #tpu.memory_space<vmem_shared>> -> memref<10896x128xf32, #tpu.memory_space<vmem_shared>>
      tpu.wait_indirect_dma semaphore(%arg16 : memref<!tpu.dma_semaphore, #tpu.memory_space<semaphore_mem>>) src(%arg12 : memref<128x128xf32, #tpu.memory_space<vmem>>) dst(%dma_wait3A_587 : memref<10896x128xf32, #tpu.memory_space<vmem_shared>>)
      %dma_wait3A_588 = arith.constant 3 : i32
      %dma_wait3A_589 = arith.constant 0 : i32
      %dma_wait3A_590 = arith.constant 0 : i32
      %dma_wait3A_591 = tpu.memref_slice %arg11[%dma_wait3A_588, %dma_wait3A_589, %dma_wait3A_590] : memref<5x8x128xi32, #tpu.memory_space<vmem>> -> memref<1x8x128xi32, #tpu.memory_space<vmem>>
      %dma_wait3A_592 = tpu.memref_squeeze %dma_wait3A_591 : memref<1x8x128xi32, #tpu.memory_space<vmem>> -> memref<8x128xi32, #tpu.memory_space<vmem>>
      %dma_wait3A_593 = arith.constant 0 : i32
      %dma_wait3A_594 = arith.constant 0 : i32
      %dma_wait3A_595 = tpu.memref_slice %arg3[%dma_wait3A_593, %dma_wait3A_594] : memref<2560x128xi32, #tpu.memory_space<hbm>> -> memref<8x128xi32, #tpu.memory_space<hbm>>
      %dma_wait3A_596 = arith.constant 0 : i32
      %dma_wait3A_597 = arith.constant 0 : i32
      %dma_wait3A_598 = tpu.memref_slice %arg11[%dma_wait3A_588, %dma_wait3A_596, %dma_wait3A_597] : memref<5x8x128xi32, #tpu.memory_space<vmem>> -> memref<1x8x128xi32, #tpu.memory_space<vmem>>
      %dma_wait3A_599 = tpu.memref_squeeze %dma_wait3A_598 : memref<1x8x128xi32, #tpu.memory_space<vmem>> -> memref<8x128xi32, #tpu.memory_space<vmem>>
      %dma_wait3A_600 = arith.constant 0 : i32
      %dma_wait3A_601 = arith.constant 0 : i32
      %dma_wait3A_602 = tpu.memref_slice %arg3[%dma_wait3A_600, %dma_wait3A_601] : memref<2560x128xi32, #tpu.memory_space<hbm>> -> memref<8x128xi32, #tpu.memory_space<hbm>>
      tpu.wait_dma2 semaphore(%arg18 : memref<!tpu.dma_semaphore, #tpu.memory_space<semaphore_mem>>) src(%dma_wait3A_602 : memref<8x128xi32, #tpu.memory_space<hbm>>) dst(%dma_wait3A_599 : memref<8x128xi32, #tpu.memory_space<vmem>>)
      %dma_start3A_603 = arith.constant 3 : i32
      %dma_start3A_604 = arith.constant 0 : i32
      %dma_start3A_605 = arith.constant 0 : i32
      %dma_start3A_606 = tpu.memref_slice %arg11[%dma_start3A_603, %dma_start3A_604, %dma_start3A_605] : memref<5x8x128xi32, #tpu.memory_space<vmem>> -> memref<1x1x128xi32, #tpu.memory_space<vmem>>
      %dma_start3A_607 = tpu.memref_squeeze %dma_start3A_606 : memref<1x1x128xi32, #tpu.memory_space<vmem>> -> memref<128xi32, #tpu.memory_space<vmem>>
      %dma_start3A_608 = arith.constant 0 : i32
      %dma_start3A_609 = arith.constant 0 : i32
      %dma_start3A_610 = tpu.memref_slice %arg9[%dma_start3A_608, %dma_start3A_609] : memref<10896x128xf32, #tpu.memory_space<vmem_shared>> -> memref<10896x128xf32, #tpu.memory_space<vmem_shared>>
      tpu.enqueue_indirect_dma source(%arg12 : memref<128x128xf32, #tpu.memory_space<vmem>>) target(%dma_start3A_610 : memref<10896x128xf32, #tpu.memory_space<vmem_shared>>) offsets(%dma_start3A_607 : memref<128xi32, #tpu.memory_space<vmem>>) semaphore(%arg16 : memref<!tpu.dma_semaphore, #tpu.memory_space<semaphore_mem>>) {add = true}
      %dma_start3A_611 = arith.constant 3 : i32
      %dma_start3A_612 = arith.constant 1 : i32
      %dma_start3A_613 = arith.constant 0 : i32
      %dma_start3A_614 = tpu.memref_slice %arg11[%dma_start3A_611, %dma_start3A_612, %dma_start3A_613] : memref<5x8x128xi32, #tpu.memory_space<vmem>> -> memref<1x1x128xi32, #tpu.memory_space<vmem>>
      %dma_start3A_615 = tpu.memref_squeeze %dma_start3A_614 : memref<1x1x128xi32, #tpu.memory_space<vmem>> -> memref<128xi32, #tpu.memory_space<vmem>>
      %dma_start3A_616 = arith.constant 0 : i32
      %dma_start3A_617 = arith.constant 0 : i32
      %dma_start3A_618 = tpu.memref_slice %arg9[%dma_start3A_616, %dma_start3A_617] : memref<10896x128xf32, #tpu.memory_space<vmem_shared>> -> memref<10896x128xf32, #tpu.memory_space<vmem_shared>>
      tpu.enqueue_indirect_dma source(%arg12 : memref<128x128xf32, #tpu.memory_space<vmem>>) target(%dma_start3A_618 : memref<10896x128xf32, #tpu.memory_space<vmem_shared>>) offsets(%dma_start3A_615 : memref<128xi32, #tpu.memory_space<vmem>>) semaphore(%arg16 : memref<!tpu.dma_semaphore, #tpu.memory_space<semaphore_mem>>) {add = true}
      %dma_start3A_619 = arith.constant 3 : i32
      %dma_start3A_620 = arith.constant 2 : i32
      %dma_start3A_621 = arith.constant 0 : i32
      %dma_start3A_622 = tpu.memref_slice %arg11[%dma_start3A_619, %dma_start3A_620, %dma_start3A_621] : memref<5x8x128xi32, #tpu.memory_space<vmem>> -> memref<1x1x128xi32, #tpu.memory_space<vmem>>
      %dma_start3A_623 = tpu.memref_squeeze %dma_start3A_622 : memref<1x1x128xi32, #tpu.memory_space<vmem>> -> memref<128xi32, #tpu.memory_space<vmem>>
      %dma_start3A_624 = arith.constant 0 : i32
      %dma_start3A_625 = arith.constant 0 : i32
      %dma_start3A_626 = tpu.memref_slice %arg9[%dma_start3A_624, %dma_start3A_625] : memref<10896x128xf32, #tpu.memory_space<vmem_shared>> -> memref<10896x128xf32, #tpu.memory_space<vmem_shared>>
      tpu.enqueue_indirect_dma source(%arg12 : memref<128x128xf32, #tpu.memory_space<vmem>>) target(%dma_start3A_626 : memref<10896x128xf32, #tpu.memory_space<vmem_shared>>) offsets(%dma_start3A_623 : memref<128xi32, #tpu.memory_space<vmem>>) semaphore(%arg16 : memref<!tpu.dma_semaphore, #tpu.memory_space<semaphore_mem>>) {add = true}
      %dma_start3A_627 = arith.constant 3 : i32
      %dma_start3A_628 = arith.constant 3 : i32
      %dma_start3A_629 = arith.constant 0 : i32
      %dma_start3A_630 = tpu.memref_slice %arg11[%dma_start3A_627, %dma_start3A_628, %dma_start3A_629] : memref<5x8x128xi32, #tpu.memory_space<vmem>> -> memref<1x1x128xi32, #tpu.memory_space<vmem>>
      %dma_start3A_631 = tpu.memref_squeeze %dma_start3A_630 : memref<1x1x128xi32, #tpu.memory_space<vmem>> -> memref<128xi32, #tpu.memory_space<vmem>>
      %dma_start3A_632 = arith.constant 0 : i32
      %dma_start3A_633 = arith.constant 0 : i32
      %dma_start3A_634 = tpu.memref_slice %arg9[%dma_start3A_632, %dma_start3A_633] : memref<10896x128xf32, #tpu.memory_space<vmem_shared>> -> memref<10896x128xf32, #tpu.memory_space<vmem_shared>>
      tpu.enqueue_indirect_dma source(%arg12 : memref<128x128xf32, #tpu.memory_space<vmem>>) target(%dma_start3A_634 : memref<10896x128xf32, #tpu.memory_space<vmem_shared>>) offsets(%dma_start3A_631 : memref<128xi32, #tpu.memory_space<vmem>>) semaphore(%arg16 : memref<!tpu.dma_semaphore, #tpu.memory_space<semaphore_mem>>) {add = true}
      %dma_start3A_635 = arith.constant 3 : i32
      %dma_start3A_636 = arith.constant 4 : i32
      %dma_start3A_637 = arith.constant 0 : i32
      %dma_start3A_638 = tpu.memref_slice %arg11[%dma_start3A_635, %dma_start3A_636, %dma_start3A_637] : memref<5x8x128xi32, #tpu.memory_space<vmem>> -> memref<1x1x128xi32, #tpu.memory_space<vmem>>
      %dma_start3A_639 = tpu.memref_squeeze %dma_start3A_638 : memref<1x1x128xi32, #tpu.memory_space<vmem>> -> memref<128xi32, #tpu.memory_space<vmem>>
      %dma_start3A_640 = arith.constant 0 : i32
      %dma_start3A_641 = arith.constant 0 : i32
      %dma_start3A_642 = tpu.memref_slice %arg9[%dma_start3A_640, %dma_start3A_641] : memref<10896x128xf32, #tpu.memory_space<vmem_shared>> -> memref<10896x128xf32, #tpu.memory_space<vmem_shared>>
      tpu.enqueue_indirect_dma source(%arg12 : memref<128x128xf32, #tpu.memory_space<vmem>>) target(%dma_start3A_642 : memref<10896x128xf32, #tpu.memory_space<vmem_shared>>) offsets(%dma_start3A_639 : memref<128xi32, #tpu.memory_space<vmem>>) semaphore(%arg16 : memref<!tpu.dma_semaphore, #tpu.memory_space<semaphore_mem>>) {add = true}
      %dma_start3A_643 = arith.constant 3 : i32
      %dma_start3A_644 = arith.constant 5 : i32
      %dma_start3A_645 = arith.constant 0 : i32
      %dma_start3A_646 = tpu.memref_slice %arg11[%dma_start3A_643, %dma_start3A_644, %dma_start3A_645] : memref<5x8x128xi32, #tpu.memory_space<vmem>> -> memref<1x1x128xi32, #tpu.memory_space<vmem>>
      %dma_start3A_647 = tpu.memref_squeeze %dma_start3A_646 : memref<1x1x128xi32, #tpu.memory_space<vmem>> -> memref<128xi32, #tpu.memory_space<vmem>>
      %dma_start3A_648 = arith.constant 0 : i32
      %dma_start3A_649 = arith.constant 0 : i32
      %dma_start3A_650 = tpu.memref_slice %arg9[%dma_start3A_648, %dma_start3A_649] : memref<10896x128xf32, #tpu.memory_space<vmem_shared>> -> memref<10896x128xf32, #tpu.memory_space<vmem_shared>>
      tpu.enqueue_indirect_dma source(%arg12 : memref<128x128xf32, #tpu.memory_space<vmem>>) target(%dma_start3A_650 : memref<10896x128xf32, #tpu.memory_space<vmem_shared>>) offsets(%dma_start3A_647 : memref<128xi32, #tpu.memory_space<vmem>>) semaphore(%arg16 : memref<!tpu.dma_semaphore, #tpu.memory_space<semaphore_mem>>) {add = true}
      %dma_start3A_651 = arith.constant 3 : i32
      %dma_start3A_652 = arith.constant 6 : i32
      %dma_start3A_653 = arith.constant 0 : i32
      %dma_start3A_654 = tpu.memref_slice %arg11[%dma_start3A_651, %dma_start3A_652, %dma_start3A_653] : memref<5x8x128xi32, #tpu.memory_space<vmem>> -> memref<1x1x128xi32, #tpu.memory_space<vmem>>
      %dma_start3A_655 = tpu.memref_squeeze %dma_start3A_654 : memref<1x1x128xi32, #tpu.memory_space<vmem>> -> memref<128xi32, #tpu.memory_space<vmem>>
      %dma_start3A_656 = arith.constant 0 : i32
      %dma_start3A_657 = arith.constant 0 : i32
      %dma_start3A_658 = tpu.memref_slice %arg9[%dma_start3A_656, %dma_start3A_657] : memref<10896x128xf32, #tpu.memory_space<vmem_shared>> -> memref<10896x128xf32, #tpu.memory_space<vmem_shared>>
      tpu.enqueue_indirect_dma source(%arg12 : memref<128x128xf32, #tpu.memory_space<vmem>>) target(%dma_start3A_658 : memref<10896x128xf32, #tpu.memory_space<vmem_shared>>) offsets(%dma_start3A_655 : memref<128xi32, #tpu.memory_space<vmem>>) semaphore(%arg16 : memref<!tpu.dma_semaphore, #tpu.memory_space<semaphore_mem>>) {add = true}
      %dma_start3A_659 = arith.constant 3 : i32
      %dma_start3A_660 = arith.constant 7 : i32
      %dma_start3A_661 = arith.constant 0 : i32
      %dma_start3A_662 = tpu.memref_slice %arg11[%dma_start3A_659, %dma_start3A_660, %dma_start3A_661] : memref<5x8x128xi32, #tpu.memory_space<vmem>> -> memref<1x1x128xi32, #tpu.memory_space<vmem>>
      %dma_start3A_663 = tpu.memref_squeeze %dma_start3A_662 : memref<1x1x128xi32, #tpu.memory_space<vmem>> -> memref<128xi32, #tpu.memory_space<vmem>>
      %dma_start3A_664 = arith.constant 0 : i32
      %dma_start3A_665 = arith.constant 0 : i32
      %dma_start3A_666 = tpu.memref_slice %arg9[%dma_start3A_664, %dma_start3A_665] : memref<10896x128xf32, #tpu.memory_space<vmem_shared>> -> memref<10896x128xf32, #tpu.memory_space<vmem_shared>>
      tpu.enqueue_indirect_dma source(%arg12 : memref<128x128xf32, #tpu.memory_space<vmem>>) target(%dma_start3A_666 : memref<10896x128xf32, #tpu.memory_space<vmem_shared>>) offsets(%dma_start3A_663 : memref<128xi32, #tpu.memory_space<vmem>>) semaphore(%arg16 : memref<!tpu.dma_semaphore, #tpu.memory_space<semaphore_mem>>) {add = true}
      %dma_wait3A_667 = arith.constant 1 : i32
      %dma_wait3A_668 = arith.constant 0 : i32
      %dma_wait3A_669 = arith.constant 0 : i32
      %dma_wait3A_670 = tpu.memref_slice %arg11[%dma_wait3A_667, %dma_wait3A_668, %dma_wait3A_669] : memref<5x8x128xi32, #tpu.memory_space<vmem>> -> memref<1x1x128xi32, #tpu.memory_space<vmem>>
      %dma_wait3A_671 = tpu.memref_squeeze %dma_wait3A_670 : memref<1x1x128xi32, #tpu.memory_space<vmem>> -> memref<128xi32, #tpu.memory_space<vmem>>
      %dma_wait3A_672 = arith.constant 0 : i32
      %dma_wait3A_673 = arith.constant 0 : i32
      %dma_wait3A_674 = tpu.memref_slice %arg9[%dma_wait3A_672, %dma_wait3A_673] : memref<10896x128xf32, #tpu.memory_space<vmem_shared>> -> memref<10896x128xf32, #tpu.memory_space<vmem_shared>>
      tpu.wait_indirect_dma semaphore(%arg16 : memref<!tpu.dma_semaphore, #tpu.memory_space<semaphore_mem>>) src(%arg12 : memref<128x128xf32, #tpu.memory_space<vmem>>) dst(%dma_wait3A_674 : memref<10896x128xf32, #tpu.memory_space<vmem_shared>>)
      %dma_wait3A_675 = arith.constant 1 : i32
      %dma_wait3A_676 = arith.constant 1 : i32
      %dma_wait3A_677 = arith.constant 0 : i32
      %dma_wait3A_678 = tpu.memref_slice %arg11[%dma_wait3A_675, %dma_wait3A_676, %dma_wait3A_677] : memref<5x8x128xi32, #tpu.memory_space<vmem>> -> memref<1x1x128xi32, #tpu.memory_space<vmem>>
      %dma_wait3A_679 = tpu.memref_squeeze %dma_wait3A_678 : memref<1x1x128xi32, #tpu.memory_space<vmem>> -> memref<128xi32, #tpu.memory_space<vmem>>
      %dma_wait3A_680 = arith.constant 0 : i32
      %dma_wait3A_681 = arith.constant 0 : i32
      %dma_wait3A_682 = tpu.memref_slice %arg9[%dma_wait3A_680, %dma_wait3A_681] : memref<10896x128xf32, #tpu.memory_space<vmem_shared>> -> memref<10896x128xf32, #tpu.memory_space<vmem_shared>>
      tpu.wait_indirect_dma semaphore(%arg16 : memref<!tpu.dma_semaphore, #tpu.memory_space<semaphore_mem>>) src(%arg12 : memref<128x128xf32, #tpu.memory_space<vmem>>) dst(%dma_wait3A_682 : memref<10896x128xf32, #tpu.memory_space<vmem_shared>>)
      %dma_wait3A_683 = arith.constant 1 : i32
      %dma_wait3A_684 = arith.constant 2 : i32
      %dma_wait3A_685 = arith.constant 0 : i32
      %dma_wait3A_686 = tpu.memref_slice %arg11[%dma_wait3A_683, %dma_wait3A_684, %dma_wait3A_685] : memref<5x8x128xi32, #tpu.memory_space<vmem>> -> memref<1x1x128xi32, #tpu.memory_space<vmem>>
      %dma_wait3A_687 = tpu.memref_squeeze %dma_wait3A_686 : memref<1x1x128xi32, #tpu.memory_space<vmem>> -> memref<128xi32, #tpu.memory_space<vmem>>
      %dma_wait3A_688 = arith.constant 0 : i32
      %dma_wait3A_689 = arith.constant 0 : i32
      %dma_wait3A_690 = tpu.memref_slice %arg9[%dma_wait3A_688, %dma_wait3A_689] : memref<10896x128xf32, #tpu.memory_space<vmem_shared>> -> memref<10896x128xf32, #tpu.memory_space<vmem_shared>>
      tpu.wait_indirect_dma semaphore(%arg16 : memref<!tpu.dma_semaphore, #tpu.memory_space<semaphore_mem>>) src(%arg12 : memref<128x128xf32, #tpu.memory_space<vmem>>) dst(%dma_wait3A_690 : memref<10896x128xf32, #tpu.memory_space<vmem_shared>>)
      %dma_wait3A_691 = arith.constant 1 : i32
      %dma_wait3A_692 = arith.constant 3 : i32
      %dma_wait3A_693 = arith.constant 0 : i32
      %dma_wait3A_694 = tpu.memref_slice %arg11[%dma_wait3A_691, %dma_wait3A_692, %dma_wait3A_693] : memref<5x8x128xi32, #tpu.memory_space<vmem>> -> memref<1x1x128xi32, #tpu.memory_space<vmem>>
      %dma_wait3A_695 = tpu.memref_squeeze %dma_wait3A_694 : memref<1x1x128xi32, #tpu.memory_space<vmem>> -> memref<128xi32, #tpu.memory_space<vmem>>
      %dma_wait3A_696 = arith.constant 0 : i32
      %dma_wait3A_697 = arith.constant 0 : i32
      %dma_wait3A_698 = tpu.memref_slice %arg9[%dma_wait3A_696, %dma_wait3A_697] : memref<10896x128xf32, #tpu.memory_space<vmem_shared>> -> memref<10896x128xf32, #tpu.memory_space<vmem_shared>>
      tpu.wait_indirect_dma semaphore(%arg16 : memref<!tpu.dma_semaphore, #tpu.memory_space<semaphore_mem>>) src(%arg12 : memref<128x128xf32, #tpu.memory_space<vmem>>) dst(%dma_wait3A_698 : memref<10896x128xf32, #tpu.memory_space<vmem_shared>>)
      %dma_wait3A_699 = arith.constant 1 : i32
      %dma_wait3A_700 = arith.constant 4 : i32
      %dma_wait3A_701 = arith.constant 0 : i32
      %dma_wait3A_702 = tpu.memref_slice %arg11[%dma_wait3A_699, %dma_wait3A_700, %dma_wait3A_701] : memref<5x8x128xi32, #tpu.memory_space<vmem>> -> memref<1x1x128xi32, #tpu.memory_space<vmem>>
      %dma_wait3A_703 = tpu.memref_squeeze %dma_wait3A_702 : memref<1x1x128xi32, #tpu.memory_space<vmem>> -> memref<128xi32, #tpu.memory_space<vmem>>
      %dma_wait3A_704 = arith.constant 0 : i32
      %dma_wait3A_705 = arith.constant 0 : i32
      %dma_wait3A_706 = tpu.memref_slice %arg9[%dma_wait3A_704, %dma_wait3A_705] : memref<10896x128xf32, #tpu.memory_space<vmem_shared>> -> memref<10896x128xf32, #tpu.memory_space<vmem_shared>>
      tpu.wait_indirect_dma semaphore(%arg16 : memref<!tpu.dma_semaphore, #tpu.memory_space<semaphore_mem>>) src(%arg12 : memref<128x128xf32, #tpu.memory_space<vmem>>) dst(%dma_wait3A_706 : memref<10896x128xf32, #tpu.memory_space<vmem_shared>>)
      %dma_wait3A_707 = arith.constant 1 : i32
      %dma_wait3A_708 = arith.constant 5 : i32
      %dma_wait3A_709 = arith.constant 0 : i32
      %dma_wait3A_710 = tpu.memref_slice %arg11[%dma_wait3A_707, %dma_wait3A_708, %dma_wait3A_709] : memref<5x8x128xi32, #tpu.memory_space<vmem>> -> memref<1x1x128xi32, #tpu.memory_space<vmem>>
      %dma_wait3A_711 = tpu.memref_squeeze %dma_wait3A_710 : memref<1x1x128xi32, #tpu.memory_space<vmem>> -> memref<128xi32, #tpu.memory_space<vmem>>
      %dma_wait3A_712 = arith.constant 0 : i32
      %dma_wait3A_713 = arith.constant 0 : i32
      %dma_wait3A_714 = tpu.memref_slice %arg9[%dma_wait3A_712, %dma_wait3A_713] : memref<10896x128xf32, #tpu.memory_space<vmem_shared>> -> memref<10896x128xf32, #tpu.memory_space<vmem_shared>>
      tpu.wait_indirect_dma semaphore(%arg16 : memref<!tpu.dma_semaphore, #tpu.memory_space<semaphore_mem>>) src(%arg12 : memref<128x128xf32, #tpu.memory_space<vmem>>) dst(%dma_wait3A_714 : memref<10896x128xf32, #tpu.memory_space<vmem_shared>>)
      %dma_wait3A_715 = arith.constant 1 : i32
      %dma_wait3A_716 = arith.constant 6 : i32
      %dma_wait3A_717 = arith.constant 0 : i32
      %dma_wait3A_718 = tpu.memref_slice %arg11[%dma_wait3A_715, %dma_wait3A_716, %dma_wait3A_717] : memref<5x8x128xi32, #tpu.memory_space<vmem>> -> memref<1x1x128xi32, #tpu.memory_space<vmem>>
      %dma_wait3A_719 = tpu.memref_squeeze %dma_wait3A_718 : memref<1x1x128xi32, #tpu.memory_space<vmem>> -> memref<128xi32, #tpu.memory_space<vmem>>
      %dma_wait3A_720 = arith.constant 0 : i32
      %dma_wait3A_721 = arith.constant 0 : i32
      %dma_wait3A_722 = tpu.memref_slice %arg9[%dma_wait3A_720, %dma_wait3A_721] : memref<10896x128xf32, #tpu.memory_space<vmem_shared>> -> memref<10896x128xf32, #tpu.memory_space<vmem_shared>>
      tpu.wait_indirect_dma semaphore(%arg16 : memref<!tpu.dma_semaphore, #tpu.memory_space<semaphore_mem>>) src(%arg12 : memref<128x128xf32, #tpu.memory_space<vmem>>) dst(%dma_wait3A_722 : memref<10896x128xf32, #tpu.memory_space<vmem_shared>>)
      %dma_wait3A_723 = arith.constant 1 : i32
      %dma_wait3A_724 = arith.constant 7 : i32
      %dma_wait3A_725 = arith.constant 0 : i32
      %dma_wait3A_726 = tpu.memref_slice %arg11[%dma_wait3A_723, %dma_wait3A_724, %dma_wait3A_725] : memref<5x8x128xi32, #tpu.memory_space<vmem>> -> memref<1x1x128xi32, #tpu.memory_space<vmem>>
      %dma_wait3A_727 = tpu.memref_squeeze %dma_wait3A_726 : memref<1x1x128xi32, #tpu.memory_space<vmem>> -> memref<128xi32, #tpu.memory_space<vmem>>
      %dma_wait3A_728 = arith.constant 0 : i32
      %dma_wait3A_729 = arith.constant 0 : i32
      %dma_wait3A_730 = tpu.memref_slice %arg9[%dma_wait3A_728, %dma_wait3A_729] : memref<10896x128xf32, #tpu.memory_space<vmem_shared>> -> memref<10896x128xf32, #tpu.memory_space<vmem_shared>>
      tpu.wait_indirect_dma semaphore(%arg16 : memref<!tpu.dma_semaphore, #tpu.memory_space<semaphore_mem>>) src(%arg12 : memref<128x128xf32, #tpu.memory_space<vmem>>) dst(%dma_wait3A_730 : memref<10896x128xf32, #tpu.memory_space<vmem_shared>>)
      %dma_wait3A_731 = arith.constant 4 : i32
      %dma_wait3A_732 = arith.constant 0 : i32
      %dma_wait3A_733 = arith.constant 0 : i32
      %dma_wait3A_734 = tpu.memref_slice %arg11[%dma_wait3A_731, %dma_wait3A_732, %dma_wait3A_733] : memref<5x8x128xi32, #tpu.memory_space<vmem>> -> memref<1x8x128xi32, #tpu.memory_space<vmem>>
      %dma_wait3A_735 = tpu.memref_squeeze %dma_wait3A_734 : memref<1x8x128xi32, #tpu.memory_space<vmem>> -> memref<8x128xi32, #tpu.memory_space<vmem>>
      %dma_wait3A_736 = arith.constant 0 : i32
      %dma_wait3A_737 = arith.constant 0 : i32
      %dma_wait3A_738 = tpu.memref_slice %arg3[%dma_wait3A_736, %dma_wait3A_737] : memref<2560x128xi32, #tpu.memory_space<hbm>> -> memref<8x128xi32, #tpu.memory_space<hbm>>
      %dma_wait3A_739 = arith.constant 0 : i32
      %dma_wait3A_740 = arith.constant 0 : i32
      %dma_wait3A_741 = tpu.memref_slice %arg11[%dma_wait3A_731, %dma_wait3A_739, %dma_wait3A_740] : memref<5x8x128xi32, #tpu.memory_space<vmem>> -> memref<1x8x128xi32, #tpu.memory_space<vmem>>
      %dma_wait3A_742 = tpu.memref_squeeze %dma_wait3A_741 : memref<1x8x128xi32, #tpu.memory_space<vmem>> -> memref<8x128xi32, #tpu.memory_space<vmem>>
      %dma_wait3A_743 = arith.constant 0 : i32
      %dma_wait3A_744 = arith.constant 0 : i32
      %dma_wait3A_745 = tpu.memref_slice %arg3[%dma_wait3A_743, %dma_wait3A_744] : memref<2560x128xi32, #tpu.memory_space<hbm>> -> memref<8x128xi32, #tpu.memory_space<hbm>>
      tpu.wait_dma2 semaphore(%arg18 : memref<!tpu.dma_semaphore, #tpu.memory_space<semaphore_mem>>) src(%dma_wait3A_745 : memref<8x128xi32, #tpu.memory_space<hbm>>) dst(%dma_wait3A_742 : memref<8x128xi32, #tpu.memory_space<vmem>>)
      %dma_start3A_746 = arith.constant 4 : i32
      %dma_start3A_747 = arith.constant 0 : i32
      %dma_start3A_748 = arith.constant 0 : i32
      %dma_start3A_749 = tpu.memref_slice %arg11[%dma_start3A_746, %dma_start3A_747, %dma_start3A_748] : memref<5x8x128xi32, #tpu.memory_space<vmem>> -> memref<1x1x128xi32, #tpu.memory_space<vmem>>
      %dma_start3A_750 = tpu.memref_squeeze %dma_start3A_749 : memref<1x1x128xi32, #tpu.memory_space<vmem>> -> memref<128xi32, #tpu.memory_space<vmem>>
      %dma_start3A_751 = arith.constant 0 : i32
      %dma_start3A_752 = arith.constant 0 : i32
      %dma_start3A_753 = tpu.memref_slice %arg9[%dma_start3A_751, %dma_start3A_752] : memref<10896x128xf32, #tpu.memory_space<vmem_shared>> -> memref<10896x128xf32, #tpu.memory_space<vmem_shared>>
      tpu.enqueue_indirect_dma source(%arg12 : memref<128x128xf32, #tpu.memory_space<vmem>>) target(%dma_start3A_753 : memref<10896x128xf32, #tpu.memory_space<vmem_shared>>) offsets(%dma_start3A_750 : memref<128xi32, #tpu.memory_space<vmem>>) semaphore(%arg16 : memref<!tpu.dma_semaphore, #tpu.memory_space<semaphore_mem>>) {add = true}
      %dma_start3A_754 = arith.constant 4 : i32
      %dma_start3A_755 = arith.constant 1 : i32
      %dma_start3A_756 = arith.constant 0 : i32
      %dma_start3A_757 = tpu.memref_slice %arg11[%dma_start3A_754, %dma_start3A_755, %dma_start3A_756] : memref<5x8x128xi32, #tpu.memory_space<vmem>> -> memref<1x1x128xi32, #tpu.memory_space<vmem>>
      %dma_start3A_758 = tpu.memref_squeeze %dma_start3A_757 : memref<1x1x128xi32, #tpu.memory_space<vmem>> -> memref<128xi32, #tpu.memory_space<vmem>>
      %dma_start3A_759 = arith.constant 0 : i32
      %dma_start3A_760 = arith.constant 0 : i32
      %dma_start3A_761 = tpu.memref_slice %arg9[%dma_start3A_759, %dma_start3A_760] : memref<10896x128xf32, #tpu.memory_space<vmem_shared>> -> memref<10896x128xf32, #tpu.memory_space<vmem_shared>>
      tpu.enqueue_indirect_dma source(%arg12 : memref<128x128xf32, #tpu.memory_space<vmem>>) target(%dma_start3A_761 : memref<10896x128xf32, #tpu.memory_space<vmem_shared>>) offsets(%dma_start3A_758 : memref<128xi32, #tpu.memory_space<vmem>>) semaphore(%arg16 : memref<!tpu.dma_semaphore, #tpu.memory_space<semaphore_mem>>) {add = true}
      %dma_start3A_762 = arith.constant 4 : i32
      %dma_start3A_763 = arith.constant 2 : i32
      %dma_start3A_764 = arith.constant 0 : i32
      %dma_start3A_765 = tpu.memref_slice %arg11[%dma_start3A_762, %dma_start3A_763, %dma_start3A_764] : memref<5x8x128xi32, #tpu.memory_space<vmem>> -> memref<1x1x128xi32, #tpu.memory_space<vmem>>
      %dma_start3A_766 = tpu.memref_squeeze %dma_start3A_765 : memref<1x1x128xi32, #tpu.memory_space<vmem>> -> memref<128xi32, #tpu.memory_space<vmem>>
      %dma_start3A_767 = arith.constant 0 : i32
      %dma_start3A_768 = arith.constant 0 : i32
      %dma_start3A_769 = tpu.memref_slice %arg9[%dma_start3A_767, %dma_start3A_768] : memref<10896x128xf32, #tpu.memory_space<vmem_shared>> -> memref<10896x128xf32, #tpu.memory_space<vmem_shared>>
      tpu.enqueue_indirect_dma source(%arg12 : memref<128x128xf32, #tpu.memory_space<vmem>>) target(%dma_start3A_769 : memref<10896x128xf32, #tpu.memory_space<vmem_shared>>) offsets(%dma_start3A_766 : memref<128xi32, #tpu.memory_space<vmem>>) semaphore(%arg16 : memref<!tpu.dma_semaphore, #tpu.memory_space<semaphore_mem>>) {add = true}
      %dma_start3A_770 = arith.constant 4 : i32
      %dma_start3A_771 = arith.constant 3 : i32
      %dma_start3A_772 = arith.constant 0 : i32
      %dma_start3A_773 = tpu.memref_slice %arg11[%dma_start3A_770, %dma_start3A_771, %dma_start3A_772] : memref<5x8x128xi32, #tpu.memory_space<vmem>> -> memref<1x1x128xi32, #tpu.memory_space<vmem>>
      %dma_start3A_774 = tpu.memref_squeeze %dma_start3A_773 : memref<1x1x128xi32, #tpu.memory_space<vmem>> -> memref<128xi32, #tpu.memory_space<vmem>>
      %dma_start3A_775 = arith.constant 0 : i32
      %dma_start3A_776 = arith.constant 0 : i32
      %dma_start3A_777 = tpu.memref_slice %arg9[%dma_start3A_775, %dma_start3A_776] : memref<10896x128xf32, #tpu.memory_space<vmem_shared>> -> memref<10896x128xf32, #tpu.memory_space<vmem_shared>>
      tpu.enqueue_indirect_dma source(%arg12 : memref<128x128xf32, #tpu.memory_space<vmem>>) target(%dma_start3A_777 : memref<10896x128xf32, #tpu.memory_space<vmem_shared>>) offsets(%dma_start3A_774 : memref<128xi32, #tpu.memory_space<vmem>>) semaphore(%arg16 : memref<!tpu.dma_semaphore, #tpu.memory_space<semaphore_mem>>) {add = true}
      %dma_start3A_778 = arith.constant 4 : i32
      %dma_start3A_779 = arith.constant 4 : i32
      %dma_start3A_780 = arith.constant 0 : i32
      %dma_start3A_781 = tpu.memref_slice %arg11[%dma_start3A_778, %dma_start3A_779, %dma_start3A_780] : memref<5x8x128xi32, #tpu.memory_space<vmem>> -> memref<1x1x128xi32, #tpu.memory_space<vmem>>
      %dma_start3A_782 = tpu.memref_squeeze %dma_start3A_781 : memref<1x1x128xi32, #tpu.memory_space<vmem>> -> memref<128xi32, #tpu.memory_space<vmem>>
      %dma_start3A_783 = arith.constant 0 : i32
      %dma_start3A_784 = arith.constant 0 : i32
      %dma_start3A_785 = tpu.memref_slice %arg9[%dma_start3A_783, %dma_start3A_784] : memref<10896x128xf32, #tpu.memory_space<vmem_shared>> -> memref<10896x128xf32, #tpu.memory_space<vmem_shared>>
      tpu.enqueue_indirect_dma source(%arg12 : memref<128x128xf32, #tpu.memory_space<vmem>>) target(%dma_start3A_785 : memref<10896x128xf32, #tpu.memory_space<vmem_shared>>) offsets(%dma_start3A_782 : memref<128xi32, #tpu.memory_space<vmem>>) semaphore(%arg16 : memref<!tpu.dma_semaphore, #tpu.memory_space<semaphore_mem>>) {add = true}
      %dma_start3A_786 = arith.constant 4 : i32
      %dma_start3A_787 = arith.constant 5 : i32
      %dma_start3A_788 = arith.constant 0 : i32
      %dma_start3A_789 = tpu.memref_slice %arg11[%dma_start3A_786, %dma_start3A_787, %dma_start3A_788] : memref<5x8x128xi32, #tpu.memory_space<vmem>> -> memref<1x1x128xi32, #tpu.memory_space<vmem>>
      %dma_start3A_790 = tpu.memref_squeeze %dma_start3A_789 : memref<1x1x128xi32, #tpu.memory_space<vmem>> -> memref<128xi32, #tpu.memory_space<vmem>>
      %dma_start3A_791 = arith.constant 0 : i32
      %dma_start3A_792 = arith.constant 0 : i32
      %dma_start3A_793 = tpu.memref_slice %arg9[%dma_start3A_791, %dma_start3A_792] : memref<10896x128xf32, #tpu.memory_space<vmem_shared>> -> memref<10896x128xf32, #tpu.memory_space<vmem_shared>>
      tpu.enqueue_indirect_dma source(%arg12 : memref<128x128xf32, #tpu.memory_space<vmem>>) target(%dma_start3A_793 : memref<10896x128xf32, #tpu.memory_space<vmem_shared>>) offsets(%dma_start3A_790 : memref<128xi32, #tpu.memory_space<vmem>>) semaphore(%arg16 : memref<!tpu.dma_semaphore, #tpu.memory_space<semaphore_mem>>) {add = true}
      %dma_start3A_794 = arith.constant 4 : i32
      %dma_start3A_795 = arith.constant 6 : i32
      %dma_start3A_796 = arith.constant 0 : i32
      %dma_start3A_797 = tpu.memref_slice %arg11[%dma_start3A_794, %dma_start3A_795, %dma_start3A_796] : memref<5x8x128xi32, #tpu.memory_space<vmem>> -> memref<1x1x128xi32, #tpu.memory_space<vmem>>
      %dma_start3A_798 = tpu.memref_squeeze %dma_start3A_797 : memref<1x1x128xi32, #tpu.memory_space<vmem>> -> memref<128xi32, #tpu.memory_space<vmem>>
      %dma_start3A_799 = arith.constant 0 : i32
      %dma_start3A_800 = arith.constant 0 : i32
      %dma_start3A_801 = tpu.memref_slice %arg9[%dma_start3A_799, %dma_start3A_800] : memref<10896x128xf32, #tpu.memory_space<vmem_shared>> -> memref<10896x128xf32, #tpu.memory_space<vmem_shared>>
      tpu.enqueue_indirect_dma source(%arg12 : memref<128x128xf32, #tpu.memory_space<vmem>>) target(%dma_start3A_801 : memref<10896x128xf32, #tpu.memory_space<vmem_shared>>) offsets(%dma_start3A_798 : memref<128xi32, #tpu.memory_space<vmem>>) semaphore(%arg16 : memref<!tpu.dma_semaphore, #tpu.memory_space<semaphore_mem>>) {add = true}
      %dma_start3A_802 = arith.constant 4 : i32
      %dma_start3A_803 = arith.constant 7 : i32
      %dma_start3A_804 = arith.constant 0 : i32
      %dma_start3A_805 = tpu.memref_slice %arg11[%dma_start3A_802, %dma_start3A_803, %dma_start3A_804] : memref<5x8x128xi32, #tpu.memory_space<vmem>> -> memref<1x1x128xi32, #tpu.memory_space<vmem>>
      %dma_start3A_806 = tpu.memref_squeeze %dma_start3A_805 : memref<1x1x128xi32, #tpu.memory_space<vmem>> -> memref<128xi32, #tpu.memory_space<vmem>>
      %dma_start3A_807 = arith.constant 0 : i32
      %dma_start3A_808 = arith.constant 0 : i32
      %dma_start3A_809 = tpu.memref_slice %arg9[%dma_start3A_807, %dma_start3A_808] : memref<10896x128xf32, #tpu.memory_space<vmem_shared>> -> memref<10896x128xf32, #tpu.memory_space<vmem_shared>>
      tpu.enqueue_indirect_dma source(%arg12 : memref<128x128xf32, #tpu.memory_space<vmem>>) target(%dma_start3A_809 : memref<10896x128xf32, #tpu.memory_space<vmem_shared>>) offsets(%dma_start3A_806 : memref<128xi32, #tpu.memory_space<vmem>>) semaphore(%arg16 : memref<!tpu.dma_semaphore, #tpu.memory_space<semaphore_mem>>) {add = true}
      %dma_wait3A_810 = arith.constant 2 : i32
      %dma_wait3A_811 = arith.constant 0 : i32
      %dma_wait3A_812 = arith.constant 0 : i32
      %dma_wait3A_813 = tpu.memref_slice %arg11[%dma_wait3A_810, %dma_wait3A_811, %dma_wait3A_812] : memref<5x8x128xi32, #tpu.memory_space<vmem>> -> memref<1x1x128xi32, #tpu.memory_space<vmem>>
      %dma_wait3A_814 = tpu.memref_squeeze %dma_wait3A_813 : memref<1x1x128xi32, #tpu.memory_space<vmem>> -> memref<128xi32, #tpu.memory_space<vmem>>
      %dma_wait3A_815 = arith.constant 0 : i32
      %dma_wait3A_816 = arith.constant 0 : i32
      %dma_wait3A_817 = tpu.memref_slice %arg9[%dma_wait3A_815, %dma_wait3A_816] : memref<10896x128xf32, #tpu.memory_space<vmem_shared>> -> memref<10896x128xf32, #tpu.memory_space<vmem_shared>>
      tpu.wait_indirect_dma semaphore(%arg16 : memref<!tpu.dma_semaphore, #tpu.memory_space<semaphore_mem>>) src(%arg12 : memref<128x128xf32, #tpu.memory_space<vmem>>) dst(%dma_wait3A_817 : memref<10896x128xf32, #tpu.memory_space<vmem_shared>>)
      %dma_wait3A_818 = arith.constant 2 : i32
      %dma_wait3A_819 = arith.constant 1 : i32
      %dma_wait3A_820 = arith.constant 0 : i32
      %dma_wait3A_821 = tpu.memref_slice %arg11[%dma_wait3A_818, %dma_wait3A_819, %dma_wait3A_820] : memref<5x8x128xi32, #tpu.memory_space<vmem>> -> memref<1x1x128xi32, #tpu.memory_space<vmem>>
      %dma_wait3A_822 = tpu.memref_squeeze %dma_wait3A_821 : memref<1x1x128xi32, #tpu.memory_space<vmem>> -> memref<128xi32, #tpu.memory_space<vmem>>
      %dma_wait3A_823 = arith.constant 0 : i32
      %dma_wait3A_824 = arith.constant 0 : i32
      %dma_wait3A_825 = tpu.memref_slice %arg9[%dma_wait3A_823, %dma_wait3A_824] : memref<10896x128xf32, #tpu.memory_space<vmem_shared>> -> memref<10896x128xf32, #tpu.memory_space<vmem_shared>>
      tpu.wait_indirect_dma semaphore(%arg16 : memref<!tpu.dma_semaphore, #tpu.memory_space<semaphore_mem>>) src(%arg12 : memref<128x128xf32, #tpu.memory_space<vmem>>) dst(%dma_wait3A_825 : memref<10896x128xf32, #tpu.memory_space<vmem_shared>>)
      %dma_wait3A_826 = arith.constant 2 : i32
      %dma_wait3A_827 = arith.constant 2 : i32
      %dma_wait3A_828 = arith.constant 0 : i32
      %dma_wait3A_829 = tpu.memref_slice %arg11[%dma_wait3A_826, %dma_wait3A_827, %dma_wait3A_828] : memref<5x8x128xi32, #tpu.memory_space<vmem>> -> memref<1x1x128xi32, #tpu.memory_space<vmem>>
      %dma_wait3A_830 = tpu.memref_squeeze %dma_wait3A_829 : memref<1x1x128xi32, #tpu.memory_space<vmem>> -> memref<128xi32, #tpu.memory_space<vmem>>
      %dma_wait3A_831 = arith.constant 0 : i32
      %dma_wait3A_832 = arith.constant 0 : i32
      %dma_wait3A_833 = tpu.memref_slice %arg9[%dma_wait3A_831, %dma_wait3A_832] : memref<10896x128xf32, #tpu.memory_space<vmem_shared>> -> memref<10896x128xf32, #tpu.memory_space<vmem_shared>>
      tpu.wait_indirect_dma semaphore(%arg16 : memref<!tpu.dma_semaphore, #tpu.memory_space<semaphore_mem>>) src(%arg12 : memref<128x128xf32, #tpu.memory_space<vmem>>) dst(%dma_wait3A_833 : memref<10896x128xf32, #tpu.memory_space<vmem_shared>>)
      %dma_wait3A_834 = arith.constant 2 : i32
      %dma_wait3A_835 = arith.constant 3 : i32
      %dma_wait3A_836 = arith.constant 0 : i32
      %dma_wait3A_837 = tpu.memref_slice %arg11[%dma_wait3A_834, %dma_wait3A_835, %dma_wait3A_836] : memref<5x8x128xi32, #tpu.memory_space<vmem>> -> memref<1x1x128xi32, #tpu.memory_space<vmem>>
      %dma_wait3A_838 = tpu.memref_squeeze %dma_wait3A_837 : memref<1x1x128xi32, #tpu.memory_space<vmem>> -> memref<128xi32, #tpu.memory_space<vmem>>
      %dma_wait3A_839 = arith.constant 0 : i32
      %dma_wait3A_840 = arith.constant 0 : i32
      %dma_wait3A_841 = tpu.memref_slice %arg9[%dma_wait3A_839, %dma_wait3A_840] : memref<10896x128xf32, #tpu.memory_space<vmem_shared>> -> memref<10896x128xf32, #tpu.memory_space<vmem_shared>>
      tpu.wait_indirect_dma semaphore(%arg16 : memref<!tpu.dma_semaphore, #tpu.memory_space<semaphore_mem>>) src(%arg12 : memref<128x128xf32, #tpu.memory_space<vmem>>) dst(%dma_wait3A_841 : memref<10896x128xf32, #tpu.memory_space<vmem_shared>>)
      %dma_wait3A_842 = arith.constant 2 : i32
      %dma_wait3A_843 = arith.constant 4 : i32
      %dma_wait3A_844 = arith.constant 0 : i32
      %dma_wait3A_845 = tpu.memref_slice %arg11[%dma_wait3A_842, %dma_wait3A_843, %dma_wait3A_844] : memref<5x8x128xi32, #tpu.memory_space<vmem>> -> memref<1x1x128xi32, #tpu.memory_space<vmem>>
      %dma_wait3A_846 = tpu.memref_squeeze %dma_wait3A_845 : memref<1x1x128xi32, #tpu.memory_space<vmem>> -> memref<128xi32, #tpu.memory_space<vmem>>
      %dma_wait3A_847 = arith.constant 0 : i32
      %dma_wait3A_848 = arith.constant 0 : i32
      %dma_wait3A_849 = tpu.memref_slice %arg9[%dma_wait3A_847, %dma_wait3A_848] : memref<10896x128xf32, #tpu.memory_space<vmem_shared>> -> memref<10896x128xf32, #tpu.memory_space<vmem_shared>>
      tpu.wait_indirect_dma semaphore(%arg16 : memref<!tpu.dma_semaphore, #tpu.memory_space<semaphore_mem>>) src(%arg12 : memref<128x128xf32, #tpu.memory_space<vmem>>) dst(%dma_wait3A_849 : memref<10896x128xf32, #tpu.memory_space<vmem_shared>>)
      %dma_wait3A_850 = arith.constant 2 : i32
      %dma_wait3A_851 = arith.constant 5 : i32
      %dma_wait3A_852 = arith.constant 0 : i32
      %dma_wait3A_853 = tpu.memref_slice %arg11[%dma_wait3A_850, %dma_wait3A_851, %dma_wait3A_852] : memref<5x8x128xi32, #tpu.memory_space<vmem>> -> memref<1x1x128xi32, #tpu.memory_space<vmem>>
      %dma_wait3A_854 = tpu.memref_squeeze %dma_wait3A_853 : memref<1x1x128xi32, #tpu.memory_space<vmem>> -> memref<128xi32, #tpu.memory_space<vmem>>
      %dma_wait3A_855 = arith.constant 0 : i32
      %dma_wait3A_856 = arith.constant 0 : i32
      %dma_wait3A_857 = tpu.memref_slice %arg9[%dma_wait3A_855, %dma_wait3A_856] : memref<10896x128xf32, #tpu.memory_space<vmem_shared>> -> memref<10896x128xf32, #tpu.memory_space<vmem_shared>>
      tpu.wait_indirect_dma semaphore(%arg16 : memref<!tpu.dma_semaphore, #tpu.memory_space<semaphore_mem>>) src(%arg12 : memref<128x128xf32, #tpu.memory_space<vmem>>) dst(%dma_wait3A_857 : memref<10896x128xf32, #tpu.memory_space<vmem_shared>>)
      %dma_wait3A_858 = arith.constant 2 : i32
      %dma_wait3A_859 = arith.constant 6 : i32
      %dma_wait3A_860 = arith.constant 0 : i32
      %dma_wait3A_861 = tpu.memref_slice %arg11[%dma_wait3A_858, %dma_wait3A_859, %dma_wait3A_860] : memref<5x8x128xi32, #tpu.memory_space<vmem>> -> memref<1x1x128xi32, #tpu.memory_space<vmem>>
      %dma_wait3A_862 = tpu.memref_squeeze %dma_wait3A_861 : memref<1x1x128xi32, #tpu.memory_space<vmem>> -> memref<128xi32, #tpu.memory_space<vmem>>
      %dma_wait3A_863 = arith.constant 0 : i32
      %dma_wait3A_864 = arith.constant 0 : i32
      %dma_wait3A_865 = tpu.memref_slice %arg9[%dma_wait3A_863, %dma_wait3A_864] : memref<10896x128xf32, #tpu.memory_space<vmem_shared>> -> memref<10896x128xf32, #tpu.memory_space<vmem_shared>>
      tpu.wait_indirect_dma semaphore(%arg16 : memref<!tpu.dma_semaphore, #tpu.memory_space<semaphore_mem>>) src(%arg12 : memref<128x128xf32, #tpu.memory_space<vmem>>) dst(%dma_wait3A_865 : memref<10896x128xf32, #tpu.memory_space<vmem_shared>>)
      %dma_wait3A_866 = arith.constant 2 : i32
      %dma_wait3A_867 = arith.constant 7 : i32
      %dma_wait3A_868 = arith.constant 0 : i32
      %dma_wait3A_869 = tpu.memref_slice %arg11[%dma_wait3A_866, %dma_wait3A_867, %dma_wait3A_868] : memref<5x8x128xi32, #tpu.memory_space<vmem>> -> memref<1x1x128xi32, #tpu.memory_space<vmem>>
      %dma_wait3A_870 = tpu.memref_squeeze %dma_wait3A_869 : memref<1x1x128xi32, #tpu.memory_space<vmem>> -> memref<128xi32, #tpu.memory_space<vmem>>
      %dma_wait3A_871 = arith.constant 0 : i32
      %dma_wait3A_872 = arith.constant 0 : i32
      %dma_wait3A_873 = tpu.memref_slice %arg9[%dma_wait3A_871, %dma_wait3A_872] : memref<10896x128xf32, #tpu.memory_space<vmem_shared>> -> memref<10896x128xf32, #tpu.memory_space<vmem_shared>>
      tpu.wait_indirect_dma semaphore(%arg16 : memref<!tpu.dma_semaphore, #tpu.memory_space<semaphore_mem>>) src(%arg12 : memref<128x128xf32, #tpu.memory_space<vmem>>) dst(%dma_wait3A_873 : memref<10896x128xf32, #tpu.memory_space<vmem_shared>>)
      %dma_wait3A_874 = arith.constant 3 : i32
      %dma_wait3A_875 = arith.constant 0 : i32
      %dma_wait3A_876 = arith.constant 0 : i32
      %dma_wait3A_877 = tpu.memref_slice %arg11[%dma_wait3A_874, %dma_wait3A_875, %dma_wait3A_876] : memref<5x8x128xi32, #tpu.memory_space<vmem>> -> memref<1x1x128xi32, #tpu.memory_space<vmem>>
      %dma_wait3A_878 = tpu.memref_squeeze %dma_wait3A_877 : memref<1x1x128xi32, #tpu.memory_space<vmem>> -> memref<128xi32, #tpu.memory_space<vmem>>
      %dma_wait3A_879 = arith.constant 0 : i32
      %dma_wait3A_880 = arith.constant 0 : i32
      %dma_wait3A_881 = tpu.memref_slice %arg9[%dma_wait3A_879, %dma_wait3A_880] : memref<10896x128xf32, #tpu.memory_space<vmem_shared>> -> memref<10896x128xf32, #tpu.memory_space<vmem_shared>>
      tpu.wait_indirect_dma semaphore(%arg16 : memref<!tpu.dma_semaphore, #tpu.memory_space<semaphore_mem>>) src(%arg12 : memref<128x128xf32, #tpu.memory_space<vmem>>) dst(%dma_wait3A_881 : memref<10896x128xf32, #tpu.memory_space<vmem_shared>>)
      %dma_wait3A_882 = arith.constant 3 : i32
      %dma_wait3A_883 = arith.constant 1 : i32
      %dma_wait3A_884 = arith.constant 0 : i32
      %dma_wait3A_885 = tpu.memref_slice %arg11[%dma_wait3A_882, %dma_wait3A_883, %dma_wait3A_884] : memref<5x8x128xi32, #tpu.memory_space<vmem>> -> memref<1x1x128xi32, #tpu.memory_space<vmem>>
      %dma_wait3A_886 = tpu.memref_squeeze %dma_wait3A_885 : memref<1x1x128xi32, #tpu.memory_space<vmem>> -> memref<128xi32, #tpu.memory_space<vmem>>
      %dma_wait3A_887 = arith.constant 0 : i32
      %dma_wait3A_888 = arith.constant 0 : i32
      %dma_wait3A_889 = tpu.memref_slice %arg9[%dma_wait3A_887, %dma_wait3A_888] : memref<10896x128xf32, #tpu.memory_space<vmem_shared>> -> memref<10896x128xf32, #tpu.memory_space<vmem_shared>>
      tpu.wait_indirect_dma semaphore(%arg16 : memref<!tpu.dma_semaphore, #tpu.memory_space<semaphore_mem>>) src(%arg12 : memref<128x128xf32, #tpu.memory_space<vmem>>) dst(%dma_wait3A_889 : memref<10896x128xf32, #tpu.memory_space<vmem_shared>>)
      %dma_wait3A_890 = arith.constant 3 : i32
      %dma_wait3A_891 = arith.constant 2 : i32
      %dma_wait3A_892 = arith.constant 0 : i32
      %dma_wait3A_893 = tpu.memref_slice %arg11[%dma_wait3A_890, %dma_wait3A_891, %dma_wait3A_892] : memref<5x8x128xi32, #tpu.memory_space<vmem>> -> memref<1x1x128xi32, #tpu.memory_space<vmem>>
      %dma_wait3A_894 = tpu.memref_squeeze %dma_wait3A_893 : memref<1x1x128xi32, #tpu.memory_space<vmem>> -> memref<128xi32, #tpu.memory_space<vmem>>
      %dma_wait3A_895 = arith.constant 0 : i32
      %dma_wait3A_896 = arith.constant 0 : i32
      %dma_wait3A_897 = tpu.memref_slice %arg9[%dma_wait3A_895, %dma_wait3A_896] : memref<10896x128xf32, #tpu.memory_space<vmem_shared>> -> memref<10896x128xf32, #tpu.memory_space<vmem_shared>>
      tpu.wait_indirect_dma semaphore(%arg16 : memref<!tpu.dma_semaphore, #tpu.memory_space<semaphore_mem>>) src(%arg12 : memref<128x128xf32, #tpu.memory_space<vmem>>) dst(%dma_wait3A_897 : memref<10896x128xf32, #tpu.memory_space<vmem_shared>>)
      %dma_wait3A_898 = arith.constant 3 : i32
      %dma_wait3A_899 = arith.constant 3 : i32
      %dma_wait3A_900 = arith.constant 0 : i32
      %dma_wait3A_901 = tpu.memref_slice %arg11[%dma_wait3A_898, %dma_wait3A_899, %dma_wait3A_900] : memref<5x8x128xi32, #tpu.memory_space<vmem>> -> memref<1x1x128xi32, #tpu.memory_space<vmem>>
      %dma_wait3A_902 = tpu.memref_squeeze %dma_wait3A_901 : memref<1x1x128xi32, #tpu.memory_space<vmem>> -> memref<128xi32, #tpu.memory_space<vmem>>
      %dma_wait3A_903 = arith.constant 0 : i32
      %dma_wait3A_904 = arith.constant 0 : i32
      %dma_wait3A_905 = tpu.memref_slice %arg9[%dma_wait3A_903, %dma_wait3A_904] : memref<10896x128xf32, #tpu.memory_space<vmem_shared>> -> memref<10896x128xf32, #tpu.memory_space<vmem_shared>>
      tpu.wait_indirect_dma semaphore(%arg16 : memref<!tpu.dma_semaphore, #tpu.memory_space<semaphore_mem>>) src(%arg12 : memref<128x128xf32, #tpu.memory_space<vmem>>) dst(%dma_wait3A_905 : memref<10896x128xf32, #tpu.memory_space<vmem_shared>>)
      %dma_wait3A_906 = arith.constant 3 : i32
      %dma_wait3A_907 = arith.constant 4 : i32
      %dma_wait3A_908 = arith.constant 0 : i32
      %dma_wait3A_909 = tpu.memref_slice %arg11[%dma_wait3A_906, %dma_wait3A_907, %dma_wait3A_908] : memref<5x8x128xi32, #tpu.memory_space<vmem>> -> memref<1x1x128xi32, #tpu.memory_space<vmem>>
      %dma_wait3A_910 = tpu.memref_squeeze %dma_wait3A_909 : memref<1x1x128xi32, #tpu.memory_space<vmem>> -> memref<128xi32, #tpu.memory_space<vmem>>
      %dma_wait3A_911 = arith.constant 0 : i32
      %dma_wait3A_912 = arith.constant 0 : i32
      %dma_wait3A_913 = tpu.memref_slice %arg9[%dma_wait3A_911, %dma_wait3A_912] : memref<10896x128xf32, #tpu.memory_space<vmem_shared>> -> memref<10896x128xf32, #tpu.memory_space<vmem_shared>>
      tpu.wait_indirect_dma semaphore(%arg16 : memref<!tpu.dma_semaphore, #tpu.memory_space<semaphore_mem>>) src(%arg12 : memref<128x128xf32, #tpu.memory_space<vmem>>) dst(%dma_wait3A_913 : memref<10896x128xf32, #tpu.memory_space<vmem_shared>>)
      %dma_wait3A_914 = arith.constant 3 : i32
      %dma_wait3A_915 = arith.constant 5 : i32
      %dma_wait3A_916 = arith.constant 0 : i32
      %dma_wait3A_917 = tpu.memref_slice %arg11[%dma_wait3A_914, %dma_wait3A_915, %dma_wait3A_916] : memref<5x8x128xi32, #tpu.memory_space<vmem>> -> memref<1x1x128xi32, #tpu.memory_space<vmem>>
      %dma_wait3A_918 = tpu.memref_squeeze %dma_wait3A_917 : memref<1x1x128xi32, #tpu.memory_space<vmem>> -> memref<128xi32, #tpu.memory_space<vmem>>
      %dma_wait3A_919 = arith.constant 0 : i32
      %dma_wait3A_920 = arith.constant 0 : i32
      %dma_wait3A_921 = tpu.memref_slice %arg9[%dma_wait3A_919, %dma_wait3A_920] : memref<10896x128xf32, #tpu.memory_space<vmem_shared>> -> memref<10896x128xf32, #tpu.memory_space<vmem_shared>>
      tpu.wait_indirect_dma semaphore(%arg16 : memref<!tpu.dma_semaphore, #tpu.memory_space<semaphore_mem>>) src(%arg12 : memref<128x128xf32, #tpu.memory_space<vmem>>) dst(%dma_wait3A_921 : memref<10896x128xf32, #tpu.memory_space<vmem_shared>>)
      %dma_wait3A_922 = arith.constant 3 : i32
      %dma_wait3A_923 = arith.constant 6 : i32
      %dma_wait3A_924 = arith.constant 0 : i32
      %dma_wait3A_925 = tpu.memref_slice %arg11[%dma_wait3A_922, %dma_wait3A_923, %dma_wait3A_924] : memref<5x8x128xi32, #tpu.memory_space<vmem>> -> memref<1x1x128xi32, #tpu.memory_space<vmem>>
      %dma_wait3A_926 = tpu.memref_squeeze %dma_wait3A_925 : memref<1x1x128xi32, #tpu.memory_space<vmem>> -> memref<128xi32, #tpu.memory_space<vmem>>
      %dma_wait3A_927 = arith.constant 0 : i32
      %dma_wait3A_928 = arith.constant 0 : i32
      %dma_wait3A_929 = tpu.memref_slice %arg9[%dma_wait3A_927, %dma_wait3A_928] : memref<10896x128xf32, #tpu.memory_space<vmem_shared>> -> memref<10896x128xf32, #tpu.memory_space<vmem_shared>>
      tpu.wait_indirect_dma semaphore(%arg16 : memref<!tpu.dma_semaphore, #tpu.memory_space<semaphore_mem>>) src(%arg12 : memref<128x128xf32, #tpu.memory_space<vmem>>) dst(%dma_wait3A_929 : memref<10896x128xf32, #tpu.memory_space<vmem_shared>>)
      %dma_wait3A_930 = arith.constant 3 : i32
      %dma_wait3A_931 = arith.constant 7 : i32
      %dma_wait3A_932 = arith.constant 0 : i32
      %dma_wait3A_933 = tpu.memref_slice %arg11[%dma_wait3A_930, %dma_wait3A_931, %dma_wait3A_932] : memref<5x8x128xi32, #tpu.memory_space<vmem>> -> memref<1x1x128xi32, #tpu.memory_space<vmem>>
      %dma_wait3A_934 = tpu.memref_squeeze %dma_wait3A_933 : memref<1x1x128xi32, #tpu.memory_space<vmem>> -> memref<128xi32, #tpu.memory_space<vmem>>
      %dma_wait3A_935 = arith.constant 0 : i32
      %dma_wait3A_936 = arith.constant 0 : i32
      %dma_wait3A_937 = tpu.memref_slice %arg9[%dma_wait3A_935, %dma_wait3A_936] : memref<10896x128xf32, #tpu.memory_space<vmem_shared>> -> memref<10896x128xf32, #tpu.memory_space<vmem_shared>>
      tpu.wait_indirect_dma semaphore(%arg16 : memref<!tpu.dma_semaphore, #tpu.memory_space<semaphore_mem>>) src(%arg12 : memref<128x128xf32, #tpu.memory_space<vmem>>) dst(%dma_wait3A_937 : memref<10896x128xf32, #tpu.memory_space<vmem_shared>>)
      %dma_wait3A_938 = arith.constant 4 : i32
      %dma_wait3A_939 = arith.constant 0 : i32
      %dma_wait3A_940 = arith.constant 0 : i32
      %dma_wait3A_941 = tpu.memref_slice %arg11[%dma_wait3A_938, %dma_wait3A_939, %dma_wait3A_940] : memref<5x8x128xi32, #tpu.memory_space<vmem>> -> memref<1x1x128xi32, #tpu.memory_space<vmem>>
      %dma_wait3A_942 = tpu.memref_squeeze %dma_wait3A_941 : memref<1x1x128xi32, #tpu.memory_space<vmem>> -> memref<128xi32, #tpu.memory_space<vmem>>
      %dma_wait3A_943 = arith.constant 0 : i32
      %dma_wait3A_944 = arith.constant 0 : i32
      %dma_wait3A_945 = tpu.memref_slice %arg9[%dma_wait3A_943, %dma_wait3A_944] : memref<10896x128xf32, #tpu.memory_space<vmem_shared>> -> memref<10896x128xf32, #tpu.memory_space<vmem_shared>>
      tpu.wait_indirect_dma semaphore(%arg16 : memref<!tpu.dma_semaphore, #tpu.memory_space<semaphore_mem>>) src(%arg12 : memref<128x128xf32, #tpu.memory_space<vmem>>) dst(%dma_wait3A_945 : memref<10896x128xf32, #tpu.memory_space<vmem_shared>>)
      %dma_wait3A_946 = arith.constant 4 : i32
      %dma_wait3A_947 = arith.constant 1 : i32
      %dma_wait3A_948 = arith.constant 0 : i32
      %dma_wait3A_949 = tpu.memref_slice %arg11[%dma_wait3A_946, %dma_wait3A_947, %dma_wait3A_948] : memref<5x8x128xi32, #tpu.memory_space<vmem>> -> memref<1x1x128xi32, #tpu.memory_space<vmem>>
      %dma_wait3A_950 = tpu.memref_squeeze %dma_wait3A_949 : memref<1x1x128xi32, #tpu.memory_space<vmem>> -> memref<128xi32, #tpu.memory_space<vmem>>
      %dma_wait3A_951 = arith.constant 0 : i32
      %dma_wait3A_952 = arith.constant 0 : i32
      %dma_wait3A_953 = tpu.memref_slice %arg9[%dma_wait3A_951, %dma_wait3A_952] : memref<10896x128xf32, #tpu.memory_space<vmem_shared>> -> memref<10896x128xf32, #tpu.memory_space<vmem_shared>>
      tpu.wait_indirect_dma semaphore(%arg16 : memref<!tpu.dma_semaphore, #tpu.memory_space<semaphore_mem>>) src(%arg12 : memref<128x128xf32, #tpu.memory_space<vmem>>) dst(%dma_wait3A_953 : memref<10896x128xf32, #tpu.memory_space<vmem_shared>>)
      %dma_wait3A_954 = arith.constant 4 : i32
      %dma_wait3A_955 = arith.constant 2 : i32
      %dma_wait3A_956 = arith.constant 0 : i32
      %dma_wait3A_957 = tpu.memref_slice %arg11[%dma_wait3A_954, %dma_wait3A_955, %dma_wait3A_956] : memref<5x8x128xi32, #tpu.memory_space<vmem>> -> memref<1x1x128xi32, #tpu.memory_space<vmem>>
      %dma_wait3A_958 = tpu.memref_squeeze %dma_wait3A_957 : memref<1x1x128xi32, #tpu.memory_space<vmem>> -> memref<128xi32, #tpu.memory_space<vmem>>
      %dma_wait3A_959 = arith.constant 0 : i32
      %dma_wait3A_960 = arith.constant 0 : i32
      %dma_wait3A_961 = tpu.memref_slice %arg9[%dma_wait3A_959, %dma_wait3A_960] : memref<10896x128xf32, #tpu.memory_space<vmem_shared>> -> memref<10896x128xf32, #tpu.memory_space<vmem_shared>>
      tpu.wait_indirect_dma semaphore(%arg16 : memref<!tpu.dma_semaphore, #tpu.memory_space<semaphore_mem>>) src(%arg12 : memref<128x128xf32, #tpu.memory_space<vmem>>) dst(%dma_wait3A_961 : memref<10896x128xf32, #tpu.memory_space<vmem_shared>>)
      %dma_wait3A_962 = arith.constant 4 : i32
      %dma_wait3A_963 = arith.constant 3 : i32
      %dma_wait3A_964 = arith.constant 0 : i32
      %dma_wait3A_965 = tpu.memref_slice %arg11[%dma_wait3A_962, %dma_wait3A_963, %dma_wait3A_964] : memref<5x8x128xi32, #tpu.memory_space<vmem>> -> memref<1x1x128xi32, #tpu.memory_space<vmem>>
      %dma_wait3A_966 = tpu.memref_squeeze %dma_wait3A_965 : memref<1x1x128xi32, #tpu.memory_space<vmem>> -> memref<128xi32, #tpu.memory_space<vmem>>
      %dma_wait3A_967 = arith.constant 0 : i32
      %dma_wait3A_968 = arith.constant 0 : i32
      %dma_wait3A_969 = tpu.memref_slice %arg9[%dma_wait3A_967, %dma_wait3A_968] : memref<10896x128xf32, #tpu.memory_space<vmem_shared>> -> memref<10896x128xf32, #tpu.memory_space<vmem_shared>>
      tpu.wait_indirect_dma semaphore(%arg16 : memref<!tpu.dma_semaphore, #tpu.memory_space<semaphore_mem>>) src(%arg12 : memref<128x128xf32, #tpu.memory_space<vmem>>) dst(%dma_wait3A_969 : memref<10896x128xf32, #tpu.memory_space<vmem_shared>>)
      %dma_wait3A_970 = arith.constant 4 : i32
      %dma_wait3A_971 = arith.constant 4 : i32
      %dma_wait3A_972 = arith.constant 0 : i32
      %dma_wait3A_973 = tpu.memref_slice %arg11[%dma_wait3A_970, %dma_wait3A_971, %dma_wait3A_972] : memref<5x8x128xi32, #tpu.memory_space<vmem>> -> memref<1x1x128xi32, #tpu.memory_space<vmem>>
      %dma_wait3A_974 = tpu.memref_squeeze %dma_wait3A_973 : memref<1x1x128xi32, #tpu.memory_space<vmem>> -> memref<128xi32, #tpu.memory_space<vmem>>
      %dma_wait3A_975 = arith.constant 0 : i32
      %dma_wait3A_976 = arith.constant 0 : i32
      %dma_wait3A_977 = tpu.memref_slice %arg9[%dma_wait3A_975, %dma_wait3A_976] : memref<10896x128xf32, #tpu.memory_space<vmem_shared>> -> memref<10896x128xf32, #tpu.memory_space<vmem_shared>>
      tpu.wait_indirect_dma semaphore(%arg16 : memref<!tpu.dma_semaphore, #tpu.memory_space<semaphore_mem>>) src(%arg12 : memref<128x128xf32, #tpu.memory_space<vmem>>) dst(%dma_wait3A_977 : memref<10896x128xf32, #tpu.memory_space<vmem_shared>>)
      %dma_wait3A_978 = arith.constant 4 : i32
      %dma_wait3A_979 = arith.constant 5 : i32
      %dma_wait3A_980 = arith.constant 0 : i32
      %dma_wait3A_981 = tpu.memref_slice %arg11[%dma_wait3A_978, %dma_wait3A_979, %dma_wait3A_980] : memref<5x8x128xi32, #tpu.memory_space<vmem>> -> memref<1x1x128xi32, #tpu.memory_space<vmem>>
      %dma_wait3A_982 = tpu.memref_squeeze %dma_wait3A_981 : memref<1x1x128xi32, #tpu.memory_space<vmem>> -> memref<128xi32, #tpu.memory_space<vmem>>
      %dma_wait3A_983 = arith.constant 0 : i32
      %dma_wait3A_984 = arith.constant 0 : i32
      %dma_wait3A_985 = tpu.memref_slice %arg9[%dma_wait3A_983, %dma_wait3A_984] : memref<10896x128xf32, #tpu.memory_space<vmem_shared>> -> memref<10896x128xf32, #tpu.memory_space<vmem_shared>>
      tpu.wait_indirect_dma semaphore(%arg16 : memref<!tpu.dma_semaphore, #tpu.memory_space<semaphore_mem>>) src(%arg12 : memref<128x128xf32, #tpu.memory_space<vmem>>) dst(%dma_wait3A_985 : memref<10896x128xf32, #tpu.memory_space<vmem_shared>>)
      %dma_wait3A_986 = arith.constant 4 : i32
      %dma_wait3A_987 = arith.constant 6 : i32
      %dma_wait3A_988 = arith.constant 0 : i32
      %dma_wait3A_989 = tpu.memref_slice %arg11[%dma_wait3A_986, %dma_wait3A_987, %dma_wait3A_988] : memref<5x8x128xi32, #tpu.memory_space<vmem>> -> memref<1x1x128xi32, #tpu.memory_space<vmem>>
      %dma_wait3A_990 = tpu.memref_squeeze %dma_wait3A_989 : memref<1x1x128xi32, #tpu.memory_space<vmem>> -> memref<128xi32, #tpu.memory_space<vmem>>
      %dma_wait3A_991 = arith.constant 0 : i32
      %dma_wait3A_992 = arith.constant 0 : i32
      %dma_wait3A_993 = tpu.memref_slice %arg9[%dma_wait3A_991, %dma_wait3A_992] : memref<10896x128xf32, #tpu.memory_space<vmem_shared>> -> memref<10896x128xf32, #tpu.memory_space<vmem_shared>>
      tpu.wait_indirect_dma semaphore(%arg16 : memref<!tpu.dma_semaphore, #tpu.memory_space<semaphore_mem>>) src(%arg12 : memref<128x128xf32, #tpu.memory_space<vmem>>) dst(%dma_wait3A_993 : memref<10896x128xf32, #tpu.memory_space<vmem_shared>>)
      %dma_wait3A_994 = arith.constant 4 : i32
      %dma_wait3A_995 = arith.constant 7 : i32
      %dma_wait3A_996 = arith.constant 0 : i32
      %dma_wait3A_997 = tpu.memref_slice %arg11[%dma_wait3A_994, %dma_wait3A_995, %dma_wait3A_996] : memref<5x8x128xi32, #tpu.memory_space<vmem>> -> memref<1x1x128xi32, #tpu.memory_space<vmem>>
      %dma_wait3A_998 = tpu.memref_squeeze %dma_wait3A_997 : memref<1x1x128xi32, #tpu.memory_space<vmem>> -> memref<128xi32, #tpu.memory_space<vmem>>
      %dma_wait3A_999 = arith.constant 0 : i32
      %dma_wait3A_1000 = arith.constant 0 : i32
      %dma_wait3A_1001 = tpu.memref_slice %arg9[%dma_wait3A_999, %dma_wait3A_1000] : memref<10896x128xf32, #tpu.memory_space<vmem_shared>> -> memref<10896x128xf32, #tpu.memory_space<vmem_shared>>
      tpu.wait_indirect_dma semaphore(%arg16 : memref<!tpu.dma_semaphore, #tpu.memory_space<semaphore_mem>>) src(%arg12 : memref<128x128xf32, #tpu.memory_space<vmem>>) dst(%dma_wait3A_1001 : memref<10896x128xf32, #tpu.memory_space<vmem_shared>>)
      %add3A_1002 = arith.constant 1 : i32
      %add3A_1003 = arith.addi %scan3A_287, %add3A_1002 : i32
      %lt3A_1004 = arith.constant 2 : i32
      %lt3A_1005 = arith.cmpi slt, %add3A_1003, %lt3A_1004 : i32
      %convert_element_type3A_1006 = arith.extui %lt3A_1005 : i1 to i32
      %cond3A_1007 = arith.constant 0 : i32
      %cond3A_1008 = arith.cmpi ne, %convert_element_type3A_1006, %cond3A_1007 : i32
      scf.if %cond3A_1008 {
        %add3A_1009 = arith.constant 1 : i32
        %add3A_1010 = arith.addi %scan3A_287, %add3A_1009 : i32
        %mul3A_1011 = arith.constant 5 : i32
        %mul3A_1012 = arith.muli %mul3A_1011, %add3A_1010 : i32
        %add3A_1013 = arith.constant 0 : i32
        %add3A_1014 = arith.addi %mul3A_1012, %add3A_1013 : i32
        %mul3A_1015 = arith.constant 80 : i32
        %mul3A_1016 = arith.muli %add3A, %mul3A_1015 : i32
        %mul3A_1017 = arith.constant 8 : i32
        %mul3A_1018 = arith.muli %add3A_1014, %mul3A_1017 : i32
        %add3A_1019 = arith.addi %mul3A_1016, %mul3A_1018 : i32
        %dma_start3A_1020 = arith.constant 0 : i32
        %dma_start3A_1021 = arith.constant 0 : i32
        %dma_start3A_1022 = arith.constant 0 : i32
        %dma_start3A_1023 = tpu.memref_slice %arg11[%dma_start3A_1020, %dma_start3A_1021, %dma_start3A_1022] : memref<5x8x128xi32, #tpu.memory_space<vmem>> -> memref<1x8x128xi32, #tpu.memory_space<vmem>>
        %dma_start3A_1024 = tpu.memref_squeeze %dma_start3A_1023 : memref<1x8x128xi32, #tpu.memory_space<vmem>> -> memref<8x128xi32, #tpu.memory_space<vmem>>
        %dma_start3A_1025 = arith.constant 0 : i32
        %dma_start3A_1026 = tpu.memref_slice %arg3[%add3A_1019, %dma_start3A_1025] : memref<2560x128xi32, #tpu.memory_space<hbm>> -> memref<8x128xi32, #tpu.memory_space<hbm>>
        %dma_start3A_1027 = arith.constant 0 : i32
        %dma_start3A_1028 = arith.constant 0 : i32
        %dma_start3A_1029 = tpu.memref_slice %arg11[%dma_start3A_1020, %dma_start3A_1027, %dma_start3A_1028] : memref<5x8x128xi32, #tpu.memory_space<vmem>> -> memref<1x8x128xi32, #tpu.memory_space<vmem>>
        %dma_start3A_1030 = tpu.memref_squeeze %dma_start3A_1029 : memref<1x8x128xi32, #tpu.memory_space<vmem>> -> memref<8x128xi32, #tpu.memory_space<vmem>>
        %dma_start3A_1031 = arith.constant 0 : i32
        %dma_start3A_1032 = tpu.memref_slice %arg3[%add3A_1019, %dma_start3A_1031] : memref<2560x128xi32, #tpu.memory_space<hbm>> -> memref<8x128xi32, #tpu.memory_space<hbm>>
        tpu.enqueue_dma source(%dma_start3A_1032 : memref<8x128xi32, #tpu.memory_space<hbm>>) target(%dma_start3A_1030 : memref<8x128xi32, #tpu.memory_space<vmem>>) target_semaphore(%arg18 : memref<!tpu.dma_semaphore, #tpu.memory_space<semaphore_mem>>)
        %add3A_1033 = arith.constant 1 : i32
        %add3A_1034 = arith.addi %scan3A_287, %add3A_1033 : i32
        %mul3A_1035 = arith.constant 5 : i32
        %mul3A_1036 = arith.muli %mul3A_1035, %add3A_1034 : i32
        %add3A_1037 = arith.constant 1 : i32
        %add3A_1038 = arith.addi %mul3A_1036, %add3A_1037 : i32
        %mul3A_1039 = arith.constant 80 : i32
        %mul3A_1040 = arith.muli %add3A, %mul3A_1039 : i32
        %mul3A_1041 = arith.constant 8 : i32
        %mul3A_1042 = arith.muli %add3A_1038, %mul3A_1041 : i32
        %add3A_1043 = arith.addi %mul3A_1040, %mul3A_1042 : i32
        %dma_start3A_1044 = arith.constant 1 : i32
        %dma_start3A_1045 = arith.constant 0 : i32
        %dma_start3A_1046 = arith.constant 0 : i32
        %dma_start3A_1047 = tpu.memref_slice %arg11[%dma_start3A_1044, %dma_start3A_1045, %dma_start3A_1046] : memref<5x8x128xi32, #tpu.memory_space<vmem>> -> memref<1x8x128xi32, #tpu.memory_space<vmem>>
        %dma_start3A_1048 = tpu.memref_squeeze %dma_start3A_1047 : memref<1x8x128xi32, #tpu.memory_space<vmem>> -> memref<8x128xi32, #tpu.memory_space<vmem>>
        %dma_start3A_1049 = arith.constant 0 : i32
        %dma_start3A_1050 = tpu.memref_slice %arg3[%add3A_1043, %dma_start3A_1049] : memref<2560x128xi32, #tpu.memory_space<hbm>> -> memref<8x128xi32, #tpu.memory_space<hbm>>
        %dma_start3A_1051 = arith.constant 0 : i32
        %dma_start3A_1052 = arith.constant 0 : i32
        %dma_start3A_1053 = tpu.memref_slice %arg11[%dma_start3A_1044, %dma_start3A_1051, %dma_start3A_1052] : memref<5x8x128xi32, #tpu.memory_space<vmem>> -> memref<1x8x128xi32, #tpu.memory_space<vmem>>
        %dma_start3A_1054 = tpu.memref_squeeze %dma_start3A_1053 : memref<1x8x128xi32, #tpu.memory_space<vmem>> -> memref<8x128xi32, #tpu.memory_space<vmem>>
        %dma_start3A_1055 = arith.constant 0 : i32
        %dma_start3A_1056 = tpu.memref_slice %arg3[%add3A_1043, %dma_start3A_1055] : memref<2560x128xi32, #tpu.memory_space<hbm>> -> memref<8x128xi32, #tpu.memory_space<hbm>>
        tpu.enqueue_dma source(%dma_start3A_1056 : memref<8x128xi32, #tpu.memory_space<hbm>>) target(%dma_start3A_1054 : memref<8x128xi32, #tpu.memory_space<vmem>>) target_semaphore(%arg18 : memref<!tpu.dma_semaphore, #tpu.memory_space<semaphore_mem>>)
        %add3A_1057 = arith.constant 1 : i32
        %add3A_1058 = arith.addi %scan3A_287, %add3A_1057 : i32
        %mul3A_1059 = arith.constant 5 : i32
        %mul3A_1060 = arith.muli %mul3A_1059, %add3A_1058 : i32
        %add3A_1061 = arith.constant 2 : i32
        %add3A_1062 = arith.addi %mul3A_1060, %add3A_1061 : i32
        %mul3A_1063 = arith.constant 80 : i32
        %mul3A_1064 = arith.muli %add3A, %mul3A_1063 : i32
        %mul3A_1065 = arith.constant 8 : i32
        %mul3A_1066 = arith.muli %add3A_1062, %mul3A_1065 : i32
        %add3A_1067 = arith.addi %mul3A_1064, %mul3A_1066 : i32
        %dma_start3A_1068 = arith.constant 2 : i32
        %dma_start3A_1069 = arith.constant 0 : i32
        %dma_start3A_1070 = arith.constant 0 : i32
        %dma_start3A_1071 = tpu.memref_slice %arg11[%dma_start3A_1068, %dma_start3A_1069, %dma_start3A_1070] : memref<5x8x128xi32, #tpu.memory_space<vmem>> -> memref<1x8x128xi32, #tpu.memory_space<vmem>>
        %dma_start3A_1072 = tpu.memref_squeeze %dma_start3A_1071 : memref<1x8x128xi32, #tpu.memory_space<vmem>> -> memref<8x128xi32, #tpu.memory_space<vmem>>
        %dma_start3A_1073 = arith.constant 0 : i32
        %dma_start3A_1074 = tpu.memref_slice %arg3[%add3A_1067, %dma_start3A_1073] : memref<2560x128xi32, #tpu.memory_space<hbm>> -> memref<8x128xi32, #tpu.memory_space<hbm>>
        %dma_start3A_1075 = arith.constant 0 : i32
        %dma_start3A_1076 = arith.constant 0 : i32
        %dma_start3A_1077 = tpu.memref_slice %arg11[%dma_start3A_1068, %dma_start3A_1075, %dma_start3A_1076] : memref<5x8x128xi32, #tpu.memory_space<vmem>> -> memref<1x8x128xi32, #tpu.memory_space<vmem>>
        %dma_start3A_1078 = tpu.memref_squeeze %dma_start3A_1077 : memref<1x8x128xi32, #tpu.memory_space<vmem>> -> memref<8x128xi32, #tpu.memory_space<vmem>>
        %dma_start3A_1079 = arith.constant 0 : i32
        %dma_start3A_1080 = tpu.memref_slice %arg3[%add3A_1067, %dma_start3A_1079] : memref<2560x128xi32, #tpu.memory_space<hbm>> -> memref<8x128xi32, #tpu.memory_space<hbm>>
        tpu.enqueue_dma source(%dma_start3A_1080 : memref<8x128xi32, #tpu.memory_space<hbm>>) target(%dma_start3A_1078 : memref<8x128xi32, #tpu.memory_space<vmem>>) target_semaphore(%arg18 : memref<!tpu.dma_semaphore, #tpu.memory_space<semaphore_mem>>)
        %add3A_1081 = arith.constant 1 : i32
        %add3A_1082 = arith.addi %scan3A_287, %add3A_1081 : i32
        %mul3A_1083 = arith.constant 5 : i32
        %mul3A_1084 = arith.muli %mul3A_1083, %add3A_1082 : i32
        %add3A_1085 = arith.constant 3 : i32
        %add3A_1086 = arith.addi %mul3A_1084, %add3A_1085 : i32
        %mul3A_1087 = arith.constant 80 : i32
        %mul3A_1088 = arith.muli %add3A, %mul3A_1087 : i32
        %mul3A_1089 = arith.constant 8 : i32
        %mul3A_1090 = arith.muli %add3A_1086, %mul3A_1089 : i32
        %add3A_1091 = arith.addi %mul3A_1088, %mul3A_1090 : i32
        %dma_start3A_1092 = arith.constant 3 : i32
        %dma_start3A_1093 = arith.constant 0 : i32
        %dma_start3A_1094 = arith.constant 0 : i32
        %dma_start3A_1095 = tpu.memref_slice %arg11[%dma_start3A_1092, %dma_start3A_1093, %dma_start3A_1094] : memref<5x8x128xi32, #tpu.memory_space<vmem>> -> memref<1x8x128xi32, #tpu.memory_space<vmem>>
        %dma_start3A_1096 = tpu.memref_squeeze %dma_start3A_1095 : memref<1x8x128xi32, #tpu.memory_space<vmem>> -> memref<8x128xi32, #tpu.memory_space<vmem>>
        %dma_start3A_1097 = arith.constant 0 : i32
        %dma_start3A_1098 = tpu.memref_slice %arg3[%add3A_1091, %dma_start3A_1097] : memref<2560x128xi32, #tpu.memory_space<hbm>> -> memref<8x128xi32, #tpu.memory_space<hbm>>
        %dma_start3A_1099 = arith.constant 0 : i32
        %dma_start3A_1100 = arith.constant 0 : i32
        %dma_start3A_1101 = tpu.memref_slice %arg11[%dma_start3A_1092, %dma_start3A_1099, %dma_start3A_1100] : memref<5x8x128xi32, #tpu.memory_space<vmem>> -> memref<1x8x128xi32, #tpu.memory_space<vmem>>
        %dma_start3A_1102 = tpu.memref_squeeze %dma_start3A_1101 : memref<1x8x128xi32, #tpu.memory_space<vmem>> -> memref<8x128xi32, #tpu.memory_space<vmem>>
        %dma_start3A_1103 = arith.constant 0 : i32
        %dma_start3A_1104 = tpu.memref_slice %arg3[%add3A_1091, %dma_start3A_1103] : memref<2560x128xi32, #tpu.memory_space<hbm>> -> memref<8x128xi32, #tpu.memory_space<hbm>>
        tpu.enqueue_dma source(%dma_start3A_1104 : memref<8x128xi32, #tpu.memory_space<hbm>>) target(%dma_start3A_1102 : memref<8x128xi32, #tpu.memory_space<vmem>>) target_semaphore(%arg18 : memref<!tpu.dma_semaphore, #tpu.memory_space<semaphore_mem>>)
        %add3A_1105 = arith.constant 1 : i32
        %add3A_1106 = arith.addi %scan3A_287, %add3A_1105 : i32
        %mul3A_1107 = arith.constant 5 : i32
        %mul3A_1108 = arith.muli %mul3A_1107, %add3A_1106 : i32
        %add3A_1109 = arith.constant 4 : i32
        %add3A_1110 = arith.addi %mul3A_1108, %add3A_1109 : i32
        %mul3A_1111 = arith.constant 80 : i32
        %mul3A_1112 = arith.muli %add3A, %mul3A_1111 : i32
        %mul3A_1113 = arith.constant 8 : i32
        %mul3A_1114 = arith.muli %add3A_1110, %mul3A_1113 : i32
        %add3A_1115 = arith.addi %mul3A_1112, %mul3A_1114 : i32
        %dma_start3A_1116 = arith.constant 4 : i32
        %dma_start3A_1117 = arith.constant 0 : i32
        %dma_start3A_1118 = arith.constant 0 : i32
        %dma_start3A_1119 = tpu.memref_slice %arg11[%dma_start3A_1116, %dma_start3A_1117, %dma_start3A_1118] : memref<5x8x128xi32, #tpu.memory_space<vmem>> -> memref<1x8x128xi32, #tpu.memory_space<vmem>>
        %dma_start3A_1120 = tpu.memref_squeeze %dma_start3A_1119 : memref<1x8x128xi32, #tpu.memory_space<vmem>> -> memref<8x128xi32, #tpu.memory_space<vmem>>
        %dma_start3A_1121 = arith.constant 0 : i32
        %dma_start3A_1122 = tpu.memref_slice %arg3[%add3A_1115, %dma_start3A_1121] : memref<2560x128xi32, #tpu.memory_space<hbm>> -> memref<8x128xi32, #tpu.memory_space<hbm>>
        %dma_start3A_1123 = arith.constant 0 : i32
        %dma_start3A_1124 = arith.constant 0 : i32
        %dma_start3A_1125 = tpu.memref_slice %arg11[%dma_start3A_1116, %dma_start3A_1123, %dma_start3A_1124] : memref<5x8x128xi32, #tpu.memory_space<vmem>> -> memref<1x8x128xi32, #tpu.memory_space<vmem>>
        %dma_start3A_1126 = tpu.memref_squeeze %dma_start3A_1125 : memref<1x8x128xi32, #tpu.memory_space<vmem>> -> memref<8x128xi32, #tpu.memory_space<vmem>>
        %dma_start3A_1127 = arith.constant 0 : i32
        %dma_start3A_1128 = tpu.memref_slice %arg3[%add3A_1115, %dma_start3A_1127] : memref<2560x128xi32, #tpu.memory_space<hbm>> -> memref<8x128xi32, #tpu.memory_space<hbm>>
        tpu.enqueue_dma source(%dma_start3A_1128 : memref<8x128xi32, #tpu.memory_space<hbm>>) target(%dma_start3A_1126 : memref<8x128xi32, #tpu.memory_space<vmem>>) target_semaphore(%arg18 : memref<!tpu.dma_semaphore, #tpu.memory_space<semaphore_mem>>)
      } else {
      }
    }
    %scan3A_275 = arith.constant 2 : i32
    %barrier3A_276 = arith.constant 0 : index
    tpu.barrier barrier_id(%barrier3A_276)
    %lt3A_277 = arith.constant 15 : i32
    %lt3A_278 = arith.cmpi slt, %arg1, %lt3A_277 : i32
    %convert_element_type3A_279 = arith.extui %lt3A_278 : i1 to i32
    %cond3A_280 = arith.constant 0 : i32
    %cond3A_281 = arith.cmpi ne, %convert_element_type3A_279, %cond3A_280 : i32
    scf.if %cond3A_281 {
      "tpu.region"() ({
        %run_scoped3A = tpu.sem_alloc : memref<!tpu.dma_semaphore, #tpu.memory_space<semaphore_mem>>
        %dma_start3A_287 = arith.constant 0 : i32
        %dma_start3A_288 = tpu.memref_slice %arg8[%arg0, %mul3A_2, %dma_start3A_287] : memref<2x10000x128xf32, #tpu.memory_space<hbm>> -> memref<1x632x128xf32, #tpu.memory_space<hbm>>
        %dma_start3A_289 = tpu.memref_squeeze %dma_start3A_288 : memref<1x632x128xf32, #tpu.memory_space<hbm>> -> memref<632x128xf32, #tpu.memory_space<hbm>>
        %dma_start3A_290 = arith.constant 0 : i32
        %dma_start3A_291 = tpu.memref_slice %arg9[%mul3A_2, %dma_start3A_290] : memref<10896x128xf32, #tpu.memory_space<vmem_shared>> -> memref<632x128xf32, #tpu.memory_space<vmem_shared>>
        tpu.enqueue_dma source(%dma_start3A_291 : memref<632x128xf32, #tpu.memory_space<vmem_shared>>) target(%dma_start3A_289 : memref<632x128xf32, #tpu.memory_space<hbm>>) target_semaphore(%run_scoped3A : memref<!tpu.dma_semaphore, #tpu.memory_space<semaphore_mem>>)
        %dma_wait3A = arith.constant 0 : i32
        %dma_wait3A_292 = tpu.memref_slice %arg8[%arg0, %mul3A_2, %dma_wait3A] : memref<2x10000x128xf32, #tpu.memory_space<hbm>> -> memref<1x632x128xf32, #tpu.memory_space<hbm>>
        %dma_wait3A_293 = tpu.memref_squeeze %dma_wait3A_292 : memref<1x632x128xf32, #tpu.memory_space<hbm>> -> memref<632x128xf32, #tpu.memory_space<hbm>>
        %dma_wait3A_294 = arith.constant 0 : i32
        %dma_wait3A_295 = tpu.memref_slice %arg9[%mul3A_2, %dma_wait3A_294] : memref<10896x128xf32, #tpu.memory_space<vmem_shared>> -> memref<632x128xf32, #tpu.memory_space<vmem_shared>>
        tpu.wait_dma2 semaphore(%run_scoped3A : memref<!tpu.dma_semaphore, #tpu.memory_space<semaphore_mem>>) src(%dma_wait3A_295 : memref<632x128xf32, #tpu.memory_space<vmem_shared>>) dst(%dma_wait3A_293 : memref<632x128xf32, #tpu.memory_space<hbm>>)
        tpu.yield
      }) : () -> ()
    } else {
    }
    %eq3A_282 = arith.constant 15 : i32
    %eq3A_283 = arith.cmpi eq, %arg1, %eq3A_282 : i32
    %convert_element_type3A_284 = arith.extui %eq3A_283 : i1 to i32
    %cond3A_285 = arith.constant 0 : i32
    %cond3A_286 = arith.cmpi ne, %convert_element_type3A_284, %cond3A_285 : i32
    scf.if %cond3A_286 {
      "tpu.region"() ({
        %run_scoped3A = tpu.sem_alloc : memref<!tpu.dma_semaphore, #tpu.memory_space<semaphore_mem>>
        %dma_start3A_287 = arith.constant 0 : i32
        %dma_start3A_288 = tpu.memref_slice %arg8[%arg0, %mul3A_2, %dma_start3A_287] : memref<2x10000x128xf32, #tpu.memory_space<hbm>> -> memref<1x520x128xf32, #tpu.memory_space<hbm>>
        %dma_start3A_289 = tpu.memref_squeeze %dma_start3A_288 : memref<1x520x128xf32, #tpu.memory_space<hbm>> -> memref<520x128xf32, #tpu.memory_space<hbm>>
        %dma_start3A_290 = arith.constant 0 : i32
        %dma_start3A_291 = tpu.memref_slice %arg9[%mul3A_2, %dma_start3A_290] : memref<10896x128xf32, #tpu.memory_space<vmem_shared>> -> memref<520x128xf32, #tpu.memory_space<vmem_shared>>
        tpu.enqueue_dma source(%dma_start3A_291 : memref<520x128xf32, #tpu.memory_space<vmem_shared>>) target(%dma_start3A_289 : memref<520x128xf32, #tpu.memory_space<hbm>>) target_semaphore(%run_scoped3A : memref<!tpu.dma_semaphore, #tpu.memory_space<semaphore_mem>>)
        %dma_wait3A = arith.constant 0 : i32
        %dma_wait3A_292 = tpu.memref_slice %arg8[%arg0, %mul3A_2, %dma_wait3A] : memref<2x10000x128xf32, #tpu.memory_space<hbm>> -> memref<1x520x128xf32, #tpu.memory_space<hbm>>
        %dma_wait3A_293 = tpu.memref_squeeze %dma_wait3A_292 : memref<1x520x128xf32, #tpu.memory_space<hbm>> -> memref<520x128xf32, #tpu.memory_space<hbm>>
        %dma_wait3A_294 = arith.constant 0 : i32
        %dma_wait3A_295 = tpu.memref_slice %arg9[%mul3A_2, %dma_wait3A_294] : memref<10896x128xf32, #tpu.memory_space<vmem_shared>> -> memref<520x128xf32, #tpu.memory_space<vmem_shared>>
        tpu.wait_dma2 semaphore(%run_scoped3A : memref<!tpu.dma_semaphore, #tpu.memory_space<semaphore_mem>>) src(%dma_wait3A_295 : memref<520x128xf32, #tpu.memory_space<vmem_shared>>) dst(%dma_wait3A_293 : memref<520x128xf32, #tpu.memory_space<hbm>>)
        tpu.yield
      }) : () -> ()
    } else {
    }
    return
  }
}

module attributes {stable_mosaic.version = 14 : i64} {
  func.func @_mm1_body(%arg0: i32, %arg1: memref<1000x128xf32, #tpu.memory_space<vmem>>, %arg2: memref<128x128xf32, #tpu.memory_space<vmem>>, %arg3: memref<1x128xf32, #tpu.memory_space<vmem>>, %arg4: memref<1000x128xf32, #tpu.memory_space<vmem>>) attributes {dimension_semantics = [#tpu.dimension_semantics<arbitrary>], iteration_bounds = array<i64: 10>, scalar_prefetch = 0 : i64, scratch_operands = 0 : i64, tpu.core_type = #tpu.core_type<tc>, window_params = [{transform_indices = @transform_0, window_bounds = array<i64: 1000, 128>}, {pipeline_mode = #tpu.pipeline_mode<synchronous>, transform_indices = @transform_1, window_bounds = array<i64: 128, 128>}, {pipeline_mode = #tpu.pipeline_mode<synchronous>, transform_indices = @transform_2, window_bounds = array<i64: 1, 128>}, {transform_indices = @transform_3, window_bounds = array<i64: 1000, 128>}]} {
    %get3A = arith.constant 0 : index
    %get3A_0 = arith.constant 0 : index
    %get3A_1 = vector.load %arg1[%get3A, %get3A_0] : memref<1000x128xf32, #tpu.memory_space<vmem>>, vector<1000x128xf32>
    %get3A_2 = arith.constant 0 : index
    %get3A_3 = arith.constant 0 : index
    %get3A_4 = vector.load %arg2[%get3A_2, %get3A_3] : memref<128x128xf32, #tpu.memory_space<vmem>>, vector<128x128xf32>
    %dot_general3A = arith.constant dense<0.000000e+00> : vector<1000x128xf32>
    %dot_general3A_5 = tpu.matmul %get3A_1, %get3A_4, %dot_general3A {dimension_numbers = #tpu.dot_dimension_numbers<[1], [0], [0], [1], [0, 0, 1, 1], [], []>, transpose_lhs_hint = false} : vector<1000x128xf32>, vector<128x128xf32>, vector<1000x128xf32> -> vector<1000x128xf32>
    %get3A_6 = arith.constant 0 : index
    %get3A_7 = arith.constant 0 : index
    %get3A_8 = vector.load %arg3[%get3A_6, %get3A_7] : memref<1x128xf32, #tpu.memory_space<vmem>>, vector<1x128xf32>
    %add3A = vector.broadcast %get3A_8 : vector<1x128xf32> to vector<1000x128xf32>
    %add3A_9 = arith.addf %dot_general3A_5, %add3A : vector<1000x128xf32>
    %max3A = arith.constant 0.000000e+00 : f32
    %max3A_10 = vector.broadcast %max3A : f32 to vector<1000x128xf32>
    %max3A_11 = arith.maximumf %add3A_9, %max3A_10 : vector<1000x128xf32>
    %swap3A = arith.constant 0 : index
    %swap3A_12 = arith.constant 0 : index
    %swap3A_13 = vector.load %arg4[%swap3A, %swap3A_12] : memref<1000x128xf32, #tpu.memory_space<vmem>>, vector<1000x128xf32>
    tpu.vector_store %arg4[%swap3A, %swap3A_12], %max3A_11 {strides = array<i32>} : memref<1000x128xf32, #tpu.memory_space<vmem>>, vector<1000x128xf32>,
    return
  }
  func.func @transform_0(%arg0: i32) -> (i32, i32) {
    %c0_i32 = arith.constant 0 : i32
    %c0_i32_0 = arith.constant 0 : i32
    return %arg0, %c0_i32 : i32, i32
  }
  func.func @transform_1(%arg0: i32) -> (i32, i32) {
    %c0_i32 = arith.constant 0 : i32
    %c0_i32_0 = arith.constant 0 : i32
    %c0_i32_1 = arith.constant 0 : i32
    return %c0_i32, %c0_i32_0 : i32, i32
  }
  func.func @transform_2(%arg0: i32) -> (i32, i32) {
    %c0_i32 = arith.constant 0 : i32
    %c0_i32_0 = arith.constant 0 : i32
    %c0_i32_1 = arith.constant 0 : i32
    return %c0_i32, %c0_i32_0 : i32, i32
  }
  func.func @transform_3(%arg0: i32) -> (i32, i32) {
    %c0_i32 = arith.constant 0 : i32
    %c0_i32_0 = arith.constant 0 : i32
    return %arg0, %c0_i32 : i32, i32
  }
}

module attributes {stable_mosaic.version = 14 : i64} {
  func.func @_mm2_body(%arg0: i32, %arg1: memref<1000x128xf32, #tpu.memory_space<vmem>>, %arg2: memref<2x1000x128xf32, #tpu.memory_space<vmem>>, %arg3: memref<2x1000x1xf32, #tpu.memory_space<vmem>>, %arg4: memref<128x128xf32, #tpu.memory_space<vmem>>, %arg5: memref<1x128xf32, #tpu.memory_space<vmem>>, %arg6: memref<128x16xf32, #tpu.memory_space<vmem>>, %arg7: memref<1x16xf32, #tpu.memory_space<vmem>>, %arg8: memref<1000x16xf32, #tpu.memory_space<vmem>>) attributes {dimension_semantics = [#tpu.dimension_semantics<arbitrary>], iteration_bounds = array<i64: 10>, scalar_prefetch = 0 : i64, scratch_operands = 0 : i64, tpu.core_type = #tpu.core_type<tc>, window_params = [{transform_indices = @transform_0, window_bounds = array<i64: 1000, 128>}, {transform_indices = @transform_1, window_bounds = array<i64: 2, 1000, 128>}, {transform_indices = @transform_2, window_bounds = array<i64: 2, 1000, 1>}, {pipeline_mode = #tpu.pipeline_mode<synchronous>, transform_indices = @transform_3, window_bounds = array<i64: 128, 128>}, {pipeline_mode = #tpu.pipeline_mode<synchronous>, transform_indices = @transform_4, window_bounds = array<i64: 1, 128>}, {pipeline_mode = #tpu.pipeline_mode<synchronous>, transform_indices = @transform_5, window_bounds = array<i64: 128, 16>}, {pipeline_mode = #tpu.pipeline_mode<synchronous>, transform_indices = @transform_6, window_bounds = array<i64: 1, 16>}, {transform_indices = @transform_7, window_bounds = array<i64: 1000, 16>}]} {
    %get3A = arith.constant 0 : index
    %get3A_0 = arith.constant 0 : index
    %get3A_1 = arith.constant 0 : index
    %get3A_2 = vector.load %arg2[%get3A, %get3A_0, %get3A_1] : memref<2x1000x128xf32, #tpu.memory_space<vmem>>, vector<1x1000x128xf32>
    %get3A_3 = vector.shape_cast %get3A_2 : vector<1x1000x128xf32> to vector<1000x128xf32>
    %get3A_4 = arith.constant 1 : index
    %get3A_5 = arith.constant 0 : index
    %get3A_6 = arith.constant 0 : index
    %get3A_7 = vector.load %arg2[%get3A_4, %get3A_5, %get3A_6] : memref<2x1000x128xf32, #tpu.memory_space<vmem>>, vector<1x1000x128xf32>
    %get3A_8 = vector.shape_cast %get3A_7 : vector<1x1000x128xf32> to vector<1000x128xf32>
    %add3A = arith.addf %get3A_3, %get3A_8 : vector<1000x128xf32>
    %get3A_9 = arith.constant 0 : index
    %get3A_10 = arith.constant 0 : index
    %get3A_11 = arith.constant 0 : index
    %get3A_12 = vector.load %arg3[%get3A_9, %get3A_10, %get3A_11] : memref<2x1000x1xf32, #tpu.memory_space<vmem>>, vector<1x1000x1xf32>
    %get3A_13 = vector.shape_cast %get3A_12 : vector<1x1000x1xf32> to vector<1000x1xf32>
    %get3A_14 = arith.constant 1 : index
    %get3A_15 = arith.constant 0 : index
    %get3A_16 = arith.constant 0 : index
    %get3A_17 = vector.load %arg3[%get3A_14, %get3A_15, %get3A_16] : memref<2x1000x1xf32, #tpu.memory_space<vmem>>, vector<1x1000x1xf32>
    %get3A_18 = vector.shape_cast %get3A_17 : vector<1x1000x1xf32> to vector<1000x1xf32>
    %add3A_19 = arith.addf %get3A_13, %get3A_18 : vector<1000x1xf32>
    %get3A_20 = arith.constant 0 : index
    %get3A_21 = arith.constant 0 : index
    %get3A_22 = vector.load %arg1[%get3A_20, %get3A_21] : memref<1000x128xf32, #tpu.memory_space<vmem>>, vector<1000x128xf32>
    %max3A = arith.constant 1.000000e+00 : f32
    %max3A_23 = vector.broadcast %max3A : f32 to vector<1000x1xf32>
    %max3A_24 = arith.maximumf %add3A_19, %max3A_23 : vector<1000x1xf32>
    %div3A = vector.broadcast %max3A_24 : vector<1000x1xf32> to vector<1000x128xf32>
    %div3A_25 = arith.divf %add3A, %div3A : vector<1000x128xf32>
    %add3A_26 = arith.addf %get3A_22, %div3A_25 : vector<1000x128xf32>
    %get3A_27 = arith.constant 0 : index
    %get3A_28 = arith.constant 0 : index
    %get3A_29 = vector.load %arg4[%get3A_27, %get3A_28] : memref<128x128xf32, #tpu.memory_space<vmem>>, vector<128x128xf32>
    %dot_general3A = arith.constant dense<0.000000e+00> : vector<1000x128xf32>
    %dot_general3A_30 = tpu.matmul %add3A_26, %get3A_29, %dot_general3A {dimension_numbers = #tpu.dot_dimension_numbers<[1], [0], [0], [1], [0, 0, 1, 1], [], []>, transpose_lhs_hint = false} : vector<1000x128xf32>, vector<128x128xf32>, vector<1000x128xf32> -> vector<1000x128xf32>
    %get3A_31 = arith.constant 0 : index
    %get3A_32 = arith.constant 0 : index
    %get3A_33 = vector.load %arg5[%get3A_31, %get3A_32] : memref<1x128xf32, #tpu.memory_space<vmem>>, vector<1x128xf32>
    %add3A_34 = vector.broadcast %get3A_33 : vector<1x128xf32> to vector<1000x128xf32>
    %add3A_35 = arith.addf %dot_general3A_30, %add3A_34 : vector<1000x128xf32>
    %max3A_36 = arith.constant 0.000000e+00 : f32
    %max3A_37 = vector.broadcast %max3A_36 : f32 to vector<1000x128xf32>
    %max3A_38 = arith.maximumf %add3A_35, %max3A_37 : vector<1000x128xf32>
    %get3A_39 = arith.constant 0 : index
    %get3A_40 = arith.constant 0 : index
    %get3A_41 = vector.load %arg6[%get3A_39, %get3A_40] : memref<128x16xf32, #tpu.memory_space<vmem>>, vector<128x16xf32>
    %dot_general3A_42 = arith.constant dense<0.000000e+00> : vector<1000x16xf32>
    %dot_general3A_43 = tpu.matmul %max3A_38, %get3A_41, %dot_general3A_42 {dimension_numbers = #tpu.dot_dimension_numbers<[1], [0], [0], [1], [0, 0, 1, 1], [], []>, transpose_lhs_hint = false} : vector<1000x128xf32>, vector<128x16xf32>, vector<1000x16xf32> -> vector<1000x16xf32>
    %get3A_44 = arith.constant 0 : index
    %get3A_45 = arith.constant 0 : index
    %get3A_46 = vector.load %arg7[%get3A_44, %get3A_45] : memref<1x16xf32, #tpu.memory_space<vmem>>, vector<1x16xf32>
    %add3A_47 = vector.broadcast %get3A_46 : vector<1x16xf32> to vector<1000x16xf32>
    %add3A_48 = arith.addf %dot_general3A_43, %add3A_47 : vector<1000x16xf32>
    %swap3A = arith.constant 0 : index
    %swap3A_49 = arith.constant 0 : index
    %swap3A_50 = vector.load %arg8[%swap3A, %swap3A_49] : memref<1000x16xf32, #tpu.memory_space<vmem>>, vector<1000x16xf32>
    tpu.vector_store %arg8[%swap3A, %swap3A_49], %add3A_48 {strides = array<i32>} : memref<1000x16xf32, #tpu.memory_space<vmem>>, vector<1000x16xf32>,
    return
  }
  func.func @transform_0(%arg0: i32) -> (i32, i32) {
    %c0_i32 = arith.constant 0 : i32
    %c0_i32_0 = arith.constant 0 : i32
    return %arg0, %c0_i32 : i32, i32
  }
  func.func @transform_1(%arg0: i32) -> (i32, i32, i32) {
    %c0_i32 = arith.constant 0 : i32
    %c0_i32_0 = arith.constant 0 : i32
    %c0_i32_1 = arith.constant 0 : i32
    return %c0_i32, %arg0, %c0_i32_0 : i32, i32, i32
  }
  func.func @transform_2(%arg0: i32) -> (i32, i32, i32) {
    %c0_i32 = arith.constant 0 : i32
    %c0_i32_0 = arith.constant 0 : i32
    %c0_i32_1 = arith.constant 0 : i32
    return %c0_i32, %arg0, %c0_i32_0 : i32, i32, i32
  }
  func.func @transform_3(%arg0: i32) -> (i32, i32) {
    %c0_i32 = arith.constant 0 : i32
    %c0_i32_0 = arith.constant 0 : i32
    %c0_i32_1 = arith.constant 0 : i32
    return %c0_i32, %c0_i32_0 : i32, i32
  }
  func.func @transform_4(%arg0: i32) -> (i32, i32) {
    %c0_i32 = arith.constant 0 : i32
    %c0_i32_0 = arith.constant 0 : i32
    %c0_i32_1 = arith.constant 0 : i32
    return %c0_i32, %c0_i32_0 : i32, i32
  }
  func.func @transform_5(%arg0: i32) -> (i32, i32) {
    %c0_i32 = arith.constant 0 : i32
    %c0_i32_0 = arith.constant 0 : i32
    %c0_i32_1 = arith.constant 0 : i32
    return %c0_i32, %c0_i32_0 : i32, i32
  }
  func.func @transform_6(%arg0: i32) -> (i32, i32) {
    %c0_i32 = arith.constant 0 : i32
    %c0_i32_0 = arith.constant 0 : i32
    %c0_i32_1 = arith.constant 0 : i32
    return %c0_i32, %c0_i32_0 : i32, i32
  }
  func.func @transform_7(%arg0: i32) -> (i32, i32) {
    %c0_i32 = arith.constant 0 : i32
    %c0_i32_0 = arith.constant 0 : i32
    return %arg0, %c0_i32 : i32, i32
  }
}

</mosaic_0001>

<sc_bundles>
// kernel: kernel.5.cloned.1.call-start
scs
__scs_entry_jumppad:
0x0: {  	(pc) =	sbr.rel $0x88, $3  }
0x1: {  	(tag) =	ssettag $0x0;
	lr =	simm.s32 $0x1  }
0x2: {  	[smem:$0x3F99] =	sst lr;
	_ =	strace $0xD0000000  }
0x3: {  	_ = 	snop  }
0x4: {  	_ = 	snop  }
0x5: {  	_ = 	snop  }
0x6: {  	_ = 	snop  }
0x7: {  	_ = 	snop  }
__scs_overlays_trampoline_lowered:
0x8: {  	[smem:$0x3FA8] =	sst s0  }
0x9: {  	[smem:$0x3FA9] =	sst s1  }
0xa: {  	[smem:$0x3FAA] =	sst s2  }
0xb: {  	[smem:$0x3FAB] =	sst s3  }
0xc: {  	[smem:$0x3FAC] =	sst s4  }
0xd: {  	[smem:$0x3FAD] =	sst s5  }
0xe: {  	[smem:$0x3FAE] =	sst s6  }
0xf: {  	[smem:$0x3FAF] =	sst s7  }
0x10: {  	[smem:$0x3FB0] =	sst s8  }
0x11: {  	[smem:$0x3FB1] =	sst s9;
	s0 =	simm.s32 @!p0 $0x0  }
0x12: {  	s1 =	sld [smem:$0x3F97];
	s0 =	simm.s32 @p0 $0x1  }
0x13: {  	[smem:$0x3FB2] =	sst s0;
	s0 =	simm.s32 @!p1 $0x0  }
0x14: {  	s2 =	sld [smem:$0x3F96];
	s0 =	simm.s32 @p1 $0x1  }
0x15: {  	[smem:$0x3FB3] =	sst s0;
	s0 =	simm.s32 @!p2 $0x0  }
0x16: {  	s3 =	sld [smem:$0x3FDB];
	s0 =	simm.s32 @p2 $0x1  }
0x17: {  	s4 =	simm.s32 $0x1BF5;
	[smem:$0x3FB5] =	sst s0  }
0x18: {  	s0 =	sld [smem:$0x3F98];
	_ =	swait.ge [sflag:s4], $0x0  }
0x19: {  	s7 =	sld [smem:$0x3F99]  }
0x1a: {  	s8 =	sadd.s32 $0xFFFFE003, lr  }
0x1b: {  	s9 =	sadd.s32 $0xFFFFFEF7, lr;
	s5 =	simm.s32 $0xFFFFFFFF;
	p2 =	slt.u32 s8, $0xFFFFF086  }
0x1c: {  	p1 =	slt.u32 s9, $0xF7A;
	s5 =	simm.s32 @!p2 $0x0  }
0x1d: {  	s5 =	simm.s32 @p1 $0x1;
	p0 =	seq.s32 s7, s2  }
0x1e: {  	s7 =	smul.u32 @!p0 $0xF7A, s2;
	p2 =	seq.s32 @!p0 s5, $0x0  }
0x1f: {  	s9 =	smul.u32 $0xF7A, s1;
	s8 =	simm.s32 @!p0 $0x1BF5;
	p2 =	por !p2, p0  }
0x20: {  	[sflag:s8] =	ssyncset.s32 @!p0 $0xFFFFF086;
	s6 =	sadd.s32 @!p0 s3, s7;
	s7 =	simm.s32 @!p0 $0x108  }
0x21: {  	s3 =	sadd.s32 s3, s9;
	s6 =	sadd.s32 @!p0 $0x88, s6;
	s7 =	simm.s32 @p2 $0x1082  }
0x22: {  	[simem:s7], [sflag:s8] =	dma.local @!p0 [hbm:s6], $0xF7A  }
0x23: {  	s9 =	sor.u32 $0xD0000000, s2;
	s6 =	simm.s32 $0x108;
	_ =	swait.ge @!p0 [sflag:s8], $0x0  }
0x24: {  	s3 =	sadd.s32 $0x88, s3;
	s6 =	simm.s32 @!p1 $0x1082;
	[sflag:s4] =	ssyncset.s32 $0xFFFFF086  }
0x25: {  	[simem:s6], [sflag:s4] =	dma.local [hbm:s3], $0xF7A  }
0x26: {  	[smem:$0x3F99] =	sst s1;
	(tag) =	ssettag s2;
	_ =	strace s9  }
0x27: {  	s1 =	sld [smem:$0x3FA9]  }
0x28: {  	s2 =	sld [smem:$0x3FAA]  }
0x29: {  	s4 =	sld [smem:$0x3FAC]  }
0x2a: {  	p0 =	seq.s32 s5, $0x0;
	s5 =	sld [smem:$0x3FAD]  }
0x2b: {  	s6 =	sld [smem:$0x3FAE]  }
0x2c: {  	s7 =	sld [smem:$0x3FAF]  }
0x2d: {  	s3 =	simm.s32 $0x108;
	s8 =	sld [smem:$0x3FB0]  }
0x2e: {  	s3 =	simm.s32 @!p0 $0x1082;
	s9 =	sld [smem:$0x3FB1]  }
0x2f: {  	lr =	sadd.s32 s0, s3;
	s0 =	sld [smem:$0x3FA8]  }
0x30: {  	s3 =	sld [smem:$0x3FAB]  }
0x31: {  	[smem:$0x3FB4] =	sst s10  }
0x32: {  	s10 =	sld [smem:$0x3FB2];
	_ =	sdelay $0x3  }
0x33: {  	p0 =	seq.s32 s10, $0x1;
	s10 =	sld [smem:$0x3FB4];
	_ =	sdelay $0x3  }
0x34: {  	[smem:$0x3FB4] =	sst s10  }
0x35: {  	s10 =	sld [smem:$0x3FB3];
	_ =	sdelay $0x3  }
0x36: {  	p1 =	seq.s32 s10, $0x1;
	s10 =	sld [smem:$0x3FB4];
	_ =	sdelay $0x3  }
0x37: {  	[smem:$0x3FB4] =	sst s10  }
0x38: {  	s10 =	sld [smem:$0x3FB5]  }
0x39: {  	_ = 	snop;
	(pc) =	sbr.ind lr, $3  }
0x3a: {  	_ = 	snop  }
0x3b: {  	_ = 	snop  }
0x3c: {  	p2 =	seq.s32 s10, $0x1;
	s10 =	sld [smem:$0x3FB4]  }
0x3d: {  	_ =	shalt  }
0x3e: {  	_ =	shalt  }
0x3f: {  	_ =	shalt  }
0x40: {  	_ =	shalt  }
0x41: {  	_ =	shalt  }
0x42: {  	_ =	shalt  }
0x43: {  	_ =	shalt  }
0x44: {  	_ =	shalt  }
0x45: {  	_ =	shalt  }
0x46: {  	_ =	shalt  }
0x47: {  	_ =	shalt  }
0x48: {  	_ =	shalt  }
0x49: {  	_ =	shalt  }
0x4a: {  	_ =	shalt  }
0x4b: {  	_ =	shalt  }
0x4c: {  	_ =	shalt  }
0x4d: {  	_ =	shalt  }
0x4e: {  	_ =	shalt  }
0x4f: {  	_ =	shalt  }
0x50: {  	_ =	shalt  }
0x51: {  	_ =	shalt  }
0x52: {  	_ =	shalt  }
0x53: {  	_ =	shalt  }
0x54: {  	_ =	shalt  }
0x55: {  	_ =	shalt  }
0x56: {  	_ =	shalt  }
0x57: {  	_ =	shalt  }
0x58: {  	_ =	shalt  }
0x59: {  	_ =	shalt  }
0x5a: {  	_ =	shalt  }
0x5b: {  	_ =	shalt  }
0x5c: {  	_ =	shalt  }
0x5d: {  	_ =	shalt  }
0x5e: {  	_ =	shalt  }
0x5f: {  	_ =	shalt  }
0x60: {  	_ =	shalt  }
0x61: {  	_ =	shalt  }
0x62: {  	_ =	shalt  }
0x63: {  	_ =	shalt  }
0x64: {  	_ =	shalt  }
0x65: {  	_ =	shalt  }
0x66: {  	_ =	shalt  }
0x67: {  	_ =	shalt  }
0x68: {  	_ =	shalt  }
0x69: {  	_ =	shalt  }
0x6a: {  	_ =	shalt  }
0x6b: {  	_ =	shalt  }
0x6c: {  	_ =	shalt  }
0x6d: {  	_ =	shalt  }
0x6e: {  	_ =	shalt  }
0x6f: {  	_ =	shalt  }
0x70: {  	_ =	shalt  }
0x71: {  	_ =	shalt  }
0x72: {  	_ =	shalt  }
0x73: {  	_ =	shalt  }
0x74: {  	_ =	shalt  }
0x75: {  	_ =	shalt  }
0x76: {  	_ =	shalt  }
0x77: {  	_ =	shalt  }
0x78: {  	_ =	shalt  }
0x79: {  	_ =	shalt  }
0x7a: {  	_ =	shalt  }
0x7b: {  	_ =	shalt  }
0x7c: {  	_ =	shalt  }
0x7d: {  	_ =	shalt  }
0x7e: {  	_ =	shalt  }
0x7f: {  	_ =	shalt  }
0x80: {  	_ =	shalt  }
0x81: {  	_ =	shalt  }
0x82: {  	_ =	shalt  }
0x83: {  	_ =	shalt  }
0x84: {  	_ =	shalt  }
0x85: {  	_ =	shalt  }
0x86: {  	_ =	shalt  }
0x87: {  	_ =	shalt  }
.Lfunc_end0:
.L_simem_size_0:
called_computation_lowered:
.L_overlay_start_0:
0x88: {  	s2 =	sld [smem:$0x3FD9]  }
0x89: {  	s3 =	sld [smem:$0x3FFE];
	_ =	sdelay $0x1  }
0x8a: {  	s1 =	srdreg.scid  }
0x8b: {  	s0 =	sand.u32 $0x1, s1  }
0x8c: {  	s17 =	sshll.u32 s0, $0xA;
	s2 =	sadd.s32 s3, s2  }
0x8d: {  	s2 =	sadd.s32 s2, s17  }
0x8e: {  	[smem:$0x3FC0] =	sst s2  }
0x8f: {  	_ = 	snop  }
0x90: {  	s2 =	sld [smem:$0x3FD0];
	(tm) =	ssettm $0x1  }
0x91: {  	s18 =	sld [smem:$0x3FFB];
	_ =	sdelay $0x3  }
0x92: {  	_ =	strace s18  }
0x93: {  	s3 =	sld [smem:$0x3FFC];
	_ =	sdelay $0x3  }
0x94: {  	_ =	strace s3  }
0x95: {  	s3 =	sld [smem:$0x3FFD];
	_ =	sdelay $0x3  }
0x96: {  	_ =	strace s3  }
0x97: {  	_ =	strace $0x8FFFFFFF  }
0x98: {  	s19 =	sld [smem:$0x3FDB];
	_ =	sdelay $0x1  }
0x99: {  	s4 =	simm.s32 $_scs_section_size  }
0x9a: {  	s5 =	simm.s32 $_size__tile_overlayer_lowered;
	s6 =	simm.s32 $_tile_overlayer_lowered  }
0x9b: {  	s22 =	simm.s32 $0x1BFF;
	s21 =	sshll.u32 s6, $0x1;
	s3 =	sadd.s32 s4, s19  }
0x9c: {  	s7 =	simm.s32 $0x0;
	s20 =	sshll.u32 s5, $0x1;
	s5 =	sadd.s32 s21, s3  }
0x9d: {  	[timem:s7], [sflag:s22] =	dma.local [hbm:s5], s20  }
0x9e: {  	_ =	swait.ge [sflag:s22], s20  }
0x9f: {  	s4 =	ssub.s32 $0x0, s20;
	[sflag:s22] =	ssyncset.done $0x0  }
0xa0: {  	[sflag:s22] =	ssyncadd.s32 s4;
	_ =	sdelay $0x1  }
0xa1: {  	s23 =	simm.s32 $0x1B8B  }
0xa2: {  	_ =	swait.ge [sflag:s23], $0x1  }
0xa3: {  	[sflag:s23] =	ssyncset.done $0x0  }
0xa4: {  	s25 =	simm.s32 $0x1B8E;
	s24 =	sld [smem:$0x3FFE];
	[sflag:s23] =	ssyncadd.s32 $0xFFFFFFFF  }
0xa5: {  	s26 =	simm.s32 $execute0_lowered;
	[smem:$0x3FD2] =	sst s25  }
0xa6: {  	s5 =	sshll.u32 s26, $0x1;
	_ =	strace $0x80000046;
	[dreg:$0x1] =	wrdreg $0xFFFFFFFF  }
0xa7: {  	s28 =	simm.s32 $_size_execute0_lowered;
	s3 =	sadd.s32 s3, s5;
	[dreg:$0x0] =	wrdreg $0x0  }
0xa8: {  	s5 =	sshll.u32 s28, $0x1;
	[dreg:$0x2] =	wrdreg s3  }
0xa9: {  	[dreg:$0x3] =	wrdreg s5  }
0xaa: {  	[dreg:$0x4] =	wrdreg $0xC0  }
0xab: {  	_ =	task [dreg:s7], $0x5FFFF  }
0xac: {  	[dreg:$0x1] =	wrdreg $0xFFFFFFFF  }
0xad: {  	[dreg:$0x0] =	wrdreg $0x60  }
0xae: {  	[dreg:$0x2] =	wrdreg s24  }
0xaf: {  	[dreg:$0x3] =	wrdreg s2  }
0xb0: {  	[dreg:$0x4] =	wrdreg $0x0  }
0xb1: {  	[dreg:$0x5] =	wrdreg $0x9  }
0xb2: {  	_ =	task.clear_ibuf [dreg:s7], $0x6FFFF;
	_ =	strace $0x90000046  }
0xb3: {  	s29 =	simm.s32 $0x9;
	_ =	strace $0x80000048  }
0xb4: {  	_ =	swait.ge [sflag:s29], $0x1  }
0xb5: {  	[sflag:s29] =	ssyncadd.s32 $0xFFFFFFFF  }
0xb6: {  	_ =	strace $0x90000048  }
0xb7: {  	_ =	sfence  }
0xb8: {  	s30 =	sld [smem:$0x0];
	_ =	sdelay $0x2  }
0xb9: {  	s31 =	sshll.u32 s1, $0xD;
	s1 =	sshrl.u32 s1, $0x2  }
0xba: {  	s3 =	sand.u32 $0x4000, s31;
	s1 =	sadd.s32 s1, s30  }
0xbb: {  	s0 =	sor.u32 s3, s0;
	s1 =	sshll.u32 s1, $0x11  }
0xbc: {  	s0 =	sor.u32 s1, s0  }
0xbd: {  	s0 =	sadd.s32 $0x8F2B, s0  }
0xbe: {  	[sflag:s0] =	ssyncadd.remote.s32 $0x1  }
0xbf: {  	_ =	sfence.sel $0xFFFF  }
0xc0: {  	[dreg:$0x0] =	wrdreg $0xFFFFFFFF;
	(pc) =	sbr.abs _section_cstart, $3  }
0xc1: {  	[dreg:$0x1] =	wrdreg $0xFFFFFFFF  }
0xc2: {  	_ =	task.clear_ibuf [dreg:s7], $0x2FFFF;
	_ =	strace $0x9FFFFFFF  }
0xc3: {  	(tm) =	ssettm $0x7FFFFFFF  }
tec
execute0_lowered:
.L_overlay_start_1:
0x0: {  	(tag) =	ssettag $0x1  }
0x1: {  	s0 =	srdreg.scid;
	s8 =	stileid.u32  }
0x2: {  	s2 =	rddreg [dreg:$0x0];
	s28 =	simm.s32 $0x16880;
	s31 =	simm.s32 $0x16C80  }
0x3: {  	s0 =	sand.u32 $0x1, s0;
	s1 =	sshll.u32 s8, $0x1;
	s5 =	sadd.s32 $0x2000, s2  }
0x4: {  	s7 =	sadd.s32 $0xC000, s2;
	s18 =	smul.u32 $0x13C00, s8;
	s1 =	sor.u32 s0, s1  }
0x5: {  	s30 =	sadd.s32 $0x16000, s2;
	s3 =	ssub.s32 $0x2, s0;
	s4 =	smul.u32 $0x500, s1  }
0x6: {  	p0 =	seq.s32 s8, $0xF;
	s6 =	sshrl.u32 s3, $0x1;
	s1 =	smul.u32 $0x2800, s1  }
0x7: {  	s0 =	smul.u32 $0x138800, s0;
	s3 =	ssub.s32 s3, s6;
	s22 =	sadd.s32 s5, s4  }
0x8: {  	s9 =	sadd.s32 s7, s4;
	s23 =	sor.u32 $0x80, s4;
	s1 =	sshrl.u32 s1, $0x3  }
0x9: {  	s11 =	sadd.s32 $0x280, s4;
	[dreg:$0x4] =	wrdreg s22;
	s10 =	sadd.s32 s5, s23  }
0xa: {  	s13 =	sadd.s32 $0x300, s4;
	s6 =	sadd.s32 s7, s23;
	[dreg:$0x6] =	wrdreg s10  }
0xb: {  	s15 =	sadd.s32 $0x380, s4;
	s12 =	sadd.s32 s5, s11;
	[dreg:$0x7] =	wrdreg s6  }
0xc: {  	s17 =	sadd.s32 $0x400, s4;
	s14 =	sadd.s32 s5, s13;
	[dreg:$0xe] =	wrdreg s12  }
0xd: {  	s4 =	sadd.s32 $0x480, s4;
	s16 =	sadd.s32 s5, s15;
	[dreg:$0x10] =	wrdreg s14  }
0xe: {  	s3 =	smax.u32 s3, $0x1;
	s19 =	sadd.s32 s5, s17;
	[dreg:$0x12] =	wrdreg s16  }
0xf: {  	s24 =	sadd.s32 $0x100, s1;
	s20 =	sadd.s32 s5, s4;
	[dreg:$0x14] =	wrdreg s19  }
0x10: {  	s26 =	sadd.s32 $0x180, s1;
	s21 =	sadd.s32 s7, s4;
	[dreg:$0x16] =	wrdreg s20  }
0x11: {  	s1 =	sadd.s32 $0x200, s1;
	s25 =	sadd.s32 s5, s24;
	[dreg:$0x17] =	wrdreg s21  }
0x12: {  	s22 =	sadd.s32 s18, s0;
	s6 =	sadd.s32 s7, s24;
	[dreg:$0x8] =	wrdreg s25  }
0x13: {  	s0 =	sshrl.u32 s0, $0x3;
	s29 =	sadd.s32 s5, s26;
	[dreg:$0x9] =	wrdreg s6  }
0x14: {  	s23 =	sadd.s32 $0x3DA00, s2;
	s10 =	sadd.s32 s5, s1;
	[dreg:$0xa] =	wrdreg s29  }
0x15: {  	s18 =	simm.s32 $0x17B00;
	s1 =	sadd.s32 s7, s1;
	[dreg:$0xc] =	wrdreg s10  }
0x16: {  	s21 =	simm.s32 $0x0;
	s0 =	sadd.s32 $0x25080, s0;
	[dreg:$0xd] =	wrdreg s1  }
0x17: {  	s5 =	sadd.s32 $0x280, s9;
	s12 =	simm.s32 $0x1BC80;
	[smem:$0x7FF] =	sst s21  }
0x18: {  	s14 =	simm.s32 $0x3;
	s6 =	sadd.s32 s7, s26;
	s26 =	rddreg [dreg:$0x2]  }
0x19: {  	s16 =	simm.s32 $0x4;
	s1 =	sadd.s32 s7, s11;
	[dreg:$0xb] =	wrdreg s6  }
0x1a: {  	s19 =	simm.s32 $0x17B80;
	s4 =	sadd.s32 s23, s0;
	[dreg:$0xf] =	wrdreg s1  }
0x1b: {  	s20 =	simm.s32 $0x17C00;
	s1 =	sadd.s32 s7, s13;
	[dreg:$0x19] =	wrdreg s4  }
0x1c: {  	s25 =	sadd.s32 $0x8BC00, s2;
	[dreg:$0x11] =	wrdreg s1;
	s1 =	sadd.s32 s7, s15  }
0x1d: {  	s29 =	smul.u32 $0x4F000, s8;
	[dreg:$0x13] =	wrdreg s1;
	s1 =	sadd.s32 s7, s17  }
0x1e: {  	s0 =	sadd.s32 s25, s0;
	[dreg:$0x15] =	wrdreg s1;
	s1 =	sshrl.u32 s22, $0x3  }
0x1f: {  	s8 =	simm.s32 $0x17880;
	[dreg:$0x1b] =	wrdreg s0;
	s24 =	sadd.s32 s23, s1  }
0x20: {  	s10 =	simm.s32 $0x5;
	s1 =	sadd.s32 s25, s1;
	[dreg:$0x18] =	wrdreg s24  }
0x21: {  	s11 =	simm.s32 $0x1;
	[dreg:$0x1a] =	wrdreg s1;
	s1 =	sadd.s32 $0x3D200, s2  }
0x22: {  	s4 =	sadd.s32 $0x128400, s26;
	_ =	strace $0x80000047;
	[dreg:$0x1c] =	wrdreg s1  }
0x23: {  	s13 =	simm.s32 $0x2;
	s6 =	simm.s32 $0x17980;
	[dreg:$0x1e] =	wrdreg s3  }
0x24: {  	s15 =	simm.s32 $0x17A00;
	s23 =	sadd.s32 $0x300, s9;
	[dreg:$0x1f] =	wrdreg s4  }
0x25: {  	s17 =	simm.s32 $0x17A80;
	s24 =	sadd.s32 $0x380, s9;
	[smem:$0x7F9] =	sst s23  }
0x26: {  	s22 =	simm.s32 $0x17800;
	s25 =	sadd.s32 $0x400, s9;
	[smem:$0x7FA] =	sst s24  }
.Ltmp0:
0x27: {  	s2 =	sshrl.u32 s29, $0x2;
	[smem:$0x7FB] =	sst s25;
	(pc) =	sbr.rel .LBB2_1-.Ltmp0, $4  }
0x28: {  	s29 =	sadd.s32 $0x480, s9;
	s0 =	sadd.s32 s2, s26;
	[dreg:$0x5] =	wrdreg s9  }
0x29: {  	[smem:$0x7FC] =	sst s29;
	s4 =	simm.s32 $0x17480;
	s23 =	simm.s32 $0x80  }
0x2a: {  	s2 =	simm.s32 $0x17C80;
	s1 =	simm.s32 $0x17900;
	[smem:$0x7FD] =	sst s5  }
0x2b: {  	s9 =	simm.s32 $0x0;
	[dreg:$0x1d] =	wrdreg s0;
	s0 =	simm.s32 $0x17080  }
.LBB2_7:
0x2c: {  	[bflag:$0x0] =	sbarrier.arrive $0xFFFF  }
0x2d: {  	s3 =	simm.s32 @p0 $0x1FC6;
	s5 =	rddreg [dreg:$0x1b]  }
0x2e: {  	[hbm:s5], [sflag:s3] =	dma.local @p0 [spmem:s24], $0x2080  }
0x2f: {  	s3 =	simm.s32 @p0 $0x6  }
0x30: {  	_ =	swait.ge @p0 [sflag:s3], $0x2080  }
0x31: {  	[sflag:s3] =	ssyncset.done @p0 $0x0  }
0x32: {  	[sflag:s3] =	ssyncadd.s32 @p0 $0xFFFFDF80;
	s3 =	rddreg [dreg:$0x1a]  }
0x33: {  	[hbm:s3], [sflag:s25] =	dma.local @!p0 [spmem:s29], $0x2780  }
0x34: {  	s3 =	simm.s32 @!p0 $0x6  }
0x35: {  	_ =	swait.ge @!p0 [sflag:s3], $0x2780  }
0x36: {  	s9 =	sadd.s32 $0x1, s9;
	s29 =	rddreg [dreg:$0x1e]  }
0x37: {  	p1 =	sne.s32 s9, s29  }
.Ltmp1:
0x38: {  	_ = 	snop;
	(pc) =	sbr.rel @!p1 .LBB2_8-.Ltmp1, $3  }
0x39: {  	_ =	sdelay $0x1  }
0x3a: {  	[sflag:s3] =	ssyncset.done @!p0 $0x0  }
0x3b: {  	[sflag:s3] =	ssyncadd.s32 @!p0 $0xFFFFD880  }
.LBB2_1:
0x3c: {  	[smem:$0x7F5] =	sst s9  }
0x3d: {  	s3 =	rddreg [dreg:$0x1f]  }
0x3e: {  	s7 =	rddreg [dreg:$0x1];
	s9 =	sshrl.u32 @p0 s3, $0x3  }
0x3f: {  	s3 =	simm.s32 @p0 $0x1FC6;
	[smem:$0x7F6] =	sst s9  }
0x40: {  	[spmem:s9], [sflag:s3] =	dma.local @p0 [hbm:s7], $0x2080  }
0x41: {  	s3 =	simm.s32 @p0 $0x6  }
0x42: {  	s5 =	stileid.u32;
	_ =	swait.ge @p0 [sflag:s3], $0x2080  }
0x43: {  	s5 =	sshll.u32 @!p0 s5, $0x6;
	[sflag:s3] =	ssyncset.done @p0 $0x0  }
0x44: {  	s5 =	sor.u32 @!p0 $0x1C06, s5;
	[sflag:s3] =	ssyncadd.s32 @p0 $0xFFFFDF80;
	s3 =	rddreg [dreg:$0x1d]  }
0x45: {  	[smem:$0x7F7] =	sst s5;
	s3 =	sshrl.u32 @!p0 s3, $0x3  }
0x46: {  	[smem:$0x7F8] =	sst s3  }
0x47: {  	[spmem:s3], [sflag:s5] =	dma.local @!p0 [hbm:s7], $0x2780  }
0x48: {  	s3 =	simm.s32 @!p0 $0x6  }
0x49: {  	_ =	swait.ge @!p0 [sflag:s3], $0x2780  }
0x4a: {  	[sflag:s3] =	ssyncset.done @!p0 $0x0  }
0x4b: {  	[sflag:s3] =	ssyncadd.s32 @!p0 $0xFFFFD880  }
0x4c: {  	[bflag:$0x0] =	sbarrier.arrive $0xFFFF  }
0x4d: {  	s5 =	rddreg [dreg:$0x4]  }
0x4e: {  	s7 =	simm.s32 $0x15480;
	s9 =	rddreg [dreg:$0x5]  }
0x4f: {  	[tilespmem:s7], [sflag:$0x5] =	stream.linear.gather [hbm4b:s5+s21], $0x400, $0x38;
	[tilespmem:$0x1FC80] =	vst v63  }
0x50: {  	s24 =	rddreg [dreg:$0x6]  }
0x51: {  	[tilespmem:s28], [sflag:$0x5] =	stream.linear.gather [hbm4b:s9+s21], $0x400, $0x38;
	[tilespmem:$0x1FC80] =	vst v63  }
0x52: {  	s25 =	rddreg [dreg:$0x7];
	s9 =	simm.s32 $0x15880  }
0x53: {  	[tilespmem:s9], [sflag:$0x5] =	stream.linear.gather [hbm4b:s24+s21], $0x400, $0x38;
	[tilespmem:$0x1FC80] =	vst v63  }
0x54: {  	s3 =	rddreg [dreg:$0xd]  }
0x55: {  	[tilespmem:s31], [sflag:$0x5] =	stream.linear.gather [hbm4b:s25+s21], $0x400, $0x38;
	[tilespmem:$0x1FC80] =	vst v63  }
0x56: {  	s5 =	rddreg [dreg:$0x8];
	s24 =	simm.s32 $0x15C80  }
0x57: {  	[tilespmem:s24], [sflag:$0x5] =	stream.linear.gather [hbm4b:s5+s21], $0x400, $0x38;
	[tilespmem:$0x1FC80] =	vst v63  }
0x58: {  	s25 =	rddreg [dreg:$0x9]  }
0x59: {  	[tilespmem:s0], [sflag:$0x5] =	stream.linear.gather [hbm4b:s25+s21], $0x400, $0x38;
	[tilespmem:$0x1FC80] =	vst v63  }
0x5a: {  	s5 =	rddreg [dreg:$0xa];
	s25 =	simm.s32 $0x16080  }
0x5b: {  	[tilespmem:s25], [sflag:$0x5] =	stream.linear.gather [hbm4b:s5+s21], $0x400, $0x38;
	[tilespmem:$0x1FC80] =	vst v63  }
0x5c: {  	s5 =	rddreg [dreg:$0xb]  }
0x5d: {  	[tilespmem:s4], [sflag:$0x5] =	stream.linear.gather [hbm4b:s5+s21], $0x400, $0x38;
	[tilespmem:$0x1FC80] =	vst v63  }
0x5e: {  	s29 =	simm.s32 $0x16480;
	s5 =	rddreg [dreg:$0xc]  }
0x5f: {  	[tilespmem:s29], [sflag:$0x5] =	stream.linear.gather [hbm4b:s5+s21], $0x400, $0x38;
	[tilespmem:$0x1FC80] =	vst v63  }
0x60: {  	p1 =	por $0x1, $0x1;
	s5 =	rddreg [dreg:$0xe]  }
.LBB2_2:
0x61: {  	[tilespmem:s8], [sflag:$0x5] =	stream.linear.gather [hbm4b:s3+s21], $0x400, $0x38;
	[tilespmem:$0x1FC80] =	vst v63  }
0x62: {  	_ =	swait.ge [sflag:s10], $0x400  }
0x63: {  	[sflag:s10] =	ssyncset.done $0x0  }
0x64: {  	[sflag:s10] =	ssyncadd.s32 $0xFFFFFC00  }
0x65: {  	_ =	swait.ge [sflag:s10], $0x400  }
0x66: {  	[sflag:s10] =	ssyncset.done $0x0  }
0x67: {  	[sflag:s10] =	ssyncadd.s32 $0xFFFFFC00  }
0x68: {  	[tilespmem:s2], [sflag:$0x1] =	stream.indirect.gather [hbm4b:s30+s23], $0x80, s7, s23, $0xb8;
	[tilespmem:$0x1FC80] =	vst v63  }
0x69: {  	_ =	swait.ge [sflag:s11], $0x4000  }
0x6a: {  	[sflag:s11] =	ssyncset.done $0x0  }
0x6b: {  	s3 =	simm.s32 $0x15500;
	[sflag:s11] =	ssyncadd.s32 $0xFFFFC000  }
0x6c: {  	[tilespmem:s12], [sflag:$0x2] =	stream.indirect.gather [hbm4b:s30+s23], $0x80, s3, s23, $0xb8;
	[tilespmem:$0x1FC80] =	vst v63  }
0x6d: {  	_ = 	snop  }
0x6e: {  	[spmem:s26] =	stream.indirect.scatter.add.f32 [tilespmem:s2], [sflag:$0x3], $0x80, s28, s23, $0xb8;
	[tilespmem:$0x1FC80] =	vst v63  }
0x6f: {  	_ =	swait.ge [sflag:s13], $0x4000  }
0x70: {  	[sflag:s13] =	ssyncset.done $0x0  }
0x71: {  	[sflag:s13] =	ssyncadd.s32 $0xFFFFC000  }
0x72: {  	_ =	swait.ge [sflag:s14], $0x4000  }
0x73: {  	[sflag:s14] =	ssyncset.done $0x0  }
0x74: {  	s3 =	simm.s32 $0x15580;
	[sflag:s14] =	ssyncadd.s32 $0xFFFFC000  }
0x75: {  	[tilespmem:s2], [sflag:$0x1] =	stream.indirect.gather [hbm4b:s30+s23], $0x80, s3, s23, $0xb8;
	[tilespmem:$0x1FC80] =	vst v63  }
0x76: {  	s3 =	simm.s32 $0x16900  }
0x77: {  	[spmem:s26] =	stream.indirect.scatter.add.f32 [tilespmem:s12], [sflag:$0x4], $0x80, s3, s23, $0xb8;
	[tilespmem:$0x1FC80] =	vst v63  }
0x78: {  	_ =	swait.ge [sflag:s11], $0x4000  }
0x79: {  	[sflag:s11] =	ssyncset.done $0x0  }
0x7a: {  	[sflag:s11] =	ssyncadd.s32 $0xFFFFC000  }
0x7b: {  	_ =	swait.ge [sflag:s16], $0x4000  }
0x7c: {  	[sflag:s16] =	ssyncset.done $0x0  }
0x7d: {  	s3 =	simm.s32 $0x15600;
	[sflag:s16] =	ssyncadd.s32 $0xFFFFC000  }
0x7e: {  	[tilespmem:s12], [sflag:$0x2] =	stream.indirect.gather [hbm4b:s30+s23], $0x80, s3, s23, $0xb8;
	[tilespmem:$0x1FC80] =	vst v63  }
0x7f: {  	s3 =	simm.s32 $0x16980  }
0x80: {  	[spmem:s26] =	stream.indirect.scatter.add.f32 [tilespmem:s2], [sflag:$0x3], $0x80, s3, s23, $0xb8;
	[tilespmem:$0x1FC80] =	vst v63  }
0x81: {  	_ =	swait.ge [sflag:s13], $0x4000  }
0x82: {  	[sflag:s13] =	ssyncset.done $0x0  }
0x83: {  	[sflag:s13] =	ssyncadd.s32 $0xFFFFC000  }
0x84: {  	_ =	swait.ge [sflag:s14], $0x4000  }
0x85: {  	[sflag:s14] =	ssyncset.done $0x0  }
0x86: {  	s3 =	simm.s32 $0x15680;
	[sflag:s14] =	ssyncadd.s32 $0xFFFFC000  }
0x87: {  	[tilespmem:s2], [sflag:$0x1] =	stream.indirect.gather [hbm4b:s30+s23], $0x80, s3, s23, $0xb8;
	[tilespmem:$0x1FC80] =	vst v63  }
0x88: {  	s3 =	simm.s32 $0x16A00  }
0x89: {  	[spmem:s26] =	stream.indirect.scatter.add.f32 [tilespmem:s12], [sflag:$0x4], $0x80, s3, s23, $0xb8;
	[tilespmem:$0x1FC80] =	vst v63  }
0x8a: {  	_ =	swait.ge [sflag:s11], $0x4000  }
0x8b: {  	[sflag:s11] =	ssyncset.done $0x0  }
0x8c: {  	[sflag:s11] =	ssyncadd.s32 $0xFFFFC000  }
0x8d: {  	_ =	swait.ge [sflag:s16], $0x4000  }
0x8e: {  	[sflag:s16] =	ssyncset.done $0x0  }
0x8f: {  	s3 =	simm.s32 $0x15700;
	[sflag:s16] =	ssyncadd.s32 $0xFFFFC000  }
0x90: {  	[tilespmem:s12], [sflag:$0x2] =	stream.indirect.gather [hbm4b:s30+s23], $0x80, s3, s23, $0xb8;
	[tilespmem:$0x1FC80] =	vst v63  }
0x91: {  	s3 =	simm.s32 $0x16A80  }
0x92: {  	[spmem:s26] =	stream.indirect.scatter.add.f32 [tilespmem:s2], [sflag:$0x3], $0x80, s3, s23, $0xb8;
	[tilespmem:$0x1FC80] =	vst v63  }
0x93: {  	_ =	swait.ge [sflag:s13], $0x4000  }
0x94: {  	[sflag:s13] =	ssyncset.done $0x0  }
0x95: {  	[sflag:s13] =	ssyncadd.s32 $0xFFFFC000  }
0x96: {  	_ =	swait.ge [sflag:s14], $0x4000  }
0x97: {  	[sflag:s14] =	ssyncset.done $0x0  }
0x98: {  	s3 =	simm.s32 $0x15780;
	[sflag:s14] =	ssyncadd.s32 $0xFFFFC000  }
0x99: {  	[tilespmem:s2], [sflag:$0x1] =	stream.indirect.gather [hbm4b:s30+s23], $0x80, s3, s23, $0xb8;
	[tilespmem:$0x1FC80] =	vst v63  }
0x9a: {  	s3 =	simm.s32 $0x16B00  }
0x9b: {  	[spmem:s26] =	stream.indirect.scatter.add.f32 [tilespmem:s12], [sflag:$0x4], $0x80, s3, s23, $0xb8;
	[tilespmem:$0x1FC80] =	vst v63  }
0x9c: {  	_ =	swait.ge [sflag:s11], $0x4000  }
0x9d: {  	[sflag:s11] =	ssyncset.done $0x0  }
0x9e: {  	[sflag:s11] =	ssyncadd.s32 $0xFFFFC000  }
0x9f: {  	_ =	swait.ge [sflag:s16], $0x4000  }
0xa0: {  	[sflag:s16] =	ssyncset.done $0x0  }
0xa1: {  	s3 =	simm.s32 $0x15800;
	[sflag:s16] =	ssyncadd.s32 $0xFFFFC000  }
0xa2: {  	[tilespmem:s12], [sflag:$0x2] =	stream.indirect.gather [hbm4b:s30+s23], $0x80, s3, s23, $0xb8;
	[tilespmem:$0x1FC80] =	vst v63  }
0xa3: {  	s3 =	simm.s32 $0x16B80  }
0xa4: {  	[spmem:s26] =	stream.indirect.scatter.add.f32 [tilespmem:s2], [sflag:$0x3], $0x80, s3, s23, $0xb8;
	[tilespmem:$0x1FC80] =	vst v63  }
0xa5: {  	_ =	swait.ge [sflag:s13], $0x4000  }
0xa6: {  	[sflag:s13] =	ssyncset.done $0x0  }
0xa7: {  	[sflag:s13] =	ssyncadd.s32 $0xFFFFC000  }
0xa8: {  	_ =	swait.ge [sflag:s10], $0x400  }
0xa9: {  	[sflag:s10] =	ssyncset.done $0x0  }
0xaa: {  	[sflag:s10] =	ssyncadd.s32 $0xFFFFFC00  }
0xab: {  	_ =	swait.ge [sflag:s10], $0x400  }
0xac: {  	[sflag:s10] =	ssyncset.done $0x0  }
0xad: {  	[sflag:s10] =	ssyncadd.s32 $0xFFFFFC00  }
0xae: {  	_ =	swait.ge [sflag:s14], $0x4000  }
0xaf: {  	[sflag:s14] =	ssyncset.done $0x0  }
0xb0: {  	[sflag:s14] =	ssyncadd.s32 $0xFFFFC000  }
0xb1: {  	[tilespmem:s2], [sflag:$0x1] =	stream.indirect.gather [hbm4b:s30+s23], $0x80, s9, s23, $0xb8;
	[tilespmem:$0x1FC80] =	vst v63  }
0xb2: {  	s3 =	simm.s32 $0x16C00  }
0xb3: {  	[spmem:s26] =	stream.indirect.scatter.add.f32 [tilespmem:s12], [sflag:$0x4], $0x80, s3, s23, $0xb8;
	[tilespmem:$0x1FC80] =	vst v63  }
0xb4: {  	_ =	swait.ge [sflag:s11], $0x4000  }
0xb5: {  	[sflag:s11] =	ssyncset.done $0x0  }
0xb6: {  	[sflag:s11] =	ssyncadd.s32 $0xFFFFC000  }
0xb7: {  	_ =	swait.ge [sflag:s16], $0x4000  }
0xb8: {  	[sflag:s16] =	ssyncset.done $0x0  }
0xb9: {  	s3 =	simm.s32 $0x15900;
	[sflag:s16] =	ssyncadd.s32 $0xFFFFC000  }
0xba: {  	[tilespmem:s12], [sflag:$0x2] =	stream.indirect.gather [hbm4b:s30+s23], $0x80, s3, s23, $0xb8;
	[tilespmem:$0x1FC80] =	vst v63  }
0xbb: {  	_ = 	snop  }
0xbc: {  	[spmem:s26] =	stream.indirect.scatter.add.f32 [tilespmem:s2], [sflag:$0x3], $0x80, s31, s23, $0xb8;
	[tilespmem:$0x1FC80] =	vst v63  }
0xbd: {  	_ =	swait.ge [sflag:s13], $0x4000  }
0xbe: {  	[sflag:s13] =	ssyncset.done $0x0  }
0xbf: {  	[sflag:s13] =	ssyncadd.s32 $0xFFFFC000  }
0xc0: {  	_ =	swait.ge [sflag:s14], $0x4000  }
0xc1: {  	[sflag:s14] =	ssyncset.done $0x0  }
0xc2: {  	s3 =	simm.s32 $0x15980;
	[sflag:s14] =	ssyncadd.s32 $0xFFFFC000  }
0xc3: {  	[tilespmem:s2], [sflag:$0x1] =	stream.indirect.gather [hbm4b:s30+s23], $0x80, s3, s23, $0xb8;
	[tilespmem:$0x1FC80] =	vst v63  }
0xc4: {  	s3 =	simm.s32 $0x16D00  }
0xc5: {  	[spmem:s26] =	stream.indirect.scatter.add.f32 [tilespmem:s12], [sflag:$0x4], $0x80, s3, s23, $0xb8;
	[tilespmem:$0x1FC80] =	vst v63  }
0xc6: {  	_ =	swait.ge [sflag:s11], $0x4000  }
0xc7: {  	[sflag:s11] =	ssyncset.done $0x0  }
0xc8: {  	[sflag:s11] =	ssyncadd.s32 $0xFFFFC000  }
0xc9: {  	_ =	swait.ge [sflag:s16], $0x4000  }
0xca: {  	[sflag:s16] =	ssyncset.done $0x0  }
0xcb: {  	s3 =	simm.s32 $0x15A00;
	[sflag:s16] =	ssyncadd.s32 $0xFFFFC000  }
0xcc: {  	[tilespmem:s12], [sflag:$0x2] =	stream.indirect.gather [hbm4b:s30+s23], $0x80, s3, s23, $0xb8;
	[tilespmem:$0x1FC80] =	vst v63  }
0xcd: {  	s3 =	simm.s32 $0x16D80  }
0xce: {  	[spmem:s26] =	stream.indirect.scatter.add.f32 [tilespmem:s2], [sflag:$0x3], $0x80, s3, s23, $0xb8;
	[tilespmem:$0x1FC80] =	vst v63  }
0xcf: {  	_ =	swait.ge [sflag:s13], $0x4000  }
0xd0: {  	[sflag:s13] =	ssyncset.done $0x0  }
0xd1: {  	[sflag:s13] =	ssyncadd.s32 $0xFFFFC000  }
0xd2: {  	_ =	swait.ge [sflag:s14], $0x4000  }
0xd3: {  	[sflag:s14] =	ssyncset.done $0x0  }
0xd4: {  	s3 =	simm.s32 $0x15A80;
	[sflag:s14] =	ssyncadd.s32 $0xFFFFC000  }
0xd5: {  	[tilespmem:s2], [sflag:$0x1] =	stream.indirect.gather [hbm4b:s30+s23], $0x80, s3, s23, $0xb8;
	[tilespmem:$0x1FC80] =	vst v63  }
0xd6: {  	s3 =	simm.s32 $0x16E00  }
0xd7: {  	[spmem:s26] =	stream.indirect.scatter.add.f32 [tilespmem:s12], [sflag:$0x4], $0x80, s3, s23, $0xb8;
	[tilespmem:$0x1FC80] =	vst v63  }
0xd8: {  	_ =	swait.ge [sflag:s11], $0x4000  }
0xd9: {  	[sflag:s11] =	ssyncset.done $0x0  }
0xda: {  	[sflag:s11] =	ssyncadd.s32 $0xFFFFC000  }
0xdb: {  	_ =	swait.ge [sflag:s16], $0x4000  }
0xdc: {  	[sflag:s16] =	ssyncset.done $0x0  }
0xdd: {  	s3 =	simm.s32 $0x15B00;
	[sflag:s16] =	ssyncadd.s32 $0xFFFFC000  }
0xde: {  	[tilespmem:s12], [sflag:$0x2] =	stream.indirect.gather [hbm4b:s30+s23], $0x80, s3, s23, $0xb8;
	[tilespmem:$0x1FC80] =	vst v63  }
0xdf: {  	s3 =	simm.s32 $0x16E80  }
0xe0: {  	[spmem:s26] =	stream.indirect.scatter.add.f32 [tilespmem:s2], [sflag:$0x3], $0x80, s3, s23, $0xb8;
	[tilespmem:$0x1FC80] =	vst v63  }
0xe1: {  	_ =	swait.ge [sflag:s13], $0x4000  }
0xe2: {  	[sflag:s13] =	ssyncset.done $0x0  }
0xe3: {  	[sflag:s13] =	ssyncadd.s32 $0xFFFFC000  }
0xe4: {  	_ =	swait.ge [sflag:s14], $0x4000  }
0xe5: {  	[sflag:s14] =	ssyncset.done $0x0  }
0xe6: {  	s3 =	simm.s32 $0x15B80;
	[sflag:s14] =	ssyncadd.s32 $0xFFFFC000  }
0xe7: {  	[tilespmem:s2], [sflag:$0x1] =	stream.indirect.gather [hbm4b:s30+s23], $0x80, s3, s23, $0xb8;
	[tilespmem:$0x1FC80] =	vst v63  }
0xe8: {  	s3 =	simm.s32 $0x16F00  }
0xe9: {  	[spmem:s26] =	stream.indirect.scatter.add.f32 [tilespmem:s12], [sflag:$0x4], $0x80, s3, s23, $0xb8;
	[tilespmem:$0x1FC80] =	vst v63  }
0xea: {  	_ =	swait.ge [sflag:s11], $0x4000  }
0xeb: {  	[sflag:s11] =	ssyncset.done $0x0  }
0xec: {  	[sflag:s11] =	ssyncadd.s32 $0xFFFFC000  }
0xed: {  	_ =	swait.ge [sflag:s16], $0x4000  }
0xee: {  	[sflag:s16] =	ssyncset.done $0x0  }
0xef: {  	s3 =	simm.s32 $0x15C00;
	[sflag:s16] =	ssyncadd.s32 $0xFFFFC000  }
0xf0: {  	[tilespmem:s12], [sflag:$0x2] =	stream.indirect.gather [hbm4b:s30+s23], $0x80, s3, s23, $0xb8;
	[tilespmem:$0x1FC80] =	vst v63  }
0xf1: {  	s3 =	simm.s32 $0x16F80  }
0xf2: {  	[spmem:s26] =	stream.indirect.scatter.add.f32 [tilespmem:s2], [sflag:$0x3], $0x80, s3, s23, $0xb8;
	[tilespmem:$0x1FC80] =	vst v63  }
0xf3: {  	_ =	swait.ge [sflag:s13], $0x4000  }
0xf4: {  	[sflag:s13] =	ssyncset.done $0x0  }
0xf5: {  	[sflag:s13] =	ssyncadd.s32 $0xFFFFC000  }
0xf6: {  	_ =	swait.ge [sflag:s10], $0x400  }
0xf7: {  	[sflag:s10] =	ssyncset.done $0x0  }
0xf8: {  	[sflag:s10] =	ssyncadd.s32 $0xFFFFFC00  }
0xf9: {  	_ =	swait.ge [sflag:s10], $0x400  }
0xfa: {  	[sflag:s10] =	ssyncset.done $0x0  }
0xfb: {  	[sflag:s10] =	ssyncadd.s32 $0xFFFFFC00  }
0xfc: {  	_ =	swait.ge [sflag:s14], $0x4000  }
0xfd: {  	[sflag:s14] =	ssyncset.done $0x0  }
0xfe: {  	[sflag:s14] =	ssyncadd.s32 $0xFFFFC000  }
0xff: {  	[tilespmem:s2], [sflag:$0x1] =	stream.indirect.gather [hbm4b:s30+s23], $0x80, s24, s23, $0xb8;
	[tilespmem:$0x1FC80] =	vst v63  }
0x100: {  	s3 =	simm.s32 $0x17000  }
0x101: {  	[spmem:s26] =	stream.indirect.scatter.add.f32 [tilespmem:s12], [sflag:$0x4], $0x80, s3, s23, $0xb8;
	[tilespmem:$0x1FC80] =	vst v63  }
0x102: {  	_ =	swait.ge [sflag:s11], $0x4000  }
0x103: {  	[sflag:s11] =	ssyncset.done $0x0  }
0x104: {  	[sflag:s11] =	ssyncadd.s32 $0xFFFFC000  }
0x105: {  	_ =	swait.ge [sflag:s16], $0x4000  }
0x106: {  	[sflag:s16] =	ssyncset.done $0x0  }
0x107: {  	s3 =	simm.s32 $0x15D00;
	[sflag:s16] =	ssyncadd.s32 $0xFFFFC000  }
0x108: {  	[tilespmem:s12], [sflag:$0x2] =	stream.indirect.gather [hbm4b:s30+s23], $0x80, s3, s23, $0xb8;
	[tilespmem:$0x1FC80] =	vst v63  }
0x109: {  	_ = 	snop  }
0x10a: {  	[spmem:s26] =	stream.indirect.scatter.add.f32 [tilespmem:s2], [sflag:$0x3], $0x80, s0, s23, $0xb8;
	[tilespmem:$0x1FC80] =	vst v63  }
0x10b: {  	_ =	swait.ge [sflag:s13], $0x4000  }
0x10c: {  	[sflag:s13] =	ssyncset.done $0x0  }
0x10d: {  	[sflag:s13] =	ssyncadd.s32 $0xFFFFC000  }
0x10e: {  	_ =	swait.ge [sflag:s14], $0x4000  }
0x10f: {  	[sflag:s14] =	ssyncset.done $0x0  }
0x110: {  	s3 =	simm.s32 $0x15D80;
	[sflag:s14] =	ssyncadd.s32 $0xFFFFC000  }
0x111: {  	[tilespmem:s2], [sflag:$0x1] =	stream.indirect.gather [hbm4b:s30+s23], $0x80, s3, s23, $0xb8;
	[tilespmem:$0x1FC80] =	vst v63  }
0x112: {  	s3 =	simm.s32 $0x17100  }
0x113: {  	[spmem:s26] =	stream.indirect.scatter.add.f32 [tilespmem:s12], [sflag:$0x4], $0x80, s3, s23, $0xb8;
	[tilespmem:$0x1FC80] =	vst v63  }
0x114: {  	_ =	swait.ge [sflag:s11], $0x4000  }
0x115: {  	[sflag:s11] =	ssyncset.done $0x0  }
0x116: {  	[sflag:s11] =	ssyncadd.s32 $0xFFFFC000  }
0x117: {  	_ =	swait.ge [sflag:s16], $0x4000  }
0x118: {  	[sflag:s16] =	ssyncset.done $0x0  }
0x119: {  	s3 =	simm.s32 $0x15E00;
	[sflag:s16] =	ssyncadd.s32 $0xFFFFC000  }
0x11a: {  	[tilespmem:s12], [sflag:$0x2] =	stream.indirect.gather [hbm4b:s30+s23], $0x80, s3, s23, $0xb8;
	[tilespmem:$0x1FC80] =	vst v63  }
0x11b: {  	s3 =	simm.s32 $0x17180  }
0x11c: {  	[spmem:s26] =	stream.indirect.scatter.add.f32 [tilespmem:s2], [sflag:$0x3], $0x80, s3, s23, $0xb8;
	[tilespmem:$0x1FC80] =	vst v63  }
0x11d: {  	_ =	swait.ge [sflag:s13], $0x4000  }
0x11e: {  	[sflag:s13] =	ssyncset.done $0x0  }
0x11f: {  	[sflag:s13] =	ssyncadd.s32 $0xFFFFC000  }
0x120: {  	_ =	swait.ge [sflag:s14], $0x4000  }
0x121: {  	[sflag:s14] =	ssyncset.done $0x0  }
0x122: {  	s3 =	simm.s32 $0x15E80;
	[sflag:s14] =	ssyncadd.s32 $0xFFFFC000  }
0x123: {  	[tilespmem:s2], [sflag:$0x1] =	stream.indirect.gather [hbm4b:s30+s23], $0x80, s3, s23, $0xb8;
	[tilespmem:$0x1FC80] =	vst v63  }
0x124: {  	s3 =	simm.s32 $0x17200  }
0x125: {  	[spmem:s26] =	stream.indirect.scatter.add.f32 [tilespmem:s12], [sflag:$0x4], $0x80, s3, s23, $0xb8;
	[tilespmem:$0x1FC80] =	vst v63  }
0x126: {  	_ =	swait.ge [sflag:s11], $0x4000  }
0x127: {  	[sflag:s11] =	ssyncset.done $0x0  }
0x128: {  	[sflag:s11] =	ssyncadd.s32 $0xFFFFC000  }
0x129: {  	_ =	swait.ge [sflag:s16], $0x4000  }
0x12a: {  	[sflag:s16] =	ssyncset.done $0x0  }
0x12b: {  	s3 =	simm.s32 $0x15F00;
	[sflag:s16] =	ssyncadd.s32 $0xFFFFC000  }
0x12c: {  	[tilespmem:s12], [sflag:$0x2] =	stream.indirect.gather [hbm4b:s30+s23], $0x80, s3, s23, $0xb8;
	[tilespmem:$0x1FC80] =	vst v63  }
0x12d: {  	s3 =	simm.s32 $0x17280  }
0x12e: {  	[spmem:s26] =	stream.indirect.scatter.add.f32 [tilespmem:s2], [sflag:$0x3], $0x80, s3, s23, $0xb8;
	[tilespmem:$0x1FC80] =	vst v63  }
0x12f: {  	_ =	swait.ge [sflag:s13], $0x4000  }
0x130: {  	[sflag:s13] =	ssyncset.done $0x0  }
0x131: {  	[sflag:s13] =	ssyncadd.s32 $0xFFFFC000  }
0x132: {  	_ =	swait.ge [sflag:s14], $0x4000  }
0x133: {  	[sflag:s14] =	ssyncset.done $0x0  }
0x134: {  	s3 =	simm.s32 $0x15F80;
	[sflag:s14] =	ssyncadd.s32 $0xFFFFC000  }
0x135: {  	[tilespmem:s2], [sflag:$0x1] =	stream.indirect.gather [hbm4b:s30+s23], $0x80, s3, s23, $0xb8;
	[tilespmem:$0x1FC80] =	vst v63  }
0x136: {  	s3 =	simm.s32 $0x17300  }
0x137: {  	[spmem:s26] =	stream.indirect.scatter.add.f32 [tilespmem:s12], [sflag:$0x4], $0x80, s3, s23, $0xb8;
	[tilespmem:$0x1FC80] =	vst v63  }
0x138: {  	_ =	swait.ge [sflag:s11], $0x4000  }
0x139: {  	[sflag:s11] =	ssyncset.done $0x0  }
0x13a: {  	[sflag:s11] =	ssyncadd.s32 $0xFFFFC000  }
0x13b: {  	_ =	swait.ge [sflag:s16], $0x4000  }
0x13c: {  	[sflag:s16] =	ssyncset.done $0x0  }
0x13d: {  	s3 =	simm.s32 $0x16000;
	[sflag:s16] =	ssyncadd.s32 $0xFFFFC000  }
0x13e: {  	[tilespmem:s12], [sflag:$0x2] =	stream.indirect.gather [hbm4b:s30+s23], $0x80, s3, s23, $0xb8;
	[tilespmem:$0x1FC80] =	vst v63  }
0x13f: {  	s3 =	simm.s32 $0x17380  }
0x140: {  	[spmem:s26] =	stream.indirect.scatter.add.f32 [tilespmem:s2], [sflag:$0x3], $0x80, s3, s23, $0xb8;
	[tilespmem:$0x1FC80] =	vst v63  }
0x141: {  	_ =	swait.ge [sflag:s13], $0x4000  }
0x142: {  	[sflag:s13] =	ssyncset.done $0x0  }
0x143: {  	[sflag:s13] =	ssyncadd.s32 $0xFFFFC000  }
0x144: {  	_ =	swait.ge [sflag:s10], $0x400  }
0x145: {  	[sflag:s10] =	ssyncset.done $0x0  }
0x146: {  	[sflag:s10] =	ssyncadd.s32 $0xFFFFFC00  }
0x147: {  	_ =	swait.ge [sflag:s10], $0x400  }
0x148: {  	[sflag:s10] =	ssyncset.done $0x0  }
0x149: {  	[sflag:s10] =	ssyncadd.s32 $0xFFFFFC00  }
0x14a: {  	_ =	swait.ge [sflag:s14], $0x4000  }
0x14b: {  	[sflag:s14] =	ssyncset.done $0x0  }
0x14c: {  	[sflag:s14] =	ssyncadd.s32 $0xFFFFC000  }
0x14d: {  	[tilespmem:s2], [sflag:$0x1] =	stream.indirect.gather [hbm4b:s30+s23], $0x80, s25, s23, $0xb8;
	[tilespmem:$0x1FC80] =	vst v63  }
0x14e: {  	s3 =	simm.s32 $0x17400  }
0x14f: {  	[spmem:s26] =	stream.indirect.scatter.add.f32 [tilespmem:s12], [sflag:$0x4], $0x80, s3, s23, $0xb8;
	[tilespmem:$0x1FC80] =	vst v63  }
0x150: {  	_ =	swait.ge [sflag:s11], $0x4000  }
0x151: {  	[sflag:s11] =	ssyncset.done $0x0  }
0x152: {  	[sflag:s11] =	ssyncadd.s32 $0xFFFFC000  }
0x153: {  	_ =	swait.ge [sflag:s16], $0x4000  }
0x154: {  	[sflag:s16] =	ssyncset.done $0x0  }
0x155: {  	s3 =	simm.s32 $0x16100;
	[sflag:s16] =	ssyncadd.s32 $0xFFFFC000  }
0x156: {  	[tilespmem:s12], [sflag:$0x2] =	stream.indirect.gather [hbm4b:s30+s23], $0x80, s3, s23, $0xb8;
	[tilespmem:$0x1FC80] =	vst v63  }
0x157: {  	_ = 	snop  }
0x158: {  	[spmem:s26] =	stream.indirect.scatter.add.f32 [tilespmem:s2], [sflag:$0x3], $0x80, s4, s23, $0xb8;
	[tilespmem:$0x1FC80] =	vst v63  }
0x159: {  	_ =	swait.ge [sflag:s13], $0x4000  }
0x15a: {  	[sflag:s13] =	ssyncset.done $0x0  }
0x15b: {  	[sflag:s13] =	ssyncadd.s32 $0xFFFFC000  }
0x15c: {  	_ =	swait.ge [sflag:s14], $0x4000  }
0x15d: {  	[sflag:s14] =	ssyncset.done $0x0  }
0x15e: {  	s3 =	simm.s32 $0x16180;
	[sflag:s14] =	ssyncadd.s32 $0xFFFFC000  }
0x15f: {  	[tilespmem:s2], [sflag:$0x1] =	stream.indirect.gather [hbm4b:s30+s23], $0x80, s3, s23, $0xb8;
	[tilespmem:$0x1FC80] =	vst v63  }
0x160: {  	s3 =	simm.s32 $0x17500  }
0x161: {  	[spmem:s26] =	stream.indirect.scatter.add.f32 [tilespmem:s12], [sflag:$0x4], $0x80, s3, s23, $0xb8;
	[tilespmem:$0x1FC80] =	vst v63  }
0x162: {  	_ =	swait.ge [sflag:s11], $0x4000  }
0x163: {  	[sflag:s11] =	ssyncset.done $0x0  }
0x164: {  	[sflag:s11] =	ssyncadd.s32 $0xFFFFC000  }
0x165: {  	_ =	swait.ge [sflag:s16], $0x4000  }
0x166: {  	[sflag:s16] =	ssyncset.done $0x0  }
0x167: {  	s3 =	simm.s32 $0x16200;
	[sflag:s16] =	ssyncadd.s32 $0xFFFFC000  }
0x168: {  	[tilespmem:s12], [sflag:$0x2] =	stream.indirect.gather [hbm4b:s30+s23], $0x80, s3, s23, $0xb8;
	[tilespmem:$0x1FC80] =	vst v63  }
0x169: {  	s3 =	simm.s32 $0x17580  }
0x16a: {  	[spmem:s26] =	stream.indirect.scatter.add.f32 [tilespmem:s2], [sflag:$0x3], $0x80, s3, s23, $0xb8;
	[tilespmem:$0x1FC80] =	vst v63  }
0x16b: {  	_ =	swait.ge [sflag:s13], $0x4000  }
0x16c: {  	[sflag:s13] =	ssyncset.done $0x0  }
0x16d: {  	[sflag:s13] =	ssyncadd.s32 $0xFFFFC000  }
0x16e: {  	_ =	swait.ge [sflag:s14], $0x4000  }
0x16f: {  	[sflag:s14] =	ssyncset.done $0x0  }
0x170: {  	s3 =	simm.s32 $0x16280;
	[sflag:s14] =	ssyncadd.s32 $0xFFFFC000  }
0x171: {  	[tilespmem:s2], [sflag:$0x1] =	stream.indirect.gather [hbm4b:s30+s23], $0x80, s3, s23, $0xb8;
	[tilespmem:$0x1FC80] =	vst v63  }
0x172: {  	s3 =	simm.s32 $0x17600  }
0x173: {  	[spmem:s26] =	stream.indirect.scatter.add.f32 [tilespmem:s12], [sflag:$0x4], $0x80, s3, s23, $0xb8;
	[tilespmem:$0x1FC80] =	vst v63  }
0x174: {  	_ =	swait.ge [sflag:s11], $0x4000  }
0x175: {  	[sflag:s11] =	ssyncset.done $0x0  }
0x176: {  	[sflag:s11] =	ssyncadd.s32 $0xFFFFC000  }
0x177: {  	_ =	swait.ge [sflag:s16], $0x4000  }
0x178: {  	[sflag:s16] =	ssyncset.done $0x0  }
0x179: {  	s3 =	simm.s32 $0x16300;
	[sflag:s16] =	ssyncadd.s32 $0xFFFFC000  }
0x17a: {  	[tilespmem:s12], [sflag:$0x2] =	stream.indirect.gather [hbm4b:s30+s23], $0x80, s3, s23, $0xb8;
	[tilespmem:$0x1FC80] =	vst v63  }
0x17b: {  	s3 =	simm.s32 $0x17680  }
0x17c: {  	[spmem:s26] =	stream.indirect.scatter.add.f32 [tilespmem:s2], [sflag:$0x3], $0x80, s3, s23, $0xb8;
	[tilespmem:$0x1FC80] =	vst v63  }
0x17d: {  	_ =	swait.ge [sflag:s13], $0x4000  }
0x17e: {  	[sflag:s13] =	ssyncset.done $0x0  }
0x17f: {  	[sflag:s13] =	ssyncadd.s32 $0xFFFFC000  }
0x180: {  	_ =	swait.ge [sflag:s14], $0x4000  }
0x181: {  	[sflag:s14] =	ssyncset.done $0x0  }
0x182: {  	s3 =	simm.s32 $0x16380;
	[sflag:s14] =	ssyncadd.s32 $0xFFFFC000  }
0x183: {  	[tilespmem:s2], [sflag:$0x1] =	stream.indirect.gather [hbm4b:s30+s23], $0x80, s3, s23, $0xb8;
	[tilespmem:$0x1FC80] =	vst v63  }
0x184: {  	s3 =	simm.s32 $0x17700  }
0x185: {  	[spmem:s26] =	stream.indirect.scatter.add.f32 [tilespmem:s12], [sflag:$0x4], $0x80, s3, s23, $0xb8;
	[tilespmem:$0x1FC80] =	vst v63  }
0x186: {  	_ =	swait.ge [sflag:s11], $0x4000  }
0x187: {  	[sflag:s11] =	ssyncset.done $0x0  }
0x188: {  	[sflag:s11] =	ssyncadd.s32 $0xFFFFC000  }
0x189: {  	_ =	swait.ge [sflag:s16], $0x4000  }
0x18a: {  	[sflag:s16] =	ssyncset.done $0x0  }
0x18b: {  	s3 =	simm.s32 $0x16400;
	[sflag:s16] =	ssyncadd.s32 $0xFFFFC000  }
0x18c: {  	[tilespmem:s12], [sflag:$0x2] =	stream.indirect.gather [hbm4b:s30+s23], $0x80, s3, s23, $0xb8;
	[tilespmem:$0x1FC80] =	vst v63  }
0x18d: {  	s3 =	simm.s32 $0x17780  }
0x18e: {  	[spmem:s26] =	stream.indirect.scatter.add.f32 [tilespmem:s2], [sflag:$0x3], $0x80, s3, s23, $0xb8;
	[tilespmem:$0x1FC80] =	vst v63  }
0x18f: {  	_ =	swait.ge [sflag:s13], $0x4000  }
0x190: {  	[sflag:s13] =	ssyncset.done $0x0  }
0x191: {  	[sflag:s13] =	ssyncadd.s32 $0xFFFFC000  }
0x192: {  	_ =	swait.ge [sflag:s10], $0x400  }
0x193: {  	[sflag:s10] =	ssyncset.done $0x0  }
0x194: {  	[sflag:s10] =	ssyncadd.s32 $0xFFFFFC00  }
0x195: {  	_ =	swait.ge [sflag:s10], $0x400  }
0x196: {  	[sflag:s10] =	ssyncset.done $0x0  }
0x197: {  	[sflag:s10] =	ssyncadd.s32 $0xFFFFFC00  }
0x198: {  	_ =	swait.ge [sflag:s14], $0x4000  }
0x199: {  	[sflag:s14] =	ssyncset.done $0x0  }
0x19a: {  	[sflag:s14] =	ssyncadd.s32 $0xFFFFC000  }
0x19b: {  	[tilespmem:s2], [sflag:$0x1] =	stream.indirect.gather [hbm4b:s30+s23], $0x80, s29, s23, $0xb8;
	[tilespmem:$0x1FC80] =	vst v63  }
0x19c: {  	_ = 	snop  }
0x19d: {  	[spmem:s26] =	stream.indirect.scatter.add.f32 [tilespmem:s12], [sflag:$0x4], $0x80, s22, s23, $0xb8;
	[tilespmem:$0x1FC80] =	vst v63  }
0x19e: {  	_ =	swait.ge [sflag:s11], $0x4000  }
0x19f: {  	[sflag:s11] =	ssyncset.done $0x0  }
0x1a0: {  	[sflag:s11] =	ssyncadd.s32 $0xFFFFC000  }
0x1a1: {  	_ =	swait.ge [sflag:s16], $0x4000  }
0x1a2: {  	[sflag:s16] =	ssyncset.done $0x0  }
0x1a3: {  	s3 =	simm.s32 $0x16500;
	[sflag:s16] =	ssyncadd.s32 $0xFFFFC000  }
0x1a4: {  	[tilespmem:s12], [sflag:$0x2] =	stream.indirect.gather [hbm4b:s30+s23], $0x80, s3, s23, $0xb8;
	[tilespmem:$0x1FC80] =	vst v63  }
0x1a5: {  	_ = 	snop  }
0x1a6: {  	[spmem:s26] =	stream.indirect.scatter.add.f32 [tilespmem:s2], [sflag:$0x3], $0x80, s8, s23, $0xb8;
	[tilespmem:$0x1FC80] =	vst v63  }
0x1a7: {  	_ =	swait.ge [sflag:s13], $0x4000  }
0x1a8: {  	[sflag:s13] =	ssyncset.done $0x0  }
0x1a9: {  	[sflag:s13] =	ssyncadd.s32 $0xFFFFC000  }
0x1aa: {  	_ =	swait.ge [sflag:s14], $0x4000  }
0x1ab: {  	[sflag:s14] =	ssyncset.done $0x0  }
0x1ac: {  	s3 =	simm.s32 $0x16580;
	[sflag:s14] =	ssyncadd.s32 $0xFFFFC000  }
0x1ad: {  	[tilespmem:s2], [sflag:$0x1] =	stream.indirect.gather [hbm4b:s30+s23], $0x80, s3, s23, $0xb8;
	[tilespmem:$0x1FC80] =	vst v63  }
0x1ae: {  	_ = 	snop  }
0x1af: {  	[spmem:s26] =	stream.indirect.scatter.add.f32 [tilespmem:s12], [sflag:$0x4], $0x80, s1, s23, $0xb8;
	[tilespmem:$0x1FC80] =	vst v63  }
0x1b0: {  	_ =	swait.ge [sflag:s11], $0x4000  }
0x1b1: {  	[sflag:s11] =	ssyncset.done $0x0  }
0x1b2: {  	[sflag:s11] =	ssyncadd.s32 $0xFFFFC000  }
0x1b3: {  	_ =	swait.ge [sflag:s16], $0x4000  }
0x1b4: {  	[sflag:s16] =	ssyncset.done $0x0  }
0x1b5: {  	s3 =	simm.s32 $0x16600;
	[sflag:s16] =	ssyncadd.s32 $0xFFFFC000  }
0x1b6: {  	[tilespmem:s12], [sflag:$0x2] =	stream.indirect.gather [hbm4b:s30+s23], $0x80, s3, s23, $0xb8;
	[tilespmem:$0x1FC80] =	vst v63  }
0x1b7: {  	_ = 	snop  }
0x1b8: {  	[spmem:s26] =	stream.indirect.scatter.add.f32 [tilespmem:s2], [sflag:$0x3], $0x80, s6, s23, $0xb8;
	[tilespmem:$0x1FC80] =	vst v63  }
0x1b9: {  	_ =	swait.ge [sflag:s13], $0x4000  }
0x1ba: {  	[sflag:s13] =	ssyncset.done $0x0  }
0x1bb: {  	[sflag:s13] =	ssyncadd.s32 $0xFFFFC000  }
0x1bc: {  	_ =	swait.ge [sflag:s14], $0x4000  }
0x1bd: {  	[sflag:s14] =	ssyncset.done $0x0  }
0x1be: {  	s3 =	simm.s32 $0x16680;
	[sflag:s14] =	ssyncadd.s32 $0xFFFFC000  }
0x1bf: {  	[tilespmem:s2], [sflag:$0x1] =	stream.indirect.gather [hbm4b:s30+s23], $0x80, s3, s23, $0xb8;
	[tilespmem:$0x1FC80] =	vst v63  }
0x1c0: {  	_ = 	snop  }
0x1c1: {  	[spmem:s26] =	stream.indirect.scatter.add.f32 [tilespmem:s12], [sflag:$0x4], $0x80, s15, s23, $0xb8;
	[tilespmem:$0x1FC80] =	vst v63  }
0x1c2: {  	_ =	swait.ge [sflag:s11], $0x4000  }
0x1c3: {  	[sflag:s11] =	ssyncset.done $0x0  }
0x1c4: {  	[sflag:s11] =	ssyncadd.s32 $0xFFFFC000  }
0x1c5: {  	_ =	swait.ge [sflag:s16], $0x4000  }
0x1c6: {  	[sflag:s16] =	ssyncset.done $0x0  }
0x1c7: {  	s3 =	simm.s32 $0x16700;
	[sflag:s16] =	ssyncadd.s32 $0xFFFFC000  }
0x1c8: {  	[tilespmem:s12], [sflag:$0x2] =	stream.indirect.gather [hbm4b:s30+s23], $0x80, s3, s23, $0xb8;
	[tilespmem:$0x1FC80] =	vst v63  }
0x1c9: {  	_ = 	snop  }
0x1ca: {  	[spmem:s26] =	stream.indirect.scatter.add.f32 [tilespmem:s2], [sflag:$0x3], $0x80, s17, s23, $0xb8;
	[tilespmem:$0x1FC80] =	vst v63  }
0x1cb: {  	_ =	swait.ge [sflag:s13], $0x4000  }
0x1cc: {  	[sflag:s13] =	ssyncset.done $0x0  }
0x1cd: {  	[sflag:s13] =	ssyncadd.s32 $0xFFFFC000  }
0x1ce: {  	_ =	swait.ge [sflag:s14], $0x4000  }
0x1cf: {  	[sflag:s14] =	ssyncset.done $0x0  }
0x1d0: {  	s3 =	simm.s32 $0x16780;
	[sflag:s14] =	ssyncadd.s32 $0xFFFFC000  }
0x1d1: {  	[tilespmem:s2], [sflag:$0x1] =	stream.indirect.gather [hbm4b:s30+s23], $0x80, s3, s23, $0xb8;
	[tilespmem:$0x1FC80] =	vst v63  }
0x1d2: {  	_ = 	snop  }
0x1d3: {  	[spmem:s26] =	stream.indirect.scatter.add.f32 [tilespmem:s12], [sflag:$0x4], $0x80, s18, s23, $0xb8;
	[tilespmem:$0x1FC80] =	vst v63  }
0x1d4: {  	_ =	swait.ge [sflag:s11], $0x4000  }
0x1d5: {  	[sflag:s11] =	ssyncset.done $0x0  }
0x1d6: {  	[sflag:s11] =	ssyncadd.s32 $0xFFFFC000  }
0x1d7: {  	_ =	swait.ge [sflag:s16], $0x4000  }
0x1d8: {  	[sflag:s16] =	ssyncset.done $0x0  }
0x1d9: {  	s3 =	simm.s32 $0x16800;
	[sflag:s16] =	ssyncadd.s32 $0xFFFFC000  }
0x1da: {  	[tilespmem:s12], [sflag:$0x2] =	stream.indirect.gather [hbm4b:s30+s23], $0x80, s3, s23, $0xb8;
	[tilespmem:$0x1FC80] =	vst v63  }
0x1db: {  	_ = 	snop  }
0x1dc: {  	[spmem:s26] =	stream.indirect.scatter.add.f32 [tilespmem:s2], [sflag:$0x3], $0x80, s19, s23, $0xb8;
	[tilespmem:$0x1FC80] =	vst v63  }
0x1dd: {  	_ =	swait.ge [sflag:s13], $0x4000  }
0x1de: {  	[sflag:s13] =	ssyncset.done $0x0  }
0x1df: {  	[sflag:s13] =	ssyncadd.s32 $0xFFFFC000  }
0x1e0: {  	[spmem:s26] =	stream.indirect.scatter.add.f32 [tilespmem:s12], [sflag:$0x4], $0x80, s20, s23, $0xb8;
	[tilespmem:$0x1FC80] =	vst v63  }
0x1e1: {  	_ =	swait.ge [sflag:s14], $0x4000  }
.Ltmp2:
0x1e2: {  	[sflag:s14] =	ssyncset.done $0x0;
	(pc) =	sbr.rel @!p1 .LBB2_4-.Ltmp2, $4  }
0x1e3: {  	[sflag:s14] =	ssyncadd.s32 $0xFFFFC000  }
0x1e4: {  	_ =	swait.ge [sflag:s16], $0x4000  }
0x1e5: {  	[sflag:s16] =	ssyncset.done $0x0  }
0x1e6: {  	[sflag:s16] =	ssyncadd.s32 $0xFFFFC000  }
0x1e7: {  	[tilespmem:s7], [sflag:$0x5] =	stream.linear.gather [hbm4b:s5+s21], $0x400, $0x38;
	[tilespmem:$0x1FC80] =	vst v63  }
0x1e8: {  	s3 =	rddreg [dreg:$0xf]  }
0x1e9: {  	[tilespmem:s28], [sflag:$0x5] =	stream.linear.gather [hbm4b:s3+s21], $0x400, $0x38;
	[tilespmem:$0x1FC80] =	vst v63  }
0x1ea: {  	s3 =	rddreg [dreg:$0x10]  }
0x1eb: {  	[tilespmem:s9], [sflag:$0x5] =	stream.linear.gather [hbm4b:s3+s21], $0x400, $0x38;
	[tilespmem:$0x1FC80] =	vst v63  }
0x1ec: {  	s3 =	rddreg [dreg:$0x11]  }
0x1ed: {  	[tilespmem:s31], [sflag:$0x5] =	stream.linear.gather [hbm4b:s3+s21], $0x400, $0x38;
	[tilespmem:$0x1FC80] =	vst v63  }
0x1ee: {  	s3 =	rddreg [dreg:$0x12]  }
0x1ef: {  	[tilespmem:s24], [sflag:$0x5] =	stream.linear.gather [hbm4b:s3+s21], $0x400, $0x38;
	[tilespmem:$0x1FC80] =	vst v63  }
0x1f0: {  	s3 =	rddreg [dreg:$0x13]  }
0x1f1: {  	[tilespmem:s0], [sflag:$0x5] =	stream.linear.gather [hbm4b:s3+s21], $0x400, $0x38;
	[tilespmem:$0x1FC80] =	vst v63  }
0x1f2: {  	s3 =	rddreg [dreg:$0x14]  }
0x1f3: {  	[tilespmem:s25], [sflag:$0x5] =	stream.linear.gather [hbm4b:s3+s21], $0x400, $0x38;
	[tilespmem:$0x1FC80] =	vst v63  }
.Ltmp3:
0x1f4: {  	s3 =	rddreg [dreg:$0x15];
	(pc) =	sbr.rel .LBB2_2-.Ltmp3, $4  }
0x1f5: {  	[tilespmem:s4], [sflag:$0x5] =	stream.linear.gather [hbm4b:s3+s21], $0x400, $0x38;
	[tilespmem:$0x1FC80] =	vst v63  }
0x1f6: {  	s3 =	rddreg [dreg:$0x16]  }
0x1f7: {  	[tilespmem:s29], [sflag:$0x5] =	stream.linear.gather [hbm4b:s3+s21], $0x400, $0x38;
	[tilespmem:$0x1FC80] =	vst v63  }
0x1f8: {  	p1 =	por $0x0, $0x0;
	s3 =	rddreg [dreg:$0x17]  }
.LBB2_4:
0x1f9: {  	[bflag:$0x0] =	sbarrier.arrive $0xFFFF  }
0x1fa: {  	s24 =	sld [smem:$0x7F6];
	_ =	sdelay $0x1  }
0x1fb: {  	s3 =	simm.s32 @p0 $0x1FC6;
	s5 =	rddreg [dreg:$0x19]  }
0x1fc: {  	[hbm:s5], [sflag:s3] =	dma.local @p0 [spmem:s24], $0x2080  }
0x1fd: {  	s5 =	simm.s32 @p0 $0x6  }
0x1fe: {  	_ =	swait.ge @p0 [sflag:s5], $0x2080  }
0x1ff: {  	[sflag:s5] =	ssyncset.done @p0 $0x0  }
0x200: {  	[sflag:s5] =	ssyncadd.s32 @p0 $0xFFFFDF80  }
0x201: {  	s7 =	rddreg [dreg:$0x1]  }
0x202: {  	[spmem:s24], [sflag:s3] =	dma.local @p0 [hbm:s7], $0x2080  }
0x203: {  	_ =	swait.ge @p0 [sflag:s5], $0x2080  }
0x204: {  	s25 =	sld [smem:$0x7F7]  }
0x205: {  	s29 =	sld [smem:$0x7F8]  }
0x206: {  	[sflag:s5] =	ssyncset.done @p0 $0x0  }
0x207: {  	s3 =	rddreg [dreg:$0x18];
	[sflag:s5] =	ssyncadd.s32 @p0 $0xFFFFDF80  }
0x208: {  	[hbm:s3], [sflag:s25] =	dma.local @!p0 [spmem:s29], $0x2780  }
0x209: {  	s3 =	simm.s32 @!p0 $0x6  }
0x20a: {  	_ =	swait.ge @!p0 [sflag:s3], $0x2780  }
0x20b: {  	[sflag:s3] =	ssyncset.done @!p0 $0x0  }
0x20c: {  	[sflag:s3] =	ssyncadd.s32 @!p0 $0xFFFFD880  }
0x20d: {  	[spmem:s29], [sflag:s25] =	dma.local @!p0 [hbm:s7], $0x2780  }
0x20e: {  	_ =	swait.ge @!p0 [sflag:s3], $0x2780  }
0x20f: {  	[sflag:s3] =	ssyncset.done @!p0 $0x0  }
0x210: {  	s7 =	simm.s32 $0x6;
	s5 =	rddreg [dreg:$0x1c];
	[sflag:s3] =	ssyncadd.s32 @!p0 $0xFFFFD880  }
0x211: {  	[tilespmem:s2], [sflag:$0x6] =	stream.linear.gather [hbm4b:s5+s21], $0x4000, $0x38;
	[tilespmem:$0x1FC80] =	vst v63  }
0x212: {  	_ =	swait.ge [sflag:s7], $0x4000  }
0x213: {  	[sflag:s7] =	ssyncset.done $0x0  }
0x214: {  	[sflag:s7] =	ssyncadd.s32 $0xFFFFC000  }
0x215: {  	[bflag:$0x0] =	sbarrier.arrive $0xFFFF  }
0x216: {  	s9 =	rddreg [dreg:$0x5]  }
0x217: {  	s5 =	rddreg [dreg:$0x7]  }
0x218: {  	s7 =	rddreg [dreg:$0x9]  }
0x219: {  	s3 =	rddreg [dreg:$0xd]  }
0x21a: {  	[tilespmem:s28], [sflag:$0x5] =	stream.linear.gather [hbm4b:s9+s21], $0x400, $0x38;
	[tilespmem:$0x1FC80] =	vst v63  }
0x21b: {  	s9 =	rddreg [dreg:$0xb]  }
0x21c: {  	[tilespmem:s31], [sflag:$0x5] =	stream.linear.gather [hbm4b:s5+s21], $0x400, $0x38;
	[tilespmem:$0x1FC80] =	vst v63  }
0x21d: {  	s5 =	sld [smem:$0x7F9]  }
0x21e: {  	[tilespmem:s0], [sflag:$0x5] =	stream.linear.gather [hbm4b:s7+s21], $0x400, $0x38;
	[tilespmem:$0x1FC80] =	vst v63  }
0x21f: {  	s7 =	sld [smem:$0x7FD]  }
0x220: {  	[tilespmem:s4], [sflag:$0x5] =	stream.linear.gather [hbm4b:s9+s21], $0x400, $0x38;
	[tilespmem:$0x1FC80] =	vst v63  }
0x221: {  	p1 =	por $0x1, $0x1;
	s9 =	sld [smem:$0x7F5]  }
.LBB2_5:
0x222: {  	[tilespmem:s8], [sflag:$0x5] =	stream.linear.gather [hbm4b:s3+s21], $0x400, $0x38;
	[tilespmem:$0x1FC80] =	vst v63  }
0x223: {  	_ =	swait.ge [sflag:s10], $0x400  }
0x224: {  	[sflag:s10] =	ssyncset.done $0x0  }
0x225: {  	[sflag:s10] =	ssyncadd.s32 $0xFFFFFC00  }
0x226: {  	[spmem:s26] =	stream.indirect.scatter.add.f32 [tilespmem:s2], [sflag:$0x3], $0x80, s28, s23, $0xb8;
	[tilespmem:$0x1FC80] =	vst v63  }
0x227: {  	s3 =	simm.s32 $0x16900  }
0x228: {  	[spmem:s26] =	stream.indirect.scatter.add.f32 [tilespmem:s2], [sflag:$0x3], $0x80, s3, s23, $0xb8;
	[tilespmem:$0x1FC80] =	vst v63  }
0x229: {  	s3 =	simm.s32 $0x16980  }
0x22a: {  	[spmem:s26] =	stream.indirect.scatter.add.f32 [tilespmem:s2], [sflag:$0x3], $0x80, s3, s23, $0xb8;
	[tilespmem:$0x1FC80] =	vst v63  }
0x22b: {  	s3 =	simm.s32 $0x16A00  }
0x22c: {  	[spmem:s26] =	stream.indirect.scatter.add.f32 [tilespmem:s2], [sflag:$0x3], $0x80, s3, s23, $0xb8;
	[tilespmem:$0x1FC80] =	vst v63  }
0x22d: {  	s3 =	simm.s32 $0x16A80  }
0x22e: {  	[spmem:s26] =	stream.indirect.scatter.add.f32 [tilespmem:s2], [sflag:$0x3], $0x80, s3, s23, $0xb8;
	[tilespmem:$0x1FC80] =	vst v63  }
0x22f: {  	s3 =	simm.s32 $0x16B00  }
0x230: {  	[spmem:s26] =	stream.indirect.scatter.add.f32 [tilespmem:s2], [sflag:$0x3], $0x80, s3, s23, $0xb8;
	[tilespmem:$0x1FC80] =	vst v63  }
0x231: {  	s3 =	simm.s32 $0x16B80  }
0x232: {  	[spmem:s26] =	stream.indirect.scatter.add.f32 [tilespmem:s2], [sflag:$0x3], $0x80, s3, s23, $0xb8;
	[tilespmem:$0x1FC80] =	vst v63  }
0x233: {  	s3 =	simm.s32 $0x16C00  }
0x234: {  	[spmem:s26] =	stream.indirect.scatter.add.f32 [tilespmem:s2], [sflag:$0x3], $0x80, s3, s23, $0xb8;
	[tilespmem:$0x1FC80] =	vst v63  }
0x235: {  	_ =	swait.ge [sflag:s10], $0x400  }
0x236: {  	[sflag:s10] =	ssyncset.done $0x0  }
0x237: {  	[sflag:s10] =	ssyncadd.s32 $0xFFFFFC00  }
0x238: {  	[spmem:s26] =	stream.indirect.scatter.add.f32 [tilespmem:s2], [sflag:$0x3], $0x80, s31, s23, $0xb8;
	[tilespmem:$0x1FC80] =	vst v63  }
0x239: {  	s3 =	simm.s32 $0x16D00  }
0x23a: {  	[spmem:s26] =	stream.indirect.scatter.add.f32 [tilespmem:s2], [sflag:$0x3], $0x80, s3, s23, $0xb8;
	[tilespmem:$0x1FC80] =	vst v63  }
0x23b: {  	s3 =	simm.s32 $0x16D80  }
0x23c: {  	[spmem:s26] =	stream.indirect.scatter.add.f32 [tilespmem:s2], [sflag:$0x3], $0x80, s3, s23, $0xb8;
	[tilespmem:$0x1FC80] =	vst v63  }
0x23d: {  	s3 =	simm.s32 $0x16E00  }
0x23e: {  	[spmem:s26] =	stream.indirect.scatter.add.f32 [tilespmem:s2], [sflag:$0x3], $0x80, s3, s23, $0xb8;
	[tilespmem:$0x1FC80] =	vst v63  }
0x23f: {  	s3 =	simm.s32 $0x16E80  }
0x240: {  	[spmem:s26] =	stream.indirect.scatter.add.f32 [tilespmem:s2], [sflag:$0x3], $0x80, s3, s23, $0xb8;
	[tilespmem:$0x1FC80] =	vst v63  }
0x241: {  	s3 =	simm.s32 $0x16F00  }
0x242: {  	[spmem:s26] =	stream.indirect.scatter.add.f32 [tilespmem:s2], [sflag:$0x3], $0x80, s3, s23, $0xb8;
	[tilespmem:$0x1FC80] =	vst v63  }
0x243: {  	s3 =	simm.s32 $0x16F80  }
0x244: {  	[spmem:s26] =	stream.indirect.scatter.add.f32 [tilespmem:s2], [sflag:$0x3], $0x80, s3, s23, $0xb8;
	[tilespmem:$0x1FC80] =	vst v63  }
0x245: {  	s3 =	simm.s32 $0x17000  }
0x246: {  	[spmem:s26] =	stream.indirect.scatter.add.f32 [tilespmem:s2], [sflag:$0x3], $0x80, s3, s23, $0xb8;
	[tilespmem:$0x1FC80] =	vst v63  }
0x247: {  	_ =	swait.ge [sflag:s10], $0x400  }
0x248: {  	[sflag:s10] =	ssyncset.done $0x0  }
0x249: {  	[sflag:s10] =	ssyncadd.s32 $0xFFFFFC00  }
0x24a: {  	[spmem:s26] =	stream.indirect.scatter.add.f32 [tilespmem:s2], [sflag:$0x3], $0x80, s0, s23, $0xb8;
	[tilespmem:$0x1FC80] =	vst v63  }
0x24b: {  	s3 =	simm.s32 $0x17100  }
0x24c: {  	[spmem:s26] =	stream.indirect.scatter.add.f32 [tilespmem:s2], [sflag:$0x3], $0x80, s3, s23, $0xb8;
	[tilespmem:$0x1FC80] =	vst v63  }
0x24d: {  	s3 =	simm.s32 $0x17180  }
0x24e: {  	[spmem:s26] =	stream.indirect.scatter.add.f32 [tilespmem:s2], [sflag:$0x3], $0x80, s3, s23, $0xb8;
	[tilespmem:$0x1FC80] =	vst v63  }
0x24f: {  	s3 =	simm.s32 $0x17200  }
0x250: {  	[spmem:s26] =	stream.indirect.scatter.add.f32 [tilespmem:s2], [sflag:$0x3], $0x80, s3, s23, $0xb8;
	[tilespmem:$0x1FC80] =	vst v63  }
0x251: {  	s3 =	simm.s32 $0x17280  }
0x252: {  	[spmem:s26] =	stream.indirect.scatter.add.f32 [tilespmem:s2], [sflag:$0x3], $0x80, s3, s23, $0xb8;
	[tilespmem:$0x1FC80] =	vst v63  }
0x253: {  	s3 =	simm.s32 $0x17300  }
0x254: {  	[spmem:s26] =	stream.indirect.scatter.add.f32 [tilespmem:s2], [sflag:$0x3], $0x80, s3, s23, $0xb8;
	[tilespmem:$0x1FC80] =	vst v63  }
0x255: {  	s3 =	simm.s32 $0x17380  }
0x256: {  	[spmem:s26] =	stream.indirect.scatter.add.f32 [tilespmem:s2], [sflag:$0x3], $0x80, s3, s23, $0xb8;
	[tilespmem:$0x1FC80] =	vst v63  }
0x257: {  	s3 =	simm.s32 $0x17400  }
0x258: {  	[spmem:s26] =	stream.indirect.scatter.add.f32 [tilespmem:s2], [sflag:$0x3], $0x80, s3, s23, $0xb8;
	[tilespmem:$0x1FC80] =	vst v63  }
0x259: {  	_ =	swait.ge [sflag:s14], $0x4000  }
0x25a: {  	[sflag:s14] =	ssyncset.done $0x0  }
0x25b: {  	[sflag:s14] =	ssyncadd.s32 $0xFFFFC000  }
0x25c: {  	_ =	swait.ge [sflag:s14], $0x4000  }
0x25d: {  	[sflag:s14] =	ssyncset.done $0x0  }
0x25e: {  	[sflag:s14] =	ssyncadd.s32 $0xFFFFC000  }
0x25f: {  	_ =	swait.ge [sflag:s14], $0x4000  }
0x260: {  	[sflag:s14] =	ssyncset.done $0x0  }
0x261: {  	[sflag:s14] =	ssyncadd.s32 $0xFFFFC000  }
0x262: {  	_ =	swait.ge [sflag:s14], $0x4000  }
0x263: {  	[sflag:s14] =	ssyncset.done $0x0  }
0x264: {  	[sflag:s14] =	ssyncadd.s32 $0xFFFFC000  }
0x265: {  	_ =	swait.ge [sflag:s14], $0x4000  }
0x266: {  	[sflag:s14] =	ssyncset.done $0x0  }
0x267: {  	[sflag:s14] =	ssyncadd.s32 $0xFFFFC000  }
0x268: {  	_ =	swait.ge [sflag:s14], $0x4000  }
0x269: {  	[sflag:s14] =	ssyncset.done $0x0  }
0x26a: {  	[sflag:s14] =	ssyncadd.s32 $0xFFFFC000  }
0x26b: {  	_ =	swait.ge [sflag:s14], $0x4000  }
0x26c: {  	[sflag:s14] =	ssyncset.done $0x0  }
0x26d: {  	[sflag:s14] =	ssyncadd.s32 $0xFFFFC000  }
0x26e: {  	_ =	swait.ge [sflag:s14], $0x4000  }
0x26f: {  	[sflag:s14] =	ssyncset.done $0x0  }
0x270: {  	[sflag:s14] =	ssyncadd.s32 $0xFFFFC000  }
0x271: {  	_ =	swait.ge [sflag:s10], $0x400  }
0x272: {  	[sflag:s10] =	ssyncset.done $0x0  }
0x273: {  	[sflag:s10] =	ssyncadd.s32 $0xFFFFFC00  }
0x274: {  	[spmem:s26] =	stream.indirect.scatter.add.f32 [tilespmem:s2], [sflag:$0x3], $0x80, s4, s23, $0xb8;
	[tilespmem:$0x1FC80] =	vst v63  }
0x275: {  	s3 =	simm.s32 $0x17500  }
0x276: {  	[spmem:s26] =	stream.indirect.scatter.add.f32 [tilespmem:s2], [sflag:$0x3], $0x80, s3, s23, $0xb8;
	[tilespmem:$0x1FC80] =	vst v63  }
0x277: {  	s3 =	simm.s32 $0x17580  }
0x278: {  	[spmem:s26] =	stream.indirect.scatter.add.f32 [tilespmem:s2], [sflag:$0x3], $0x80, s3, s23, $0xb8;
	[tilespmem:$0x1FC80] =	vst v63  }
0x279: {  	s3 =	simm.s32 $0x17600  }
0x27a: {  	[spmem:s26] =	stream.indirect.scatter.add.f32 [tilespmem:s2], [sflag:$0x3], $0x80, s3, s23, $0xb8;
	[tilespmem:$0x1FC80] =	vst v63  }
0x27b: {  	s3 =	simm.s32 $0x17680  }
0x27c: {  	[spmem:s26] =	stream.indirect.scatter.add.f32 [tilespmem:s2], [sflag:$0x3], $0x80, s3, s23, $0xb8;
	[tilespmem:$0x1FC80] =	vst v63  }
0x27d: {  	s3 =	simm.s32 $0x17700  }
0x27e: {  	[spmem:s26] =	stream.indirect.scatter.add.f32 [tilespmem:s2], [sflag:$0x3], $0x80, s3, s23, $0xb8;
	[tilespmem:$0x1FC80] =	vst v63  }
0x27f: {  	s3 =	simm.s32 $0x17780  }
0x280: {  	[spmem:s26] =	stream.indirect.scatter.add.f32 [tilespmem:s2], [sflag:$0x3], $0x80, s3, s23, $0xb8;
	[tilespmem:$0x1FC80] =	vst v63  }
0x281: {  	_ = 	snop  }
0x282: {  	[spmem:s26] =	stream.indirect.scatter.add.f32 [tilespmem:s2], [sflag:$0x3], $0x80, s22, s23, $0xb8;
	[tilespmem:$0x1FC80] =	vst v63  }
0x283: {  	_ =	swait.ge [sflag:s14], $0x4000  }
0x284: {  	[sflag:s14] =	ssyncset.done $0x0  }
0x285: {  	[sflag:s14] =	ssyncadd.s32 $0xFFFFC000  }
0x286: {  	_ =	swait.ge [sflag:s14], $0x4000  }
0x287: {  	[sflag:s14] =	ssyncset.done $0x0  }
0x288: {  	[sflag:s14] =	ssyncadd.s32 $0xFFFFC000  }
0x289: {  	_ =	swait.ge [sflag:s14], $0x4000  }
0x28a: {  	[sflag:s14] =	ssyncset.done $0x0  }
0x28b: {  	[sflag:s14] =	ssyncadd.s32 $0xFFFFC000  }
0x28c: {  	_ =	swait.ge [sflag:s14], $0x4000  }
0x28d: {  	[sflag:s14] =	ssyncset.done $0x0  }
0x28e: {  	[sflag:s14] =	ssyncadd.s32 $0xFFFFC000  }
0x28f: {  	_ =	swait.ge [sflag:s14], $0x4000  }
0x290: {  	[sflag:s14] =	ssyncset.done $0x0  }
0x291: {  	[sflag:s14] =	ssyncadd.s32 $0xFFFFC000  }
0x292: {  	_ =	swait.ge [sflag:s14], $0x4000  }
0x293: {  	[sflag:s14] =	ssyncset.done $0x0  }
0x294: {  	[sflag:s14] =	ssyncadd.s32 $0xFFFFC000  }
0x295: {  	_ =	swait.ge [sflag:s14], $0x4000  }
0x296: {  	[sflag:s14] =	ssyncset.done $0x0  }
0x297: {  	[sflag:s14] =	ssyncadd.s32 $0xFFFFC000  }
0x298: {  	_ =	swait.ge [sflag:s14], $0x4000  }
0x299: {  	[sflag:s14] =	ssyncset.done $0x0  }
0x29a: {  	[sflag:s14] =	ssyncadd.s32 $0xFFFFC000  }
0x29b: {  	_ =	swait.ge [sflag:s10], $0x400  }
0x29c: {  	[sflag:s10] =	ssyncset.done $0x0  }
0x29d: {  	[sflag:s10] =	ssyncadd.s32 $0xFFFFFC00  }
0x29e: {  	[spmem:s26] =	stream.indirect.scatter.add.f32 [tilespmem:s2], [sflag:$0x3], $0x80, s8, s23, $0xb8;
	[tilespmem:$0x1FC80] =	vst v63  }
0x29f: {  	_ = 	snop  }
0x2a0: {  	[spmem:s26] =	stream.indirect.scatter.add.f32 [tilespmem:s2], [sflag:$0x3], $0x80, s1, s23, $0xb8;
	[tilespmem:$0x1FC80] =	vst v63  }
0x2a1: {  	_ = 	snop  }
0x2a2: {  	[spmem:s26] =	stream.indirect.scatter.add.f32 [tilespmem:s2], [sflag:$0x3], $0x80, s6, s23, $0xb8;
	[tilespmem:$0x1FC80] =	vst v63  }
0x2a3: {  	_ = 	snop  }
0x2a4: {  	[spmem:s26] =	stream.indirect.scatter.add.f32 [tilespmem:s2], [sflag:$0x3], $0x80, s15, s23, $0xb8;
	[tilespmem:$0x1FC80] =	vst v63  }
0x2a5: {  	_ = 	snop  }
0x2a6: {  	[spmem:s26] =	stream.indirect.scatter.add.f32 [tilespmem:s2], [sflag:$0x3], $0x80, s17, s23, $0xb8;
	[tilespmem:$0x1FC80] =	vst v63  }
0x2a7: {  	_ = 	snop  }
0x2a8: {  	[spmem:s26] =	stream.indirect.scatter.add.f32 [tilespmem:s2], [sflag:$0x3], $0x80, s18, s23, $0xb8;
	[tilespmem:$0x1FC80] =	vst v63  }
0x2a9: {  	_ = 	snop  }
0x2aa: {  	[spmem:s26] =	stream.indirect.scatter.add.f32 [tilespmem:s2], [sflag:$0x3], $0x80, s19, s23, $0xb8;
	[tilespmem:$0x1FC80] =	vst v63  }
0x2ab: {  	_ = 	snop  }
0x2ac: {  	[spmem:s26] =	stream.indirect.scatter.add.f32 [tilespmem:s2], [sflag:$0x3], $0x80, s20, s23, $0xb8;
	[tilespmem:$0x1FC80] =	vst v63  }
0x2ad: {  	_ =	swait.ge [sflag:s14], $0x4000  }
0x2ae: {  	[sflag:s14] =	ssyncset.done $0x0  }
0x2af: {  	[sflag:s14] =	ssyncadd.s32 $0xFFFFC000  }
0x2b0: {  	_ =	swait.ge [sflag:s14], $0x4000  }
0x2b1: {  	[sflag:s14] =	ssyncset.done $0x0  }
0x2b2: {  	[sflag:s14] =	ssyncadd.s32 $0xFFFFC000  }
0x2b3: {  	_ =	swait.ge [sflag:s14], $0x4000  }
0x2b4: {  	[sflag:s14] =	ssyncset.done $0x0  }
0x2b5: {  	[sflag:s14] =	ssyncadd.s32 $0xFFFFC000  }
0x2b6: {  	_ =	swait.ge [sflag:s14], $0x4000  }
0x2b7: {  	[sflag:s14] =	ssyncset.done $0x0  }
0x2b8: {  	[sflag:s14] =	ssyncadd.s32 $0xFFFFC000  }
0x2b9: {  	_ =	swait.ge [sflag:s14], $0x4000  }
0x2ba: {  	[sflag:s14] =	ssyncset.done $0x0  }
0x2bb: {  	[sflag:s14] =	ssyncadd.s32 $0xFFFFC000  }
0x2bc: {  	_ =	swait.ge [sflag:s14], $0x4000  }
0x2bd: {  	[sflag:s14] =	ssyncset.done $0x0  }
0x2be: {  	[sflag:s14] =	ssyncadd.s32 $0xFFFFC000  }
0x2bf: {  	_ =	swait.ge [sflag:s14], $0x4000  }
0x2c0: {  	[sflag:s14] =	ssyncset.done $0x0  }
0x2c1: {  	[sflag:s14] =	ssyncadd.s32 $0xFFFFC000  }
0x2c2: {  	_ =	swait.ge [sflag:s14], $0x4000  }
0x2c3: {  	[sflag:s14] =	ssyncset.done $0x0  }
0x2c4: {  	[sflag:s14] =	ssyncadd.s32 $0xFFFFC000  }
0x2c5: {  	_ =	swait.ge [sflag:s14], $0x4000  }
0x2c6: {  	[sflag:s14] =	ssyncset.done $0x0  }
0x2c7: {  	[sflag:s14] =	ssyncadd.s32 $0xFFFFC000  }
0x2c8: {  	_ =	swait.ge [sflag:s14], $0x4000  }
0x2c9: {  	[sflag:s14] =	ssyncset.done $0x0  }
0x2ca: {  	[sflag:s14] =	ssyncadd.s32 $0xFFFFC000  }
0x2cb: {  	_ =	swait.ge [sflag:s14], $0x4000  }
0x2cc: {  	[sflag:s14] =	ssyncset.done $0x0  }
0x2cd: {  	[sflag:s14] =	ssyncadd.s32 $0xFFFFC000  }
0x2ce: {  	_ =	swait.ge [sflag:s14], $0x4000  }
0x2cf: {  	[sflag:s14] =	ssyncset.done $0x0  }
0x2d0: {  	[sflag:s14] =	ssyncadd.s32 $0xFFFFC000  }
0x2d1: {  	_ =	swait.ge [sflag:s14], $0x4000  }
0x2d2: {  	[sflag:s14] =	ssyncset.done $0x0  }
0x2d3: {  	[sflag:s14] =	ssyncadd.s32 $0xFFFFC000  }
0x2d4: {  	_ =	swait.ge [sflag:s14], $0x4000  }
0x2d5: {  	[sflag:s14] =	ssyncset.done $0x0  }
0x2d6: {  	[sflag:s14] =	ssyncadd.s32 $0xFFFFC000  }
0x2d7: {  	_ =	swait.ge [sflag:s14], $0x4000  }
0x2d8: {  	[sflag:s14] =	ssyncset.done $0x0  }
0x2d9: {  	[sflag:s14] =	ssyncadd.s32 $0xFFFFC000  }
0x2da: {  	_ =	swait.ge [sflag:s14], $0x4000  }
0x2db: {  	[sflag:s14] =	ssyncset.done $0x0  }
0x2dc: {  	[sflag:s14] =	ssyncadd.s32 $0xFFFFC000  }
0x2dd: {  	_ =	swait.ge [sflag:s14], $0x4000  }
0x2de: {  	[sflag:s14] =	ssyncset.done $0x0  }
0x2df: {  	[sflag:s14] =	ssyncadd.s32 $0xFFFFC000  }
0x2e0: {  	_ =	swait.ge [sflag:s14], $0x4000  }
0x2e1: {  	[sflag:s14] =	ssyncset.done $0x0  }
0x2e2: {  	[sflag:s14] =	ssyncadd.s32 $0xFFFFC000  }
0x2e3: {  	_ =	swait.ge [sflag:s14], $0x4000  }
0x2e4: {  	[sflag:s14] =	ssyncset.done $0x0  }
0x2e5: {  	[sflag:s14] =	ssyncadd.s32 $0xFFFFC000  }
0x2e6: {  	_ =	swait.ge [sflag:s14], $0x4000  }
0x2e7: {  	[sflag:s14] =	ssyncset.done $0x0  }
0x2e8: {  	[sflag:s14] =	ssyncadd.s32 $0xFFFFC000  }
0x2e9: {  	_ =	swait.ge [sflag:s14], $0x4000  }
0x2ea: {  	[sflag:s14] =	ssyncset.done $0x0  }
0x2eb: {  	[sflag:s14] =	ssyncadd.s32 $0xFFFFC000  }
0x2ec: {  	_ =	swait.ge [sflag:s14], $0x4000  }
0x2ed: {  	[sflag:s14] =	ssyncset.done $0x0  }
0x2ee: {  	[sflag:s14] =	ssyncadd.s32 $0xFFFFC000  }
0x2ef: {  	_ =	swait.ge [sflag:s14], $0x4000  }
.Ltmp4:
0x2f0: {  	[sflag:s14] =	ssyncset.done $0x0;
	(pc) =	sbr.rel @!p1 .LBB2_7-.Ltmp4, $4  }
0x2f1: {  	[sflag:s14] =	ssyncadd.s32 $0xFFFFC000  }
0x2f2: {  	_ =	swait.ge [sflag:s14], $0x4000  }
0x2f3: {  	[sflag:s14] =	ssyncset.done $0x0  }
0x2f4: {  	[sflag:s14] =	ssyncadd.s32 $0xFFFFC000  }
0x2f5: {  	[tilespmem:s28], [sflag:$0x5] =	stream.linear.gather [hbm4b:s7+s21], $0x400, $0x38;
	[tilespmem:$0x1FC80] =	vst v63  }
0x2f6: {  	s3 =	sld [smem:$0x7FA]  }
0x2f7: {  	[tilespmem:s31], [sflag:$0x5] =	stream.linear.gather [hbm4b:s5+s21], $0x400, $0x38;
	[tilespmem:$0x1FC80] =	vst v63  }
0x2f8: {  	_ = 	snop  }
0x2f9: {  	[tilespmem:s0], [sflag:$0x5] =	stream.linear.gather [hbm4b:s3+s21], $0x400, $0x38;
	[tilespmem:$0x1FC80] =	vst v63  }
0x2fa: {  	s3 =	sld [smem:$0x7FB];
	_ =	sdelay $0x1  }
.Ltmp5:
0x2fb: {  	_ = 	snop;
	(pc) =	sbr.rel .LBB2_5-.Ltmp5, $3  }
0x2fc: {  	[tilespmem:s4], [sflag:$0x5] =	stream.linear.gather [hbm4b:s3+s21], $0x400, $0x38;
	[tilespmem:$0x1FC80] =	vst v63  }
0x2fd: {  	s3 =	sld [smem:$0x7FC];
	_ =	sdelay $0x1  }
0x2fe: {  	p1 =	por $0x0, $0x0  }
.LBB2_8:
0x2ff: {  	_ =	sfence.sel $0x180000  }
0x300: {  	[bflag:$0x0] =	sbarrier.arrive $0xFFFF  }
0x301: {  	_ =	strace $0x90000047  }
0x302: {  	s0 =	stileid.u32;
	[bflag:$0x2] =	sbarrier.arrive $0xFFFF  }
0x303: {  	p0 =	sne.s32 s0, $0x0;
	s0 =	rddreg [dreg:$0x3]  }
0x304: {  	s0 =	sadd.s32 @!p0 $0x100000, s0  }
0x305: {  	[sflag:s0] =	ssyncadd.tile.s32 @!p0 $0x1;
	_ =	shalt  }
.Lfunc_end2:
_tile_overlayer_lowered:
.L_overlay_start_2:
0x306: {  	(tag) =	ssettag $0x2  }
0x307: {  	s0 =	rddreg [dreg:$0x0];
	s2 =	stileid.u32  }
0x308: {  	s1 =	rddreg [dreg:$0x1];
	p0 =	sne.s32 s2, $0x0  }
0x309: {  	s3 =	rddreg [dreg:$0x2];
	[bflag:$0x3] =	sbarrier.arrive $0xFFFF;
	s2 =	simm.s32 @!p0 $0x1C06  }
0x30a: {  	[timem:s3], [sflag:s2] =	dma.local @!p0 [hbm:s0], s1  }
0x30b: {  	s0 =	simm.s32 @!p0 $0x6  }
0x30c: {  	_ =	swait.ge @!p0 [sflag:s0], s1  }
0x30d: {  	s1 =	ssub.s32 @!p0 $0x0, s1;
	[sflag:s0] =	ssyncset.done @!p0 $0x0  }
0x30e: {  	[sflag:s0] =	ssyncadd.s32 @!p0 s1  }
0x30f: {  	[bflag:$0x3] =	sbarrier.arrive $0xFFFF  }
0x310: {  	_ =	shalt  }

</sc_bundles>
